<compile_context>
chip_gen: v7x
topology: tpu7x:2x2x1
jax: 0.10.2.dev20260603
libtpu: 0.0.44.dev20260713+nightly
codegen_flags: <defaults>
</compile_context>

<pallas_src>
import functools

import jax
import jax.numpy as jnp
from jax import lax
from jax.experimental import pallas as pl
from jax.experimental.pallas import tpu as pltpu
from jax.experimental.pallas import tpu_sc as plsc

DIM = 32
LANES = 16
NUM_CORES = 2
NUM_SUBCORES = 16
NUM_WORKERS = NUM_CORES * NUM_SUBCORES
SUBLANES = 8
TILE_ROWS = DIM // SUBLANES
SET = 4
SETS_PER_GROUP = LANES // SET


def _gmf_sc(u, i, ut3, it3, w_flat, b_vec):
    batch = u.shape[0]
    bpw = batch // NUM_WORKERS
    idx_len = bpw + LANES

    mesh = plsc.VectorSubcoreMesh(core_axis_name="c", subcore_axis_name="s")

    slot_ty = pltpu.VMEM((TILE_ROWS, SUBLANES, 128), jnp.float32)

    @functools.partial(
        pl.kernel,
        mesh=mesh,
        compiler_params=pltpu.CompilerParams(
            needs_layout_passes=False, use_tc_tiling_on_sc=True),
        out_type=jax.ShapeDtypeStruct((batch,), jnp.float32),
        scratch_types=(
            [pltpu.VMEM((idx_len,), jnp.int32)] * 2
            + [slot_ty] * (4 * SET)
            + [
                pltpu.VMEM((bpw,), jnp.float32),
                pltpu.VMEM((DIM,), jnp.float32),
                pltpu.VMEM((LANES,), jnp.float32),
            ]
            + [pltpu.SemaphoreType.DMA] * 4
        ),
    )
    def k(u_hbm, i_hbm, ut_hbm, it_hbm, w_hbm, b_hbm, out_hbm,
          uidx_v, iidx_v, *rest):
        uslots = (rest[0:SET], rest[2 * SET:3 * SET])
        islots = (rest[SET:2 * SET], rest[3 * SET:4 * SET])
        out_v, w_v, b_v = rest[4 * SET:4 * SET + 3]
        sems_u = (rest[4 * SET + 3], rest[4 * SET + 5])
        sems_i = (rest[4 * SET + 4], rest[4 * SET + 6])

        wid = lax.axis_index("s") * NUM_CORES + lax.axis_index("c")
        base = wid * bpw

        pltpu.sync_copy(u_hbm.at[pl.ds(base, bpw)], uidx_v.at[pl.ds(0, bpw)])
        pltpu.sync_copy(i_hbm.at[pl.ds(base, bpw)], iidx_v.at[pl.ds(0, bpw)])
        pltpu.sync_copy(w_hbm, w_v)
        pltpu.sync_copy(b_hbm, b_v)
        zeros16 = jnp.zeros((LANES,), jnp.int32)
        uidx_v[pl.ds(bpw, LANES)] = zeros16
        iidx_v[pl.ds(bpw, LANES)] = zeros16

        w0 = w_v[pl.ds(0, LANES)]
        w1 = w_v[pl.ds(LANES, LANES)]
        b_bcast = b_v[...]
        lane = lax.iota(jnp.int32, LANES)
        g_lo = lane // SUBLANES
        s_lo = lane % SUBLANES
        g_hi = g_lo + 2
        s_hi = s_lo

        def fetch_set(par, base_t):
            uidx = uidx_v[pl.ds(base_t, LANES)]
            iidx = iidx_v[pl.ds(base_t, LANES)]
            ua = uidx - jnp.bitwise_and(uidx, 127)
            ia = iidx - jnp.bitwise_and(iidx, 127)
            for t in range(SET):
                a_u = pl.multiple_of(ua[t], 128)
                a_i = pl.multiple_of(ia[t], 128)
                for g in range(TILE_ROWS):
                    pltpu.async_copy(
                        ut_hbm.at[g, :, pl.ds(a_u, 128)],
                        uslots[par][t].at[g], sems_u[par])
                    pltpu.async_copy(
                        it_hbm.at[g, :, pl.ds(a_i, 128)],
                        islots[par][t].at[g], sems_i[par])

        def wait_set(par):
            for t in range(SET):
                pltpu.make_async_copy(
                    ut_hbm.at[:, :, pl.ds(0, 128)], uslots[par][t],
                    sems_u[par]).wait()
                pltpu.make_async_copy(
                    it_hbm.at[:, :, pl.ds(0, 128)], islots[par][t],
                    sems_i[par]).wait()

        def extract(slot, co):
            cov = jnp.full((LANES,), co, jnp.int32)
            lo = plsc.load_gather(slot, [g_lo, s_lo, cov])
            hi = plsc.load_gather(slot, [g_hi, s_hi, cov])
            return lo, hi

        def process_set(par, base_t, lane_base, acc):
            uidx = uidx_v[pl.ds(base_t, LANES)]
            iidx = iidx_v[pl.ds(base_t, LANES)]
            uco = jnp.bitwise_and(uidx, 127)
            ico = jnp.bitwise_and(iidx, 127)
            for t in range(SET):
                u0, u1 = extract(uslots[par][t], uco[t])
                i0, i1 = extract(islots[par][t], ico[t])
                q = u0 * i0 * w0 + u1 * i1 * w1
                s = jnp.sum(q)
                acc = jnp.where(lane == lane_base + t, acc + s, acc)
            return acc

        fetch_set(0, 0)

        def group_body(grp, carry):
            off16 = grp * LANES
            acc = b_bcast
            for s in range(SETS_PER_GROUP):
                fetch_set((s + 1) % 2, off16 + (s + 1) * SET)
                wait_set(s % 2)
                acc = process_set(s % 2, off16 + s * SET, s * SET, acc)
            out_v[pl.ds(off16, LANES)] = 1.0 / (1.0 + jnp.exp(-acc))
            return carry

        lax.fori_loop(0, bpw // LANES, group_body, 0)
        wait_set(0)

        pltpu.sync_copy(out_v, out_hbm.at[pl.ds(base, bpw)])

    return k(u, i, ut3, it3, w_flat, b_vec)


def kernel(u, i, u_table, i_table, W, b):
    n_user = u_table.shape[0]
    n_item = i_table.shape[0]
    ut3 = u_table.T.reshape(TILE_ROWS, SUBLANES, n_user)
    it3 = i_table.T.reshape(TILE_ROWS, SUBLANES, n_item)
    w_flat = W.reshape(DIM)
    b_vec = jnp.broadcast_to(b.reshape(()), (LANES,))
    out = _gmf_sc(u, i, ut3, it3, w_flat, b_vec)
    return out.reshape(-1, 1)

# --- scband reference (transcript-rebuilt; emitter-appended) ---
"""Pipeline reference for scband-gmf-944892805513 (READ-ONLY COPY).

The authoritative reference and input builder live on the scoring server;
editing this copy changes nothing except your own understanding.
"""

import jax, jax.numpy as jnp
import numpy as np

N_USER = 1000000
N_ITEM = 1000000
DIM = 32
BATCH = 16384

def setup_inputs(seed: int = 0) -> dict:
    key = jax.random.key(seed)
    k1, k2, k3, k4, k5, k6 = jax.random.split(key, 6)
    u = jax.random.randint(k1, (BATCH,), 0, N_USER, dtype=jnp.int64) if jax.config.jax_enable_x64 else jax.random.randint(k1, (BATCH,), 0, N_USER, dtype=jnp.int32)
    i = jax.random.randint(k2, (BATCH,), 0, N_ITEM, dtype=jnp.int32)
    u = u.astype(jnp.int32)
    u_table = jax.random.normal(k3, (N_USER, DIM), dtype=jnp.float32)
    i_table = jax.random.normal(k4, (N_ITEM, DIM), dtype=jnp.float32)
    W = jax.random.normal(k5, (DIM, 1), dtype=jnp.float32) * (1.0 / np.sqrt(DIM))
    b = jax.random.normal(k6, (1,), dtype=jnp.float32) * 0.01
    return {"u": u, "i": i, "u_table": u_table, "i_table": i_table, "W": W, "b": b}

def reference(u, i, u_table, i_table, W, b):
    user_embedding = jnp.take(u_table, u, axis=0)
    item_embedding = jnp.take(i_table, i, axis=0)
    element_wise_product = user_embedding * item_embedding
    mid_output = element_wise_product @ W + b
    output = jax.nn.sigmoid(mid_output)
    return output

if __name__ == "__main__":
    import jax
    _d = setup_inputs()
    print(jax.jit(kernel)(*tuple(_d.values())))

</pallas_src>

<mosaic_0001>
#map = affine_map<(d0, d1) -> (0)>
#map1 = affine_map<(d0, d1) -> (0, 0, 0)>
module attributes {stable_mosaic.version = 14 : i64} {
  func.func @k(%arg0: i32, %arg1: i32, %arg2: memref<16384xi32, #tpu.memory_space<hbm>>, %arg3: memref<16384xi32, #tpu.memory_space<hbm>>, %arg4: memref<4x8x1000000xf32, #tpu.memory_space<hbm>>, %arg5: memref<4x8x1000000xf32, #tpu.memory_space<hbm>>, %arg6: memref<32xf32, #tpu.memory_space<hbm>>, %arg7: memref<16xf32, #tpu.memory_space<hbm>>, %arg8: memref<16384xf32, #tpu.memory_space<hbm>>, %arg9: memref<528xi32, #tpu.memory_space<vmem>>, %arg10: memref<528xi32, #tpu.memory_space<vmem>>, %arg11: memref<4x8x128xf32, #tpu.memory_space<vmem>>, %arg12: memref<4x8x128xf32, #tpu.memory_space<vmem>>, %arg13: memref<4x8x128xf32, #tpu.memory_space<vmem>>, %arg14: memref<4x8x128xf32, #tpu.memory_space<vmem>>, %arg15: memref<4x8x128xf32, #tpu.memory_space<vmem>>, %arg16: memref<4x8x128xf32, #tpu.memory_space<vmem>>, %arg17: memref<4x8x128xf32, #tpu.memory_space<vmem>>, %arg18: memref<4x8x128xf32, #tpu.memory_space<vmem>>, %arg19: memref<4x8x128xf32, #tpu.memory_space<vmem>>, %arg20: memref<4x8x128xf32, #tpu.memory_space<vmem>>, %arg21: memref<4x8x128xf32, #tpu.memory_space<vmem>>, %arg22: memref<4x8x128xf32, #tpu.memory_space<vmem>>, %arg23: memref<4x8x128xf32, #tpu.memory_space<vmem>>, %arg24: memref<4x8x128xf32, #tpu.memory_space<vmem>>, %arg25: memref<4x8x128xf32, #tpu.memory_space<vmem>>, %arg26: memref<4x8x128xf32, #tpu.memory_space<vmem>>, %arg27: memref<512xf32, #tpu.memory_space<vmem>>, %arg28: memref<32xf32, #tpu.memory_space<vmem>>, %arg29: memref<16xf32, #tpu.memory_space<vmem>>, %arg30: memref<!tpu.dma_semaphore, #tpu.memory_space<semaphore_mem>>, %arg31: memref<!tpu.dma_semaphore, #tpu.memory_space<semaphore_mem>>, %arg32: memref<!tpu.dma_semaphore, #tpu.memory_space<semaphore_mem>>, %arg33: memref<!tpu.dma_semaphore, #tpu.memory_space<semaphore_mem>>) attributes {dimension_semantics = [#tpu.dimension_semantics<core_parallel>, #tpu.dimension_semantics<subcore_parallel>], iteration_bounds = array<i64: 2, 16>, scalar_prefetch = 0 : i64, scratch_operands = 25 : i64, tpu.core_type = #tpu.core_type<sc_vector_subcore>, window_params = [{transform_indices = #map}, {transform_indices = #map}, {transform_indices = #map1}, {transform_indices = #map1}, {transform_indices = #map}, {transform_indices = #map}, {transform_indices = #map}]} {
    %mul3A = arith.constant 2 : i32
    %mul3A_0 = arith.muli %arg1, %mul3A : i32
    %add3A = arith.addi %mul3A_0, %arg0 : i32
    %mul3A_1 = arith.constant 512 : i32
    %mul3A_2 = arith.muli %add3A, %mul3A_1 : i32
    "tpu.region"() ({
      %run_scoped3A = tpu.sem_alloc : memref<!tpu.dma_semaphore, #tpu.memory_space<semaphore_mem>>
      %dma_start3A_670 = arith.constant 0 : i32
      %dma_start3A_671 = tpu.memref_slice %arg9[%dma_start3A_670] : memref<528xi32, #tpu.memory_space<vmem>> -> memref<512xi32, #tpu.memory_space<vmem>>
      %dma_start3A_672 = tpu.memref_slice %arg2[%mul3A_2] : memref<16384xi32, #tpu.memory_space<hbm>> -> memref<512xi32, #tpu.memory_space<hbm>>
      %dma_start3A_673 = arith.constant 0 : i32
      %dma_start3A_674 = tpu.memref_slice %arg9[%dma_start3A_673] : memref<528xi32, #tpu.memory_space<vmem>> -> memref<512xi32, #tpu.memory_space<vmem>>
      %dma_start3A_675 = tpu.memref_slice %arg2[%mul3A_2] : memref<16384xi32, #tpu.memory_space<hbm>> -> memref<512xi32, #tpu.memory_space<hbm>>
      tpu.enqueue_dma source(%dma_start3A_675 : memref<512xi32, #tpu.memory_space<hbm>>) target(%dma_start3A_674 : memref<512xi32, #tpu.memory_space<vmem>>) target_semaphore(%run_scoped3A : memref<!tpu.dma_semaphore, #tpu.memory_space<semaphore_mem>>)
      %dma_wait3A_676 = arith.constant 0 : i32
      %dma_wait3A_677 = tpu.memref_slice %arg9[%dma_wait3A_676] : memref<528xi32, #tpu.memory_space<vmem>> -> memref<512xi32, #tpu.memory_space<vmem>>
      %dma_wait3A_678 = tpu.memref_slice %arg2[%mul3A_2] : memref<16384xi32, #tpu.memory_space<hbm>> -> memref<512xi32, #tpu.memory_space<hbm>>
      %dma_wait3A_679 = arith.constant 0 : i32
      %dma_wait3A_680 = tpu.memref_slice %arg9[%dma_wait3A_679] : memref<528xi32, #tpu.memory_space<vmem>> -> memref<512xi32, #tpu.memory_space<vmem>>
      %dma_wait3A_681 = tpu.memref_slice %arg2[%mul3A_2] : memref<16384xi32, #tpu.memory_space<hbm>> -> memref<512xi32, #tpu.memory_space<hbm>>
      tpu.wait_dma2 semaphore(%run_scoped3A : memref<!tpu.dma_semaphore, #tpu.memory_space<semaphore_mem>>) src(%dma_wait3A_681 : memref<512xi32, #tpu.memory_space<hbm>>) dst(%dma_wait3A_680 : memref<512xi32, #tpu.memory_space<vmem>>)
      tpu.yield
    }) : () -> ()
    "tpu.region"() ({
      %run_scoped3A = tpu.sem_alloc : memref<!tpu.dma_semaphore, #tpu.memory_space<semaphore_mem>>
      %dma_start3A_670 = arith.constant 0 : i32
      %dma_start3A_671 = tpu.memref_slice %arg10[%dma_start3A_670] : memref<528xi32, #tpu.memory_space<vmem>> -> memref<512xi32, #tpu.memory_space<vmem>>
      %dma_start3A_672 = tpu.memref_slice %arg3[%mul3A_2] : memref<16384xi32, #tpu.memory_space<hbm>> -> memref<512xi32, #tpu.memory_space<hbm>>
      %dma_start3A_673 = arith.constant 0 : i32
      %dma_start3A_674 = tpu.memref_slice %arg10[%dma_start3A_673] : memref<528xi32, #tpu.memory_space<vmem>> -> memref<512xi32, #tpu.memory_space<vmem>>
      %dma_start3A_675 = tpu.memref_slice %arg3[%mul3A_2] : memref<16384xi32, #tpu.memory_space<hbm>> -> memref<512xi32, #tpu.memory_space<hbm>>
      tpu.enqueue_dma source(%dma_start3A_675 : memref<512xi32, #tpu.memory_space<hbm>>) target(%dma_start3A_674 : memref<512xi32, #tpu.memory_space<vmem>>) target_semaphore(%run_scoped3A : memref<!tpu.dma_semaphore, #tpu.memory_space<semaphore_mem>>)
      %dma_wait3A_676 = arith.constant 0 : i32
      %dma_wait3A_677 = tpu.memref_slice %arg10[%dma_wait3A_676] : memref<528xi32, #tpu.memory_space<vmem>> -> memref<512xi32, #tpu.memory_space<vmem>>
      %dma_wait3A_678 = tpu.memref_slice %arg3[%mul3A_2] : memref<16384xi32, #tpu.memory_space<hbm>> -> memref<512xi32, #tpu.memory_space<hbm>>
      %dma_wait3A_679 = arith.constant 0 : i32
      %dma_wait3A_680 = tpu.memref_slice %arg10[%dma_wait3A_679] : memref<528xi32, #tpu.memory_space<vmem>> -> memref<512xi32, #tpu.memory_space<vmem>>
      %dma_wait3A_681 = tpu.memref_slice %arg3[%mul3A_2] : memref<16384xi32, #tpu.memory_space<hbm>> -> memref<512xi32, #tpu.memory_space<hbm>>
      tpu.wait_dma2 semaphore(%run_scoped3A : memref<!tpu.dma_semaphore, #tpu.memory_space<semaphore_mem>>) src(%dma_wait3A_681 : memref<512xi32, #tpu.memory_space<hbm>>) dst(%dma_wait3A_680 : memref<512xi32, #tpu.memory_space<vmem>>)
      tpu.yield
    }) : () -> ()
    "tpu.region"() ({
      %run_scoped3A = tpu.sem_alloc : memref<!tpu.dma_semaphore, #tpu.memory_space<semaphore_mem>>
      tpu.enqueue_dma source(%arg6 : memref<32xf32, #tpu.memory_space<hbm>>) target(%arg28 : memref<32xf32, #tpu.memory_space<vmem>>) target_semaphore(%run_scoped3A : memref<!tpu.dma_semaphore, #tpu.memory_space<semaphore_mem>>)
      tpu.wait_dma2 semaphore(%run_scoped3A : memref<!tpu.dma_semaphore, #tpu.memory_space<semaphore_mem>>) src(%arg6 : memref<32xf32, #tpu.memory_space<hbm>>) dst(%arg28 : memref<32xf32, #tpu.memory_space<vmem>>)
      tpu.yield
    }) : () -> ()
    "tpu.region"() ({
      %run_scoped3A = tpu.sem_alloc : memref<!tpu.dma_semaphore, #tpu.memory_space<semaphore_mem>>
      tpu.enqueue_dma source(%arg7 : memref<16xf32, #tpu.memory_space<hbm>>) target(%arg29 : memref<16xf32, #tpu.memory_space<vmem>>) target_semaphore(%run_scoped3A : memref<!tpu.dma_semaphore, #tpu.memory_space<semaphore_mem>>)
      tpu.wait_dma2 semaphore(%run_scoped3A : memref<!tpu.dma_semaphore, #tpu.memory_space<semaphore_mem>>) src(%arg7 : memref<16xf32, #tpu.memory_space<hbm>>) dst(%arg29 : memref<16xf32, #tpu.memory_space<vmem>>)
      tpu.yield
    }) : () -> ()
    %broadcast_in_dim3A = arith.constant 0 : i32
    %broadcast_in_dim3A_3 = vector.broadcast %broadcast_in_dim3A : i32 to vector<16xi32>
    %swap3A = arith.constant 512 : index
    %swap3A_4 = tpu.vector_load %arg9[%swap3A] {strides = array<i32>} : memref<528xi32, #tpu.memory_space<vmem>>, vector<16xi32>,
    tpu.vector_store %arg9[%swap3A], %broadcast_in_dim3A_3 {strides = array<i32>} : memref<528xi32, #tpu.memory_space<vmem>>, vector<16xi32>,
    %swap3A_5 = arith.constant 512 : index
    %swap3A_6 = tpu.vector_load %arg10[%swap3A_5] {strides = array<i32>} : memref<528xi32, #tpu.memory_space<vmem>>, vector<16xi32>,
    tpu.vector_store %arg10[%swap3A_5], %broadcast_in_dim3A_3 {strides = array<i32>} : memref<528xi32, #tpu.memory_space<vmem>>, vector<16xi32>,
    %get3A = arith.constant 0 : index
    %get3A_7 = tpu.vector_load %arg28[%get3A] {strides = array<i32>} : memref<32xf32, #tpu.memory_space<vmem>>, vector<16xf32>,
    %get3A_8 = arith.constant 16 : index
    %get3A_9 = tpu.vector_load %arg28[%get3A_8] {strides = array<i32>} : memref<32xf32, #tpu.memory_space<vmem>>, vector<16xf32>,
    %get3A_10 = arith.constant 0 : index
    %get3A_11 = tpu.vector_load %arg29[%get3A_10] {strides = array<i32>} : memref<16xf32, #tpu.memory_space<vmem>>, vector<16xf32>,
    %iota3A = tpu.iota {dimensions = array<i32: 0>} : vector<16xi32>
    %jit3A = arith.constant 8 : i32
    %div3A = vector.broadcast %jit3A : i32 to vector<16xi32>
    %div3A_12 = arith.divsi %iota3A, %div3A : vector<16xi32>
    %sign3A = arith.constant 0 : i32
    %sign3A_13 = vector.broadcast %sign3A : i32 to vector<16xi32>
    %sign3A_14 = arith.cmpi sgt, %iota3A, %sign3A_13 : vector<16xi32>
    %sign3A_15 = arith.extui %sign3A_14 : vector<16xi1> to vector<16xi32>
    %sign3A_16 = arith.constant 0 : i32
    %sign3A_17 = vector.broadcast %sign3A_16 : i32 to vector<16xi32>
    %sign3A_18 = arith.cmpi slt, %iota3A, %sign3A_17 : vector<16xi32>
    %sign3A_19 = arith.extui %sign3A_18 : vector<16xi1> to vector<16xi32>
    %sign3A_20 = arith.subi %sign3A_15, %sign3A_19 : vector<16xi32>
    %sign3A_21 = arith.constant 0 : i32
    %sign3A_22 = arith.cmpi sgt, %jit3A, %sign3A_21 : i32
    %sign3A_23 = arith.extui %sign3A_22 : i1 to i32
    %sign3A_24 = arith.constant 0 : i32
    %sign3A_25 = arith.cmpi slt, %jit3A, %sign3A_24 : i32
    %sign3A_26 = arith.extui %sign3A_25 : i1 to i32
    %sign3A_27 = arith.subi %sign3A_23, %sign3A_26 : i32
    %ne3A = vector.broadcast %sign3A_27 : i32 to vector<16xi32>
    %ne3A_28 = arith.cmpi ne, %sign3A_20, %ne3A : vector<16xi32>
    %rem3A = vector.broadcast %jit3A : i32 to vector<16xi32>
    %rem3A_29 = arith.remsi %iota3A, %rem3A : vector<16xi32>
    %ne3A_30 = arith.constant 0 : i32
    %ne3A_31 = vector.broadcast %ne3A_30 : i32 to vector<16xi32>
    %ne3A_32 = arith.cmpi ne, %rem3A_29, %ne3A_31 : vector<16xi32>
    %and3A = arith.andi %ne3A_28, %ne3A_32 : vector<16xi1>
    %sub3A = arith.constant 1 : i32
    %sub3A_33 = vector.broadcast %sub3A : i32 to vector<16xi32>
    %sub3A_34 = arith.subi %div3A_12, %sub3A_33 : vector<16xi32>
    %select_n3A = arith.select %and3A, %sub3A_34, %div3A_12 : vector<16xi1>, vector<16xi32>
    %jit3A_35 = arith.constant 8 : i32
    %eq3A = arith.constant 0 : i32
    %eq3A_36 = arith.cmpi eq, %jit3A_35, %eq3A : i32
    %jit3A_37 = arith.constant 1 : i32
    %select_n3A_38 = arith.select %eq3A_36, %jit3A_37, %jit3A_35 : i32
    %rem3A_39 = vector.broadcast %select_n3A_38 : i32 to vector<16xi32>
    %rem3A_40 = arith.remsi %iota3A, %rem3A_39 : vector<16xi32>
    %ne3A_41 = arith.constant 0 : i32
    %ne3A_42 = vector.broadcast %ne3A_41 : i32 to vector<16xi32>
    %ne3A_43 = arith.cmpi ne, %rem3A_40, %ne3A_42 : vector<16xi32>
    %lt3A = arith.constant 0 : i32
    %lt3A_44 = vector.broadcast %lt3A : i32 to vector<16xi32>
    %lt3A_45 = arith.cmpi slt, %rem3A_40, %lt3A_44 : vector<16xi32>
    %lt3A_46 = arith.constant 0 : i32
    %lt3A_47 = arith.cmpi slt, %select_n3A_38, %lt3A_46 : i32
    %ne3A_48 = vector.broadcast %lt3A_47 : i1 to vector<16xi1>
    %ne3A_49 = vector.broadcast %ne3A_48 : vector<16xi1> to vector<16xi1>
    %ne3A_50 = arith.xori %lt3A_45, %ne3A_49 : vector<16xi1>
    %and3A_51 = arith.andi %ne3A_50, %ne3A_43 : vector<16xi1>
    %add3A_52 = vector.broadcast %select_n3A_38 : i32 to vector<16xi32>
    %add3A_53 = arith.addi %rem3A_40, %add3A_52 : vector<16xi32>
    %select_n3A_54 = arith.select %and3A_51, %add3A_53, %rem3A_40 : vector<16xi1>, vector<16xi32>
    %add3A_55 = arith.constant 2 : i32
    %add3A_56 = vector.broadcast %add3A_55 : i32 to vector<16xi32>
    %add3A_57 = arith.addi %select_n3A, %add3A_56 : vector<16xi32>
    %get3A_58 = arith.constant 0 : index
    %get3A_59 = tpu.vector_load %arg9[%get3A_58] {strides = array<i32>} : memref<528xi32, #tpu.memory_space<vmem>>, vector<16xi32>,
    %get3A_60 = arith.constant 0 : index
    %get3A_61 = tpu.vector_load %arg10[%get3A_60] {strides = array<i32>} : memref<528xi32, #tpu.memory_space<vmem>>, vector<16xi32>,
    %and3A_62 = arith.constant 127 : i32
    %and3A_63 = vector.broadcast %and3A_62 : i32 to vector<16xi32>
    %and3A_64 = arith.andi %get3A_59, %and3A_63 : vector<16xi32>
    %sub3A_65 = arith.subi %get3A_59, %and3A_64 : vector<16xi32>
    %and3A_66 = arith.constant 127 : i32
    %and3A_67 = vector.broadcast %and3A_66 : i32 to vector<16xi32>
    %and3A_68 = arith.andi %get3A_61, %and3A_67 : vector<16xi32>
    %sub3A_69 = arith.subi %get3A_61, %and3A_68 : vector<16xi32>
    %slice3A = vector.extract_strided_slice %sub3A_65 {offsets = [0], sizes = [1], strides = [1]} : vector<16xi32> to vector<1xi32>
    %squeeze3A = vector.extract %slice3A[0] : i32 from vector<1xi32>
    %multiple_of3A = tpu.assume_multiple %squeeze3A, 128 : i32
    %slice3A_70 = vector.extract_strided_slice %sub3A_69 {offsets = [0], sizes = [1], strides = [1]} : vector<16xi32> to vector<1xi32>
    %squeeze3A_71 = vector.extract %slice3A_70[0] : i32 from vector<1xi32>
    %multiple_of3A_72 = tpu.assume_multiple %squeeze3A_71, 128 : i32
    %dma_start3A = arith.constant 0 : i32
    %dma_start3A_73 = arith.constant 0 : i32
    %dma_start3A_74 = arith.constant 0 : i32
    %dma_start3A_75 = arith.constant 0 : i32
    %dma_start3A_76 = tpu.memref_slice %arg11[%dma_start3A_73, %dma_start3A_74, %dma_start3A_75] : memref<4x8x128xf32, #tpu.memory_space<vmem>> -> memref<1x8x128xf32, #tpu.memory_space<vmem>>
    %dma_start3A_77 = tpu.memref_squeeze %dma_start3A_76 : memref<1x8x128xf32, #tpu.memory_space<vmem>> -> memref<8x128xf32, #tpu.memory_space<vmem>>
    %dma_start3A_78 = arith.constant 0 : i32
    %dma_start3A_79 = tpu.memref_slice %arg4[%dma_start3A, %dma_start3A_78, %multiple_of3A] : memref<4x8x1000000xf32, #tpu.memory_space<hbm>> -> memref<1x8x128xf32, #tpu.memory_space<hbm>>
    %dma_start3A_80 = tpu.memref_squeeze %dma_start3A_79 : memref<1x8x128xf32, #tpu.memory_space<hbm>> -> memref<8x128xf32, #tpu.memory_space<hbm>>
    %dma_start3A_81 = arith.constant 0 : i32
    %dma_start3A_82 = arith.constant 0 : i32
    %dma_start3A_83 = tpu.memref_slice %arg11[%dma_start3A_73, %dma_start3A_81, %dma_start3A_82] : memref<4x8x128xf32, #tpu.memory_space<vmem>> -> memref<1x8x128xf32, #tpu.memory_space<vmem>>
    %dma_start3A_84 = tpu.memref_squeeze %dma_start3A_83 : memref<1x8x128xf32, #tpu.memory_space<vmem>> -> memref<8x128xf32, #tpu.memory_space<vmem>>
    %dma_start3A_85 = arith.constant 0 : i32
    %dma_start3A_86 = tpu.memref_slice %arg4[%dma_start3A, %dma_start3A_85, %multiple_of3A] : memref<4x8x1000000xf32, #tpu.memory_space<hbm>> -> memref<1x8x128xf32, #tpu.memory_space<hbm>>
    %dma_start3A_87 = tpu.memref_squeeze %dma_start3A_86 : memref<1x8x128xf32, #tpu.memory_space<hbm>> -> memref<8x128xf32, #tpu.memory_space<hbm>>
    tpu.enqueue_dma source(%dma_start3A_87 : memref<8x128xf32, #tpu.memory_space<hbm>>) target(%dma_start3A_84 : memref<8x128xf32, #tpu.memory_space<vmem>>) target_semaphore(%arg30 : memref<!tpu.dma_semaphore, #tpu.memory_space<semaphore_mem>>)
    %dma_start3A_88 = arith.constant 0 : i32
    %dma_start3A_89 = arith.constant 0 : i32
    %dma_start3A_90 = arith.constant 0 : i32
    %dma_start3A_91 = arith.constant 0 : i32
    %dma_start3A_92 = tpu.memref_slice %arg15[%dma_start3A_89, %dma_start3A_90, %dma_start3A_91] : memref<4x8x128xf32, #tpu.memory_space<vmem>> -> memref<1x8x128xf32, #tpu.memory_space<vmem>>
    %dma_start3A_93 = tpu.memref_squeeze %dma_start3A_92 : memref<1x8x128xf32, #tpu.memory_space<vmem>> -> memref<8x128xf32, #tpu.memory_space<vmem>>
    %dma_start3A_94 = arith.constant 0 : i32
    %dma_start3A_95 = tpu.memref_slice %arg5[%dma_start3A_88, %dma_start3A_94, %multiple_of3A_72] : memref<4x8x1000000xf32, #tpu.memory_space<hbm>> -> memref<1x8x128xf32, #tpu.memory_space<hbm>>
    %dma_start3A_96 = tpu.memref_squeeze %dma_start3A_95 : memref<1x8x128xf32, #tpu.memory_space<hbm>> -> memref<8x128xf32, #tpu.memory_space<hbm>>
    %dma_start3A_97 = arith.constant 0 : i32
    %dma_start3A_98 = arith.constant 0 : i32
    %dma_start3A_99 = tpu.memref_slice %arg15[%dma_start3A_89, %dma_start3A_97, %dma_start3A_98] : memref<4x8x128xf32, #tpu.memory_space<vmem>> -> memref<1x8x128xf32, #tpu.memory_space<vmem>>
    %dma_start3A_100 = tpu.memref_squeeze %dma_start3A_99 : memref<1x8x128xf32, #tpu.memory_space<vmem>> -> memref<8x128xf32, #tpu.memory_space<vmem>>
    %dma_start3A_101 = arith.constant 0 : i32
    %dma_start3A_102 = tpu.memref_slice %arg5[%dma_start3A_88, %dma_start3A_101, %multiple_of3A_72] : memref<4x8x1000000xf32, #tpu.memory_space<hbm>> -> memref<1x8x128xf32, #tpu.memory_space<hbm>>
    %dma_start3A_103 = tpu.memref_squeeze %dma_start3A_102 : memref<1x8x128xf32, #tpu.memory_space<hbm>> -> memref<8x128xf32, #tpu.memory_space<hbm>>
    tpu.enqueue_dma source(%dma_start3A_103 : memref<8x128xf32, #tpu.memory_space<hbm>>) target(%dma_start3A_100 : memref<8x128xf32, #tpu.memory_space<vmem>>) target_semaphore(%arg31 : memref<!tpu.dma_semaphore, #tpu.memory_space<semaphore_mem>>)
    %dma_start3A_104 = arith.constant 1 : i32
    %dma_start3A_105 = arith.constant 1 : i32
    %dma_start3A_106 = arith.constant 0 : i32
    %dma_start3A_107 = arith.constant 0 : i32
    %dma_start3A_108 = tpu.memref_slice %arg11[%dma_start3A_105, %dma_start3A_106, %dma_start3A_107] : memref<4x8x128xf32, #tpu.memory_space<vmem>> -> memref<1x8x128xf32, #tpu.memory_space<vmem>>
    %dma_start3A_109 = tpu.memref_squeeze %dma_start3A_108 : memref<1x8x128xf32, #tpu.memory_space<vmem>> -> memref<8x128xf32, #tpu.memory_space<vmem>>
    %dma_start3A_110 = arith.constant 0 : i32
    %dma_start3A_111 = tpu.memref_slice %arg4[%dma_start3A_104, %dma_start3A_110, %multiple_of3A] : memref<4x8x1000000xf32, #tpu.memory_space<hbm>> -> memref<1x8x128xf32, #tpu.memory_space<hbm>>
    %dma_start3A_112 = tpu.memref_squeeze %dma_start3A_111 : memref<1x8x128xf32, #tpu.memory_space<hbm>> -> memref<8x128xf32, #tpu.memory_space<hbm>>
    %dma_start3A_113 = arith.constant 0 : i32
    %dma_start3A_114 = arith.constant 0 : i32
    %dma_start3A_115 = tpu.memref_slice %arg11[%dma_start3A_105, %dma_start3A_113, %dma_start3A_114] : memref<4x8x128xf32, #tpu.memory_space<vmem>> -> memref<1x8x128xf32, #tpu.memory_space<vmem>>
    %dma_start3A_116 = tpu.memref_squeeze %dma_start3A_115 : memref<1x8x128xf32, #tpu.memory_space<vmem>> -> memref<8x128xf32, #tpu.memory_space<vmem>>
    %dma_start3A_117 = arith.constant 0 : i32
    %dma_start3A_118 = tpu.memref_slice %arg4[%dma_start3A_104, %dma_start3A_117, %multiple_of3A] : memref<4x8x1000000xf32, #tpu.memory_space<hbm>> -> memref<1x8x128xf32, #tpu.memory_space<hbm>>
    %dma_start3A_119 = tpu.memref_squeeze %dma_start3A_118 : memref<1x8x128xf32, #tpu.memory_space<hbm>> -> memref<8x128xf32, #tpu.memory_space<hbm>>
    tpu.enqueue_dma source(%dma_start3A_119 : memref<8x128xf32, #tpu.memory_space<hbm>>) target(%dma_start3A_116 : memref<8x128xf32, #tpu.memory_space<vmem>>) target_semaphore(%arg30 : memref<!tpu.dma_semaphore, #tpu.memory_space<semaphore_mem>>)
    %dma_start3A_120 = arith.constant 1 : i32
    %dma_start3A_121 = arith.constant 1 : i32
    %dma_start3A_122 = arith.constant 0 : i32
    %dma_start3A_123 = arith.constant 0 : i32
    %dma_start3A_124 = tpu.memref_slice %arg15[%dma_start3A_121, %dma_start3A_122, %dma_start3A_123] : memref<4x8x128xf32, #tpu.memory_space<vmem>> -> memref<1x8x128xf32, #tpu.memory_space<vmem>>
    %dma_start3A_125 = tpu.memref_squeeze %dma_start3A_124 : memref<1x8x128xf32, #tpu.memory_space<vmem>> -> memref<8x128xf32, #tpu.memory_space<vmem>>
    %dma_start3A_126 = arith.constant 0 : i32
    %dma_start3A_127 = tpu.memref_slice %arg5[%dma_start3A_120, %dma_start3A_126, %multiple_of3A_72] : memref<4x8x1000000xf32, #tpu.memory_space<hbm>> -> memref<1x8x128xf32, #tpu.memory_space<hbm>>
    %dma_start3A_128 = tpu.memref_squeeze %dma_start3A_127 : memref<1x8x128xf32, #tpu.memory_space<hbm>> -> memref<8x128xf32, #tpu.memory_space<hbm>>
    %dma_start3A_129 = arith.constant 0 : i32
    %dma_start3A_130 = arith.constant 0 : i32
    %dma_start3A_131 = tpu.memref_slice %arg15[%dma_start3A_121, %dma_start3A_129, %dma_start3A_130] : memref<4x8x128xf32, #tpu.memory_space<vmem>> -> memref<1x8x128xf32, #tpu.memory_space<vmem>>
    %dma_start3A_132 = tpu.memref_squeeze %dma_start3A_131 : memref<1x8x128xf32, #tpu.memory_space<vmem>> -> memref<8x128xf32, #tpu.memory_space<vmem>>
    %dma_start3A_133 = arith.constant 0 : i32
    %dma_start3A_134 = tpu.memref_slice %arg5[%dma_start3A_120, %dma_start3A_133, %multiple_of3A_72] : memref<4x8x1000000xf32, #tpu.memory_space<hbm>> -> memref<1x8x128xf32, #tpu.memory_space<hbm>>
    %dma_start3A_135 = tpu.memref_squeeze %dma_start3A_134 : memref<1x8x128xf32, #tpu.memory_space<hbm>> -> memref<8x128xf32, #tpu.memory_space<hbm>>
    tpu.enqueue_dma source(%dma_start3A_135 : memref<8x128xf32, #tpu.memory_space<hbm>>) target(%dma_start3A_132 : memref<8x128xf32, #tpu.memory_space<vmem>>) target_semaphore(%arg31 : memref<!tpu.dma_semaphore, #tpu.memory_space<semaphore_mem>>)
    %dma_start3A_136 = arith.constant 2 : i32
    %dma_start3A_137 = arith.constant 2 : i32
    %dma_start3A_138 = arith.constant 0 : i32
    %dma_start3A_139 = arith.constant 0 : i32
    %dma_start3A_140 = tpu.memref_slice %arg11[%dma_start3A_137, %dma_start3A_138, %dma_start3A_139] : memref<4x8x128xf32, #tpu.memory_space<vmem>> -> memref<1x8x128xf32, #tpu.memory_space<vmem>>
    %dma_start3A_141 = tpu.memref_squeeze %dma_start3A_140 : memref<1x8x128xf32, #tpu.memory_space<vmem>> -> memref<8x128xf32, #tpu.memory_space<vmem>>
    %dma_start3A_142 = arith.constant 0 : i32
    %dma_start3A_143 = tpu.memref_slice %arg4[%dma_start3A_136, %dma_start3A_142, %multiple_of3A] : memref<4x8x1000000xf32, #tpu.memory_space<hbm>> -> memref<1x8x128xf32, #tpu.memory_space<hbm>>
    %dma_start3A_144 = tpu.memref_squeeze %dma_start3A_143 : memref<1x8x128xf32, #tpu.memory_space<hbm>> -> memref<8x128xf32, #tpu.memory_space<hbm>>
    %dma_start3A_145 = arith.constant 0 : i32
    %dma_start3A_146 = arith.constant 0 : i32
    %dma_start3A_147 = tpu.memref_slice %arg11[%dma_start3A_137, %dma_start3A_145, %dma_start3A_146] : memref<4x8x128xf32, #tpu.memory_space<vmem>> -> memref<1x8x128xf32, #tpu.memory_space<vmem>>
    %dma_start3A_148 = tpu.memref_squeeze %dma_start3A_147 : memref<1x8x128xf32, #tpu.memory_space<vmem>> -> memref<8x128xf32, #tpu.memory_space<vmem>>
    %dma_start3A_149 = arith.constant 0 : i32
    %dma_start3A_150 = tpu.memref_slice %arg4[%dma_start3A_136, %dma_start3A_149, %multiple_of3A] : memref<4x8x1000000xf32, #tpu.memory_space<hbm>> -> memref<1x8x128xf32, #tpu.memory_space<hbm>>
    %dma_start3A_151 = tpu.memref_squeeze %dma_start3A_150 : memref<1x8x128xf32, #tpu.memory_space<hbm>> -> memref<8x128xf32, #tpu.memory_space<hbm>>
    tpu.enqueue_dma source(%dma_start3A_151 : memref<8x128xf32, #tpu.memory_space<hbm>>) target(%dma_start3A_148 : memref<8x128xf32, #tpu.memory_space<vmem>>) target_semaphore(%arg30 : memref<!tpu.dma_semaphore, #tpu.memory_space<semaphore_mem>>)
    %dma_start3A_152 = arith.constant 2 : i32
    %dma_start3A_153 = arith.constant 2 : i32
    %dma_start3A_154 = arith.constant 0 : i32
    %dma_start3A_155 = arith.constant 0 : i32
    %dma_start3A_156 = tpu.memref_slice %arg15[%dma_start3A_153, %dma_start3A_154, %dma_start3A_155] : memref<4x8x128xf32, #tpu.memory_space<vmem>> -> memref<1x8x128xf32, #tpu.memory_space<vmem>>
    %dma_start3A_157 = tpu.memref_squeeze %dma_start3A_156 : memref<1x8x128xf32, #tpu.memory_space<vmem>> -> memref<8x128xf32, #tpu.memory_space<vmem>>
    %dma_start3A_158 = arith.constant 0 : i32
    %dma_start3A_159 = tpu.memref_slice %arg5[%dma_start3A_152, %dma_start3A_158, %multiple_of3A_72] : memref<4x8x1000000xf32, #tpu.memory_space<hbm>> -> memref<1x8x128xf32, #tpu.memory_space<hbm>>
    %dma_start3A_160 = tpu.memref_squeeze %dma_start3A_159 : memref<1x8x128xf32, #tpu.memory_space<hbm>> -> memref<8x128xf32, #tpu.memory_space<hbm>>
    %dma_start3A_161 = arith.constant 0 : i32
    %dma_start3A_162 = arith.constant 0 : i32
    %dma_start3A_163 = tpu.memref_slice %arg15[%dma_start3A_153, %dma_start3A_161, %dma_start3A_162] : memref<4x8x128xf32, #tpu.memory_space<vmem>> -> memref<1x8x128xf32, #tpu.memory_space<vmem>>
    %dma_start3A_164 = tpu.memref_squeeze %dma_start3A_163 : memref<1x8x128xf32, #tpu.memory_space<vmem>> -> memref<8x128xf32, #tpu.memory_space<vmem>>
    %dma_start3A_165 = arith.constant 0 : i32
    %dma_start3A_166 = tpu.memref_slice %arg5[%dma_start3A_152, %dma_start3A_165, %multiple_of3A_72] : memref<4x8x1000000xf32, #tpu.memory_space<hbm>> -> memref<1x8x128xf32, #tpu.memory_space<hbm>>
    %dma_start3A_167 = tpu.memref_squeeze %dma_start3A_166 : memref<1x8x128xf32, #tpu.memory_space<hbm>> -> memref<8x128xf32, #tpu.memory_space<hbm>>
    tpu.enqueue_dma source(%dma_start3A_167 : memref<8x128xf32, #tpu.memory_space<hbm>>) target(%dma_start3A_164 : memref<8x128xf32, #tpu.memory_space<vmem>>) target_semaphore(%arg31 : memref<!tpu.dma_semaphore, #tpu.memory_space<semaphore_mem>>)
    %dma_start3A_168 = arith.constant 3 : i32
    %dma_start3A_169 = arith.constant 3 : i32
    %dma_start3A_170 = arith.constant 0 : i32
    %dma_start3A_171 = arith.constant 0 : i32
    %dma_start3A_172 = tpu.memref_slice %arg11[%dma_start3A_169, %dma_start3A_170, %dma_start3A_171] : memref<4x8x128xf32, #tpu.memory_space<vmem>> -> memref<1x8x128xf32, #tpu.memory_space<vmem>>
    %dma_start3A_173 = tpu.memref_squeeze %dma_start3A_172 : memref<1x8x128xf32, #tpu.memory_space<vmem>> -> memref<8x128xf32, #tpu.memory_space<vmem>>
    %dma_start3A_174 = arith.constant 0 : i32
    %dma_start3A_175 = tpu.memref_slice %arg4[%dma_start3A_168, %dma_start3A_174, %multiple_of3A] : memref<4x8x1000000xf32, #tpu.memory_space<hbm>> -> memref<1x8x128xf32, #tpu.memory_space<hbm>>
    %dma_start3A_176 = tpu.memref_squeeze %dma_start3A_175 : memref<1x8x128xf32, #tpu.memory_space<hbm>> -> memref<8x128xf32, #tpu.memory_space<hbm>>
    %dma_start3A_177 = arith.constant 0 : i32
    %dma_start3A_178 = arith.constant 0 : i32
    %dma_start3A_179 = tpu.memref_slice %arg11[%dma_start3A_169, %dma_start3A_177, %dma_start3A_178] : memref<4x8x128xf32, #tpu.memory_space<vmem>> -> memref<1x8x128xf32, #tpu.memory_space<vmem>>
    %dma_start3A_180 = tpu.memref_squeeze %dma_start3A_179 : memref<1x8x128xf32, #tpu.memory_space<vmem>> -> memref<8x128xf32, #tpu.memory_space<vmem>>
    %dma_start3A_181 = arith.constant 0 : i32
    %dma_start3A_182 = tpu.memref_slice %arg4[%dma_start3A_168, %dma_start3A_181, %multiple_of3A] : memref<4x8x1000000xf32, #tpu.memory_space<hbm>> -> memref<1x8x128xf32, #tpu.memory_space<hbm>>
    %dma_start3A_183 = tpu.memref_squeeze %dma_start3A_182 : memref<1x8x128xf32, #tpu.memory_space<hbm>> -> memref<8x128xf32, #tpu.memory_space<hbm>>
    tpu.enqueue_dma source(%dma_start3A_183 : memref<8x128xf32, #tpu.memory_space<hbm>>) target(%dma_start3A_180 : memref<8x128xf32, #tpu.memory_space<vmem>>) target_semaphore(%arg30 : memref<!tpu.dma_semaphore, #tpu.memory_space<semaphore_mem>>)
    %dma_start3A_184 = arith.constant 3 : i32
    %dma_start3A_185 = arith.constant 3 : i32
    %dma_start3A_186 = arith.constant 0 : i32
    %dma_start3A_187 = arith.constant 0 : i32
    %dma_start3A_188 = tpu.memref_slice %arg15[%dma_start3A_185, %dma_start3A_186, %dma_start3A_187] : memref<4x8x128xf32, #tpu.memory_space<vmem>> -> memref<1x8x128xf32, #tpu.memory_space<vmem>>
    %dma_start3A_189 = tpu.memref_squeeze %dma_start3A_188 : memref<1x8x128xf32, #tpu.memory_space<vmem>> -> memref<8x128xf32, #tpu.memory_space<vmem>>
    %dma_start3A_190 = arith.constant 0 : i32
    %dma_start3A_191 = tpu.memref_slice %arg5[%dma_start3A_184, %dma_start3A_190, %multiple_of3A_72] : memref<4x8x1000000xf32, #tpu.memory_space<hbm>> -> memref<1x8x128xf32, #tpu.memory_space<hbm>>
    %dma_start3A_192 = tpu.memref_squeeze %dma_start3A_191 : memref<1x8x128xf32, #tpu.memory_space<hbm>> -> memref<8x128xf32, #tpu.memory_space<hbm>>
    %dma_start3A_193 = arith.constant 0 : i32
    %dma_start3A_194 = arith.constant 0 : i32
    %dma_start3A_195 = tpu.memref_slice %arg15[%dma_start3A_185, %dma_start3A_193, %dma_start3A_194] : memref<4x8x128xf32, #tpu.memory_space<vmem>> -> memref<1x8x128xf32, #tpu.memory_space<vmem>>
    %dma_start3A_196 = tpu.memref_squeeze %dma_start3A_195 : memref<1x8x128xf32, #tpu.memory_space<vmem>> -> memref<8x128xf32, #tpu.memory_space<vmem>>
    %dma_start3A_197 = arith.constant 0 : i32
    %dma_start3A_198 = tpu.memref_slice %arg5[%dma_start3A_184, %dma_start3A_197, %multiple_of3A_72] : memref<4x8x1000000xf32, #tpu.memory_space<hbm>> -> memref<1x8x128xf32, #tpu.memory_space<hbm>>
    %dma_start3A_199 = tpu.memref_squeeze %dma_start3A_198 : memref<1x8x128xf32, #tpu.memory_space<hbm>> -> memref<8x128xf32, #tpu.memory_space<hbm>>
    tpu.enqueue_dma source(%dma_start3A_199 : memref<8x128xf32, #tpu.memory_space<hbm>>) target(%dma_start3A_196 : memref<8x128xf32, #tpu.memory_space<vmem>>) target_semaphore(%arg31 : memref<!tpu.dma_semaphore, #tpu.memory_space<semaphore_mem>>)
    %slice3A_200 = vector.extract_strided_slice %sub3A_65 {offsets = [1], sizes = [1], strides = [1]} : vector<16xi32> to vector<1xi32>
    %squeeze3A_201 = vector.extract %slice3A_200[0] : i32 from vector<1xi32>
    %multiple_of3A_202 = tpu.assume_multiple %squeeze3A_201, 128 : i32
    %slice3A_203 = vector.extract_strided_slice %sub3A_69 {offsets = [1], sizes = [1], strides = [1]} : vector<16xi32> to vector<1xi32>
    %squeeze3A_204 = vector.extract %slice3A_203[0] : i32 from vector<1xi32>
    %multiple_of3A_205 = tpu.assume_multiple %squeeze3A_204, 128 : i32
    %dma_start3A_206 = arith.constant 0 : i32
    %dma_start3A_207 = arith.constant 0 : i32
    %dma_start3A_208 = arith.constant 0 : i32
    %dma_start3A_209 = arith.constant 0 : i32
    %dma_start3A_210 = tpu.memref_slice %arg12[%dma_start3A_207, %dma_start3A_208, %dma_start3A_209] : memref<4x8x128xf32, #tpu.memory_space<vmem>> -> memref<1x8x128xf32, #tpu.memory_space<vmem>>
    %dma_start3A_211 = tpu.memref_squeeze %dma_start3A_210 : memref<1x8x128xf32, #tpu.memory_space<vmem>> -> memref<8x128xf32, #tpu.memory_space<vmem>>
    %dma_start3A_212 = arith.constant 0 : i32
    %dma_start3A_213 = tpu.memref_slice %arg4[%dma_start3A_206, %dma_start3A_212, %multiple_of3A_202] : memref<4x8x1000000xf32, #tpu.memory_space<hbm>> -> memref<1x8x128xf32, #tpu.memory_space<hbm>>
    %dma_start3A_214 = tpu.memref_squeeze %dma_start3A_213 : memref<1x8x128xf32, #tpu.memory_space<hbm>> -> memref<8x128xf32, #tpu.memory_space<hbm>>
    %dma_start3A_215 = arith.constant 0 : i32
    %dma_start3A_216 = arith.constant 0 : i32
    %dma_start3A_217 = tpu.memref_slice %arg12[%dma_start3A_207, %dma_start3A_215, %dma_start3A_216] : memref<4x8x128xf32, #tpu.memory_space<vmem>> -> memref<1x8x128xf32, #tpu.memory_space<vmem>>
    %dma_start3A_218 = tpu.memref_squeeze %dma_start3A_217 : memref<1x8x128xf32, #tpu.memory_space<vmem>> -> memref<8x128xf32, #tpu.memory_space<vmem>>
    %dma_start3A_219 = arith.constant 0 : i32
    %dma_start3A_220 = tpu.memref_slice %arg4[%dma_start3A_206, %dma_start3A_219, %multiple_of3A_202] : memref<4x8x1000000xf32, #tpu.memory_space<hbm>> -> memref<1x8x128xf32, #tpu.memory_space<hbm>>
    %dma_start3A_221 = tpu.memref_squeeze %dma_start3A_220 : memref<1x8x128xf32, #tpu.memory_space<hbm>> -> memref<8x128xf32, #tpu.memory_space<hbm>>
    tpu.enqueue_dma source(%dma_start3A_221 : memref<8x128xf32, #tpu.memory_space<hbm>>) target(%dma_start3A_218 : memref<8x128xf32, #tpu.memory_space<vmem>>) target_semaphore(%arg30 : memref<!tpu.dma_semaphore, #tpu.memory_space<semaphore_mem>>)
    %dma_start3A_222 = arith.constant 0 : i32
    %dma_start3A_223 = arith.constant 0 : i32
    %dma_start3A_224 = arith.constant 0 : i32
    %dma_start3A_225 = arith.constant 0 : i32
    %dma_start3A_226 = tpu.memref_slice %arg16[%dma_start3A_223, %dma_start3A_224, %dma_start3A_225] : memref<4x8x128xf32, #tpu.memory_space<vmem>> -> memref<1x8x128xf32, #tpu.memory_space<vmem>>
    %dma_start3A_227 = tpu.memref_squeeze %dma_start3A_226 : memref<1x8x128xf32, #tpu.memory_space<vmem>> -> memref<8x128xf32, #tpu.memory_space<vmem>>
    %dma_start3A_228 = arith.constant 0 : i32
    %dma_start3A_229 = tpu.memref_slice %arg5[%dma_start3A_222, %dma_start3A_228, %multiple_of3A_205] : memref<4x8x1000000xf32, #tpu.memory_space<hbm>> -> memref<1x8x128xf32, #tpu.memory_space<hbm>>
    %dma_start3A_230 = tpu.memref_squeeze %dma_start3A_229 : memref<1x8x128xf32, #tpu.memory_space<hbm>> -> memref<8x128xf32, #tpu.memory_space<hbm>>
    %dma_start3A_231 = arith.constant 0 : i32
    %dma_start3A_232 = arith.constant 0 : i32
    %dma_start3A_233 = tpu.memref_slice %arg16[%dma_start3A_223, %dma_start3A_231, %dma_start3A_232] : memref<4x8x128xf32, #tpu.memory_space<vmem>> -> memref<1x8x128xf32, #tpu.memory_space<vmem>>
    %dma_start3A_234 = tpu.memref_squeeze %dma_start3A_233 : memref<1x8x128xf32, #tpu.memory_space<vmem>> -> memref<8x128xf32, #tpu.memory_space<vmem>>
    %dma_start3A_235 = arith.constant 0 : i32
    %dma_start3A_236 = tpu.memref_slice %arg5[%dma_start3A_222, %dma_start3A_235, %multiple_of3A_205] : memref<4x8x1000000xf32, #tpu.memory_space<hbm>> -> memref<1x8x128xf32, #tpu.memory_space<hbm>>
    %dma_start3A_237 = tpu.memref_squeeze %dma_start3A_236 : memref<1x8x128xf32, #tpu.memory_space<hbm>> -> memref<8x128xf32, #tpu.memory_space<hbm>>
    tpu.enqueue_dma source(%dma_start3A_237 : memref<8x128xf32, #tpu.memory_space<hbm>>) target(%dma_start3A_234 : memref<8x128xf32, #tpu.memory_space<vmem>>) target_semaphore(%arg31 : memref<!tpu.dma_semaphore, #tpu.memory_space<semaphore_mem>>)
    %dma_start3A_238 = arith.constant 1 : i32
    %dma_start3A_239 = arith.constant 1 : i32
    %dma_start3A_240 = arith.constant 0 : i32
    %dma_start3A_241 = arith.constant 0 : i32
    %dma_start3A_242 = tpu.memref_slice %arg12[%dma_start3A_239, %dma_start3A_240, %dma_start3A_241] : memref<4x8x128xf32, #tpu.memory_space<vmem>> -> memref<1x8x128xf32, #tpu.memory_space<vmem>>
    %dma_start3A_243 = tpu.memref_squeeze %dma_start3A_242 : memref<1x8x128xf32, #tpu.memory_space<vmem>> -> memref<8x128xf32, #tpu.memory_space<vmem>>
    %dma_start3A_244 = arith.constant 0 : i32
    %dma_start3A_245 = tpu.memref_slice %arg4[%dma_start3A_238, %dma_start3A_244, %multiple_of3A_202] : memref<4x8x1000000xf32, #tpu.memory_space<hbm>> -> memref<1x8x128xf32, #tpu.memory_space<hbm>>
    %dma_start3A_246 = tpu.memref_squeeze %dma_start3A_245 : memref<1x8x128xf32, #tpu.memory_space<hbm>> -> memref<8x128xf32, #tpu.memory_space<hbm>>
    %dma_start3A_247 = arith.constant 0 : i32
    %dma_start3A_248 = arith.constant 0 : i32
    %dma_start3A_249 = tpu.memref_slice %arg12[%dma_start3A_239, %dma_start3A_247, %dma_start3A_248] : memref<4x8x128xf32, #tpu.memory_space<vmem>> -> memref<1x8x128xf32, #tpu.memory_space<vmem>>
    %dma_start3A_250 = tpu.memref_squeeze %dma_start3A_249 : memref<1x8x128xf32, #tpu.memory_space<vmem>> -> memref<8x128xf32, #tpu.memory_space<vmem>>
    %dma_start3A_251 = arith.constant 0 : i32
    %dma_start3A_252 = tpu.memref_slice %arg4[%dma_start3A_238, %dma_start3A_251, %multiple_of3A_202] : memref<4x8x1000000xf32, #tpu.memory_space<hbm>> -> memref<1x8x128xf32, #tpu.memory_space<hbm>>
    %dma_start3A_253 = tpu.memref_squeeze %dma_start3A_252 : memref<1x8x128xf32, #tpu.memory_space<hbm>> -> memref<8x128xf32, #tpu.memory_space<hbm>>
    tpu.enqueue_dma source(%dma_start3A_253 : memref<8x128xf32, #tpu.memory_space<hbm>>) target(%dma_start3A_250 : memref<8x128xf32, #tpu.memory_space<vmem>>) target_semaphore(%arg30 : memref<!tpu.dma_semaphore, #tpu.memory_space<semaphore_mem>>)
    %dma_start3A_254 = arith.constant 1 : i32
    %dma_start3A_255 = arith.constant 1 : i32
    %dma_start3A_256 = arith.constant 0 : i32
    %dma_start3A_257 = arith.constant 0 : i32
    %dma_start3A_258 = tpu.memref_slice %arg16[%dma_start3A_255, %dma_start3A_256, %dma_start3A_257] : memref<4x8x128xf32, #tpu.memory_space<vmem>> -> memref<1x8x128xf32, #tpu.memory_space<vmem>>
    %dma_start3A_259 = tpu.memref_squeeze %dma_start3A_258 : memref<1x8x128xf32, #tpu.memory_space<vmem>> -> memref<8x128xf32, #tpu.memory_space<vmem>>
    %dma_start3A_260 = arith.constant 0 : i32
    %dma_start3A_261 = tpu.memref_slice %arg5[%dma_start3A_254, %dma_start3A_260, %multiple_of3A_205] : memref<4x8x1000000xf32, #tpu.memory_space<hbm>> -> memref<1x8x128xf32, #tpu.memory_space<hbm>>
    %dma_start3A_262 = tpu.memref_squeeze %dma_start3A_261 : memref<1x8x128xf32, #tpu.memory_space<hbm>> -> memref<8x128xf32, #tpu.memory_space<hbm>>
    %dma_start3A_263 = arith.constant 0 : i32
    %dma_start3A_264 = arith.constant 0 : i32
    %dma_start3A_265 = tpu.memref_slice %arg16[%dma_start3A_255, %dma_start3A_263, %dma_start3A_264] : memref<4x8x128xf32, #tpu.memory_space<vmem>> -> memref<1x8x128xf32, #tpu.memory_space<vmem>>
    %dma_start3A_266 = tpu.memref_squeeze %dma_start3A_265 : memref<1x8x128xf32, #tpu.memory_space<vmem>> -> memref<8x128xf32, #tpu.memory_space<vmem>>
    %dma_start3A_267 = arith.constant 0 : i32
    %dma_start3A_268 = tpu.memref_slice %arg5[%dma_start3A_254, %dma_start3A_267, %multiple_of3A_205] : memref<4x8x1000000xf32, #tpu.memory_space<hbm>> -> memref<1x8x128xf32, #tpu.memory_space<hbm>>
    %dma_start3A_269 = tpu.memref_squeeze %dma_start3A_268 : memref<1x8x128xf32, #tpu.memory_space<hbm>> -> memref<8x128xf32, #tpu.memory_space<hbm>>
    tpu.enqueue_dma source(%dma_start3A_269 : memref<8x128xf32, #tpu.memory_space<hbm>>) target(%dma_start3A_266 : memref<8x128xf32, #tpu.memory_space<vmem>>) target_semaphore(%arg31 : memref<!tpu.dma_semaphore, #tpu.memory_space<semaphore_mem>>)
    %dma_start3A_270 = arith.constant 2 : i32
    %dma_start3A_271 = arith.constant 2 : i32
    %dma_start3A_272 = arith.constant 0 : i32
    %dma_start3A_273 = arith.constant 0 : i32
    %dma_start3A_274 = tpu.memref_slice %arg12[%dma_start3A_271, %dma_start3A_272, %dma_start3A_273] : memref<4x8x128xf32, #tpu.memory_space<vmem>> -> memref<1x8x128xf32, #tpu.memory_space<vmem>>
    %dma_start3A_275 = tpu.memref_squeeze %dma_start3A_274 : memref<1x8x128xf32, #tpu.memory_space<vmem>> -> memref<8x128xf32, #tpu.memory_space<vmem>>
    %dma_start3A_276 = arith.constant 0 : i32
    %dma_start3A_277 = tpu.memref_slice %arg4[%dma_start3A_270, %dma_start3A_276, %multiple_of3A_202] : memref<4x8x1000000xf32, #tpu.memory_space<hbm>> -> memref<1x8x128xf32, #tpu.memory_space<hbm>>
    %dma_start3A_278 = tpu.memref_squeeze %dma_start3A_277 : memref<1x8x128xf32, #tpu.memory_space<hbm>> -> memref<8x128xf32, #tpu.memory_space<hbm>>
    %dma_start3A_279 = arith.constant 0 : i32
    %dma_start3A_280 = arith.constant 0 : i32
    %dma_start3A_281 = tpu.memref_slice %arg12[%dma_start3A_271, %dma_start3A_279, %dma_start3A_280] : memref<4x8x128xf32, #tpu.memory_space<vmem>> -> memref<1x8x128xf32, #tpu.memory_space<vmem>>
    %dma_start3A_282 = tpu.memref_squeeze %dma_start3A_281 : memref<1x8x128xf32, #tpu.memory_space<vmem>> -> memref<8x128xf32, #tpu.memory_space<vmem>>
    %dma_start3A_283 = arith.constant 0 : i32
    %dma_start3A_284 = tpu.memref_slice %arg4[%dma_start3A_270, %dma_start3A_283, %multiple_of3A_202] : memref<4x8x1000000xf32, #tpu.memory_space<hbm>> -> memref<1x8x128xf32, #tpu.memory_space<hbm>>
    %dma_start3A_285 = tpu.memref_squeeze %dma_start3A_284 : memref<1x8x128xf32, #tpu.memory_space<hbm>> -> memref<8x128xf32, #tpu.memory_space<hbm>>
    tpu.enqueue_dma source(%dma_start3A_285 : memref<8x128xf32, #tpu.memory_space<hbm>>) target(%dma_start3A_282 : memref<8x128xf32, #tpu.memory_space<vmem>>) target_semaphore(%arg30 : memref<!tpu.dma_semaphore, #tpu.memory_space<semaphore_mem>>)
    %dma_start3A_286 = arith.constant 2 : i32
    %dma_start3A_287 = arith.constant 2 : i32
    %dma_start3A_288 = arith.constant 0 : i32
    %dma_start3A_289 = arith.constant 0 : i32
    %dma_start3A_290 = tpu.memref_slice %arg16[%dma_start3A_287, %dma_start3A_288, %dma_start3A_289] : memref<4x8x128xf32, #tpu.memory_space<vmem>> -> memref<1x8x128xf32, #tpu.memory_space<vmem>>
    %dma_start3A_291 = tpu.memref_squeeze %dma_start3A_290 : memref<1x8x128xf32, #tpu.memory_space<vmem>> -> memref<8x128xf32, #tpu.memory_space<vmem>>
    %dma_start3A_292 = arith.constant 0 : i32
    %dma_start3A_293 = tpu.memref_slice %arg5[%dma_start3A_286, %dma_start3A_292, %multiple_of3A_205] : memref<4x8x1000000xf32, #tpu.memory_space<hbm>> -> memref<1x8x128xf32, #tpu.memory_space<hbm>>
    %dma_start3A_294 = tpu.memref_squeeze %dma_start3A_293 : memref<1x8x128xf32, #tpu.memory_space<hbm>> -> memref<8x128xf32, #tpu.memory_space<hbm>>
    %dma_start3A_295 = arith.constant 0 : i32
    %dma_start3A_296 = arith.constant 0 : i32
    %dma_start3A_297 = tpu.memref_slice %arg16[%dma_start3A_287, %dma_start3A_295, %dma_start3A_296] : memref<4x8x128xf32, #tpu.memory_space<vmem>> -> memref<1x8x128xf32, #tpu.memory_space<vmem>>
    %dma_start3A_298 = tpu.memref_squeeze %dma_start3A_297 : memref<1x8x128xf32, #tpu.memory_space<vmem>> -> memref<8x128xf32, #tpu.memory_space<vmem>>
    %dma_start3A_299 = arith.constant 0 : i32
    %dma_start3A_300 = tpu.memref_slice %arg5[%dma_start3A_286, %dma_start3A_299, %multiple_of3A_205] : memref<4x8x1000000xf32, #tpu.memory_space<hbm>> -> memref<1x8x128xf32, #tpu.memory_space<hbm>>
    %dma_start3A_301 = tpu.memref_squeeze %dma_start3A_300 : memref<1x8x128xf32, #tpu.memory_space<hbm>> -> memref<8x128xf32, #tpu.memory_space<hbm>>
    tpu.enqueue_dma source(%dma_start3A_301 : memref<8x128xf32, #tpu.memory_space<hbm>>) target(%dma_start3A_298 : memref<8x128xf32, #tpu.memory_space<vmem>>) target_semaphore(%arg31 : memref<!tpu.dma_semaphore, #tpu.memory_space<semaphore_mem>>)
    %dma_start3A_302 = arith.constant 3 : i32
    %dma_start3A_303 = arith.constant 3 : i32
    %dma_start3A_304 = arith.constant 0 : i32
    %dma_start3A_305 = arith.constant 0 : i32
    %dma_start3A_306 = tpu.memref_slice %arg12[%dma_start3A_303, %dma_start3A_304, %dma_start3A_305] : memref<4x8x128xf32, #tpu.memory_space<vmem>> -> memref<1x8x128xf32, #tpu.memory_space<vmem>>
    %dma_start3A_307 = tpu.memref_squeeze %dma_start3A_306 : memref<1x8x128xf32, #tpu.memory_space<vmem>> -> memref<8x128xf32, #tpu.memory_space<vmem>>
    %dma_start3A_308 = arith.constant 0 : i32
    %dma_start3A_309 = tpu.memref_slice %arg4[%dma_start3A_302, %dma_start3A_308, %multiple_of3A_202] : memref<4x8x1000000xf32, #tpu.memory_space<hbm>> -> memref<1x8x128xf32, #tpu.memory_space<hbm>>
    %dma_start3A_310 = tpu.memref_squeeze %dma_start3A_309 : memref<1x8x128xf32, #tpu.memory_space<hbm>> -> memref<8x128xf32, #tpu.memory_space<hbm>>
    %dma_start3A_311 = arith.constant 0 : i32
    %dma_start3A_312 = arith.constant 0 : i32
    %dma_start3A_313 = tpu.memref_slice %arg12[%dma_start3A_303, %dma_start3A_311, %dma_start3A_312] : memref<4x8x128xf32, #tpu.memory_space<vmem>> -> memref<1x8x128xf32, #tpu.memory_space<vmem>>
    %dma_start3A_314 = tpu.memref_squeeze %dma_start3A_313 : memref<1x8x128xf32, #tpu.memory_space<vmem>> -> memref<8x128xf32, #tpu.memory_space<vmem>>
    %dma_start3A_315 = arith.constant 0 : i32
    %dma_start3A_316 = tpu.memref_slice %arg4[%dma_start3A_302, %dma_start3A_315, %multiple_of3A_202] : memref<4x8x1000000xf32, #tpu.memory_space<hbm>> -> memref<1x8x128xf32, #tpu.memory_space<hbm>>
    %dma_start3A_317 = tpu.memref_squeeze %dma_start3A_316 : memref<1x8x128xf32, #tpu.memory_space<hbm>> -> memref<8x128xf32, #tpu.memory_space<hbm>>
    tpu.enqueue_dma source(%dma_start3A_317 : memref<8x128xf32, #tpu.memory_space<hbm>>) target(%dma_start3A_314 : memref<8x128xf32, #tpu.memory_space<vmem>>) target_semaphore(%arg30 : memref<!tpu.dma_semaphore, #tpu.memory_space<semaphore_mem>>)
    %dma_start3A_318 = arith.constant 3 : i32
    %dma_start3A_319 = arith.constant 3 : i32
    %dma_start3A_320 = arith.constant 0 : i32
    %dma_start3A_321 = arith.constant 0 : i32
    %dma_start3A_322 = tpu.memref_slice %arg16[%dma_start3A_319, %dma_start3A_320, %dma_start3A_321] : memref<4x8x128xf32, #tpu.memory_space<vmem>> -> memref<1x8x128xf32, #tpu.memory_space<vmem>>
    %dma_start3A_323 = tpu.memref_squeeze %dma_start3A_322 : memref<1x8x128xf32, #tpu.memory_space<vmem>> -> memref<8x128xf32, #tpu.memory_space<vmem>>
    %dma_start3A_324 = arith.constant 0 : i32
    %dma_start3A_325 = tpu.memref_slice %arg5[%dma_start3A_318, %dma_start3A_324, %multiple_of3A_205] : memref<4x8x1000000xf32, #tpu.memory_space<hbm>> -> memref<1x8x128xf32, #tpu.memory_space<hbm>>
    %dma_start3A_326 = tpu.memref_squeeze %dma_start3A_325 : memref<1x8x128xf32, #tpu.memory_space<hbm>> -> memref<8x128xf32, #tpu.memory_space<hbm>>
    %dma_start3A_327 = arith.constant 0 : i32
    %dma_start3A_328 = arith.constant 0 : i32
    %dma_start3A_329 = tpu.memref_slice %arg16[%dma_start3A_319, %dma_start3A_327, %dma_start3A_328] : memref<4x8x128xf32, #tpu.memory_space<vmem>> -> memref<1x8x128xf32, #tpu.memory_space<vmem>>
    %dma_start3A_330 = tpu.memref_squeeze %dma_start3A_329 : memref<1x8x128xf32, #tpu.memory_space<vmem>> -> memref<8x128xf32, #tpu.memory_space<vmem>>
    %dma_start3A_331 = arith.constant 0 : i32
    %dma_start3A_332 = tpu.memref_slice %arg5[%dma_start3A_318, %dma_start3A_331, %multiple_of3A_205] : memref<4x8x1000000xf32, #tpu.memory_space<hbm>> -> memref<1x8x128xf32, #tpu.memory_space<hbm>>
    %dma_start3A_333 = tpu.memref_squeeze %dma_start3A_332 : memref<1x8x128xf32, #tpu.memory_space<hbm>> -> memref<8x128xf32, #tpu.memory_space<hbm>>
    tpu.enqueue_dma source(%dma_start3A_333 : memref<8x128xf32, #tpu.memory_space<hbm>>) target(%dma_start3A_330 : memref<8x128xf32, #tpu.memory_space<vmem>>) target_semaphore(%arg31 : memref<!tpu.dma_semaphore, #tpu.memory_space<semaphore_mem>>)
    %slice3A_334 = vector.extract_strided_slice %sub3A_65 {offsets = [2], sizes = [1], strides = [1]} : vector<16xi32> to vector<1xi32>
    %squeeze3A_335 = vector.extract %slice3A_334[0] : i32 from vector<1xi32>
    %multiple_of3A_336 = tpu.assume_multiple %squeeze3A_335, 128 : i32
    %slice3A_337 = vector.extract_strided_slice %sub3A_69 {offsets = [2], sizes = [1], strides = [1]} : vector<16xi32> to vector<1xi32>
    %squeeze3A_338 = vector.extract %slice3A_337[0] : i32 from vector<1xi32>
    %multiple_of3A_339 = tpu.assume_multiple %squeeze3A_338, 128 : i32
    %dma_start3A_340 = arith.constant 0 : i32
    %dma_start3A_341 = arith.constant 0 : i32
    %dma_start3A_342 = arith.constant 0 : i32
    %dma_start3A_343 = arith.constant 0 : i32
    %dma_start3A_344 = tpu.memref_slice %arg13[%dma_start3A_341, %dma_start3A_342, %dma_start3A_343] : memref<4x8x128xf32, #tpu.memory_space<vmem>> -> memref<1x8x128xf32, #tpu.memory_space<vmem>>
    %dma_start3A_345 = tpu.memref_squeeze %dma_start3A_344 : memref<1x8x128xf32, #tpu.memory_space<vmem>> -> memref<8x128xf32, #tpu.memory_space<vmem>>
    %dma_start3A_346 = arith.constant 0 : i32
    %dma_start3A_347 = tpu.memref_slice %arg4[%dma_start3A_340, %dma_start3A_346, %multiple_of3A_336] : memref<4x8x1000000xf32, #tpu.memory_space<hbm>> -> memref<1x8x128xf32, #tpu.memory_space<hbm>>
    %dma_start3A_348 = tpu.memref_squeeze %dma_start3A_347 : memref<1x8x128xf32, #tpu.memory_space<hbm>> -> memref<8x128xf32, #tpu.memory_space<hbm>>
    %dma_start3A_349 = arith.constant 0 : i32
    %dma_start3A_350 = arith.constant 0 : i32
    %dma_start3A_351 = tpu.memref_slice %arg13[%dma_start3A_341, %dma_start3A_349, %dma_start3A_350] : memref<4x8x128xf32, #tpu.memory_space<vmem>> -> memref<1x8x128xf32, #tpu.memory_space<vmem>>
    %dma_start3A_352 = tpu.memref_squeeze %dma_start3A_351 : memref<1x8x128xf32, #tpu.memory_space<vmem>> -> memref<8x128xf32, #tpu.memory_space<vmem>>
    %dma_start3A_353 = arith.constant 0 : i32
    %dma_start3A_354 = tpu.memref_slice %arg4[%dma_start3A_340, %dma_start3A_353, %multiple_of3A_336] : memref<4x8x1000000xf32, #tpu.memory_space<hbm>> -> memref<1x8x128xf32, #tpu.memory_space<hbm>>
    %dma_start3A_355 = tpu.memref_squeeze %dma_start3A_354 : memref<1x8x128xf32, #tpu.memory_space<hbm>> -> memref<8x128xf32, #tpu.memory_space<hbm>>
    tpu.enqueue_dma source(%dma_start3A_355 : memref<8x128xf32, #tpu.memory_space<hbm>>) target(%dma_start3A_352 : memref<8x128xf32, #tpu.memory_space<vmem>>) target_semaphore(%arg30 : memref<!tpu.dma_semaphore, #tpu.memory_space<semaphore_mem>>)
    %dma_start3A_356 = arith.constant 0 : i32
    %dma_start3A_357 = arith.constant 0 : i32
    %dma_start3A_358 = arith.constant 0 : i32
    %dma_start3A_359 = arith.constant 0 : i32
    %dma_start3A_360 = tpu.memref_slice %arg17[%dma_start3A_357, %dma_start3A_358, %dma_start3A_359] : memref<4x8x128xf32, #tpu.memory_space<vmem>> -> memref<1x8x128xf32, #tpu.memory_space<vmem>>
    %dma_start3A_361 = tpu.memref_squeeze %dma_start3A_360 : memref<1x8x128xf32, #tpu.memory_space<vmem>> -> memref<8x128xf32, #tpu.memory_space<vmem>>
    %dma_start3A_362 = arith.constant 0 : i32
    %dma_start3A_363 = tpu.memref_slice %arg5[%dma_start3A_356, %dma_start3A_362, %multiple_of3A_339] : memref<4x8x1000000xf32, #tpu.memory_space<hbm>> -> memref<1x8x128xf32, #tpu.memory_space<hbm>>
    %dma_start3A_364 = tpu.memref_squeeze %dma_start3A_363 : memref<1x8x128xf32, #tpu.memory_space<hbm>> -> memref<8x128xf32, #tpu.memory_space<hbm>>
    %dma_start3A_365 = arith.constant 0 : i32
    %dma_start3A_366 = arith.constant 0 : i32
    %dma_start3A_367 = tpu.memref_slice %arg17[%dma_start3A_357, %dma_start3A_365, %dma_start3A_366] : memref<4x8x128xf32, #tpu.memory_space<vmem>> -> memref<1x8x128xf32, #tpu.memory_space<vmem>>
    %dma_start3A_368 = tpu.memref_squeeze %dma_start3A_367 : memref<1x8x128xf32, #tpu.memory_space<vmem>> -> memref<8x128xf32, #tpu.memory_space<vmem>>
    %dma_start3A_369 = arith.constant 0 : i32
    %dma_start3A_370 = tpu.memref_slice %arg5[%dma_start3A_356, %dma_start3A_369, %multiple_of3A_339] : memref<4x8x1000000xf32, #tpu.memory_space<hbm>> -> memref<1x8x128xf32, #tpu.memory_space<hbm>>
    %dma_start3A_371 = tpu.memref_squeeze %dma_start3A_370 : memref<1x8x128xf32, #tpu.memory_space<hbm>> -> memref<8x128xf32, #tpu.memory_space<hbm>>
    tpu.enqueue_dma source(%dma_start3A_371 : memref<8x128xf32, #tpu.memory_space<hbm>>) target(%dma_start3A_368 : memref<8x128xf32, #tpu.memory_space<vmem>>) target_semaphore(%arg31 : memref<!tpu.dma_semaphore, #tpu.memory_space<semaphore_mem>>)
    %dma_start3A_372 = arith.constant 1 : i32
    %dma_start3A_373 = arith.constant 1 : i32
    %dma_start3A_374 = arith.constant 0 : i32
    %dma_start3A_375 = arith.constant 0 : i32
    %dma_start3A_376 = tpu.memref_slice %arg13[%dma_start3A_373, %dma_start3A_374, %dma_start3A_375] : memref<4x8x128xf32, #tpu.memory_space<vmem>> -> memref<1x8x128xf32, #tpu.memory_space<vmem>>
    %dma_start3A_377 = tpu.memref_squeeze %dma_start3A_376 : memref<1x8x128xf32, #tpu.memory_space<vmem>> -> memref<8x128xf32, #tpu.memory_space<vmem>>
    %dma_start3A_378 = arith.constant 0 : i32
    %dma_start3A_379 = tpu.memref_slice %arg4[%dma_start3A_372, %dma_start3A_378, %multiple_of3A_336] : memref<4x8x1000000xf32, #tpu.memory_space<hbm>> -> memref<1x8x128xf32, #tpu.memory_space<hbm>>
    %dma_start3A_380 = tpu.memref_squeeze %dma_start3A_379 : memref<1x8x128xf32, #tpu.memory_space<hbm>> -> memref<8x128xf32, #tpu.memory_space<hbm>>
    %dma_start3A_381 = arith.constant 0 : i32
    %dma_start3A_382 = arith.constant 0 : i32
    %dma_start3A_383 = tpu.memref_slice %arg13[%dma_start3A_373, %dma_start3A_381, %dma_start3A_382] : memref<4x8x128xf32, #tpu.memory_space<vmem>> -> memref<1x8x128xf32, #tpu.memory_space<vmem>>
    %dma_start3A_384 = tpu.memref_squeeze %dma_start3A_383 : memref<1x8x128xf32, #tpu.memory_space<vmem>> -> memref<8x128xf32, #tpu.memory_space<vmem>>
    %dma_start3A_385 = arith.constant 0 : i32
    %dma_start3A_386 = tpu.memref_slice %arg4[%dma_start3A_372, %dma_start3A_385, %multiple_of3A_336] : memref<4x8x1000000xf32, #tpu.memory_space<hbm>> -> memref<1x8x128xf32, #tpu.memory_space<hbm>>
    %dma_start3A_387 = tpu.memref_squeeze %dma_start3A_386 : memref<1x8x128xf32, #tpu.memory_space<hbm>> -> memref<8x128xf32, #tpu.memory_space<hbm>>
    tpu.enqueue_dma source(%dma_start3A_387 : memref<8x128xf32, #tpu.memory_space<hbm>>) target(%dma_start3A_384 : memref<8x128xf32, #tpu.memory_space<vmem>>) target_semaphore(%arg30 : memref<!tpu.dma_semaphore, #tpu.memory_space<semaphore_mem>>)
    %dma_start3A_388 = arith.constant 1 : i32
    %dma_start3A_389 = arith.constant 1 : i32
    %dma_start3A_390 = arith.constant 0 : i32
    %dma_start3A_391 = arith.constant 0 : i32
    %dma_start3A_392 = tpu.memref_slice %arg17[%dma_start3A_389, %dma_start3A_390, %dma_start3A_391] : memref<4x8x128xf32, #tpu.memory_space<vmem>> -> memref<1x8x128xf32, #tpu.memory_space<vmem>>
    %dma_start3A_393 = tpu.memref_squeeze %dma_start3A_392 : memref<1x8x128xf32, #tpu.memory_space<vmem>> -> memref<8x128xf32, #tpu.memory_space<vmem>>
    %dma_start3A_394 = arith.constant 0 : i32
    %dma_start3A_395 = tpu.memref_slice %arg5[%dma_start3A_388, %dma_start3A_394, %multiple_of3A_339] : memref<4x8x1000000xf32, #tpu.memory_space<hbm>> -> memref<1x8x128xf32, #tpu.memory_space<hbm>>
    %dma_start3A_396 = tpu.memref_squeeze %dma_start3A_395 : memref<1x8x128xf32, #tpu.memory_space<hbm>> -> memref<8x128xf32, #tpu.memory_space<hbm>>
    %dma_start3A_397 = arith.constant 0 : i32
    %dma_start3A_398 = arith.constant 0 : i32
    %dma_start3A_399 = tpu.memref_slice %arg17[%dma_start3A_389, %dma_start3A_397, %dma_start3A_398] : memref<4x8x128xf32, #tpu.memory_space<vmem>> -> memref<1x8x128xf32, #tpu.memory_space<vmem>>
    %dma_start3A_400 = tpu.memref_squeeze %dma_start3A_399 : memref<1x8x128xf32, #tpu.memory_space<vmem>> -> memref<8x128xf32, #tpu.memory_space<vmem>>
    %dma_start3A_401 = arith.constant 0 : i32
    %dma_start3A_402 = tpu.memref_slice %arg5[%dma_start3A_388, %dma_start3A_401, %multiple_of3A_339] : memref<4x8x1000000xf32, #tpu.memory_space<hbm>> -> memref<1x8x128xf32, #tpu.memory_space<hbm>>
    %dma_start3A_403 = tpu.memref_squeeze %dma_start3A_402 : memref<1x8x128xf32, #tpu.memory_space<hbm>> -> memref<8x128xf32, #tpu.memory_space<hbm>>
    tpu.enqueue_dma source(%dma_start3A_403 : memref<8x128xf32, #tpu.memory_space<hbm>>) target(%dma_start3A_400 : memref<8x128xf32, #tpu.memory_space<vmem>>) target_semaphore(%arg31 : memref<!tpu.dma_semaphore, #tpu.memory_space<semaphore_mem>>)
    %dma_start3A_404 = arith.constant 2 : i32
    %dma_start3A_405 = arith.constant 2 : i32
    %dma_start3A_406 = arith.constant 0 : i32
    %dma_start3A_407 = arith.constant 0 : i32
    %dma_start3A_408 = tpu.memref_slice %arg13[%dma_start3A_405, %dma_start3A_406, %dma_start3A_407] : memref<4x8x128xf32, #tpu.memory_space<vmem>> -> memref<1x8x128xf32, #tpu.memory_space<vmem>>
    %dma_start3A_409 = tpu.memref_squeeze %dma_start3A_408 : memref<1x8x128xf32, #tpu.memory_space<vmem>> -> memref<8x128xf32, #tpu.memory_space<vmem>>
    %dma_start3A_410 = arith.constant 0 : i32
    %dma_start3A_411 = tpu.memref_slice %arg4[%dma_start3A_404, %dma_start3A_410, %multiple_of3A_336] : memref<4x8x1000000xf32, #tpu.memory_space<hbm>> -> memref<1x8x128xf32, #tpu.memory_space<hbm>>
    %dma_start3A_412 = tpu.memref_squeeze %dma_start3A_411 : memref<1x8x128xf32, #tpu.memory_space<hbm>> -> memref<8x128xf32, #tpu.memory_space<hbm>>
    %dma_start3A_413 = arith.constant 0 : i32
    %dma_start3A_414 = arith.constant 0 : i32
    %dma_start3A_415 = tpu.memref_slice %arg13[%dma_start3A_405, %dma_start3A_413, %dma_start3A_414] : memref<4x8x128xf32, #tpu.memory_space<vmem>> -> memref<1x8x128xf32, #tpu.memory_space<vmem>>
    %dma_start3A_416 = tpu.memref_squeeze %dma_start3A_415 : memref<1x8x128xf32, #tpu.memory_space<vmem>> -> memref<8x128xf32, #tpu.memory_space<vmem>>
    %dma_start3A_417 = arith.constant 0 : i32
    %dma_start3A_418 = tpu.memref_slice %arg4[%dma_start3A_404, %dma_start3A_417, %multiple_of3A_336] : memref<4x8x1000000xf32, #tpu.memory_space<hbm>> -> memref<1x8x128xf32, #tpu.memory_space<hbm>>
    %dma_start3A_419 = tpu.memref_squeeze %dma_start3A_418 : memref<1x8x128xf32, #tpu.memory_space<hbm>> -> memref<8x128xf32, #tpu.memory_space<hbm>>
    tpu.enqueue_dma source(%dma_start3A_419 : memref<8x128xf32, #tpu.memory_space<hbm>>) target(%dma_start3A_416 : memref<8x128xf32, #tpu.memory_space<vmem>>) target_semaphore(%arg30 : memref<!tpu.dma_semaphore, #tpu.memory_space<semaphore_mem>>)
    %dma_start3A_420 = arith.constant 2 : i32
    %dma_start3A_421 = arith.constant 2 : i32
    %dma_start3A_422 = arith.constant 0 : i32
    %dma_start3A_423 = arith.constant 0 : i32
    %dma_start3A_424 = tpu.memref_slice %arg17[%dma_start3A_421, %dma_start3A_422, %dma_start3A_423] : memref<4x8x128xf32, #tpu.memory_space<vmem>> -> memref<1x8x128xf32, #tpu.memory_space<vmem>>
    %dma_start3A_425 = tpu.memref_squeeze %dma_start3A_424 : memref<1x8x128xf32, #tpu.memory_space<vmem>> -> memref<8x128xf32, #tpu.memory_space<vmem>>
    %dma_start3A_426 = arith.constant 0 : i32
    %dma_start3A_427 = tpu.memref_slice %arg5[%dma_start3A_420, %dma_start3A_426, %multiple_of3A_339] : memref<4x8x1000000xf32, #tpu.memory_space<hbm>> -> memref<1x8x128xf32, #tpu.memory_space<hbm>>
    %dma_start3A_428 = tpu.memref_squeeze %dma_start3A_427 : memref<1x8x128xf32, #tpu.memory_space<hbm>> -> memref<8x128xf32, #tpu.memory_space<hbm>>
    %dma_start3A_429 = arith.constant 0 : i32
    %dma_start3A_430 = arith.constant 0 : i32
    %dma_start3A_431 = tpu.memref_slice %arg17[%dma_start3A_421, %dma_start3A_429, %dma_start3A_430] : memref<4x8x128xf32, #tpu.memory_space<vmem>> -> memref<1x8x128xf32, #tpu.memory_space<vmem>>
    %dma_start3A_432 = tpu.memref_squeeze %dma_start3A_431 : memref<1x8x128xf32, #tpu.memory_space<vmem>> -> memref<8x128xf32, #tpu.memory_space<vmem>>
    %dma_start3A_433 = arith.constant 0 : i32
    %dma_start3A_434 = tpu.memref_slice %arg5[%dma_start3A_420, %dma_start3A_433, %multiple_of3A_339] : memref<4x8x1000000xf32, #tpu.memory_space<hbm>> -> memref<1x8x128xf32, #tpu.memory_space<hbm>>
    %dma_start3A_435 = tpu.memref_squeeze %dma_start3A_434 : memref<1x8x128xf32, #tpu.memory_space<hbm>> -> memref<8x128xf32, #tpu.memory_space<hbm>>
    tpu.enqueue_dma source(%dma_start3A_435 : memref<8x128xf32, #tpu.memory_space<hbm>>) target(%dma_start3A_432 : memref<8x128xf32, #tpu.memory_space<vmem>>) target_semaphore(%arg31 : memref<!tpu.dma_semaphore, #tpu.memory_space<semaphore_mem>>)
    %dma_start3A_436 = arith.constant 3 : i32
    %dma_start3A_437 = arith.constant 3 : i32
    %dma_start3A_438 = arith.constant 0 : i32
    %dma_start3A_439 = arith.constant 0 : i32
    %dma_start3A_440 = tpu.memref_slice %arg13[%dma_start3A_437, %dma_start3A_438, %dma_start3A_439] : memref<4x8x128xf32, #tpu.memory_space<vmem>> -> memref<1x8x128xf32, #tpu.memory_space<vmem>>
    %dma_start3A_441 = tpu.memref_squeeze %dma_start3A_440 : memref<1x8x128xf32, #tpu.memory_space<vmem>> -> memref<8x128xf32, #tpu.memory_space<vmem>>
    %dma_start3A_442 = arith.constant 0 : i32
    %dma_start3A_443 = tpu.memref_slice %arg4[%dma_start3A_436, %dma_start3A_442, %multiple_of3A_336] : memref<4x8x1000000xf32, #tpu.memory_space<hbm>> -> memref<1x8x128xf32, #tpu.memory_space<hbm>>
    %dma_start3A_444 = tpu.memref_squeeze %dma_start3A_443 : memref<1x8x128xf32, #tpu.memory_space<hbm>> -> memref<8x128xf32, #tpu.memory_space<hbm>>
    %dma_start3A_445 = arith.constant 0 : i32
    %dma_start3A_446 = arith.constant 0 : i32
    %dma_start3A_447 = tpu.memref_slice %arg13[%dma_start3A_437, %dma_start3A_445, %dma_start3A_446] : memref<4x8x128xf32, #tpu.memory_space<vmem>> -> memref<1x8x128xf32, #tpu.memory_space<vmem>>
    %dma_start3A_448 = tpu.memref_squeeze %dma_start3A_447 : memref<1x8x128xf32, #tpu.memory_space<vmem>> -> memref<8x128xf32, #tpu.memory_space<vmem>>
    %dma_start3A_449 = arith.constant 0 : i32
    %dma_start3A_450 = tpu.memref_slice %arg4[%dma_start3A_436, %dma_start3A_449, %multiple_of3A_336] : memref<4x8x1000000xf32, #tpu.memory_space<hbm>> -> memref<1x8x128xf32, #tpu.memory_space<hbm>>
    %dma_start3A_451 = tpu.memref_squeeze %dma_start3A_450 : memref<1x8x128xf32, #tpu.memory_space<hbm>> -> memref<8x128xf32, #tpu.memory_space<hbm>>
    tpu.enqueue_dma source(%dma_start3A_451 : memref<8x128xf32, #tpu.memory_space<hbm>>) target(%dma_start3A_448 : memref<8x128xf32, #tpu.memory_space<vmem>>) target_semaphore(%arg30 : memref<!tpu.dma_semaphore, #tpu.memory_space<semaphore_mem>>)
    %dma_start3A_452 = arith.constant 3 : i32
    %dma_start3A_453 = arith.constant 3 : i32
    %dma_start3A_454 = arith.constant 0 : i32
    %dma_start3A_455 = arith.constant 0 : i32
    %dma_start3A_456 = tpu.memref_slice %arg17[%dma_start3A_453, %dma_start3A_454, %dma_start3A_455] : memref<4x8x128xf32, #tpu.memory_space<vmem>> -> memref<1x8x128xf32, #tpu.memory_space<vmem>>
    %dma_start3A_457 = tpu.memref_squeeze %dma_start3A_456 : memref<1x8x128xf32, #tpu.memory_space<vmem>> -> memref<8x128xf32, #tpu.memory_space<vmem>>
    %dma_start3A_458 = arith.constant 0 : i32
    %dma_start3A_459 = tpu.memref_slice %arg5[%dma_start3A_452, %dma_start3A_458, %multiple_of3A_339] : memref<4x8x1000000xf32, #tpu.memory_space<hbm>> -> memref<1x8x128xf32, #tpu.memory_space<hbm>>
    %dma_start3A_460 = tpu.memref_squeeze %dma_start3A_459 : memref<1x8x128xf32, #tpu.memory_space<hbm>> -> memref<8x128xf32, #tpu.memory_space<hbm>>
    %dma_start3A_461 = arith.constant 0 : i32
    %dma_start3A_462 = arith.constant 0 : i32
    %dma_start3A_463 = tpu.memref_slice %arg17[%dma_start3A_453, %dma_start3A_461, %dma_start3A_462] : memref<4x8x128xf32, #tpu.memory_space<vmem>> -> memref<1x8x128xf32, #tpu.memory_space<vmem>>
    %dma_start3A_464 = tpu.memref_squeeze %dma_start3A_463 : memref<1x8x128xf32, #tpu.memory_space<vmem>> -> memref<8x128xf32, #tpu.memory_space<vmem>>
    %dma_start3A_465 = arith.constant 0 : i32
    %dma_start3A_466 = tpu.memref_slice %arg5[%dma_start3A_452, %dma_start3A_465, %multiple_of3A_339] : memref<4x8x1000000xf32, #tpu.memory_space<hbm>> -> memref<1x8x128xf32, #tpu.memory_space<hbm>>
    %dma_start3A_467 = tpu.memref_squeeze %dma_start3A_466 : memref<1x8x128xf32, #tpu.memory_space<hbm>> -> memref<8x128xf32, #tpu.memory_space<hbm>>
    tpu.enqueue_dma source(%dma_start3A_467 : memref<8x128xf32, #tpu.memory_space<hbm>>) target(%dma_start3A_464 : memref<8x128xf32, #tpu.memory_space<vmem>>) target_semaphore(%arg31 : memref<!tpu.dma_semaphore, #tpu.memory_space<semaphore_mem>>)
    %slice3A_468 = vector.extract_strided_slice %sub3A_65 {offsets = [3], sizes = [1], strides = [1]} : vector<16xi32> to vector<1xi32>
    %squeeze3A_469 = vector.extract %slice3A_468[0] : i32 from vector<1xi32>
    %multiple_of3A_470 = tpu.assume_multiple %squeeze3A_469, 128 : i32
    %slice3A_471 = vector.extract_strided_slice %sub3A_69 {offsets = [3], sizes = [1], strides = [1]} : vector<16xi32> to vector<1xi32>
    %squeeze3A_472 = vector.extract %slice3A_471[0] : i32 from vector<1xi32>
    %multiple_of3A_473 = tpu.assume_multiple %squeeze3A_472, 128 : i32
    %dma_start3A_474 = arith.constant 0 : i32
    %dma_start3A_475 = arith.constant 0 : i32
    %dma_start3A_476 = arith.constant 0 : i32
    %dma_start3A_477 = arith.constant 0 : i32
    %dma_start3A_478 = tpu.memref_slice %arg14[%dma_start3A_475, %dma_start3A_476, %dma_start3A_477] : memref<4x8x128xf32, #tpu.memory_space<vmem>> -> memref<1x8x128xf32, #tpu.memory_space<vmem>>
    %dma_start3A_479 = tpu.memref_squeeze %dma_start3A_478 : memref<1x8x128xf32, #tpu.memory_space<vmem>> -> memref<8x128xf32, #tpu.memory_space<vmem>>
    %dma_start3A_480 = arith.constant 0 : i32
    %dma_start3A_481 = tpu.memref_slice %arg4[%dma_start3A_474, %dma_start3A_480, %multiple_of3A_470] : memref<4x8x1000000xf32, #tpu.memory_space<hbm>> -> memref<1x8x128xf32, #tpu.memory_space<hbm>>
    %dma_start3A_482 = tpu.memref_squeeze %dma_start3A_481 : memref<1x8x128xf32, #tpu.memory_space<hbm>> -> memref<8x128xf32, #tpu.memory_space<hbm>>
    %dma_start3A_483 = arith.constant 0 : i32
    %dma_start3A_484 = arith.constant 0 : i32
    %dma_start3A_485 = tpu.memref_slice %arg14[%dma_start3A_475, %dma_start3A_483, %dma_start3A_484] : memref<4x8x128xf32, #tpu.memory_space<vmem>> -> memref<1x8x128xf32, #tpu.memory_space<vmem>>
    %dma_start3A_486 = tpu.memref_squeeze %dma_start3A_485 : memref<1x8x128xf32, #tpu.memory_space<vmem>> -> memref<8x128xf32, #tpu.memory_space<vmem>>
    %dma_start3A_487 = arith.constant 0 : i32
    %dma_start3A_488 = tpu.memref_slice %arg4[%dma_start3A_474, %dma_start3A_487, %multiple_of3A_470] : memref<4x8x1000000xf32, #tpu.memory_space<hbm>> -> memref<1x8x128xf32, #tpu.memory_space<hbm>>
    %dma_start3A_489 = tpu.memref_squeeze %dma_start3A_488 : memref<1x8x128xf32, #tpu.memory_space<hbm>> -> memref<8x128xf32, #tpu.memory_space<hbm>>
    tpu.enqueue_dma source(%dma_start3A_489 : memref<8x128xf32, #tpu.memory_space<hbm>>) target(%dma_start3A_486 : memref<8x128xf32, #tpu.memory_space<vmem>>) target_semaphore(%arg30 : memref<!tpu.dma_semaphore, #tpu.memory_space<semaphore_mem>>)
    %dma_start3A_490 = arith.constant 0 : i32
    %dma_start3A_491 = arith.constant 0 : i32
    %dma_start3A_492 = arith.constant 0 : i32
    %dma_start3A_493 = arith.constant 0 : i32
    %dma_start3A_494 = tpu.memref_slice %arg18[%dma_start3A_491, %dma_start3A_492, %dma_start3A_493] : memref<4x8x128xf32, #tpu.memory_space<vmem>> -> memref<1x8x128xf32, #tpu.memory_space<vmem>>
    %dma_start3A_495 = tpu.memref_squeeze %dma_start3A_494 : memref<1x8x128xf32, #tpu.memory_space<vmem>> -> memref<8x128xf32, #tpu.memory_space<vmem>>
    %dma_start3A_496 = arith.constant 0 : i32
    %dma_start3A_497 = tpu.memref_slice %arg5[%dma_start3A_490, %dma_start3A_496, %multiple_of3A_473] : memref<4x8x1000000xf32, #tpu.memory_space<hbm>> -> memref<1x8x128xf32, #tpu.memory_space<hbm>>
    %dma_start3A_498 = tpu.memref_squeeze %dma_start3A_497 : memref<1x8x128xf32, #tpu.memory_space<hbm>> -> memref<8x128xf32, #tpu.memory_space<hbm>>
    %dma_start3A_499 = arith.constant 0 : i32
    %dma_start3A_500 = arith.constant 0 : i32
    %dma_start3A_501 = tpu.memref_slice %arg18[%dma_start3A_491, %dma_start3A_499, %dma_start3A_500] : memref<4x8x128xf32, #tpu.memory_space<vmem>> -> memref<1x8x128xf32, #tpu.memory_space<vmem>>
    %dma_start3A_502 = tpu.memref_squeeze %dma_start3A_501 : memref<1x8x128xf32, #tpu.memory_space<vmem>> -> memref<8x128xf32, #tpu.memory_space<vmem>>
    %dma_start3A_503 = arith.constant 0 : i32
    %dma_start3A_504 = tpu.memref_slice %arg5[%dma_start3A_490, %dma_start3A_503, %multiple_of3A_473] : memref<4x8x1000000xf32, #tpu.memory_space<hbm>> -> memref<1x8x128xf32, #tpu.memory_space<hbm>>
    %dma_start3A_505 = tpu.memref_squeeze %dma_start3A_504 : memref<1x8x128xf32, #tpu.memory_space<hbm>> -> memref<8x128xf32, #tpu.memory_space<hbm>>
    tpu.enqueue_dma source(%dma_start3A_505 : memref<8x128xf32, #tpu.memory_space<hbm>>) target(%dma_start3A_502 : memref<8x128xf32, #tpu.memory_space<vmem>>) target_semaphore(%arg31 : memref<!tpu.dma_semaphore, #tpu.memory_space<semaphore_mem>>)
    %dma_start3A_506 = arith.constant 1 : i32
    %dma_start3A_507 = arith.constant 1 : i32
    %dma_start3A_508 = arith.constant 0 : i32
    %dma_start3A_509 = arith.constant 0 : i32
    %dma_start3A_510 = tpu.memref_slice %arg14[%dma_start3A_507, %dma_start3A_508, %dma_start3A_509] : memref<4x8x128xf32, #tpu.memory_space<vmem>> -> memref<1x8x128xf32, #tpu.memory_space<vmem>>
    %dma_start3A_511 = tpu.memref_squeeze %dma_start3A_510 : memref<1x8x128xf32, #tpu.memory_space<vmem>> -> memref<8x128xf32, #tpu.memory_space<vmem>>
    %dma_start3A_512 = arith.constant 0 : i32
    %dma_start3A_513 = tpu.memref_slice %arg4[%dma_start3A_506, %dma_start3A_512, %multiple_of3A_470] : memref<4x8x1000000xf32, #tpu.memory_space<hbm>> -> memref<1x8x128xf32, #tpu.memory_space<hbm>>
    %dma_start3A_514 = tpu.memref_squeeze %dma_start3A_513 : memref<1x8x128xf32, #tpu.memory_space<hbm>> -> memref<8x128xf32, #tpu.memory_space<hbm>>
    %dma_start3A_515 = arith.constant 0 : i32
    %dma_start3A_516 = arith.constant 0 : i32
    %dma_start3A_517 = tpu.memref_slice %arg14[%dma_start3A_507, %dma_start3A_515, %dma_start3A_516] : memref<4x8x128xf32, #tpu.memory_space<vmem>> -> memref<1x8x128xf32, #tpu.memory_space<vmem>>
    %dma_start3A_518 = tpu.memref_squeeze %dma_start3A_517 : memref<1x8x128xf32, #tpu.memory_space<vmem>> -> memref<8x128xf32, #tpu.memory_space<vmem>>
    %dma_start3A_519 = arith.constant 0 : i32
    %dma_start3A_520 = tpu.memref_slice %arg4[%dma_start3A_506, %dma_start3A_519, %multiple_of3A_470] : memref<4x8x1000000xf32, #tpu.memory_space<hbm>> -> memref<1x8x128xf32, #tpu.memory_space<hbm>>
    %dma_start3A_521 = tpu.memref_squeeze %dma_start3A_520 : memref<1x8x128xf32, #tpu.memory_space<hbm>> -> memref<8x128xf32, #tpu.memory_space<hbm>>
    tpu.enqueue_dma source(%dma_start3A_521 : memref<8x128xf32, #tpu.memory_space<hbm>>) target(%dma_start3A_518 : memref<8x128xf32, #tpu.memory_space<vmem>>) target_semaphore(%arg30 : memref<!tpu.dma_semaphore, #tpu.memory_space<semaphore_mem>>)
    %dma_start3A_522 = arith.constant 1 : i32
    %dma_start3A_523 = arith.constant 1 : i32
    %dma_start3A_524 = arith.constant 0 : i32
    %dma_start3A_525 = arith.constant 0 : i32
    %dma_start3A_526 = tpu.memref_slice %arg18[%dma_start3A_523, %dma_start3A_524, %dma_start3A_525] : memref<4x8x128xf32, #tpu.memory_space<vmem>> -> memref<1x8x128xf32, #tpu.memory_space<vmem>>
    %dma_start3A_527 = tpu.memref_squeeze %dma_start3A_526 : memref<1x8x128xf32, #tpu.memory_space<vmem>> -> memref<8x128xf32, #tpu.memory_space<vmem>>
    %dma_start3A_528 = arith.constant 0 : i32
    %dma_start3A_529 = tpu.memref_slice %arg5[%dma_start3A_522, %dma_start3A_528, %multiple_of3A_473] : memref<4x8x1000000xf32, #tpu.memory_space<hbm>> -> memref<1x8x128xf32, #tpu.memory_space<hbm>>
    %dma_start3A_530 = tpu.memref_squeeze %dma_start3A_529 : memref<1x8x128xf32, #tpu.memory_space<hbm>> -> memref<8x128xf32, #tpu.memory_space<hbm>>
    %dma_start3A_531 = arith.constant 0 : i32
    %dma_start3A_532 = arith.constant 0 : i32
    %dma_start3A_533 = tpu.memref_slice %arg18[%dma_start3A_523, %dma_start3A_531, %dma_start3A_532] : memref<4x8x128xf32, #tpu.memory_space<vmem>> -> memref<1x8x128xf32, #tpu.memory_space<vmem>>
    %dma_start3A_534 = tpu.memref_squeeze %dma_start3A_533 : memref<1x8x128xf32, #tpu.memory_space<vmem>> -> memref<8x128xf32, #tpu.memory_space<vmem>>
    %dma_start3A_535 = arith.constant 0 : i32
    %dma_start3A_536 = tpu.memref_slice %arg5[%dma_start3A_522, %dma_start3A_535, %multiple_of3A_473] : memref<4x8x1000000xf32, #tpu.memory_space<hbm>> -> memref<1x8x128xf32, #tpu.memory_space<hbm>>
    %dma_start3A_537 = tpu.memref_squeeze %dma_start3A_536 : memref<1x8x128xf32, #tpu.memory_space<hbm>> -> memref<8x128xf32, #tpu.memory_space<hbm>>
    tpu.enqueue_dma source(%dma_start3A_537 : memref<8x128xf32, #tpu.memory_space<hbm>>) target(%dma_start3A_534 : memref<8x128xf32, #tpu.memory_space<vmem>>) target_semaphore(%arg31 : memref<!tpu.dma_semaphore, #tpu.memory_space<semaphore_mem>>)
    %dma_start3A_538 = arith.constant 2 : i32
    %dma_start3A_539 = arith.constant 2 : i32
    %dma_start3A_540 = arith.constant 0 : i32
    %dma_start3A_541 = arith.constant 0 : i32
    %dma_start3A_542 = tpu.memref_slice %arg14[%dma_start3A_539, %dma_start3A_540, %dma_start3A_541] : memref<4x8x128xf32, #tpu.memory_space<vmem>> -> memref<1x8x128xf32, #tpu.memory_space<vmem>>
    %dma_start3A_543 = tpu.memref_squeeze %dma_start3A_542 : memref<1x8x128xf32, #tpu.memory_space<vmem>> -> memref<8x128xf32, #tpu.memory_space<vmem>>
    %dma_start3A_544 = arith.constant 0 : i32
    %dma_start3A_545 = tpu.memref_slice %arg4[%dma_start3A_538, %dma_start3A_544, %multiple_of3A_470] : memref<4x8x1000000xf32, #tpu.memory_space<hbm>> -> memref<1x8x128xf32, #tpu.memory_space<hbm>>
    %dma_start3A_546 = tpu.memref_squeeze %dma_start3A_545 : memref<1x8x128xf32, #tpu.memory_space<hbm>> -> memref<8x128xf32, #tpu.memory_space<hbm>>
    %dma_start3A_547 = arith.constant 0 : i32
    %dma_start3A_548 = arith.constant 0 : i32
    %dma_start3A_549 = tpu.memref_slice %arg14[%dma_start3A_539, %dma_start3A_547, %dma_start3A_548] : memref<4x8x128xf32, #tpu.memory_space<vmem>> -> memref<1x8x128xf32, #tpu.memory_space<vmem>>
    %dma_start3A_550 = tpu.memref_squeeze %dma_start3A_549 : memref<1x8x128xf32, #tpu.memory_space<vmem>> -> memref<8x128xf32, #tpu.memory_space<vmem>>
    %dma_start3A_551 = arith.constant 0 : i32
    %dma_start3A_552 = tpu.memref_slice %arg4[%dma_start3A_538, %dma_start3A_551, %multiple_of3A_470] : memref<4x8x1000000xf32, #tpu.memory_space<hbm>> -> memref<1x8x128xf32, #tpu.memory_space<hbm>>
    %dma_start3A_553 = tpu.memref_squeeze %dma_start3A_552 : memref<1x8x128xf32, #tpu.memory_space<hbm>> -> memref<8x128xf32, #tpu.memory_space<hbm>>
    tpu.enqueue_dma source(%dma_start3A_553 : memref<8x128xf32, #tpu.memory_space<hbm>>) target(%dma_start3A_550 : memref<8x128xf32, #tpu.memory_space<vmem>>) target_semaphore(%arg30 : memref<!tpu.dma_semaphore, #tpu.memory_space<semaphore_mem>>)
    %dma_start3A_554 = arith.constant 2 : i32
    %dma_start3A_555 = arith.constant 2 : i32
    %dma_start3A_556 = arith.constant 0 : i32
    %dma_start3A_557 = arith.constant 0 : i32
    %dma_start3A_558 = tpu.memref_slice %arg18[%dma_start3A_555, %dma_start3A_556, %dma_start3A_557] : memref<4x8x128xf32, #tpu.memory_space<vmem>> -> memref<1x8x128xf32, #tpu.memory_space<vmem>>
    %dma_start3A_559 = tpu.memref_squeeze %dma_start3A_558 : memref<1x8x128xf32, #tpu.memory_space<vmem>> -> memref<8x128xf32, #tpu.memory_space<vmem>>
    %dma_start3A_560 = arith.constant 0 : i32
    %dma_start3A_561 = tpu.memref_slice %arg5[%dma_start3A_554, %dma_start3A_560, %multiple_of3A_473] : memref<4x8x1000000xf32, #tpu.memory_space<hbm>> -> memref<1x8x128xf32, #tpu.memory_space<hbm>>
    %dma_start3A_562 = tpu.memref_squeeze %dma_start3A_561 : memref<1x8x128xf32, #tpu.memory_space<hbm>> -> memref<8x128xf32, #tpu.memory_space<hbm>>
    %dma_start3A_563 = arith.constant 0 : i32
    %dma_start3A_564 = arith.constant 0 : i32
    %dma_start3A_565 = tpu.memref_slice %arg18[%dma_start3A_555, %dma_start3A_563, %dma_start3A_564] : memref<4x8x128xf32, #tpu.memory_space<vmem>> -> memref<1x8x128xf32, #tpu.memory_space<vmem>>
    %dma_start3A_566 = tpu.memref_squeeze %dma_start3A_565 : memref<1x8x128xf32, #tpu.memory_space<vmem>> -> memref<8x128xf32, #tpu.memory_space<vmem>>
    %dma_start3A_567 = arith.constant 0 : i32
    %dma_start3A_568 = tpu.memref_slice %arg5[%dma_start3A_554, %dma_start3A_567, %multiple_of3A_473] : memref<4x8x1000000xf32, #tpu.memory_space<hbm>> -> memref<1x8x128xf32, #tpu.memory_space<hbm>>
    %dma_start3A_569 = tpu.memref_squeeze %dma_start3A_568 : memref<1x8x128xf32, #tpu.memory_space<hbm>> -> memref<8x128xf32, #tpu.memory_space<hbm>>
    tpu.enqueue_dma source(%dma_start3A_569 : memref<8x128xf32, #tpu.memory_space<hbm>>) target(%dma_start3A_566 : memref<8x128xf32, #tpu.memory_space<vmem>>) target_semaphore(%arg31 : memref<!tpu.dma_semaphore, #tpu.memory_space<semaphore_mem>>)
    %dma_start3A_570 = arith.constant 3 : i32
    %dma_start3A_571 = arith.constant 3 : i32
    %dma_start3A_572 = arith.constant 0 : i32
    %dma_start3A_573 = arith.constant 0 : i32
    %dma_start3A_574 = tpu.memref_slice %arg14[%dma_start3A_571, %dma_start3A_572, %dma_start3A_573] : memref<4x8x128xf32, #tpu.memory_space<vmem>> -> memref<1x8x128xf32, #tpu.memory_space<vmem>>
    %dma_start3A_575 = tpu.memref_squeeze %dma_start3A_574 : memref<1x8x128xf32, #tpu.memory_space<vmem>> -> memref<8x128xf32, #tpu.memory_space<vmem>>
    %dma_start3A_576 = arith.constant 0 : i32
    %dma_start3A_577 = tpu.memref_slice %arg4[%dma_start3A_570, %dma_start3A_576, %multiple_of3A_470] : memref<4x8x1000000xf32, #tpu.memory_space<hbm>> -> memref<1x8x128xf32, #tpu.memory_space<hbm>>
    %dma_start3A_578 = tpu.memref_squeeze %dma_start3A_577 : memref<1x8x128xf32, #tpu.memory_space<hbm>> -> memref<8x128xf32, #tpu.memory_space<hbm>>
    %dma_start3A_579 = arith.constant 0 : i32
    %dma_start3A_580 = arith.constant 0 : i32
    %dma_start3A_581 = tpu.memref_slice %arg14[%dma_start3A_571, %dma_start3A_579, %dma_start3A_580] : memref<4x8x128xf32, #tpu.memory_space<vmem>> -> memref<1x8x128xf32, #tpu.memory_space<vmem>>
    %dma_start3A_582 = tpu.memref_squeeze %dma_start3A_581 : memref<1x8x128xf32, #tpu.memory_space<vmem>> -> memref<8x128xf32, #tpu.memory_space<vmem>>
    %dma_start3A_583 = arith.constant 0 : i32
    %dma_start3A_584 = tpu.memref_slice %arg4[%dma_start3A_570, %dma_start3A_583, %multiple_of3A_470] : memref<4x8x1000000xf32, #tpu.memory_space<hbm>> -> memref<1x8x128xf32, #tpu.memory_space<hbm>>
    %dma_start3A_585 = tpu.memref_squeeze %dma_start3A_584 : memref<1x8x128xf32, #tpu.memory_space<hbm>> -> memref<8x128xf32, #tpu.memory_space<hbm>>
    tpu.enqueue_dma source(%dma_start3A_585 : memref<8x128xf32, #tpu.memory_space<hbm>>) target(%dma_start3A_582 : memref<8x128xf32, #tpu.memory_space<vmem>>) target_semaphore(%arg30 : memref<!tpu.dma_semaphore, #tpu.memory_space<semaphore_mem>>)
    %dma_start3A_586 = arith.constant 3 : i32
    %dma_start3A_587 = arith.constant 3 : i32
    %dma_start3A_588 = arith.constant 0 : i32
    %dma_start3A_589 = arith.constant 0 : i32
    %dma_start3A_590 = tpu.memref_slice %arg18[%dma_start3A_587, %dma_start3A_588, %dma_start3A_589] : memref<4x8x128xf32, #tpu.memory_space<vmem>> -> memref<1x8x128xf32, #tpu.memory_space<vmem>>
    %dma_start3A_591 = tpu.memref_squeeze %dma_start3A_590 : memref<1x8x128xf32, #tpu.memory_space<vmem>> -> memref<8x128xf32, #tpu.memory_space<vmem>>
    %dma_start3A_592 = arith.constant 0 : i32
    %dma_start3A_593 = tpu.memref_slice %arg5[%dma_start3A_586, %dma_start3A_592, %multiple_of3A_473] : memref<4x8x1000000xf32, #tpu.memory_space<hbm>> -> memref<1x8x128xf32, #tpu.memory_space<hbm>>
    %dma_start3A_594 = tpu.memref_squeeze %dma_start3A_593 : memref<1x8x128xf32, #tpu.memory_space<hbm>> -> memref<8x128xf32, #tpu.memory_space<hbm>>
    %dma_start3A_595 = arith.constant 0 : i32
    %dma_start3A_596 = arith.constant 0 : i32
    %dma_start3A_597 = tpu.memref_slice %arg18[%dma_start3A_587, %dma_start3A_595, %dma_start3A_596] : memref<4x8x128xf32, #tpu.memory_space<vmem>> -> memref<1x8x128xf32, #tpu.memory_space<vmem>>
    %dma_start3A_598 = tpu.memref_squeeze %dma_start3A_597 : memref<1x8x128xf32, #tpu.memory_space<vmem>> -> memref<8x128xf32, #tpu.memory_space<vmem>>
    %dma_start3A_599 = arith.constant 0 : i32
    %dma_start3A_600 = tpu.memref_slice %arg5[%dma_start3A_586, %dma_start3A_599, %multiple_of3A_473] : memref<4x8x1000000xf32, #tpu.memory_space<hbm>> -> memref<1x8x128xf32, #tpu.memory_space<hbm>>
    %dma_start3A_601 = tpu.memref_squeeze %dma_start3A_600 : memref<1x8x128xf32, #tpu.memory_space<hbm>> -> memref<8x128xf32, #tpu.memory_space<hbm>>
    tpu.enqueue_dma source(%dma_start3A_601 : memref<8x128xf32, #tpu.memory_space<hbm>>) target(%dma_start3A_598 : memref<8x128xf32, #tpu.memory_space<vmem>>) target_semaphore(%arg31 : memref<!tpu.dma_semaphore, #tpu.memory_space<semaphore_mem>>)
    %scan3A = arith.constant 0 : i32
    %scan3A_602 = arith.constant 0 : i32
    %scan3A_603 = arith.constant 32 : i32
    %scan3A_604 = arith.addi %scan3A_602, %scan3A_603 : i32
    %scan3A_605 = arith.constant 1 : i32
    scf.for %scan3A_670 = %scan3A_602 to %scan3A_604 step %scan3A_605  : i32 {
      %mul3A_671 = arith.constant 16 : i32
      %mul3A_672 = arith.muli %scan3A_670, %mul3A_671 : i32
      %add3A_673 = arith.constant 4 : i32
      %add3A_674 = arith.addi %mul3A_672, %add3A_673 : i32
      %get3A_675 = arith.index_cast %add3A_674 : i32 to index
      %get3A_676 = tpu.vector_load %arg9[%get3A_675] {strides = array<i32>} : memref<528xi32, #tpu.memory_space<vmem>>, vector<16xi32>,
      %get3A_677 = arith.index_cast %add3A_674 : i32 to index
      %get3A_678 = tpu.vector_load %arg10[%get3A_677] {strides = array<i32>} : memref<528xi32, #tpu.memory_space<vmem>>, vector<16xi32>,
      %and3A_679 = arith.constant 127 : i32
      %and3A_680 = vector.broadcast %and3A_679 : i32 to vector<16xi32>
      %and3A_681 = arith.andi %get3A_676, %and3A_680 : vector<16xi32>
      %sub3A_682 = arith.subi %get3A_676, %and3A_681 : vector<16xi32>
      %and3A_683 = arith.constant 127 : i32
      %and3A_684 = vector.broadcast %and3A_683 : i32 to vector<16xi32>
      %and3A_685 = arith.andi %get3A_678, %and3A_684 : vector<16xi32>
      %sub3A_686 = arith.subi %get3A_678, %and3A_685 : vector<16xi32>
      %slice3A_687 = vector.extract_strided_slice %sub3A_682 {offsets = [0], sizes = [1], strides = [1]} : vector<16xi32> to vector<1xi32>
      %squeeze3A_688 = vector.extract %slice3A_687[0] : i32 from vector<1xi32>
      %multiple_of3A_689 = tpu.assume_multiple %squeeze3A_688, 128 : i32
      %slice3A_690 = vector.extract_strided_slice %sub3A_686 {offsets = [0], sizes = [1], strides = [1]} : vector<16xi32> to vector<1xi32>
      %squeeze3A_691 = vector.extract %slice3A_690[0] : i32 from vector<1xi32>
      %multiple_of3A_692 = tpu.assume_multiple %squeeze3A_691, 128 : i32
      %dma_start3A_693 = arith.constant 0 : i32
      %dma_start3A_694 = arith.constant 0 : i32
      %dma_start3A_695 = arith.constant 0 : i32
      %dma_start3A_696 = arith.constant 0 : i32
      %dma_start3A_697 = tpu.memref_slice %arg19[%dma_start3A_694, %dma_start3A_695, %dma_start3A_696] : memref<4x8x128xf32, #tpu.memory_space<vmem>> -> memref<1x8x128xf32, #tpu.memory_space<vmem>>
      %dma_start3A_698 = tpu.memref_squeeze %dma_start3A_697 : memref<1x8x128xf32, #tpu.memory_space<vmem>> -> memref<8x128xf32, #tpu.memory_space<vmem>>
      %dma_start3A_699 = arith.constant 0 : i32
      %dma_start3A_700 = tpu.memref_slice %arg4[%dma_start3A_693, %dma_start3A_699, %multiple_of3A_689] : memref<4x8x1000000xf32, #tpu.memory_space<hbm>> -> memref<1x8x128xf32, #tpu.memory_space<hbm>>
      %dma_start3A_701 = tpu.memref_squeeze %dma_start3A_700 : memref<1x8x128xf32, #tpu.memory_space<hbm>> -> memref<8x128xf32, #tpu.memory_space<hbm>>
      %dma_start3A_702 = arith.constant 0 : i32
      %dma_start3A_703 = arith.constant 0 : i32
      %dma_start3A_704 = tpu.memref_slice %arg19[%dma_start3A_694, %dma_start3A_702, %dma_start3A_703] : memref<4x8x128xf32, #tpu.memory_space<vmem>> -> memref<1x8x128xf32, #tpu.memory_space<vmem>>
      %dma_start3A_705 = tpu.memref_squeeze %dma_start3A_704 : memref<1x8x128xf32, #tpu.memory_space<vmem>> -> memref<8x128xf32, #tpu.memory_space<vmem>>
      %dma_start3A_706 = arith.constant 0 : i32
      %dma_start3A_707 = tpu.memref_slice %arg4[%dma_start3A_693, %dma_start3A_706, %multiple_of3A_689] : memref<4x8x1000000xf32, #tpu.memory_space<hbm>> -> memref<1x8x128xf32, #tpu.memory_space<hbm>>
      %dma_start3A_708 = tpu.memref_squeeze %dma_start3A_707 : memref<1x8x128xf32, #tpu.memory_space<hbm>> -> memref<8x128xf32, #tpu.memory_space<hbm>>
      tpu.enqueue_dma source(%dma_start3A_708 : memref<8x128xf32, #tpu.memory_space<hbm>>) target(%dma_start3A_705 : memref<8x128xf32, #tpu.memory_space<vmem>>) target_semaphore(%arg32 : memref<!tpu.dma_semaphore, #tpu.memory_space<semaphore_mem>>)
      %dma_start3A_709 = arith.constant 0 : i32
      %dma_start3A_710 = arith.constant 0 : i32
      %dma_start3A_711 = arith.constant 0 : i32
      %dma_start3A_712 = arith.constant 0 : i32
      %dma_start3A_713 = tpu.memref_slice %arg23[%dma_start3A_710, %dma_start3A_711, %dma_start3A_712] : memref<4x8x128xf32, #tpu.memory_space<vmem>> -> memref<1x8x128xf32, #tpu.memory_space<vmem>>
      %dma_start3A_714 = tpu.memref_squeeze %dma_start3A_713 : memref<1x8x128xf32, #tpu.memory_space<vmem>> -> memref<8x128xf32, #tpu.memory_space<vmem>>
      %dma_start3A_715 = arith.constant 0 : i32
      %dma_start3A_716 = tpu.memref_slice %arg5[%dma_start3A_709, %dma_start3A_715, %multiple_of3A_692] : memref<4x8x1000000xf32, #tpu.memory_space<hbm>> -> memref<1x8x128xf32, #tpu.memory_space<hbm>>
      %dma_start3A_717 = tpu.memref_squeeze %dma_start3A_716 : memref<1x8x128xf32, #tpu.memory_space<hbm>> -> memref<8x128xf32, #tpu.memory_space<hbm>>
      %dma_start3A_718 = arith.constant 0 : i32
      %dma_start3A_719 = arith.constant 0 : i32
      %dma_start3A_720 = tpu.memref_slice %arg23[%dma_start3A_710, %dma_start3A_718, %dma_start3A_719] : memref<4x8x128xf32, #tpu.memory_space<vmem>> -> memref<1x8x128xf32, #tpu.memory_space<vmem>>
      %dma_start3A_721 = tpu.memref_squeeze %dma_start3A_720 : memref<1x8x128xf32, #tpu.memory_space<vmem>> -> memref<8x128xf32, #tpu.memory_space<vmem>>
      %dma_start3A_722 = arith.constant 0 : i32
      %dma_start3A_723 = tpu.memref_slice %arg5[%dma_start3A_709, %dma_start3A_722, %multiple_of3A_692] : memref<4x8x1000000xf32, #tpu.memory_space<hbm>> -> memref<1x8x128xf32, #tpu.memory_space<hbm>>
      %dma_start3A_724 = tpu.memref_squeeze %dma_start3A_723 : memref<1x8x128xf32, #tpu.memory_space<hbm>> -> memref<8x128xf32, #tpu.memory_space<hbm>>
      tpu.enqueue_dma source(%dma_start3A_724 : memref<8x128xf32, #tpu.memory_space<hbm>>) target(%dma_start3A_721 : memref<8x128xf32, #tpu.memory_space<vmem>>) target_semaphore(%arg33 : memref<!tpu.dma_semaphore, #tpu.memory_space<semaphore_mem>>)
      %dma_start3A_725 = arith.constant 1 : i32
      %dma_start3A_726 = arith.constant 1 : i32
      %dma_start3A_727 = arith.constant 0 : i32
      %dma_start3A_728 = arith.constant 0 : i32
      %dma_start3A_729 = tpu.memref_slice %arg19[%dma_start3A_726, %dma_start3A_727, %dma_start3A_728] : memref<4x8x128xf32, #tpu.memory_space<vmem>> -> memref<1x8x128xf32, #tpu.memory_space<vmem>>
      %dma_start3A_730 = tpu.memref_squeeze %dma_start3A_729 : memref<1x8x128xf32, #tpu.memory_space<vmem>> -> memref<8x128xf32, #tpu.memory_space<vmem>>
      %dma_start3A_731 = arith.constant 0 : i32
      %dma_start3A_732 = tpu.memref_slice %arg4[%dma_start3A_725, %dma_start3A_731, %multiple_of3A_689] : memref<4x8x1000000xf32, #tpu.memory_space<hbm>> -> memref<1x8x128xf32, #tpu.memory_space<hbm>>
      %dma_start3A_733 = tpu.memref_squeeze %dma_start3A_732 : memref<1x8x128xf32, #tpu.memory_space<hbm>> -> memref<8x128xf32, #tpu.memory_space<hbm>>
      %dma_start3A_734 = arith.constant 0 : i32
      %dma_start3A_735 = arith.constant 0 : i32
      %dma_start3A_736 = tpu.memref_slice %arg19[%dma_start3A_726, %dma_start3A_734, %dma_start3A_735] : memref<4x8x128xf32, #tpu.memory_space<vmem>> -> memref<1x8x128xf32, #tpu.memory_space<vmem>>
      %dma_start3A_737 = tpu.memref_squeeze %dma_start3A_736 : memref<1x8x128xf32, #tpu.memory_space<vmem>> -> memref<8x128xf32, #tpu.memory_space<vmem>>
      %dma_start3A_738 = arith.constant 0 : i32
      %dma_start3A_739 = tpu.memref_slice %arg4[%dma_start3A_725, %dma_start3A_738, %multiple_of3A_689] : memref<4x8x1000000xf32, #tpu.memory_space<hbm>> -> memref<1x8x128xf32, #tpu.memory_space<hbm>>
      %dma_start3A_740 = tpu.memref_squeeze %dma_start3A_739 : memref<1x8x128xf32, #tpu.memory_space<hbm>> -> memref<8x128xf32, #tpu.memory_space<hbm>>
      tpu.enqueue_dma source(%dma_start3A_740 : memref<8x128xf32, #tpu.memory_space<hbm>>) target(%dma_start3A_737 : memref<8x128xf32, #tpu.memory_space<vmem>>) target_semaphore(%arg32 : memref<!tpu.dma_semaphore, #tpu.memory_space<semaphore_mem>>)
      %dma_start3A_741 = arith.constant 1 : i32
      %dma_start3A_742 = arith.constant 1 : i32
      %dma_start3A_743 = arith.constant 0 : i32
      %dma_start3A_744 = arith.constant 0 : i32
      %dma_start3A_745 = tpu.memref_slice %arg23[%dma_start3A_742, %dma_start3A_743, %dma_start3A_744] : memref<4x8x128xf32, #tpu.memory_space<vmem>> -> memref<1x8x128xf32, #tpu.memory_space<vmem>>
      %dma_start3A_746 = tpu.memref_squeeze %dma_start3A_745 : memref<1x8x128xf32, #tpu.memory_space<vmem>> -> memref<8x128xf32, #tpu.memory_space<vmem>>
      %dma_start3A_747 = arith.constant 0 : i32
      %dma_start3A_748 = tpu.memref_slice %arg5[%dma_start3A_741, %dma_start3A_747, %multiple_of3A_692] : memref<4x8x1000000xf32, #tpu.memory_space<hbm>> -> memref<1x8x128xf32, #tpu.memory_space<hbm>>
      %dma_start3A_749 = tpu.memref_squeeze %dma_start3A_748 : memref<1x8x128xf32, #tpu.memory_space<hbm>> -> memref<8x128xf32, #tpu.memory_space<hbm>>
      %dma_start3A_750 = arith.constant 0 : i32
      %dma_start3A_751 = arith.constant 0 : i32
      %dma_start3A_752 = tpu.memref_slice %arg23[%dma_start3A_742, %dma_start3A_750, %dma_start3A_751] : memref<4x8x128xf32, #tpu.memory_space<vmem>> -> memref<1x8x128xf32, #tpu.memory_space<vmem>>
      %dma_start3A_753 = tpu.memref_squeeze %dma_start3A_752 : memref<1x8x128xf32, #tpu.memory_space<vmem>> -> memref<8x128xf32, #tpu.memory_space<vmem>>
      %dma_start3A_754 = arith.constant 0 : i32
      %dma_start3A_755 = tpu.memref_slice %arg5[%dma_start3A_741, %dma_start3A_754, %multiple_of3A_692] : memref<4x8x1000000xf32, #tpu.memory_space<hbm>> -> memref<1x8x128xf32, #tpu.memory_space<hbm>>
      %dma_start3A_756 = tpu.memref_squeeze %dma_start3A_755 : memref<1x8x128xf32, #tpu.memory_space<hbm>> -> memref<8x128xf32, #tpu.memory_space<hbm>>
      tpu.enqueue_dma source(%dma_start3A_756 : memref<8x128xf32, #tpu.memory_space<hbm>>) target(%dma_start3A_753 : memref<8x128xf32, #tpu.memory_space<vmem>>) target_semaphore(%arg33 : memref<!tpu.dma_semaphore, #tpu.memory_space<semaphore_mem>>)
      %dma_start3A_757 = arith.constant 2 : i32
      %dma_start3A_758 = arith.constant 2 : i32
      %dma_start3A_759 = arith.constant 0 : i32
      %dma_start3A_760 = arith.constant 0 : i32
      %dma_start3A_761 = tpu.memref_slice %arg19[%dma_start3A_758, %dma_start3A_759, %dma_start3A_760] : memref<4x8x128xf32, #tpu.memory_space<vmem>> -> memref<1x8x128xf32, #tpu.memory_space<vmem>>
      %dma_start3A_762 = tpu.memref_squeeze %dma_start3A_761 : memref<1x8x128xf32, #tpu.memory_space<vmem>> -> memref<8x128xf32, #tpu.memory_space<vmem>>
      %dma_start3A_763 = arith.constant 0 : i32
      %dma_start3A_764 = tpu.memref_slice %arg4[%dma_start3A_757, %dma_start3A_763, %multiple_of3A_689] : memref<4x8x1000000xf32, #tpu.memory_space<hbm>> -> memref<1x8x128xf32, #tpu.memory_space<hbm>>
      %dma_start3A_765 = tpu.memref_squeeze %dma_start3A_764 : memref<1x8x128xf32, #tpu.memory_space<hbm>> -> memref<8x128xf32, #tpu.memory_space<hbm>>
      %dma_start3A_766 = arith.constant 0 : i32
      %dma_start3A_767 = arith.constant 0 : i32
      %dma_start3A_768 = tpu.memref_slice %arg19[%dma_start3A_758, %dma_start3A_766, %dma_start3A_767] : memref<4x8x128xf32, #tpu.memory_space<vmem>> -> memref<1x8x128xf32, #tpu.memory_space<vmem>>
      %dma_start3A_769 = tpu.memref_squeeze %dma_start3A_768 : memref<1x8x128xf32, #tpu.memory_space<vmem>> -> memref<8x128xf32, #tpu.memory_space<vmem>>
      %dma_start3A_770 = arith.constant 0 : i32
      %dma_start3A_771 = tpu.memref_slice %arg4[%dma_start3A_757, %dma_start3A_770, %multiple_of3A_689] : memref<4x8x1000000xf32, #tpu.memory_space<hbm>> -> memref<1x8x128xf32, #tpu.memory_space<hbm>>
      %dma_start3A_772 = tpu.memref_squeeze %dma_start3A_771 : memref<1x8x128xf32, #tpu.memory_space<hbm>> -> memref<8x128xf32, #tpu.memory_space<hbm>>
      tpu.enqueue_dma source(%dma_start3A_772 : memref<8x128xf32, #tpu.memory_space<hbm>>) target(%dma_start3A_769 : memref<8x128xf32, #tpu.memory_space<vmem>>) target_semaphore(%arg32 : memref<!tpu.dma_semaphore, #tpu.memory_space<semaphore_mem>>)
      %dma_start3A_773 = arith.constant 2 : i32
      %dma_start3A_774 = arith.constant 2 : i32
      %dma_start3A_775 = arith.constant 0 : i32
      %dma_start3A_776 = arith.constant 0 : i32
      %dma_start3A_777 = tpu.memref_slice %arg23[%dma_start3A_774, %dma_start3A_775, %dma_start3A_776] : memref<4x8x128xf32, #tpu.memory_space<vmem>> -> memref<1x8x128xf32, #tpu.memory_space<vmem>>
      %dma_start3A_778 = tpu.memref_squeeze %dma_start3A_777 : memref<1x8x128xf32, #tpu.memory_space<vmem>> -> memref<8x128xf32, #tpu.memory_space<vmem>>
      %dma_start3A_779 = arith.constant 0 : i32
      %dma_start3A_780 = tpu.memref_slice %arg5[%dma_start3A_773, %dma_start3A_779, %multiple_of3A_692] : memref<4x8x1000000xf32, #tpu.memory_space<hbm>> -> memref<1x8x128xf32, #tpu.memory_space<hbm>>
      %dma_start3A_781 = tpu.memref_squeeze %dma_start3A_780 : memref<1x8x128xf32, #tpu.memory_space<hbm>> -> memref<8x128xf32, #tpu.memory_space<hbm>>
      %dma_start3A_782 = arith.constant 0 : i32
      %dma_start3A_783 = arith.constant 0 : i32
      %dma_start3A_784 = tpu.memref_slice %arg23[%dma_start3A_774, %dma_start3A_782, %dma_start3A_783] : memref<4x8x128xf32, #tpu.memory_space<vmem>> -> memref<1x8x128xf32, #tpu.memory_space<vmem>>
      %dma_start3A_785 = tpu.memref_squeeze %dma_start3A_784 : memref<1x8x128xf32, #tpu.memory_space<vmem>> -> memref<8x128xf32, #tpu.memory_space<vmem>>
      %dma_start3A_786 = arith.constant 0 : i32
      %dma_start3A_787 = tpu.memref_slice %arg5[%dma_start3A_773, %dma_start3A_786, %multiple_of3A_692] : memref<4x8x1000000xf32, #tpu.memory_space<hbm>> -> memref<1x8x128xf32, #tpu.memory_space<hbm>>
      %dma_start3A_788 = tpu.memref_squeeze %dma_start3A_787 : memref<1x8x128xf32, #tpu.memory_space<hbm>> -> memref<8x128xf32, #tpu.memory_space<hbm>>
      tpu.enqueue_dma source(%dma_start3A_788 : memref<8x128xf32, #tpu.memory_space<hbm>>) target(%dma_start3A_785 : memref<8x128xf32, #tpu.memory_space<vmem>>) target_semaphore(%arg33 : memref<!tpu.dma_semaphore, #tpu.memory_space<semaphore_mem>>)
      %dma_start3A_789 = arith.constant 3 : i32
      %dma_start3A_790 = arith.constant 3 : i32
      %dma_start3A_791 = arith.constant 0 : i32
      %dma_start3A_792 = arith.constant 0 : i32
      %dma_start3A_793 = tpu.memref_slice %arg19[%dma_start3A_790, %dma_start3A_791, %dma_start3A_792] : memref<4x8x128xf32, #tpu.memory_space<vmem>> -> memref<1x8x128xf32, #tpu.memory_space<vmem>>
      %dma_start3A_794 = tpu.memref_squeeze %dma_start3A_793 : memref<1x8x128xf32, #tpu.memory_space<vmem>> -> memref<8x128xf32, #tpu.memory_space<vmem>>
      %dma_start3A_795 = arith.constant 0 : i32
      %dma_start3A_796 = tpu.memref_slice %arg4[%dma_start3A_789, %dma_start3A_795, %multiple_of3A_689] : memref<4x8x1000000xf32, #tpu.memory_space<hbm>> -> memref<1x8x128xf32, #tpu.memory_space<hbm>>
      %dma_start3A_797 = tpu.memref_squeeze %dma_start3A_796 : memref<1x8x128xf32, #tpu.memory_space<hbm>> -> memref<8x128xf32, #tpu.memory_space<hbm>>
      %dma_start3A_798 = arith.constant 0 : i32
      %dma_start3A_799 = arith.constant 0 : i32
      %dma_start3A_800 = tpu.memref_slice %arg19[%dma_start3A_790, %dma_start3A_798, %dma_start3A_799] : memref<4x8x128xf32, #tpu.memory_space<vmem>> -> memref<1x8x128xf32, #tpu.memory_space<vmem>>
      %dma_start3A_801 = tpu.memref_squeeze %dma_start3A_800 : memref<1x8x128xf32, #tpu.memory_space<vmem>> -> memref<8x128xf32, #tpu.memory_space<vmem>>
      %dma_start3A_802 = arith.constant 0 : i32
      %dma_start3A_803 = tpu.memref_slice %arg4[%dma_start3A_789, %dma_start3A_802, %multiple_of3A_689] : memref<4x8x1000000xf32, #tpu.memory_space<hbm>> -> memref<1x8x128xf32, #tpu.memory_space<hbm>>
      %dma_start3A_804 = tpu.memref_squeeze %dma_start3A_803 : memref<1x8x128xf32, #tpu.memory_space<hbm>> -> memref<8x128xf32, #tpu.memory_space<hbm>>
      tpu.enqueue_dma source(%dma_start3A_804 : memref<8x128xf32, #tpu.memory_space<hbm>>) target(%dma_start3A_801 : memref<8x128xf32, #tpu.memory_space<vmem>>) target_semaphore(%arg32 : memref<!tpu.dma_semaphore, #tpu.memory_space<semaphore_mem>>)
      %dma_start3A_805 = arith.constant 3 : i32
      %dma_start3A_806 = arith.constant 3 : i32
      %dma_start3A_807 = arith.constant 0 : i32
      %dma_start3A_808 = arith.constant 0 : i32
      %dma_start3A_809 = tpu.memref_slice %arg23[%dma_start3A_806, %dma_start3A_807, %dma_start3A_808] : memref<4x8x128xf32, #tpu.memory_space<vmem>> -> memref<1x8x128xf32, #tpu.memory_space<vmem>>
      %dma_start3A_810 = tpu.memref_squeeze %dma_start3A_809 : memref<1x8x128xf32, #tpu.memory_space<vmem>> -> memref<8x128xf32, #tpu.memory_space<vmem>>
      %dma_start3A_811 = arith.constant 0 : i32
      %dma_start3A_812 = tpu.memref_slice %arg5[%dma_start3A_805, %dma_start3A_811, %multiple_of3A_692] : memref<4x8x1000000xf32, #tpu.memory_space<hbm>> -> memref<1x8x128xf32, #tpu.memory_space<hbm>>
      %dma_start3A_813 = tpu.memref_squeeze %dma_start3A_812 : memref<1x8x128xf32, #tpu.memory_space<hbm>> -> memref<8x128xf32, #tpu.memory_space<hbm>>
      %dma_start3A_814 = arith.constant 0 : i32
      %dma_start3A_815 = arith.constant 0 : i32
      %dma_start3A_816 = tpu.memref_slice %arg23[%dma_start3A_806, %dma_start3A_814, %dma_start3A_815] : memref<4x8x128xf32, #tpu.memory_space<vmem>> -> memref<1x8x128xf32, #tpu.memory_space<vmem>>
      %dma_start3A_817 = tpu.memref_squeeze %dma_start3A_816 : memref<1x8x128xf32, #tpu.memory_space<vmem>> -> memref<8x128xf32, #tpu.memory_space<vmem>>
      %dma_start3A_818 = arith.constant 0 : i32
      %dma_start3A_819 = tpu.memref_slice %arg5[%dma_start3A_805, %dma_start3A_818, %multiple_of3A_692] : memref<4x8x1000000xf32, #tpu.memory_space<hbm>> -> memref<1x8x128xf32, #tpu.memory_space<hbm>>
      %dma_start3A_820 = tpu.memref_squeeze %dma_start3A_819 : memref<1x8x128xf32, #tpu.memory_space<hbm>> -> memref<8x128xf32, #tpu.memory_space<hbm>>
      tpu.enqueue_dma source(%dma_start3A_820 : memref<8x128xf32, #tpu.memory_space<hbm>>) target(%dma_start3A_817 : memref<8x128xf32, #tpu.memory_space<vmem>>) target_semaphore(%arg33 : memref<!tpu.dma_semaphore, #tpu.memory_space<semaphore_mem>>)
      %slice3A_821 = vector.extract_strided_slice %sub3A_682 {offsets = [1], sizes = [1], strides = [1]} : vector<16xi32> to vector<1xi32>
      %squeeze3A_822 = vector.extract %slice3A_821[0] : i32 from vector<1xi32>
      %multiple_of3A_823 = tpu.assume_multiple %squeeze3A_822, 128 : i32
      %slice3A_824 = vector.extract_strided_slice %sub3A_686 {offsets = [1], sizes = [1], strides = [1]} : vector<16xi32> to vector<1xi32>
      %squeeze3A_825 = vector.extract %slice3A_824[0] : i32 from vector<1xi32>
      %multiple_of3A_826 = tpu.assume_multiple %squeeze3A_825, 128 : i32
      %dma_start3A_827 = arith.constant 0 : i32
      %dma_start3A_828 = arith.constant 0 : i32
      %dma_start3A_829 = arith.constant 0 : i32
      %dma_start3A_830 = arith.constant 0 : i32
      %dma_start3A_831 = tpu.memref_slice %arg20[%dma_start3A_828, %dma_start3A_829, %dma_start3A_830] : memref<4x8x128xf32, #tpu.memory_space<vmem>> -> memref<1x8x128xf32, #tpu.memory_space<vmem>>
      %dma_start3A_832 = tpu.memref_squeeze %dma_start3A_831 : memref<1x8x128xf32, #tpu.memory_space<vmem>> -> memref<8x128xf32, #tpu.memory_space<vmem>>
      %dma_start3A_833 = arith.constant 0 : i32
      %dma_start3A_834 = tpu.memref_slice %arg4[%dma_start3A_827, %dma_start3A_833, %multiple_of3A_823] : memref<4x8x1000000xf32, #tpu.memory_space<hbm>> -> memref<1x8x128xf32, #tpu.memory_space<hbm>>
      %dma_start3A_835 = tpu.memref_squeeze %dma_start3A_834 : memref<1x8x128xf32, #tpu.memory_space<hbm>> -> memref<8x128xf32, #tpu.memory_space<hbm>>
      %dma_start3A_836 = arith.constant 0 : i32
      %dma_start3A_837 = arith.constant 0 : i32
      %dma_start3A_838 = tpu.memref_slice %arg20[%dma_start3A_828, %dma_start3A_836, %dma_start3A_837] : memref<4x8x128xf32, #tpu.memory_space<vmem>> -> memref<1x8x128xf32, #tpu.memory_space<vmem>>
      %dma_start3A_839 = tpu.memref_squeeze %dma_start3A_838 : memref<1x8x128xf32, #tpu.memory_space<vmem>> -> memref<8x128xf32, #tpu.memory_space<vmem>>
      %dma_start3A_840 = arith.constant 0 : i32
      %dma_start3A_841 = tpu.memref_slice %arg4[%dma_start3A_827, %dma_start3A_840, %multiple_of3A_823] : memref<4x8x1000000xf32, #tpu.memory_space<hbm>> -> memref<1x8x128xf32, #tpu.memory_space<hbm>>
      %dma_start3A_842 = tpu.memref_squeeze %dma_start3A_841 : memref<1x8x128xf32, #tpu.memory_space<hbm>> -> memref<8x128xf32, #tpu.memory_space<hbm>>
      tpu.enqueue_dma source(%dma_start3A_842 : memref<8x128xf32, #tpu.memory_space<hbm>>) target(%dma_start3A_839 : memref<8x128xf32, #tpu.memory_space<vmem>>) target_semaphore(%arg32 : memref<!tpu.dma_semaphore, #tpu.memory_space<semaphore_mem>>)
      %dma_start3A_843 = arith.constant 0 : i32
      %dma_start3A_844 = arith.constant 0 : i32
      %dma_start3A_845 = arith.constant 0 : i32
      %dma_start3A_846 = arith.constant 0 : i32
      %dma_start3A_847 = tpu.memref_slice %arg24[%dma_start3A_844, %dma_start3A_845, %dma_start3A_846] : memref<4x8x128xf32, #tpu.memory_space<vmem>> -> memref<1x8x128xf32, #tpu.memory_space<vmem>>
      %dma_start3A_848 = tpu.memref_squeeze %dma_start3A_847 : memref<1x8x128xf32, #tpu.memory_space<vmem>> -> memref<8x128xf32, #tpu.memory_space<vmem>>
      %dma_start3A_849 = arith.constant 0 : i32
      %dma_start3A_850 = tpu.memref_slice %arg5[%dma_start3A_843, %dma_start3A_849, %multiple_of3A_826] : memref<4x8x1000000xf32, #tpu.memory_space<hbm>> -> memref<1x8x128xf32, #tpu.memory_space<hbm>>
      %dma_start3A_851 = tpu.memref_squeeze %dma_start3A_850 : memref<1x8x128xf32, #tpu.memory_space<hbm>> -> memref<8x128xf32, #tpu.memory_space<hbm>>
      %dma_start3A_852 = arith.constant 0 : i32
      %dma_start3A_853 = arith.constant 0 : i32
      %dma_start3A_854 = tpu.memref_slice %arg24[%dma_start3A_844, %dma_start3A_852, %dma_start3A_853] : memref<4x8x128xf32, #tpu.memory_space<vmem>> -> memref<1x8x128xf32, #tpu.memory_space<vmem>>
      %dma_start3A_855 = tpu.memref_squeeze %dma_start3A_854 : memref<1x8x128xf32, #tpu.memory_space<vmem>> -> memref<8x128xf32, #tpu.memory_space<vmem>>
      %dma_start3A_856 = arith.constant 0 : i32
      %dma_start3A_857 = tpu.memref_slice %arg5[%dma_start3A_843, %dma_start3A_856, %multiple_of3A_826] : memref<4x8x1000000xf32, #tpu.memory_space<hbm>> -> memref<1x8x128xf32, #tpu.memory_space<hbm>>
      %dma_start3A_858 = tpu.memref_squeeze %dma_start3A_857 : memref<1x8x128xf32, #tpu.memory_space<hbm>> -> memref<8x128xf32, #tpu.memory_space<hbm>>
      tpu.enqueue_dma source(%dma_start3A_858 : memref<8x128xf32, #tpu.memory_space<hbm>>) target(%dma_start3A_855 : memref<8x128xf32, #tpu.memory_space<vmem>>) target_semaphore(%arg33 : memref<!tpu.dma_semaphore, #tpu.memory_space<semaphore_mem>>)
      %dma_start3A_859 = arith.constant 1 : i32
      %dma_start3A_860 = arith.constant 1 : i32
      %dma_start3A_861 = arith.constant 0 : i32
      %dma_start3A_862 = arith.constant 0 : i32
      %dma_start3A_863 = tpu.memref_slice %arg20[%dma_start3A_860, %dma_start3A_861, %dma_start3A_862] : memref<4x8x128xf32, #tpu.memory_space<vmem>> -> memref<1x8x128xf32, #tpu.memory_space<vmem>>
      %dma_start3A_864 = tpu.memref_squeeze %dma_start3A_863 : memref<1x8x128xf32, #tpu.memory_space<vmem>> -> memref<8x128xf32, #tpu.memory_space<vmem>>
      %dma_start3A_865 = arith.constant 0 : i32
      %dma_start3A_866 = tpu.memref_slice %arg4[%dma_start3A_859, %dma_start3A_865, %multiple_of3A_823] : memref<4x8x1000000xf32, #tpu.memory_space<hbm>> -> memref<1x8x128xf32, #tpu.memory_space<hbm>>
      %dma_start3A_867 = tpu.memref_squeeze %dma_start3A_866 : memref<1x8x128xf32, #tpu.memory_space<hbm>> -> memref<8x128xf32, #tpu.memory_space<hbm>>
      %dma_start3A_868 = arith.constant 0 : i32
      %dma_start3A_869 = arith.constant 0 : i32
      %dma_start3A_870 = tpu.memref_slice %arg20[%dma_start3A_860, %dma_start3A_868, %dma_start3A_869] : memref<4x8x128xf32, #tpu.memory_space<vmem>> -> memref<1x8x128xf32, #tpu.memory_space<vmem>>
      %dma_start3A_871 = tpu.memref_squeeze %dma_start3A_870 : memref<1x8x128xf32, #tpu.memory_space<vmem>> -> memref<8x128xf32, #tpu.memory_space<vmem>>
      %dma_start3A_872 = arith.constant 0 : i32
      %dma_start3A_873 = tpu.memref_slice %arg4[%dma_start3A_859, %dma_start3A_872, %multiple_of3A_823] : memref<4x8x1000000xf32, #tpu.memory_space<hbm>> -> memref<1x8x128xf32, #tpu.memory_space<hbm>>
      %dma_start3A_874 = tpu.memref_squeeze %dma_start3A_873 : memref<1x8x128xf32, #tpu.memory_space<hbm>> -> memref<8x128xf32, #tpu.memory_space<hbm>>
      tpu.enqueue_dma source(%dma_start3A_874 : memref<8x128xf32, #tpu.memory_space<hbm>>) target(%dma_start3A_871 : memref<8x128xf32, #tpu.memory_space<vmem>>) target_semaphore(%arg32 : memref<!tpu.dma_semaphore, #tpu.memory_space<semaphore_mem>>)
      %dma_start3A_875 = arith.constant 1 : i32
      %dma_start3A_876 = arith.constant 1 : i32
      %dma_start3A_877 = arith.constant 0 : i32
      %dma_start3A_878 = arith.constant 0 : i32
      %dma_start3A_879 = tpu.memref_slice %arg24[%dma_start3A_876, %dma_start3A_877, %dma_start3A_878] : memref<4x8x128xf32, #tpu.memory_space<vmem>> -> memref<1x8x128xf32, #tpu.memory_space<vmem>>
      %dma_start3A_880 = tpu.memref_squeeze %dma_start3A_879 : memref<1x8x128xf32, #tpu.memory_space<vmem>> -> memref<8x128xf32, #tpu.memory_space<vmem>>
      %dma_start3A_881 = arith.constant 0 : i32
      %dma_start3A_882 = tpu.memref_slice %arg5[%dma_start3A_875, %dma_start3A_881, %multiple_of3A_826] : memref<4x8x1000000xf32, #tpu.memory_space<hbm>> -> memref<1x8x128xf32, #tpu.memory_space<hbm>>
      %dma_start3A_883 = tpu.memref_squeeze %dma_start3A_882 : memref<1x8x128xf32, #tpu.memory_space<hbm>> -> memref<8x128xf32, #tpu.memory_space<hbm>>
      %dma_start3A_884 = arith.constant 0 : i32
      %dma_start3A_885 = arith.constant 0 : i32
      %dma_start3A_886 = tpu.memref_slice %arg24[%dma_start3A_876, %dma_start3A_884, %dma_start3A_885] : memref<4x8x128xf32, #tpu.memory_space<vmem>> -> memref<1x8x128xf32, #tpu.memory_space<vmem>>
      %dma_start3A_887 = tpu.memref_squeeze %dma_start3A_886 : memref<1x8x128xf32, #tpu.memory_space<vmem>> -> memref<8x128xf32, #tpu.memory_space<vmem>>
      %dma_start3A_888 = arith.constant 0 : i32
      %dma_start3A_889 = tpu.memref_slice %arg5[%dma_start3A_875, %dma_start3A_888, %multiple_of3A_826] : memref<4x8x1000000xf32, #tpu.memory_space<hbm>> -> memref<1x8x128xf32, #tpu.memory_space<hbm>>
      %dma_start3A_890 = tpu.memref_squeeze %dma_start3A_889 : memref<1x8x128xf32, #tpu.memory_space<hbm>> -> memref<8x128xf32, #tpu.memory_space<hbm>>
      tpu.enqueue_dma source(%dma_start3A_890 : memref<8x128xf32, #tpu.memory_space<hbm>>) target(%dma_start3A_887 : memref<8x128xf32, #tpu.memory_space<vmem>>) target_semaphore(%arg33 : memref<!tpu.dma_semaphore, #tpu.memory_space<semaphore_mem>>)
      %dma_start3A_891 = arith.constant 2 : i32
      %dma_start3A_892 = arith.constant 2 : i32
      %dma_start3A_893 = arith.constant 0 : i32
      %dma_start3A_894 = arith.constant 0 : i32
      %dma_start3A_895 = tpu.memref_slice %arg20[%dma_start3A_892, %dma_start3A_893, %dma_start3A_894] : memref<4x8x128xf32, #tpu.memory_space<vmem>> -> memref<1x8x128xf32, #tpu.memory_space<vmem>>
      %dma_start3A_896 = tpu.memref_squeeze %dma_start3A_895 : memref<1x8x128xf32, #tpu.memory_space<vmem>> -> memref<8x128xf32, #tpu.memory_space<vmem>>
      %dma_start3A_897 = arith.constant 0 : i32
      %dma_start3A_898 = tpu.memref_slice %arg4[%dma_start3A_891, %dma_start3A_897, %multiple_of3A_823] : memref<4x8x1000000xf32, #tpu.memory_space<hbm>> -> memref<1x8x128xf32, #tpu.memory_space<hbm>>
      %dma_start3A_899 = tpu.memref_squeeze %dma_start3A_898 : memref<1x8x128xf32, #tpu.memory_space<hbm>> -> memref<8x128xf32, #tpu.memory_space<hbm>>
      %dma_start3A_900 = arith.constant 0 : i32
      %dma_start3A_901 = arith.constant 0 : i32
      %dma_start3A_902 = tpu.memref_slice %arg20[%dma_start3A_892, %dma_start3A_900, %dma_start3A_901] : memref<4x8x128xf32, #tpu.memory_space<vmem>> -> memref<1x8x128xf32, #tpu.memory_space<vmem>>
      %dma_start3A_903 = tpu.memref_squeeze %dma_start3A_902 : memref<1x8x128xf32, #tpu.memory_space<vmem>> -> memref<8x128xf32, #tpu.memory_space<vmem>>
      %dma_start3A_904 = arith.constant 0 : i32
      %dma_start3A_905 = tpu.memref_slice %arg4[%dma_start3A_891, %dma_start3A_904, %multiple_of3A_823] : memref<4x8x1000000xf32, #tpu.memory_space<hbm>> -> memref<1x8x128xf32, #tpu.memory_space<hbm>>
      %dma_start3A_906 = tpu.memref_squeeze %dma_start3A_905 : memref<1x8x128xf32, #tpu.memory_space<hbm>> -> memref<8x128xf32, #tpu.memory_space<hbm>>
      tpu.enqueue_dma source(%dma_start3A_906 : memref<8x128xf32, #tpu.memory_space<hbm>>) target(%dma_start3A_903 : memref<8x128xf32, #tpu.memory_space<vmem>>) target_semaphore(%arg32 : memref<!tpu.dma_semaphore, #tpu.memory_space<semaphore_mem>>)
      %dma_start3A_907 = arith.constant 2 : i32
      %dma_start3A_908 = arith.constant 2 : i32
      %dma_start3A_909 = arith.constant 0 : i32
      %dma_start3A_910 = arith.constant 0 : i32
      %dma_start3A_911 = tpu.memref_slice %arg24[%dma_start3A_908, %dma_start3A_909, %dma_start3A_910] : memref<4x8x128xf32, #tpu.memory_space<vmem>> -> memref<1x8x128xf32, #tpu.memory_space<vmem>>
      %dma_start3A_912 = tpu.memref_squeeze %dma_start3A_911 : memref<1x8x128xf32, #tpu.memory_space<vmem>> -> memref<8x128xf32, #tpu.memory_space<vmem>>
      %dma_start3A_913 = arith.constant 0 : i32
      %dma_start3A_914 = tpu.memref_slice %arg5[%dma_start3A_907, %dma_start3A_913, %multiple_of3A_826] : memref<4x8x1000000xf32, #tpu.memory_space<hbm>> -> memref<1x8x128xf32, #tpu.memory_space<hbm>>
      %dma_start3A_915 = tpu.memref_squeeze %dma_start3A_914 : memref<1x8x128xf32, #tpu.memory_space<hbm>> -> memref<8x128xf32, #tpu.memory_space<hbm>>
      %dma_start3A_916 = arith.constant 0 : i32
      %dma_start3A_917 = arith.constant 0 : i32
      %dma_start3A_918 = tpu.memref_slice %arg24[%dma_start3A_908, %dma_start3A_916, %dma_start3A_917] : memref<4x8x128xf32, #tpu.memory_space<vmem>> -> memref<1x8x128xf32, #tpu.memory_space<vmem>>
      %dma_start3A_919 = tpu.memref_squeeze %dma_start3A_918 : memref<1x8x128xf32, #tpu.memory_space<vmem>> -> memref<8x128xf32, #tpu.memory_space<vmem>>
      %dma_start3A_920 = arith.constant 0 : i32
      %dma_start3A_921 = tpu.memref_slice %arg5[%dma_start3A_907, %dma_start3A_920, %multiple_of3A_826] : memref<4x8x1000000xf32, #tpu.memory_space<hbm>> -> memref<1x8x128xf32, #tpu.memory_space<hbm>>
      %dma_start3A_922 = tpu.memref_squeeze %dma_start3A_921 : memref<1x8x128xf32, #tpu.memory_space<hbm>> -> memref<8x128xf32, #tpu.memory_space<hbm>>
      tpu.enqueue_dma source(%dma_start3A_922 : memref<8x128xf32, #tpu.memory_space<hbm>>) target(%dma_start3A_919 : memref<8x128xf32, #tpu.memory_space<vmem>>) target_semaphore(%arg33 : memref<!tpu.dma_semaphore, #tpu.memory_space<semaphore_mem>>)
      %dma_start3A_923 = arith.constant 3 : i32
      %dma_start3A_924 = arith.constant 3 : i32
      %dma_start3A_925 = arith.constant 0 : i32
      %dma_start3A_926 = arith.constant 0 : i32
      %dma_start3A_927 = tpu.memref_slice %arg20[%dma_start3A_924, %dma_start3A_925, %dma_start3A_926] : memref<4x8x128xf32, #tpu.memory_space<vmem>> -> memref<1x8x128xf32, #tpu.memory_space<vmem>>
      %dma_start3A_928 = tpu.memref_squeeze %dma_start3A_927 : memref<1x8x128xf32, #tpu.memory_space<vmem>> -> memref<8x128xf32, #tpu.memory_space<vmem>>
      %dma_start3A_929 = arith.constant 0 : i32
      %dma_start3A_930 = tpu.memref_slice %arg4[%dma_start3A_923, %dma_start3A_929, %multiple_of3A_823] : memref<4x8x1000000xf32, #tpu.memory_space<hbm>> -> memref<1x8x128xf32, #tpu.memory_space<hbm>>
      %dma_start3A_931 = tpu.memref_squeeze %dma_start3A_930 : memref<1x8x128xf32, #tpu.memory_space<hbm>> -> memref<8x128xf32, #tpu.memory_space<hbm>>
      %dma_start3A_932 = arith.constant 0 : i32
      %dma_start3A_933 = arith.constant 0 : i32
      %dma_start3A_934 = tpu.memref_slice %arg20[%dma_start3A_924, %dma_start3A_932, %dma_start3A_933] : memref<4x8x128xf32, #tpu.memory_space<vmem>> -> memref<1x8x128xf32, #tpu.memory_space<vmem>>
      %dma_start3A_935 = tpu.memref_squeeze %dma_start3A_934 : memref<1x8x128xf32, #tpu.memory_space<vmem>> -> memref<8x128xf32, #tpu.memory_space<vmem>>
      %dma_start3A_936 = arith.constant 0 : i32
      %dma_start3A_937 = tpu.memref_slice %arg4[%dma_start3A_923, %dma_start3A_936, %multiple_of3A_823] : memref<4x8x1000000xf32, #tpu.memory_space<hbm>> -> memref<1x8x128xf32, #tpu.memory_space<hbm>>
      %dma_start3A_938 = tpu.memref_squeeze %dma_start3A_937 : memref<1x8x128xf32, #tpu.memory_space<hbm>> -> memref<8x128xf32, #tpu.memory_space<hbm>>
      tpu.enqueue_dma source(%dma_start3A_938 : memref<8x128xf32, #tpu.memory_space<hbm>>) target(%dma_start3A_935 : memref<8x128xf32, #tpu.memory_space<vmem>>) target_semaphore(%arg32 : memref<!tpu.dma_semaphore, #tpu.memory_space<semaphore_mem>>)
      %dma_start3A_939 = arith.constant 3 : i32
      %dma_start3A_940 = arith.constant 3 : i32
      %dma_start3A_941 = arith.constant 0 : i32
      %dma_start3A_942 = arith.constant 0 : i32
      %dma_start3A_943 = tpu.memref_slice %arg24[%dma_start3A_940, %dma_start3A_941, %dma_start3A_942] : memref<4x8x128xf32, #tpu.memory_space<vmem>> -> memref<1x8x128xf32, #tpu.memory_space<vmem>>
      %dma_start3A_944 = tpu.memref_squeeze %dma_start3A_943 : memref<1x8x128xf32, #tpu.memory_space<vmem>> -> memref<8x128xf32, #tpu.memory_space<vmem>>
      %dma_start3A_945 = arith.constant 0 : i32
      %dma_start3A_946 = tpu.memref_slice %arg5[%dma_start3A_939, %dma_start3A_945, %multiple_of3A_826] : memref<4x8x1000000xf32, #tpu.memory_space<hbm>> -> memref<1x8x128xf32, #tpu.memory_space<hbm>>
      %dma_start3A_947 = tpu.memref_squeeze %dma_start3A_946 : memref<1x8x128xf32, #tpu.memory_space<hbm>> -> memref<8x128xf32, #tpu.memory_space<hbm>>
      %dma_start3A_948 = arith.constant 0 : i32
      %dma_start3A_949 = arith.constant 0 : i32
      %dma_start3A_950 = tpu.memref_slice %arg24[%dma_start3A_940, %dma_start3A_948, %dma_start3A_949] : memref<4x8x128xf32, #tpu.memory_space<vmem>> -> memref<1x8x128xf32, #tpu.memory_space<vmem>>
      %dma_start3A_951 = tpu.memref_squeeze %dma_start3A_950 : memref<1x8x128xf32, #tpu.memory_space<vmem>> -> memref<8x128xf32, #tpu.memory_space<vmem>>
      %dma_start3A_952 = arith.constant 0 : i32
      %dma_start3A_953 = tpu.memref_slice %arg5[%dma_start3A_939, %dma_start3A_952, %multiple_of3A_826] : memref<4x8x1000000xf32, #tpu.memory_space<hbm>> -> memref<1x8x128xf32, #tpu.memory_space<hbm>>
      %dma_start3A_954 = tpu.memref_squeeze %dma_start3A_953 : memref<1x8x128xf32, #tpu.memory_space<hbm>> -> memref<8x128xf32, #tpu.memory_space<hbm>>
      tpu.enqueue_dma source(%dma_start3A_954 : memref<8x128xf32, #tpu.memory_space<hbm>>) target(%dma_start3A_951 : memref<8x128xf32, #tpu.memory_space<vmem>>) target_semaphore(%arg33 : memref<!tpu.dma_semaphore, #tpu.memory_space<semaphore_mem>>)
      %slice3A_955 = vector.extract_strided_slice %sub3A_682 {offsets = [2], sizes = [1], strides = [1]} : vector<16xi32> to vector<1xi32>
      %squeeze3A_956 = vector.extract %slice3A_955[0] : i32 from vector<1xi32>
      %multiple_of3A_957 = tpu.assume_multiple %squeeze3A_956, 128 : i32
      %slice3A_958 = vector.extract_strided_slice %sub3A_686 {offsets = [2], sizes = [1], strides = [1]} : vector<16xi32> to vector<1xi32>
      %squeeze3A_959 = vector.extract %slice3A_958[0] : i32 from vector<1xi32>
      %multiple_of3A_960 = tpu.assume_multiple %squeeze3A_959, 128 : i32
      %dma_start3A_961 = arith.constant 0 : i32
      %dma_start3A_962 = arith.constant 0 : i32
      %dma_start3A_963 = arith.constant 0 : i32
      %dma_start3A_964 = arith.constant 0 : i32
      %dma_start3A_965 = tpu.memref_slice %arg21[%dma_start3A_962, %dma_start3A_963, %dma_start3A_964] : memref<4x8x128xf32, #tpu.memory_space<vmem>> -> memref<1x8x128xf32, #tpu.memory_space<vmem>>
      %dma_start3A_966 = tpu.memref_squeeze %dma_start3A_965 : memref<1x8x128xf32, #tpu.memory_space<vmem>> -> memref<8x128xf32, #tpu.memory_space<vmem>>
      %dma_start3A_967 = arith.constant 0 : i32
      %dma_start3A_968 = tpu.memref_slice %arg4[%dma_start3A_961, %dma_start3A_967, %multiple_of3A_957] : memref<4x8x1000000xf32, #tpu.memory_space<hbm>> -> memref<1x8x128xf32, #tpu.memory_space<hbm>>
      %dma_start3A_969 = tpu.memref_squeeze %dma_start3A_968 : memref<1x8x128xf32, #tpu.memory_space<hbm>> -> memref<8x128xf32, #tpu.memory_space<hbm>>
      %dma_start3A_970 = arith.constant 0 : i32
      %dma_start3A_971 = arith.constant 0 : i32
      %dma_start3A_972 = tpu.memref_slice %arg21[%dma_start3A_962, %dma_start3A_970, %dma_start3A_971] : memref<4x8x128xf32, #tpu.memory_space<vmem>> -> memref<1x8x128xf32, #tpu.memory_space<vmem>>
      %dma_start3A_973 = tpu.memref_squeeze %dma_start3A_972 : memref<1x8x128xf32, #tpu.memory_space<vmem>> -> memref<8x128xf32, #tpu.memory_space<vmem>>
      %dma_start3A_974 = arith.constant 0 : i32
      %dma_start3A_975 = tpu.memref_slice %arg4[%dma_start3A_961, %dma_start3A_974, %multiple_of3A_957] : memref<4x8x1000000xf32, #tpu.memory_space<hbm>> -> memref<1x8x128xf32, #tpu.memory_space<hbm>>
      %dma_start3A_976 = tpu.memref_squeeze %dma_start3A_975 : memref<1x8x128xf32, #tpu.memory_space<hbm>> -> memref<8x128xf32, #tpu.memory_space<hbm>>
      tpu.enqueue_dma source(%dma_start3A_976 : memref<8x128xf32, #tpu.memory_space<hbm>>) target(%dma_start3A_973 : memref<8x128xf32, #tpu.memory_space<vmem>>) target_semaphore(%arg32 : memref<!tpu.dma_semaphore, #tpu.memory_space<semaphore_mem>>)
      %dma_start3A_977 = arith.constant 0 : i32
      %dma_start3A_978 = arith.constant 0 : i32
      %dma_start3A_979 = arith.constant 0 : i32
      %dma_start3A_980 = arith.constant 0 : i32
      %dma_start3A_981 = tpu.memref_slice %arg25[%dma_start3A_978, %dma_start3A_979, %dma_start3A_980] : memref<4x8x128xf32, #tpu.memory_space<vmem>> -> memref<1x8x128xf32, #tpu.memory_space<vmem>>
      %dma_start3A_982 = tpu.memref_squeeze %dma_start3A_981 : memref<1x8x128xf32, #tpu.memory_space<vmem>> -> memref<8x128xf32, #tpu.memory_space<vmem>>
      %dma_start3A_983 = arith.constant 0 : i32
      %dma_start3A_984 = tpu.memref_slice %arg5[%dma_start3A_977, %dma_start3A_983, %multiple_of3A_960] : memref<4x8x1000000xf32, #tpu.memory_space<hbm>> -> memref<1x8x128xf32, #tpu.memory_space<hbm>>
      %dma_start3A_985 = tpu.memref_squeeze %dma_start3A_984 : memref<1x8x128xf32, #tpu.memory_space<hbm>> -> memref<8x128xf32, #tpu.memory_space<hbm>>
      %dma_start3A_986 = arith.constant 0 : i32
      %dma_start3A_987 = arith.constant 0 : i32
      %dma_start3A_988 = tpu.memref_slice %arg25[%dma_start3A_978, %dma_start3A_986, %dma_start3A_987] : memref<4x8x128xf32, #tpu.memory_space<vmem>> -> memref<1x8x128xf32, #tpu.memory_space<vmem>>
      %dma_start3A_989 = tpu.memref_squeeze %dma_start3A_988 : memref<1x8x128xf32, #tpu.memory_space<vmem>> -> memref<8x128xf32, #tpu.memory_space<vmem>>
      %dma_start3A_990 = arith.constant 0 : i32
      %dma_start3A_991 = tpu.memref_slice %arg5[%dma_start3A_977, %dma_start3A_990, %multiple_of3A_960] : memref<4x8x1000000xf32, #tpu.memory_space<hbm>> -> memref<1x8x128xf32, #tpu.memory_space<hbm>>
      %dma_start3A_992 = tpu.memref_squeeze %dma_start3A_991 : memref<1x8x128xf32, #tpu.memory_space<hbm>> -> memref<8x128xf32, #tpu.memory_space<hbm>>
      tpu.enqueue_dma source(%dma_start3A_992 : memref<8x128xf32, #tpu.memory_space<hbm>>) target(%dma_start3A_989 : memref<8x128xf32, #tpu.memory_space<vmem>>) target_semaphore(%arg33 : memref<!tpu.dma_semaphore, #tpu.memory_space<semaphore_mem>>)
      %dma_start3A_993 = arith.constant 1 : i32
      %dma_start3A_994 = arith.constant 1 : i32
      %dma_start3A_995 = arith.constant 0 : i32
      %dma_start3A_996 = arith.constant 0 : i32
      %dma_start3A_997 = tpu.memref_slice %arg21[%dma_start3A_994, %dma_start3A_995, %dma_start3A_996] : memref<4x8x128xf32, #tpu.memory_space<vmem>> -> memref<1x8x128xf32, #tpu.memory_space<vmem>>
      %dma_start3A_998 = tpu.memref_squeeze %dma_start3A_997 : memref<1x8x128xf32, #tpu.memory_space<vmem>> -> memref<8x128xf32, #tpu.memory_space<vmem>>
      %dma_start3A_999 = arith.constant 0 : i32
      %dma_start3A_1000 = tpu.memref_slice %arg4[%dma_start3A_993, %dma_start3A_999, %multiple_of3A_957] : memref<4x8x1000000xf32, #tpu.memory_space<hbm>> -> memref<1x8x128xf32, #tpu.memory_space<hbm>>
      %dma_start3A_1001 = tpu.memref_squeeze %dma_start3A_1000 : memref<1x8x128xf32, #tpu.memory_space<hbm>> -> memref<8x128xf32, #tpu.memory_space<hbm>>
      %dma_start3A_1002 = arith.constant 0 : i32
      %dma_start3A_1003 = arith.constant 0 : i32
      %dma_start3A_1004 = tpu.memref_slice %arg21[%dma_start3A_994, %dma_start3A_1002, %dma_start3A_1003] : memref<4x8x128xf32, #tpu.memory_space<vmem>> -> memref<1x8x128xf32, #tpu.memory_space<vmem>>
      %dma_start3A_1005 = tpu.memref_squeeze %dma_start3A_1004 : memref<1x8x128xf32, #tpu.memory_space<vmem>> -> memref<8x128xf32, #tpu.memory_space<vmem>>
      %dma_start3A_1006 = arith.constant 0 : i32
      %dma_start3A_1007 = tpu.memref_slice %arg4[%dma_start3A_993, %dma_start3A_1006, %multiple_of3A_957] : memref<4x8x1000000xf32, #tpu.memory_space<hbm>> -> memref<1x8x128xf32, #tpu.memory_space<hbm>>
      %dma_start3A_1008 = tpu.memref_squeeze %dma_start3A_1007 : memref<1x8x128xf32, #tpu.memory_space<hbm>> -> memref<8x128xf32, #tpu.memory_space<hbm>>
      tpu.enqueue_dma source(%dma_start3A_1008 : memref<8x128xf32, #tpu.memory_space<hbm>>) target(%dma_start3A_1005 : memref<8x128xf32, #tpu.memory_space<vmem>>) target_semaphore(%arg32 : memref<!tpu.dma_semaphore, #tpu.memory_space<semaphore_mem>>)
      %dma_start3A_1009 = arith.constant 1 : i32
      %dma_start3A_1010 = arith.constant 1 : i32
      %dma_start3A_1011 = arith.constant 0 : i32
      %dma_start3A_1012 = arith.constant 0 : i32
      %dma_start3A_1013 = tpu.memref_slice %arg25[%dma_start3A_1010, %dma_start3A_1011, %dma_start3A_1012] : memref<4x8x128xf32, #tpu.memory_space<vmem>> -> memref<1x8x128xf32, #tpu.memory_space<vmem>>
      %dma_start3A_1014 = tpu.memref_squeeze %dma_start3A_1013 : memref<1x8x128xf32, #tpu.memory_space<vmem>> -> memref<8x128xf32, #tpu.memory_space<vmem>>
      %dma_start3A_1015 = arith.constant 0 : i32
      %dma_start3A_1016 = tpu.memref_slice %arg5[%dma_start3A_1009, %dma_start3A_1015, %multiple_of3A_960] : memref<4x8x1000000xf32, #tpu.memory_space<hbm>> -> memref<1x8x128xf32, #tpu.memory_space<hbm>>
      %dma_start3A_1017 = tpu.memref_squeeze %dma_start3A_1016 : memref<1x8x128xf32, #tpu.memory_space<hbm>> -> memref<8x128xf32, #tpu.memory_space<hbm>>
      %dma_start3A_1018 = arith.constant 0 : i32
      %dma_start3A_1019 = arith.constant 0 : i32
      %dma_start3A_1020 = tpu.memref_slice %arg25[%dma_start3A_1010, %dma_start3A_1018, %dma_start3A_1019] : memref<4x8x128xf32, #tpu.memory_space<vmem>> -> memref<1x8x128xf32, #tpu.memory_space<vmem>>
      %dma_start3A_1021 = tpu.memref_squeeze %dma_start3A_1020 : memref<1x8x128xf32, #tpu.memory_space<vmem>> -> memref<8x128xf32, #tpu.memory_space<vmem>>
      %dma_start3A_1022 = arith.constant 0 : i32
      %dma_start3A_1023 = tpu.memref_slice %arg5[%dma_start3A_1009, %dma_start3A_1022, %multiple_of3A_960] : memref<4x8x1000000xf32, #tpu.memory_space<hbm>> -> memref<1x8x128xf32, #tpu.memory_space<hbm>>
      %dma_start3A_1024 = tpu.memref_squeeze %dma_start3A_1023 : memref<1x8x128xf32, #tpu.memory_space<hbm>> -> memref<8x128xf32, #tpu.memory_space<hbm>>
      tpu.enqueue_dma source(%dma_start3A_1024 : memref<8x128xf32, #tpu.memory_space<hbm>>) target(%dma_start3A_1021 : memref<8x128xf32, #tpu.memory_space<vmem>>) target_semaphore(%arg33 : memref<!tpu.dma_semaphore, #tpu.memory_space<semaphore_mem>>)
      %dma_start3A_1025 = arith.constant 2 : i32
      %dma_start3A_1026 = arith.constant 2 : i32
      %dma_start3A_1027 = arith.constant 0 : i32
      %dma_start3A_1028 = arith.constant 0 : i32
      %dma_start3A_1029 = tpu.memref_slice %arg21[%dma_start3A_1026, %dma_start3A_1027, %dma_start3A_1028] : memref<4x8x128xf32, #tpu.memory_space<vmem>> -> memref<1x8x128xf32, #tpu.memory_space<vmem>>
      %dma_start3A_1030 = tpu.memref_squeeze %dma_start3A_1029 : memref<1x8x128xf32, #tpu.memory_space<vmem>> -> memref<8x128xf32, #tpu.memory_space<vmem>>
      %dma_start3A_1031 = arith.constant 0 : i32
      %dma_start3A_1032 = tpu.memref_slice %arg4[%dma_start3A_1025, %dma_start3A_1031, %multiple_of3A_957] : memref<4x8x1000000xf32, #tpu.memory_space<hbm>> -> memref<1x8x128xf32, #tpu.memory_space<hbm>>
      %dma_start3A_1033 = tpu.memref_squeeze %dma_start3A_1032 : memref<1x8x128xf32, #tpu.memory_space<hbm>> -> memref<8x128xf32, #tpu.memory_space<hbm>>
      %dma_start3A_1034 = arith.constant 0 : i32
      %dma_start3A_1035 = arith.constant 0 : i32
      %dma_start3A_1036 = tpu.memref_slice %arg21[%dma_start3A_1026, %dma_start3A_1034, %dma_start3A_1035] : memref<4x8x128xf32, #tpu.memory_space<vmem>> -> memref<1x8x128xf32, #tpu.memory_space<vmem>>
      %dma_start3A_1037 = tpu.memref_squeeze %dma_start3A_1036 : memref<1x8x128xf32, #tpu.memory_space<vmem>> -> memref<8x128xf32, #tpu.memory_space<vmem>>
      %dma_start3A_1038 = arith.constant 0 : i32
      %dma_start3A_1039 = tpu.memref_slice %arg4[%dma_start3A_1025, %dma_start3A_1038, %multiple_of3A_957] : memref<4x8x1000000xf32, #tpu.memory_space<hbm>> -> memref<1x8x128xf32, #tpu.memory_space<hbm>>
      %dma_start3A_1040 = tpu.memref_squeeze %dma_start3A_1039 : memref<1x8x128xf32, #tpu.memory_space<hbm>> -> memref<8x128xf32, #tpu.memory_space<hbm>>
      tpu.enqueue_dma source(%dma_start3A_1040 : memref<8x128xf32, #tpu.memory_space<hbm>>) target(%dma_start3A_1037 : memref<8x128xf32, #tpu.memory_space<vmem>>) target_semaphore(%arg32 : memref<!tpu.dma_semaphore, #tpu.memory_space<semaphore_mem>>)
      %dma_start3A_1041 = arith.constant 2 : i32
      %dma_start3A_1042 = arith.constant 2 : i32
      %dma_start3A_1043 = arith.constant 0 : i32
      %dma_start3A_1044 = arith.constant 0 : i32
      %dma_start3A_1045 = tpu.memref_slice %arg25[%dma_start3A_1042, %dma_start3A_1043, %dma_start3A_1044] : memref<4x8x128xf32, #tpu.memory_space<vmem>> -> memref<1x8x128xf32, #tpu.memory_space<vmem>>
      %dma_start3A_1046 = tpu.memref_squeeze %dma_start3A_1045 : memref<1x8x128xf32, #tpu.memory_space<vmem>> -> memref<8x128xf32, #tpu.memory_space<vmem>>
      %dma_start3A_1047 = arith.constant 0 : i32
      %dma_start3A_1048 = tpu.memref_slice %arg5[%dma_start3A_1041, %dma_start3A_1047, %multiple_of3A_960] : memref<4x8x1000000xf32, #tpu.memory_space<hbm>> -> memref<1x8x128xf32, #tpu.memory_space<hbm>>
      %dma_start3A_1049 = tpu.memref_squeeze %dma_start3A_1048 : memref<1x8x128xf32, #tpu.memory_space<hbm>> -> memref<8x128xf32, #tpu.memory_space<hbm>>
      %dma_start3A_1050 = arith.constant 0 : i32
      %dma_start3A_1051 = arith.constant 0 : i32
      %dma_start3A_1052 = tpu.memref_slice %arg25[%dma_start3A_1042, %dma_start3A_1050, %dma_start3A_1051] : memref<4x8x128xf32, #tpu.memory_space<vmem>> -> memref<1x8x128xf32, #tpu.memory_space<vmem>>
      %dma_start3A_1053 = tpu.memref_squeeze %dma_start3A_1052 : memref<1x8x128xf32, #tpu.memory_space<vmem>> -> memref<8x128xf32, #tpu.memory_space<vmem>>
      %dma_start3A_1054 = arith.constant 0 : i32
      %dma_start3A_1055 = tpu.memref_slice %arg5[%dma_start3A_1041, %dma_start3A_1054, %multiple_of3A_960] : memref<4x8x1000000xf32, #tpu.memory_space<hbm>> -> memref<1x8x128xf32, #tpu.memory_space<hbm>>
      %dma_start3A_1056 = tpu.memref_squeeze %dma_start3A_1055 : memref<1x8x128xf32, #tpu.memory_space<hbm>> -> memref<8x128xf32, #tpu.memory_space<hbm>>
      tpu.enqueue_dma source(%dma_start3A_1056 : memref<8x128xf32, #tpu.memory_space<hbm>>) target(%dma_start3A_1053 : memref<8x128xf32, #tpu.memory_space<vmem>>) target_semaphore(%arg33 : memref<!tpu.dma_semaphore, #tpu.memory_space<semaphore_mem>>)
      %dma_start3A_1057 = arith.constant 3 : i32
      %dma_start3A_1058 = arith.constant 3 : i32
      %dma_start3A_1059 = arith.constant 0 : i32
      %dma_start3A_1060 = arith.constant 0 : i32
      %dma_start3A_1061 = tpu.memref_slice %arg21[%dma_start3A_1058, %dma_start3A_1059, %dma_start3A_1060] : memref<4x8x128xf32, #tpu.memory_space<vmem>> -> memref<1x8x128xf32, #tpu.memory_space<vmem>>
      %dma_start3A_1062 = tpu.memref_squeeze %dma_start3A_1061 : memref<1x8x128xf32, #tpu.memory_space<vmem>> -> memref<8x128xf32, #tpu.memory_space<vmem>>
      %dma_start3A_1063 = arith.constant 0 : i32
      %dma_start3A_1064 = tpu.memref_slice %arg4[%dma_start3A_1057, %dma_start3A_1063, %multiple_of3A_957] : memref<4x8x1000000xf32, #tpu.memory_space<hbm>> -> memref<1x8x128xf32, #tpu.memory_space<hbm>>
      %dma_start3A_1065 = tpu.memref_squeeze %dma_start3A_1064 : memref<1x8x128xf32, #tpu.memory_space<hbm>> -> memref<8x128xf32, #tpu.memory_space<hbm>>
      %dma_start3A_1066 = arith.constant 0 : i32
      %dma_start3A_1067 = arith.constant 0 : i32
      %dma_start3A_1068 = tpu.memref_slice %arg21[%dma_start3A_1058, %dma_start3A_1066, %dma_start3A_1067] : memref<4x8x128xf32, #tpu.memory_space<vmem>> -> memref<1x8x128xf32, #tpu.memory_space<vmem>>
      %dma_start3A_1069 = tpu.memref_squeeze %dma_start3A_1068 : memref<1x8x128xf32, #tpu.memory_space<vmem>> -> memref<8x128xf32, #tpu.memory_space<vmem>>
      %dma_start3A_1070 = arith.constant 0 : i32
      %dma_start3A_1071 = tpu.memref_slice %arg4[%dma_start3A_1057, %dma_start3A_1070, %multiple_of3A_957] : memref<4x8x1000000xf32, #tpu.memory_space<hbm>> -> memref<1x8x128xf32, #tpu.memory_space<hbm>>
      %dma_start3A_1072 = tpu.memref_squeeze %dma_start3A_1071 : memref<1x8x128xf32, #tpu.memory_space<hbm>> -> memref<8x128xf32, #tpu.memory_space<hbm>>
      tpu.enqueue_dma source(%dma_start3A_1072 : memref<8x128xf32, #tpu.memory_space<hbm>>) target(%dma_start3A_1069 : memref<8x128xf32, #tpu.memory_space<vmem>>) target_semaphore(%arg32 : memref<!tpu.dma_semaphore, #tpu.memory_space<semaphore_mem>>)
      %dma_start3A_1073 = arith.constant 3 : i32
      %dma_start3A_1074 = arith.constant 3 : i32
      %dma_start3A_1075 = arith.constant 0 : i32
      %dma_start3A_1076 = arith.constant 0 : i32
      %dma_start3A_1077 = tpu.memref_slice %arg25[%dma_start3A_1074, %dma_start3A_1075, %dma_start3A_1076] : memref<4x8x128xf32, #tpu.memory_space<vmem>> -> memref<1x8x128xf32, #tpu.memory_space<vmem>>
      %dma_start3A_1078 = tpu.memref_squeeze %dma_start3A_1077 : memref<1x8x128xf32, #tpu.memory_space<vmem>> -> memref<8x128xf32, #tpu.memory_space<vmem>>
      %dma_start3A_1079 = arith.constant 0 : i32
      %dma_start3A_1080 = tpu.memref_slice %arg5[%dma_start3A_1073, %dma_start3A_1079, %multiple_of3A_960] : memref<4x8x1000000xf32, #tpu.memory_space<hbm>> -> memref<1x8x128xf32, #tpu.memory_space<hbm>>
      %dma_start3A_1081 = tpu.memref_squeeze %dma_start3A_1080 : memref<1x8x128xf32, #tpu.memory_space<hbm>> -> memref<8x128xf32, #tpu.memory_space<hbm>>
      %dma_start3A_1082 = arith.constant 0 : i32
      %dma_start3A_1083 = arith.constant 0 : i32
      %dma_start3A_1084 = tpu.memref_slice %arg25[%dma_start3A_1074, %dma_start3A_1082, %dma_start3A_1083] : memref<4x8x128xf32, #tpu.memory_space<vmem>> -> memref<1x8x128xf32, #tpu.memory_space<vmem>>
      %dma_start3A_1085 = tpu.memref_squeeze %dma_start3A_1084 : memref<1x8x128xf32, #tpu.memory_space<vmem>> -> memref<8x128xf32, #tpu.memory_space<vmem>>
      %dma_start3A_1086 = arith.constant 0 : i32
      %dma_start3A_1087 = tpu.memref_slice %arg5[%dma_start3A_1073, %dma_start3A_1086, %multiple_of3A_960] : memref<4x8x1000000xf32, #tpu.memory_space<hbm>> -> memref<1x8x128xf32, #tpu.memory_space<hbm>>
      %dma_start3A_1088 = tpu.memref_squeeze %dma_start3A_1087 : memref<1x8x128xf32, #tpu.memory_space<hbm>> -> memref<8x128xf32, #tpu.memory_space<hbm>>
      tpu.enqueue_dma source(%dma_start3A_1088 : memref<8x128xf32, #tpu.memory_space<hbm>>) target(%dma_start3A_1085 : memref<8x128xf32, #tpu.memory_space<vmem>>) target_semaphore(%arg33 : memref<!tpu.dma_semaphore, #tpu.memory_space<semaphore_mem>>)
      %slice3A_1089 = vector.extract_strided_slice %sub3A_682 {offsets = [3], sizes = [1], strides = [1]} : vector<16xi32> to vector<1xi32>
      %squeeze3A_1090 = vector.extract %slice3A_1089[0] : i32 from vector<1xi32>
      %multiple_of3A_1091 = tpu.assume_multiple %squeeze3A_1090, 128 : i32
      %slice3A_1092 = vector.extract_strided_slice %sub3A_686 {offsets = [3], sizes = [1], strides = [1]} : vector<16xi32> to vector<1xi32>
      %squeeze3A_1093 = vector.extract %slice3A_1092[0] : i32 from vector<1xi32>
      %multiple_of3A_1094 = tpu.assume_multiple %squeeze3A_1093, 128 : i32
      %dma_start3A_1095 = arith.constant 0 : i32
      %dma_start3A_1096 = arith.constant 0 : i32
      %dma_start3A_1097 = arith.constant 0 : i32
      %dma_start3A_1098 = arith.constant 0 : i32
      %dma_start3A_1099 = tpu.memref_slice %arg22[%dma_start3A_1096, %dma_start3A_1097, %dma_start3A_1098] : memref<4x8x128xf32, #tpu.memory_space<vmem>> -> memref<1x8x128xf32, #tpu.memory_space<vmem>>
      %dma_start3A_1100 = tpu.memref_squeeze %dma_start3A_1099 : memref<1x8x128xf32, #tpu.memory_space<vmem>> -> memref<8x128xf32, #tpu.memory_space<vmem>>
      %dma_start3A_1101 = arith.constant 0 : i32
      %dma_start3A_1102 = tpu.memref_slice %arg4[%dma_start3A_1095, %dma_start3A_1101, %multiple_of3A_1091] : memref<4x8x1000000xf32, #tpu.memory_space<hbm>> -> memref<1x8x128xf32, #tpu.memory_space<hbm>>
      %dma_start3A_1103 = tpu.memref_squeeze %dma_start3A_1102 : memref<1x8x128xf32, #tpu.memory_space<hbm>> -> memref<8x128xf32, #tpu.memory_space<hbm>>
      %dma_start3A_1104 = arith.constant 0 : i32
      %dma_start3A_1105 = arith.constant 0 : i32
      %dma_start3A_1106 = tpu.memref_slice %arg22[%dma_start3A_1096, %dma_start3A_1104, %dma_start3A_1105] : memref<4x8x128xf32, #tpu.memory_space<vmem>> -> memref<1x8x128xf32, #tpu.memory_space<vmem>>
      %dma_start3A_1107 = tpu.memref_squeeze %dma_start3A_1106 : memref<1x8x128xf32, #tpu.memory_space<vmem>> -> memref<8x128xf32, #tpu.memory_space<vmem>>
      %dma_start3A_1108 = arith.constant 0 : i32
      %dma_start3A_1109 = tpu.memref_slice %arg4[%dma_start3A_1095, %dma_start3A_1108, %multiple_of3A_1091] : memref<4x8x1000000xf32, #tpu.memory_space<hbm>> -> memref<1x8x128xf32, #tpu.memory_space<hbm>>
      %dma_start3A_1110 = tpu.memref_squeeze %dma_start3A_1109 : memref<1x8x128xf32, #tpu.memory_space<hbm>> -> memref<8x128xf32, #tpu.memory_space<hbm>>
      tpu.enqueue_dma source(%dma_start3A_1110 : memref<8x128xf32, #tpu.memory_space<hbm>>) target(%dma_start3A_1107 : memref<8x128xf32, #tpu.memory_space<vmem>>) target_semaphore(%arg32 : memref<!tpu.dma_semaphore, #tpu.memory_space<semaphore_mem>>)
      %dma_start3A_1111 = arith.constant 0 : i32
      %dma_start3A_1112 = arith.constant 0 : i32
      %dma_start3A_1113 = arith.constant 0 : i32
      %dma_start3A_1114 = arith.constant 0 : i32
      %dma_start3A_1115 = tpu.memref_slice %arg26[%dma_start3A_1112, %dma_start3A_1113, %dma_start3A_1114] : memref<4x8x128xf32, #tpu.memory_space<vmem>> -> memref<1x8x128xf32, #tpu.memory_space<vmem>>
      %dma_start3A_1116 = tpu.memref_squeeze %dma_start3A_1115 : memref<1x8x128xf32, #tpu.memory_space<vmem>> -> memref<8x128xf32, #tpu.memory_space<vmem>>
      %dma_start3A_1117 = arith.constant 0 : i32
      %dma_start3A_1118 = tpu.memref_slice %arg5[%dma_start3A_1111, %dma_start3A_1117, %multiple_of3A_1094] : memref<4x8x1000000xf32, #tpu.memory_space<hbm>> -> memref<1x8x128xf32, #tpu.memory_space<hbm>>
      %dma_start3A_1119 = tpu.memref_squeeze %dma_start3A_1118 : memref<1x8x128xf32, #tpu.memory_space<hbm>> -> memref<8x128xf32, #tpu.memory_space<hbm>>
      %dma_start3A_1120 = arith.constant 0 : i32
      %dma_start3A_1121 = arith.constant 0 : i32
      %dma_start3A_1122 = tpu.memref_slice %arg26[%dma_start3A_1112, %dma_start3A_1120, %dma_start3A_1121] : memref<4x8x128xf32, #tpu.memory_space<vmem>> -> memref<1x8x128xf32, #tpu.memory_space<vmem>>
      %dma_start3A_1123 = tpu.memref_squeeze %dma_start3A_1122 : memref<1x8x128xf32, #tpu.memory_space<vmem>> -> memref<8x128xf32, #tpu.memory_space<vmem>>
      %dma_start3A_1124 = arith.constant 0 : i32
      %dma_start3A_1125 = tpu.memref_slice %arg5[%dma_start3A_1111, %dma_start3A_1124, %multiple_of3A_1094] : memref<4x8x1000000xf32, #tpu.memory_space<hbm>> -> memref<1x8x128xf32, #tpu.memory_space<hbm>>
      %dma_start3A_1126 = tpu.memref_squeeze %dma_start3A_1125 : memref<1x8x128xf32, #tpu.memory_space<hbm>> -> memref<8x128xf32, #tpu.memory_space<hbm>>
      tpu.enqueue_dma source(%dma_start3A_1126 : memref<8x128xf32, #tpu.memory_space<hbm>>) target(%dma_start3A_1123 : memref<8x128xf32, #tpu.memory_space<vmem>>) target_semaphore(%arg33 : memref<!tpu.dma_semaphore, #tpu.memory_space<semaphore_mem>>)
      %dma_start3A_1127 = arith.constant 1 : i32
      %dma_start3A_1128 = arith.constant 1 : i32
      %dma_start3A_1129 = arith.constant 0 : i32
      %dma_start3A_1130 = arith.constant 0 : i32
      %dma_start3A_1131 = tpu.memref_slice %arg22[%dma_start3A_1128, %dma_start3A_1129, %dma_start3A_1130] : memref<4x8x128xf32, #tpu.memory_space<vmem>> -> memref<1x8x128xf32, #tpu.memory_space<vmem>>
      %dma_start3A_1132 = tpu.memref_squeeze %dma_start3A_1131 : memref<1x8x128xf32, #tpu.memory_space<vmem>> -> memref<8x128xf32, #tpu.memory_space<vmem>>
      %dma_start3A_1133 = arith.constant 0 : i32
      %dma_start3A_1134 = tpu.memref_slice %arg4[%dma_start3A_1127, %dma_start3A_1133, %multiple_of3A_1091] : memref<4x8x1000000xf32, #tpu.memory_space<hbm>> -> memref<1x8x128xf32, #tpu.memory_space<hbm>>
      %dma_start3A_1135 = tpu.memref_squeeze %dma_start3A_1134 : memref<1x8x128xf32, #tpu.memory_space<hbm>> -> memref<8x128xf32, #tpu.memory_space<hbm>>
      %dma_start3A_1136 = arith.constant 0 : i32
      %dma_start3A_1137 = arith.constant 0 : i32
      %dma_start3A_1138 = tpu.memref_slice %arg22[%dma_start3A_1128, %dma_start3A_1136, %dma_start3A_1137] : memref<4x8x128xf32, #tpu.memory_space<vmem>> -> memref<1x8x128xf32, #tpu.memory_space<vmem>>
      %dma_start3A_1139 = tpu.memref_squeeze %dma_start3A_1138 : memref<1x8x128xf32, #tpu.memory_space<vmem>> -> memref<8x128xf32, #tpu.memory_space<vmem>>
      %dma_start3A_1140 = arith.constant 0 : i32
      %dma_start3A_1141 = tpu.memref_slice %arg4[%dma_start3A_1127, %dma_start3A_1140, %multiple_of3A_1091] : memref<4x8x1000000xf32, #tpu.memory_space<hbm>> -> memref<1x8x128xf32, #tpu.memory_space<hbm>>
      %dma_start3A_1142 = tpu.memref_squeeze %dma_start3A_1141 : memref<1x8x128xf32, #tpu.memory_space<hbm>> -> memref<8x128xf32, #tpu.memory_space<hbm>>
      tpu.enqueue_dma source(%dma_start3A_1142 : memref<8x128xf32, #tpu.memory_space<hbm>>) target(%dma_start3A_1139 : memref<8x128xf32, #tpu.memory_space<vmem>>) target_semaphore(%arg32 : memref<!tpu.dma_semaphore, #tpu.memory_space<semaphore_mem>>)
      %dma_start3A_1143 = arith.constant 1 : i32
      %dma_start3A_1144 = arith.constant 1 : i32
      %dma_start3A_1145 = arith.constant 0 : i32
      %dma_start3A_1146 = arith.constant 0 : i32
      %dma_start3A_1147 = tpu.memref_slice %arg26[%dma_start3A_1144, %dma_start3A_1145, %dma_start3A_1146] : memref<4x8x128xf32, #tpu.memory_space<vmem>> -> memref<1x8x128xf32, #tpu.memory_space<vmem>>
      %dma_start3A_1148 = tpu.memref_squeeze %dma_start3A_1147 : memref<1x8x128xf32, #tpu.memory_space<vmem>> -> memref<8x128xf32, #tpu.memory_space<vmem>>
      %dma_start3A_1149 = arith.constant 0 : i32
      %dma_start3A_1150 = tpu.memref_slice %arg5[%dma_start3A_1143, %dma_start3A_1149, %multiple_of3A_1094] : memref<4x8x1000000xf32, #tpu.memory_space<hbm>> -> memref<1x8x128xf32, #tpu.memory_space<hbm>>
      %dma_start3A_1151 = tpu.memref_squeeze %dma_start3A_1150 : memref<1x8x128xf32, #tpu.memory_space<hbm>> -> memref<8x128xf32, #tpu.memory_space<hbm>>
      %dma_start3A_1152 = arith.constant 0 : i32
      %dma_start3A_1153 = arith.constant 0 : i32
      %dma_start3A_1154 = tpu.memref_slice %arg26[%dma_start3A_1144, %dma_start3A_1152, %dma_start3A_1153] : memref<4x8x128xf32, #tpu.memory_space<vmem>> -> memref<1x8x128xf32, #tpu.memory_space<vmem>>
      %dma_start3A_1155 = tpu.memref_squeeze %dma_start3A_1154 : memref<1x8x128xf32, #tpu.memory_space<vmem>> -> memref<8x128xf32, #tpu.memory_space<vmem>>
      %dma_start3A_1156 = arith.constant 0 : i32
      %dma_start3A_1157 = tpu.memref_slice %arg5[%dma_start3A_1143, %dma_start3A_1156, %multiple_of3A_1094] : memref<4x8x1000000xf32, #tpu.memory_space<hbm>> -> memref<1x8x128xf32, #tpu.memory_space<hbm>>
      %dma_start3A_1158 = tpu.memref_squeeze %dma_start3A_1157 : memref<1x8x128xf32, #tpu.memory_space<hbm>> -> memref<8x128xf32, #tpu.memory_space<hbm>>
      tpu.enqueue_dma source(%dma_start3A_1158 : memref<8x128xf32, #tpu.memory_space<hbm>>) target(%dma_start3A_1155 : memref<8x128xf32, #tpu.memory_space<vmem>>) target_semaphore(%arg33 : memref<!tpu.dma_semaphore, #tpu.memory_space<semaphore_mem>>)
      %dma_start3A_1159 = arith.constant 2 : i32
      %dma_start3A_1160 = arith.constant 2 : i32
      %dma_start3A_1161 = arith.constant 0 : i32
      %dma_start3A_1162 = arith.constant 0 : i32
      %dma_start3A_1163 = tpu.memref_slice %arg22[%dma_start3A_1160, %dma_start3A_1161, %dma_start3A_1162] : memref<4x8x128xf32, #tpu.memory_space<vmem>> -> memref<1x8x128xf32, #tpu.memory_space<vmem>>
      %dma_start3A_1164 = tpu.memref_squeeze %dma_start3A_1163 : memref<1x8x128xf32, #tpu.memory_space<vmem>> -> memref<8x128xf32, #tpu.memory_space<vmem>>
      %dma_start3A_1165 = arith.constant 0 : i32
      %dma_start3A_1166 = tpu.memref_slice %arg4[%dma_start3A_1159, %dma_start3A_1165, %multiple_of3A_1091] : memref<4x8x1000000xf32, #tpu.memory_space<hbm>> -> memref<1x8x128xf32, #tpu.memory_space<hbm>>
      %dma_start3A_1167 = tpu.memref_squeeze %dma_start3A_1166 : memref<1x8x128xf32, #tpu.memory_space<hbm>> -> memref<8x128xf32, #tpu.memory_space<hbm>>
      %dma_start3A_1168 = arith.constant 0 : i32
      %dma_start3A_1169 = arith.constant 0 : i32
      %dma_start3A_1170 = tpu.memref_slice %arg22[%dma_start3A_1160, %dma_start3A_1168, %dma_start3A_1169] : memref<4x8x128xf32, #tpu.memory_space<vmem>> -> memref<1x8x128xf32, #tpu.memory_space<vmem>>
      %dma_start3A_1171 = tpu.memref_squeeze %dma_start3A_1170 : memref<1x8x128xf32, #tpu.memory_space<vmem>> -> memref<8x128xf32, #tpu.memory_space<vmem>>
      %dma_start3A_1172 = arith.constant 0 : i32
      %dma_start3A_1173 = tpu.memref_slice %arg4[%dma_start3A_1159, %dma_start3A_1172, %multiple_of3A_1091] : memref<4x8x1000000xf32, #tpu.memory_space<hbm>> -> memref<1x8x128xf32, #tpu.memory_space<hbm>>
      %dma_start3A_1174 = tpu.memref_squeeze %dma_start3A_1173 : memref<1x8x128xf32, #tpu.memory_space<hbm>> -> memref<8x128xf32, #tpu.memory_space<hbm>>
      tpu.enqueue_dma source(%dma_start3A_1174 : memref<8x128xf32, #tpu.memory_space<hbm>>) target(%dma_start3A_1171 : memref<8x128xf32, #tpu.memory_space<vmem>>) target_semaphore(%arg32 : memref<!tpu.dma_semaphore, #tpu.memory_space<semaphore_mem>>)
      %dma_start3A_1175 = arith.constant 2 : i32
      %dma_start3A_1176 = arith.constant 2 : i32
      %dma_start3A_1177 = arith.constant 0 : i32
      %dma_start3A_1178 = arith.constant 0 : i32
      %dma_start3A_1179 = tpu.memref_slice %arg26[%dma_start3A_1176, %dma_start3A_1177, %dma_start3A_1178] : memref<4x8x128xf32, #tpu.memory_space<vmem>> -> memref<1x8x128xf32, #tpu.memory_space<vmem>>
      %dma_start3A_1180 = tpu.memref_squeeze %dma_start3A_1179 : memref<1x8x128xf32, #tpu.memory_space<vmem>> -> memref<8x128xf32, #tpu.memory_space<vmem>>
      %dma_start3A_1181 = arith.constant 0 : i32
      %dma_start3A_1182 = tpu.memref_slice %arg5[%dma_start3A_1175, %dma_start3A_1181, %multiple_of3A_1094] : memref<4x8x1000000xf32, #tpu.memory_space<hbm>> -> memref<1x8x128xf32, #tpu.memory_space<hbm>>
      %dma_start3A_1183 = tpu.memref_squeeze %dma_start3A_1182 : memref<1x8x128xf32, #tpu.memory_space<hbm>> -> memref<8x128xf32, #tpu.memory_space<hbm>>
      %dma_start3A_1184 = arith.constant 0 : i32
      %dma_start3A_1185 = arith.constant 0 : i32
      %dma_start3A_1186 = tpu.memref_slice %arg26[%dma_start3A_1176, %dma_start3A_1184, %dma_start3A_1185] : memref<4x8x128xf32, #tpu.memory_space<vmem>> -> memref<1x8x128xf32, #tpu.memory_space<vmem>>
      %dma_start3A_1187 = tpu.memref_squeeze %dma_start3A_1186 : memref<1x8x128xf32, #tpu.memory_space<vmem>> -> memref<8x128xf32, #tpu.memory_space<vmem>>
      %dma_start3A_1188 = arith.constant 0 : i32
      %dma_start3A_1189 = tpu.memref_slice %arg5[%dma_start3A_1175, %dma_start3A_1188, %multiple_of3A_1094] : memref<4x8x1000000xf32, #tpu.memory_space<hbm>> -> memref<1x8x128xf32, #tpu.memory_space<hbm>>
      %dma_start3A_1190 = tpu.memref_squeeze %dma_start3A_1189 : memref<1x8x128xf32, #tpu.memory_space<hbm>> -> memref<8x128xf32, #tpu.memory_space<hbm>>
      tpu.enqueue_dma source(%dma_start3A_1190 : memref<8x128xf32, #tpu.memory_space<hbm>>) target(%dma_start3A_1187 : memref<8x128xf32, #tpu.memory_space<vmem>>) target_semaphore(%arg33 : memref<!tpu.dma_semaphore, #tpu.memory_space<semaphore_mem>>)
      %dma_start3A_1191 = arith.constant 3 : i32
      %dma_start3A_1192 = arith.constant 3 : i32
      %dma_start3A_1193 = arith.constant 0 : i32
      %dma_start3A_1194 = arith.constant 0 : i32
      %dma_start3A_1195 = tpu.memref_slice %arg22[%dma_start3A_1192, %dma_start3A_1193, %dma_start3A_1194] : memref<4x8x128xf32, #tpu.memory_space<vmem>> -> memref<1x8x128xf32, #tpu.memory_space<vmem>>
      %dma_start3A_1196 = tpu.memref_squeeze %dma_start3A_1195 : memref<1x8x128xf32, #tpu.memory_space<vmem>> -> memref<8x128xf32, #tpu.memory_space<vmem>>
      %dma_start3A_1197 = arith.constant 0 : i32
      %dma_start3A_1198 = tpu.memref_slice %arg4[%dma_start3A_1191, %dma_start3A_1197, %multiple_of3A_1091] : memref<4x8x1000000xf32, #tpu.memory_space<hbm>> -> memref<1x8x128xf32, #tpu.memory_space<hbm>>
      %dma_start3A_1199 = tpu.memref_squeeze %dma_start3A_1198 : memref<1x8x128xf32, #tpu.memory_space<hbm>> -> memref<8x128xf32, #tpu.memory_space<hbm>>
      %dma_start3A_1200 = arith.constant 0 : i32
      %dma_start3A_1201 = arith.constant 0 : i32
      %dma_start3A_1202 = tpu.memref_slice %arg22[%dma_start3A_1192, %dma_start3A_1200, %dma_start3A_1201] : memref<4x8x128xf32, #tpu.memory_space<vmem>> -> memref<1x8x128xf32, #tpu.memory_space<vmem>>
      %dma_start3A_1203 = tpu.memref_squeeze %dma_start3A_1202 : memref<1x8x128xf32, #tpu.memory_space<vmem>> -> memref<8x128xf32, #tpu.memory_space<vmem>>
      %dma_start3A_1204 = arith.constant 0 : i32
      %dma_start3A_1205 = tpu.memref_slice %arg4[%dma_start3A_1191, %dma_start3A_1204, %multiple_of3A_1091] : memref<4x8x1000000xf32, #tpu.memory_space<hbm>> -> memref<1x8x128xf32, #tpu.memory_space<hbm>>
      %dma_start3A_1206 = tpu.memref_squeeze %dma_start3A_1205 : memref<1x8x128xf32, #tpu.memory_space<hbm>> -> memref<8x128xf32, #tpu.memory_space<hbm>>
      tpu.enqueue_dma source(%dma_start3A_1206 : memref<8x128xf32, #tpu.memory_space<hbm>>) target(%dma_start3A_1203 : memref<8x128xf32, #tpu.memory_space<vmem>>) target_semaphore(%arg32 : memref<!tpu.dma_semaphore, #tpu.memory_space<semaphore_mem>>)
      %dma_start3A_1207 = arith.constant 3 : i32
      %dma_start3A_1208 = arith.constant 3 : i32
      %dma_start3A_1209 = arith.constant 0 : i32
      %dma_start3A_1210 = arith.constant 0 : i32
      %dma_start3A_1211 = tpu.memref_slice %arg26[%dma_start3A_1208, %dma_start3A_1209, %dma_start3A_1210] : memref<4x8x128xf32, #tpu.memory_space<vmem>> -> memref<1x8x128xf32, #tpu.memory_space<vmem>>
      %dma_start3A_1212 = tpu.memref_squeeze %dma_start3A_1211 : memref<1x8x128xf32, #tpu.memory_space<vmem>> -> memref<8x128xf32, #tpu.memory_space<vmem>>
      %dma_start3A_1213 = arith.constant 0 : i32
      %dma_start3A_1214 = tpu.memref_slice %arg5[%dma_start3A_1207, %dma_start3A_1213, %multiple_of3A_1094] : memref<4x8x1000000xf32, #tpu.memory_space<hbm>> -> memref<1x8x128xf32, #tpu.memory_space<hbm>>
      %dma_start3A_1215 = tpu.memref_squeeze %dma_start3A_1214 : memref<1x8x128xf32, #tpu.memory_space<hbm>> -> memref<8x128xf32, #tpu.memory_space<hbm>>
      %dma_start3A_1216 = arith.constant 0 : i32
      %dma_start3A_1217 = arith.constant 0 : i32
      %dma_start3A_1218 = tpu.memref_slice %arg26[%dma_start3A_1208, %dma_start3A_1216, %dma_start3A_1217] : memref<4x8x128xf32, #tpu.memory_space<vmem>> -> memref<1x8x128xf32, #tpu.memory_space<vmem>>
      %dma_start3A_1219 = tpu.memref_squeeze %dma_start3A_1218 : memref<1x8x128xf32, #tpu.memory_space<vmem>> -> memref<8x128xf32, #tpu.memory_space<vmem>>
      %dma_start3A_1220 = arith.constant 0 : i32
      %dma_start3A_1221 = tpu.memref_slice %arg5[%dma_start3A_1207, %dma_start3A_1220, %multiple_of3A_1094] : memref<4x8x1000000xf32, #tpu.memory_space<hbm>> -> memref<1x8x128xf32, #tpu.memory_space<hbm>>
      %dma_start3A_1222 = tpu.memref_squeeze %dma_start3A_1221 : memref<1x8x128xf32, #tpu.memory_space<hbm>> -> memref<8x128xf32, #tpu.memory_space<hbm>>
      tpu.enqueue_dma source(%dma_start3A_1222 : memref<8x128xf32, #tpu.memory_space<hbm>>) target(%dma_start3A_1219 : memref<8x128xf32, #tpu.memory_space<vmem>>) target_semaphore(%arg33 : memref<!tpu.dma_semaphore, #tpu.memory_space<semaphore_mem>>)
      %dma_wait3A_1223 = arith.constant 0 : i32
      %dma_wait3A_1224 = arith.constant 0 : i32
      %dma_wait3A_1225 = arith.constant 0 : i32
      %dma_wait3A_1226 = tpu.memref_slice %arg4[%dma_wait3A_1223, %dma_wait3A_1224, %dma_wait3A_1225] : memref<4x8x1000000xf32, #tpu.memory_space<hbm>> -> memref<4x8x128xf32, #tpu.memory_space<hbm>>
      %dma_wait3A_1227 = arith.constant 0 : i32
      %dma_wait3A_1228 = arith.constant 0 : i32
      %dma_wait3A_1229 = arith.constant 0 : i32
      %dma_wait3A_1230 = tpu.memref_slice %arg4[%dma_wait3A_1227, %dma_wait3A_1228, %dma_wait3A_1229] : memref<4x8x1000000xf32, #tpu.memory_space<hbm>> -> memref<4x8x128xf32, #tpu.memory_space<hbm>>
      tpu.wait_dma2 semaphore(%arg30 : memref<!tpu.dma_semaphore, #tpu.memory_space<semaphore_mem>>) src(%dma_wait3A_1230 : memref<4x8x128xf32, #tpu.memory_space<hbm>>) dst(%arg11 : memref<4x8x128xf32, #tpu.memory_space<vmem>>)
      %dma_wait3A_1231 = arith.constant 0 : i32
      %dma_wait3A_1232 = arith.constant 0 : i32
      %dma_wait3A_1233 = arith.constant 0 : i32
      %dma_wait3A_1234 = tpu.memref_slice %arg5[%dma_wait3A_1231, %dma_wait3A_1232, %dma_wait3A_1233] : memref<4x8x1000000xf32, #tpu.memory_space<hbm>> -> memref<4x8x128xf32, #tpu.memory_space<hbm>>
      %dma_wait3A_1235 = arith.constant 0 : i32
      %dma_wait3A_1236 = arith.constant 0 : i32
      %dma_wait3A_1237 = arith.constant 0 : i32
      %dma_wait3A_1238 = tpu.memref_slice %arg5[%dma_wait3A_1235, %dma_wait3A_1236, %dma_wait3A_1237] : memref<4x8x1000000xf32, #tpu.memory_space<hbm>> -> memref<4x8x128xf32, #tpu.memory_space<hbm>>
      tpu.wait_dma2 semaphore(%arg31 : memref<!tpu.dma_semaphore, #tpu.memory_space<semaphore_mem>>) src(%dma_wait3A_1238 : memref<4x8x128xf32, #tpu.memory_space<hbm>>) dst(%arg15 : memref<4x8x128xf32, #tpu.memory_space<vmem>>)
      %dma_wait3A_1239 = arith.constant 0 : i32
      %dma_wait3A_1240 = arith.constant 0 : i32
      %dma_wait3A_1241 = arith.constant 0 : i32
      %dma_wait3A_1242 = tpu.memref_slice %arg4[%dma_wait3A_1239, %dma_wait3A_1240, %dma_wait3A_1241] : memref<4x8x1000000xf32, #tpu.memory_space<hbm>> -> memref<4x8x128xf32, #tpu.memory_space<hbm>>
      %dma_wait3A_1243 = arith.constant 0 : i32
      %dma_wait3A_1244 = arith.constant 0 : i32
      %dma_wait3A_1245 = arith.constant 0 : i32
      %dma_wait3A_1246 = tpu.memref_slice %arg4[%dma_wait3A_1243, %dma_wait3A_1244, %dma_wait3A_1245] : memref<4x8x1000000xf32, #tpu.memory_space<hbm>> -> memref<4x8x128xf32, #tpu.memory_space<hbm>>
      tpu.wait_dma2 semaphore(%arg30 : memref<!tpu.dma_semaphore, #tpu.memory_space<semaphore_mem>>) src(%dma_wait3A_1246 : memref<4x8x128xf32, #tpu.memory_space<hbm>>) dst(%arg12 : memref<4x8x128xf32, #tpu.memory_space<vmem>>)
      %dma_wait3A_1247 = arith.constant 0 : i32
      %dma_wait3A_1248 = arith.constant 0 : i32
      %dma_wait3A_1249 = arith.constant 0 : i32
      %dma_wait3A_1250 = tpu.memref_slice %arg5[%dma_wait3A_1247, %dma_wait3A_1248, %dma_wait3A_1249] : memref<4x8x1000000xf32, #tpu.memory_space<hbm>> -> memref<4x8x128xf32, #tpu.memory_space<hbm>>
      %dma_wait3A_1251 = arith.constant 0 : i32
      %dma_wait3A_1252 = arith.constant 0 : i32
      %dma_wait3A_1253 = arith.constant 0 : i32
      %dma_wait3A_1254 = tpu.memref_slice %arg5[%dma_wait3A_1251, %dma_wait3A_1252, %dma_wait3A_1253] : memref<4x8x1000000xf32, #tpu.memory_space<hbm>> -> memref<4x8x128xf32, #tpu.memory_space<hbm>>
      tpu.wait_dma2 semaphore(%arg31 : memref<!tpu.dma_semaphore, #tpu.memory_space<semaphore_mem>>) src(%dma_wait3A_1254 : memref<4x8x128xf32, #tpu.memory_space<hbm>>) dst(%arg16 : memref<4x8x128xf32, #tpu.memory_space<vmem>>)
      %dma_wait3A_1255 = arith.constant 0 : i32
      %dma_wait3A_1256 = arith.constant 0 : i32
      %dma_wait3A_1257 = arith.constant 0 : i32
      %dma_wait3A_1258 = tpu.memref_slice %arg4[%dma_wait3A_1255, %dma_wait3A_1256, %dma_wait3A_1257] : memref<4x8x1000000xf32, #tpu.memory_space<hbm>> -> memref<4x8x128xf32, #tpu.memory_space<hbm>>
      %dma_wait3A_1259 = arith.constant 0 : i32
      %dma_wait3A_1260 = arith.constant 0 : i32
      %dma_wait3A_1261 = arith.constant 0 : i32
      %dma_wait3A_1262 = tpu.memref_slice %arg4[%dma_wait3A_1259, %dma_wait3A_1260, %dma_wait3A_1261] : memref<4x8x1000000xf32, #tpu.memory_space<hbm>> -> memref<4x8x128xf32, #tpu.memory_space<hbm>>
      tpu.wait_dma2 semaphore(%arg30 : memref<!tpu.dma_semaphore, #tpu.memory_space<semaphore_mem>>) src(%dma_wait3A_1262 : memref<4x8x128xf32, #tpu.memory_space<hbm>>) dst(%arg13 : memref<4x8x128xf32, #tpu.memory_space<vmem>>)
      %dma_wait3A_1263 = arith.constant 0 : i32
      %dma_wait3A_1264 = arith.constant 0 : i32
      %dma_wait3A_1265 = arith.constant 0 : i32
      %dma_wait3A_1266 = tpu.memref_slice %arg5[%dma_wait3A_1263, %dma_wait3A_1264, %dma_wait3A_1265] : memref<4x8x1000000xf32, #tpu.memory_space<hbm>> -> memref<4x8x128xf32, #tpu.memory_space<hbm>>
      %dma_wait3A_1267 = arith.constant 0 : i32
      %dma_wait3A_1268 = arith.constant 0 : i32
      %dma_wait3A_1269 = arith.constant 0 : i32
      %dma_wait3A_1270 = tpu.memref_slice %arg5[%dma_wait3A_1267, %dma_wait3A_1268, %dma_wait3A_1269] : memref<4x8x1000000xf32, #tpu.memory_space<hbm>> -> memref<4x8x128xf32, #tpu.memory_space<hbm>>
      tpu.wait_dma2 semaphore(%arg31 : memref<!tpu.dma_semaphore, #tpu.memory_space<semaphore_mem>>) src(%dma_wait3A_1270 : memref<4x8x128xf32, #tpu.memory_space<hbm>>) dst(%arg17 : memref<4x8x128xf32, #tpu.memory_space<vmem>>)
      %dma_wait3A_1271 = arith.constant 0 : i32
      %dma_wait3A_1272 = arith.constant 0 : i32
      %dma_wait3A_1273 = arith.constant 0 : i32
      %dma_wait3A_1274 = tpu.memref_slice %arg4[%dma_wait3A_1271, %dma_wait3A_1272, %dma_wait3A_1273] : memref<4x8x1000000xf32, #tpu.memory_space<hbm>> -> memref<4x8x128xf32, #tpu.memory_space<hbm>>
      %dma_wait3A_1275 = arith.constant 0 : i32
      %dma_wait3A_1276 = arith.constant 0 : i32
      %dma_wait3A_1277 = arith.constant 0 : i32
      %dma_wait3A_1278 = tpu.memref_slice %arg4[%dma_wait3A_1275, %dma_wait3A_1276, %dma_wait3A_1277] : memref<4x8x1000000xf32, #tpu.memory_space<hbm>> -> memref<4x8x128xf32, #tpu.memory_space<hbm>>
      tpu.wait_dma2 semaphore(%arg30 : memref<!tpu.dma_semaphore, #tpu.memory_space<semaphore_mem>>) src(%dma_wait3A_1278 : memref<4x8x128xf32, #tpu.memory_space<hbm>>) dst(%arg14 : memref<4x8x128xf32, #tpu.memory_space<vmem>>)
      %dma_wait3A_1279 = arith.constant 0 : i32
      %dma_wait3A_1280 = arith.constant 0 : i32
      %dma_wait3A_1281 = arith.constant 0 : i32
      %dma_wait3A_1282 = tpu.memref_slice %arg5[%dma_wait3A_1279, %dma_wait3A_1280, %dma_wait3A_1281] : memref<4x8x1000000xf32, #tpu.memory_space<hbm>> -> memref<4x8x128xf32, #tpu.memory_space<hbm>>
      %dma_wait3A_1283 = arith.constant 0 : i32
      %dma_wait3A_1284 = arith.constant 0 : i32
      %dma_wait3A_1285 = arith.constant 0 : i32
      %dma_wait3A_1286 = tpu.memref_slice %arg5[%dma_wait3A_1283, %dma_wait3A_1284, %dma_wait3A_1285] : memref<4x8x1000000xf32, #tpu.memory_space<hbm>> -> memref<4x8x128xf32, #tpu.memory_space<hbm>>
      tpu.wait_dma2 semaphore(%arg31 : memref<!tpu.dma_semaphore, #tpu.memory_space<semaphore_mem>>) src(%dma_wait3A_1286 : memref<4x8x128xf32, #tpu.memory_space<hbm>>) dst(%arg18 : memref<4x8x128xf32, #tpu.memory_space<vmem>>)
      %add3A_1287 = arith.constant 0 : i32
      %add3A_1288 = arith.addi %mul3A_672, %add3A_1287 : i32
      %get3A_1289 = arith.index_cast %add3A_1288 : i32 to index
      %get3A_1290 = tpu.vector_load %arg9[%get3A_1289] {strides = array<i32>} : memref<528xi32, #tpu.memory_space<vmem>>, vector<16xi32>,
      %get3A_1291 = arith.index_cast %add3A_1288 : i32 to index
      %get3A_1292 = tpu.vector_load %arg10[%get3A_1291] {strides = array<i32>} : memref<528xi32, #tpu.memory_space<vmem>>, vector<16xi32>,
      %and3A_1293 = arith.constant 127 : i32
      %and3A_1294 = vector.broadcast %and3A_1293 : i32 to vector<16xi32>
      %and3A_1295 = arith.andi %get3A_1290, %and3A_1294 : vector<16xi32>
      %and3A_1296 = arith.constant 127 : i32
      %and3A_1297 = vector.broadcast %and3A_1296 : i32 to vector<16xi32>
      %and3A_1298 = arith.andi %get3A_1292, %and3A_1297 : vector<16xi32>
      %slice3A_1299 = vector.extract_strided_slice %and3A_1295 {offsets = [0], sizes = [1], strides = [1]} : vector<16xi32> to vector<1xi32>
      %squeeze3A_1300 = vector.extract %slice3A_1299[0] : i32 from vector<1xi32>
      %broadcast_in_dim3A_1301 = vector.broadcast %squeeze3A_1300 : i32 to vector<16xi32>
      %gather3A = tpu.vector_load_idx %arg11[%select_n3A, %select_n3A_54, %broadcast_in_dim3A_1301] : memref<4x8x128xf32, #tpu.memory_space<vmem>>[vector<16xi32>, vector<16xi32>, vector<16xi32>], vector<16xf32>,
      %gather3A_1302 = tpu.vector_load_idx %arg11[%add3A_57, %select_n3A_54, %broadcast_in_dim3A_1301] : memref<4x8x128xf32, #tpu.memory_space<vmem>>[vector<16xi32>, vector<16xi32>, vector<16xi32>], vector<16xf32>,
      %slice3A_1303 = vector.extract_strided_slice %and3A_1298 {offsets = [0], sizes = [1], strides = [1]} : vector<16xi32> to vector<1xi32>
      %squeeze3A_1304 = vector.extract %slice3A_1303[0] : i32 from vector<1xi32>
      %broadcast_in_dim3A_1305 = vector.broadcast %squeeze3A_1304 : i32 to vector<16xi32>
      %gather3A_1306 = tpu.vector_load_idx %arg15[%select_n3A, %select_n3A_54, %broadcast_in_dim3A_1305] : memref<4x8x128xf32, #tpu.memory_space<vmem>>[vector<16xi32>, vector<16xi32>, vector<16xi32>], vector<16xf32>,
      %gather3A_1307 = tpu.vector_load_idx %arg15[%add3A_57, %select_n3A_54, %broadcast_in_dim3A_1305] : memref<4x8x128xf32, #tpu.memory_space<vmem>>[vector<16xi32>, vector<16xi32>, vector<16xi32>], vector<16xf32>,
      %mul3A_1308 = arith.mulf %gather3A, %gather3A_1306 : vector<16xf32>
      %mul3A_1309 = arith.mulf %mul3A_1308, %get3A_7 : vector<16xf32>
      %mul3A_1310 = arith.mulf %gather3A_1302, %gather3A_1307 : vector<16xf32>
      %mul3A_1311 = arith.mulf %mul3A_1310, %get3A_9 : vector<16xf32>
      %add3A_1312 = arith.addf %mul3A_1309, %mul3A_1311 : vector<16xf32>
      %reduce_sum3A = arith.constant true
      %reduce_sum3A_1313 = vector.broadcast %reduce_sum3A : i1 to vector<16xi1>
      %reduce_sum3A_1314 = tpu.scan <sum>, %add3A_1312 masked %reduce_sum3A_1313 : vector<16xf32>, vector<16xi1> -> vector<16xf32>
      %reduce_sum3A_1315 = vector.extract %reduce_sum3A_1314[15] : f32 from vector<16xf32>
      %eq3A_1316 = arith.constant 0 : i32
      %eq3A_1317 = vector.broadcast %eq3A_1316 : i32 to vector<16xi32>
      %eq3A_1318 = arith.cmpi eq, %iota3A, %eq3A_1317 : vector<16xi32>
      %add3A_1319 = vector.broadcast %reduce_sum3A_1315 : f32 to vector<16xf32>
      %add3A_1320 = arith.addf %get3A_11, %add3A_1319 : vector<16xf32>
      %select_n3A_1321 = arith.select %eq3A_1318, %add3A_1320, %get3A_11 : vector<16xi1>, vector<16xf32>
      %slice3A_1322 = vector.extract_strided_slice %and3A_1295 {offsets = [1], sizes = [1], strides = [1]} : vector<16xi32> to vector<1xi32>
      %squeeze3A_1323 = vector.extract %slice3A_1322[0] : i32 from vector<1xi32>
      %broadcast_in_dim3A_1324 = vector.broadcast %squeeze3A_1323 : i32 to vector<16xi32>
      %gather3A_1325 = tpu.vector_load_idx %arg12[%select_n3A, %select_n3A_54, %broadcast_in_dim3A_1324] : memref<4x8x128xf32, #tpu.memory_space<vmem>>[vector<16xi32>, vector<16xi32>, vector<16xi32>], vector<16xf32>,
      %gather3A_1326 = tpu.vector_load_idx %arg12[%add3A_57, %select_n3A_54, %broadcast_in_dim3A_1324] : memref<4x8x128xf32, #tpu.memory_space<vmem>>[vector<16xi32>, vector<16xi32>, vector<16xi32>], vector<16xf32>,
      %slice3A_1327 = vector.extract_strided_slice %and3A_1298 {offsets = [1], sizes = [1], strides = [1]} : vector<16xi32> to vector<1xi32>
      %squeeze3A_1328 = vector.extract %slice3A_1327[0] : i32 from vector<1xi32>
      %broadcast_in_dim3A_1329 = vector.broadcast %squeeze3A_1328 : i32 to vector<16xi32>
      %gather3A_1330 = tpu.vector_load_idx %arg16[%select_n3A, %select_n3A_54, %broadcast_in_dim3A_1329] : memref<4x8x128xf32, #tpu.memory_space<vmem>>[vector<16xi32>, vector<16xi32>, vector<16xi32>], vector<16xf32>,
      %gather3A_1331 = tpu.vector_load_idx %arg16[%add3A_57, %select_n3A_54, %broadcast_in_dim3A_1329] : memref<4x8x128xf32, #tpu.memory_space<vmem>>[vector<16xi32>, vector<16xi32>, vector<16xi32>], vector<16xf32>,
      %mul3A_1332 = arith.mulf %gather3A_1325, %gather3A_1330 : vector<16xf32>
      %mul3A_1333 = arith.mulf %mul3A_1332, %get3A_7 : vector<16xf32>
      %mul3A_1334 = arith.mulf %gather3A_1326, %gather3A_1331 : vector<16xf32>
      %mul3A_1335 = arith.mulf %mul3A_1334, %get3A_9 : vector<16xf32>
      %add3A_1336 = arith.addf %mul3A_1333, %mul3A_1335 : vector<16xf32>
      %reduce_sum3A_1337 = arith.constant true
      %reduce_sum3A_1338 = vector.broadcast %reduce_sum3A_1337 : i1 to vector<16xi1>
      %reduce_sum3A_1339 = tpu.scan <sum>, %add3A_1336 masked %reduce_sum3A_1338 : vector<16xf32>, vector<16xi1> -> vector<16xf32>
      %reduce_sum3A_1340 = vector.extract %reduce_sum3A_1339[15] : f32 from vector<16xf32>
      %eq3A_1341 = arith.constant 1 : i32
      %eq3A_1342 = vector.broadcast %eq3A_1341 : i32 to vector<16xi32>
      %eq3A_1343 = arith.cmpi eq, %iota3A, %eq3A_1342 : vector<16xi32>
      %add3A_1344 = vector.broadcast %reduce_sum3A_1340 : f32 to vector<16xf32>
      %add3A_1345 = arith.addf %select_n3A_1321, %add3A_1344 : vector<16xf32>
      %select_n3A_1346 = arith.select %eq3A_1343, %add3A_1345, %select_n3A_1321 : vector<16xi1>, vector<16xf32>
      %slice3A_1347 = vector.extract_strided_slice %and3A_1295 {offsets = [2], sizes = [1], strides = [1]} : vector<16xi32> to vector<1xi32>
      %squeeze3A_1348 = vector.extract %slice3A_1347[0] : i32 from vector<1xi32>
      %broadcast_in_dim3A_1349 = vector.broadcast %squeeze3A_1348 : i32 to vector<16xi32>
      %gather3A_1350 = tpu.vector_load_idx %arg13[%select_n3A, %select_n3A_54, %broadcast_in_dim3A_1349] : memref<4x8x128xf32, #tpu.memory_space<vmem>>[vector<16xi32>, vector<16xi32>, vector<16xi32>], vector<16xf32>,
      %gather3A_1351 = tpu.vector_load_idx %arg13[%add3A_57, %select_n3A_54, %broadcast_in_dim3A_1349] : memref<4x8x128xf32, #tpu.memory_space<vmem>>[vector<16xi32>, vector<16xi32>, vector<16xi32>], vector<16xf32>,
      %slice3A_1352 = vector.extract_strided_slice %and3A_1298 {offsets = [2], sizes = [1], strides = [1]} : vector<16xi32> to vector<1xi32>
      %squeeze3A_1353 = vector.extract %slice3A_1352[0] : i32 from vector<1xi32>
      %broadcast_in_dim3A_1354 = vector.broadcast %squeeze3A_1353 : i32 to vector<16xi32>
      %gather3A_1355 = tpu.vector_load_idx %arg17[%select_n3A, %select_n3A_54, %broadcast_in_dim3A_1354] : memref<4x8x128xf32, #tpu.memory_space<vmem>>[vector<16xi32>, vector<16xi32>, vector<16xi32>], vector<16xf32>,
      %gather3A_1356 = tpu.vector_load_idx %arg17[%add3A_57, %select_n3A_54, %broadcast_in_dim3A_1354] : memref<4x8x128xf32, #tpu.memory_space<vmem>>[vector<16xi32>, vector<16xi32>, vector<16xi32>], vector<16xf32>,
      %mul3A_1357 = arith.mulf %gather3A_1350, %gather3A_1355 : vector<16xf32>
      %mul3A_1358 = arith.mulf %mul3A_1357, %get3A_7 : vector<16xf32>
      %mul3A_1359 = arith.mulf %gather3A_1351, %gather3A_1356 : vector<16xf32>
      %mul3A_1360 = arith.mulf %mul3A_1359, %get3A_9 : vector<16xf32>
      %add3A_1361 = arith.addf %mul3A_1358, %mul3A_1360 : vector<16xf32>
      %reduce_sum3A_1362 = arith.constant true
      %reduce_sum3A_1363 = vector.broadcast %reduce_sum3A_1362 : i1 to vector<16xi1>
      %reduce_sum3A_1364 = tpu.scan <sum>, %add3A_1361 masked %reduce_sum3A_1363 : vector<16xf32>, vector<16xi1> -> vector<16xf32>
      %reduce_sum3A_1365 = vector.extract %reduce_sum3A_1364[15] : f32 from vector<16xf32>
      %eq3A_1366 = arith.constant 2 : i32
      %eq3A_1367 = vector.broadcast %eq3A_1366 : i32 to vector<16xi32>
      %eq3A_1368 = arith.cmpi eq, %iota3A, %eq3A_1367 : vector<16xi32>
      %add3A_1369 = vector.broadcast %reduce_sum3A_1365 : f32 to vector<16xf32>
      %add3A_1370 = arith.addf %select_n3A_1346, %add3A_1369 : vector<16xf32>
      %select_n3A_1371 = arith.select %eq3A_1368, %add3A_1370, %select_n3A_1346 : vector<16xi1>, vector<16xf32>
      %slice3A_1372 = vector.extract_strided_slice %and3A_1295 {offsets = [3], sizes = [1], strides = [1]} : vector<16xi32> to vector<1xi32>
      %squeeze3A_1373 = vector.extract %slice3A_1372[0] : i32 from vector<1xi32>
      %broadcast_in_dim3A_1374 = vector.broadcast %squeeze3A_1373 : i32 to vector<16xi32>
      %gather3A_1375 = tpu.vector_load_idx %arg14[%select_n3A, %select_n3A_54, %broadcast_in_dim3A_1374] : memref<4x8x128xf32, #tpu.memory_space<vmem>>[vector<16xi32>, vector<16xi32>, vector<16xi32>], vector<16xf32>,
      %gather3A_1376 = tpu.vector_load_idx %arg14[%add3A_57, %select_n3A_54, %broadcast_in_dim3A_1374] : memref<4x8x128xf32, #tpu.memory_space<vmem>>[vector<16xi32>, vector<16xi32>, vector<16xi32>], vector<16xf32>,
      %slice3A_1377 = vector.extract_strided_slice %and3A_1298 {offsets = [3], sizes = [1], strides = [1]} : vector<16xi32> to vector<1xi32>
      %squeeze3A_1378 = vector.extract %slice3A_1377[0] : i32 from vector<1xi32>
      %broadcast_in_dim3A_1379 = vector.broadcast %squeeze3A_1378 : i32 to vector<16xi32>
      %gather3A_1380 = tpu.vector_load_idx %arg18[%select_n3A, %select_n3A_54, %broadcast_in_dim3A_1379] : memref<4x8x128xf32, #tpu.memory_space<vmem>>[vector<16xi32>, vector<16xi32>, vector<16xi32>], vector<16xf32>,
      %gather3A_1381 = tpu.vector_load_idx %arg18[%add3A_57, %select_n3A_54, %broadcast_in_dim3A_1379] : memref<4x8x128xf32, #tpu.memory_space<vmem>>[vector<16xi32>, vector<16xi32>, vector<16xi32>], vector<16xf32>,
      %mul3A_1382 = arith.mulf %gather3A_1375, %gather3A_1380 : vector<16xf32>
      %mul3A_1383 = arith.mulf %mul3A_1382, %get3A_7 : vector<16xf32>
      %mul3A_1384 = arith.mulf %gather3A_1376, %gather3A_1381 : vector<16xf32>
      %mul3A_1385 = arith.mulf %mul3A_1384, %get3A_9 : vector<16xf32>
      %add3A_1386 = arith.addf %mul3A_1383, %mul3A_1385 : vector<16xf32>
      %reduce_sum3A_1387 = arith.constant true
      %reduce_sum3A_1388 = vector.broadcast %reduce_sum3A_1387 : i1 to vector<16xi1>
      %reduce_sum3A_1389 = tpu.scan <sum>, %add3A_1386 masked %reduce_sum3A_1388 : vector<16xf32>, vector<16xi1> -> vector<16xf32>
      %reduce_sum3A_1390 = vector.extract %reduce_sum3A_1389[15] : f32 from vector<16xf32>
      %eq3A_1391 = arith.constant 3 : i32
      %eq3A_1392 = vector.broadcast %eq3A_1391 : i32 to vector<16xi32>
      %eq3A_1393 = arith.cmpi eq, %iota3A, %eq3A_1392 : vector<16xi32>
      %add3A_1394 = vector.broadcast %reduce_sum3A_1390 : f32 to vector<16xf32>
      %add3A_1395 = arith.addf %select_n3A_1371, %add3A_1394 : vector<16xf32>
      %select_n3A_1396 = arith.select %eq3A_1393, %add3A_1395, %select_n3A_1371 : vector<16xi1>, vector<16xf32>
      %add3A_1397 = arith.constant 8 : i32
      %add3A_1398 = arith.addi %mul3A_672, %add3A_1397 : i32
      %get3A_1399 = arith.index_cast %add3A_1398 : i32 to index
      %get3A_1400 = tpu.vector_load %arg9[%get3A_1399] {strides = array<i32>} : memref<528xi32, #tpu.memory_space<vmem>>, vector<16xi32>,
      %get3A_1401 = arith.index_cast %add3A_1398 : i32 to index
      %get3A_1402 = tpu.vector_load %arg10[%get3A_1401] {strides = array<i32>} : memref<528xi32, #tpu.memory_space<vmem>>, vector<16xi32>,
      %and3A_1403 = arith.constant 127 : i32
      %and3A_1404 = vector.broadcast %and3A_1403 : i32 to vector<16xi32>
      %and3A_1405 = arith.andi %get3A_1400, %and3A_1404 : vector<16xi32>
      %sub3A_1406 = arith.subi %get3A_1400, %and3A_1405 : vector<16xi32>
      %and3A_1407 = arith.constant 127 : i32
      %and3A_1408 = vector.broadcast %and3A_1407 : i32 to vector<16xi32>
      %and3A_1409 = arith.andi %get3A_1402, %and3A_1408 : vector<16xi32>
      %sub3A_1410 = arith.subi %get3A_1402, %and3A_1409 : vector<16xi32>
      %slice3A_1411 = vector.extract_strided_slice %sub3A_1406 {offsets = [0], sizes = [1], strides = [1]} : vector<16xi32> to vector<1xi32>
      %squeeze3A_1412 = vector.extract %slice3A_1411[0] : i32 from vector<1xi32>
      %multiple_of3A_1413 = tpu.assume_multiple %squeeze3A_1412, 128 : i32
      %slice3A_1414 = vector.extract_strided_slice %sub3A_1410 {offsets = [0], sizes = [1], strides = [1]} : vector<16xi32> to vector<1xi32>
      %squeeze3A_1415 = vector.extract %slice3A_1414[0] : i32 from vector<1xi32>
      %multiple_of3A_1416 = tpu.assume_multiple %squeeze3A_1415, 128 : i32
      %dma_start3A_1417 = arith.constant 0 : i32
      %dma_start3A_1418 = arith.constant 0 : i32
      %dma_start3A_1419 = arith.constant 0 : i32
      %dma_start3A_1420 = arith.constant 0 : i32
      %dma_start3A_1421 = tpu.memref_slice %arg11[%dma_start3A_1418, %dma_start3A_1419, %dma_start3A_1420] : memref<4x8x128xf32, #tpu.memory_space<vmem>> -> memref<1x8x128xf32, #tpu.memory_space<vmem>>
      %dma_start3A_1422 = tpu.memref_squeeze %dma_start3A_1421 : memref<1x8x128xf32, #tpu.memory_space<vmem>> -> memref<8x128xf32, #tpu.memory_space<vmem>>
      %dma_start3A_1423 = arith.constant 0 : i32
      %dma_start3A_1424 = tpu.memref_slice %arg4[%dma_start3A_1417, %dma_start3A_1423, %multiple_of3A_1413] : memref<4x8x1000000xf32, #tpu.memory_space<hbm>> -> memref<1x8x128xf32, #tpu.memory_space<hbm>>
      %dma_start3A_1425 = tpu.memref_squeeze %dma_start3A_1424 : memref<1x8x128xf32, #tpu.memory_space<hbm>> -> memref<8x128xf32, #tpu.memory_space<hbm>>
      %dma_start3A_1426 = arith.constant 0 : i32
      %dma_start3A_1427 = arith.constant 0 : i32
      %dma_start3A_1428 = tpu.memref_slice %arg11[%dma_start3A_1418, %dma_start3A_1426, %dma_start3A_1427] : memref<4x8x128xf32, #tpu.memory_space<vmem>> -> memref<1x8x128xf32, #tpu.memory_space<vmem>>
      %dma_start3A_1429 = tpu.memref_squeeze %dma_start3A_1428 : memref<1x8x128xf32, #tpu.memory_space<vmem>> -> memref<8x128xf32, #tpu.memory_space<vmem>>
      %dma_start3A_1430 = arith.constant 0 : i32
      %dma_start3A_1431 = tpu.memref_slice %arg4[%dma_start3A_1417, %dma_start3A_1430, %multiple_of3A_1413] : memref<4x8x1000000xf32, #tpu.memory_space<hbm>> -> memref<1x8x128xf32, #tpu.memory_space<hbm>>
      %dma_start3A_1432 = tpu.memref_squeeze %dma_start3A_1431 : memref<1x8x128xf32, #tpu.memory_space<hbm>> -> memref<8x128xf32, #tpu.memory_space<hbm>>
      tpu.enqueue_dma source(%dma_start3A_1432 : memref<8x128xf32, #tpu.memory_space<hbm>>) target(%dma_start3A_1429 : memref<8x128xf32, #tpu.memory_space<vmem>>) target_semaphore(%arg30 : memref<!tpu.dma_semaphore, #tpu.memory_space<semaphore_mem>>)
      %dma_start3A_1433 = arith.constant 0 : i32
      %dma_start3A_1434 = arith.constant 0 : i32
      %dma_start3A_1435 = arith.constant 0 : i32
      %dma_start3A_1436 = arith.constant 0 : i32
      %dma_start3A_1437 = tpu.memref_slice %arg15[%dma_start3A_1434, %dma_start3A_1435, %dma_start3A_1436] : memref<4x8x128xf32, #tpu.memory_space<vmem>> -> memref<1x8x128xf32, #tpu.memory_space<vmem>>
      %dma_start3A_1438 = tpu.memref_squeeze %dma_start3A_1437 : memref<1x8x128xf32, #tpu.memory_space<vmem>> -> memref<8x128xf32, #tpu.memory_space<vmem>>
      %dma_start3A_1439 = arith.constant 0 : i32
      %dma_start3A_1440 = tpu.memref_slice %arg5[%dma_start3A_1433, %dma_start3A_1439, %multiple_of3A_1416] : memref<4x8x1000000xf32, #tpu.memory_space<hbm>> -> memref<1x8x128xf32, #tpu.memory_space<hbm>>
      %dma_start3A_1441 = tpu.memref_squeeze %dma_start3A_1440 : memref<1x8x128xf32, #tpu.memory_space<hbm>> -> memref<8x128xf32, #tpu.memory_space<hbm>>
      %dma_start3A_1442 = arith.constant 0 : i32
      %dma_start3A_1443 = arith.constant 0 : i32
      %dma_start3A_1444 = tpu.memref_slice %arg15[%dma_start3A_1434, %dma_start3A_1442, %dma_start3A_1443] : memref<4x8x128xf32, #tpu.memory_space<vmem>> -> memref<1x8x128xf32, #tpu.memory_space<vmem>>
      %dma_start3A_1445 = tpu.memref_squeeze %dma_start3A_1444 : memref<1x8x128xf32, #tpu.memory_space<vmem>> -> memref<8x128xf32, #tpu.memory_space<vmem>>
      %dma_start3A_1446 = arith.constant 0 : i32
      %dma_start3A_1447 = tpu.memref_slice %arg5[%dma_start3A_1433, %dma_start3A_1446, %multiple_of3A_1416] : memref<4x8x1000000xf32, #tpu.memory_space<hbm>> -> memref<1x8x128xf32, #tpu.memory_space<hbm>>
      %dma_start3A_1448 = tpu.memref_squeeze %dma_start3A_1447 : memref<1x8x128xf32, #tpu.memory_space<hbm>> -> memref<8x128xf32, #tpu.memory_space<hbm>>
      tpu.enqueue_dma source(%dma_start3A_1448 : memref<8x128xf32, #tpu.memory_space<hbm>>) target(%dma_start3A_1445 : memref<8x128xf32, #tpu.memory_space<vmem>>) target_semaphore(%arg31 : memref<!tpu.dma_semaphore, #tpu.memory_space<semaphore_mem>>)
      %dma_start3A_1449 = arith.constant 1 : i32
      %dma_start3A_1450 = arith.constant 1 : i32
      %dma_start3A_1451 = arith.constant 0 : i32
      %dma_start3A_1452 = arith.constant 0 : i32
      %dma_start3A_1453 = tpu.memref_slice %arg11[%dma_start3A_1450, %dma_start3A_1451, %dma_start3A_1452] : memref<4x8x128xf32, #tpu.memory_space<vmem>> -> memref<1x8x128xf32, #tpu.memory_space<vmem>>
      %dma_start3A_1454 = tpu.memref_squeeze %dma_start3A_1453 : memref<1x8x128xf32, #tpu.memory_space<vmem>> -> memref<8x128xf32, #tpu.memory_space<vmem>>
      %dma_start3A_1455 = arith.constant 0 : i32
      %dma_start3A_1456 = tpu.memref_slice %arg4[%dma_start3A_1449, %dma_start3A_1455, %multiple_of3A_1413] : memref<4x8x1000000xf32, #tpu.memory_space<hbm>> -> memref<1x8x128xf32, #tpu.memory_space<hbm>>
      %dma_start3A_1457 = tpu.memref_squeeze %dma_start3A_1456 : memref<1x8x128xf32, #tpu.memory_space<hbm>> -> memref<8x128xf32, #tpu.memory_space<hbm>>
      %dma_start3A_1458 = arith.constant 0 : i32
      %dma_start3A_1459 = arith.constant 0 : i32
      %dma_start3A_1460 = tpu.memref_slice %arg11[%dma_start3A_1450, %dma_start3A_1458, %dma_start3A_1459] : memref<4x8x128xf32, #tpu.memory_space<vmem>> -> memref<1x8x128xf32, #tpu.memory_space<vmem>>
      %dma_start3A_1461 = tpu.memref_squeeze %dma_start3A_1460 : memref<1x8x128xf32, #tpu.memory_space<vmem>> -> memref<8x128xf32, #tpu.memory_space<vmem>>
      %dma_start3A_1462 = arith.constant 0 : i32
      %dma_start3A_1463 = tpu.memref_slice %arg4[%dma_start3A_1449, %dma_start3A_1462, %multiple_of3A_1413] : memref<4x8x1000000xf32, #tpu.memory_space<hbm>> -> memref<1x8x128xf32, #tpu.memory_space<hbm>>
      %dma_start3A_1464 = tpu.memref_squeeze %dma_start3A_1463 : memref<1x8x128xf32, #tpu.memory_space<hbm>> -> memref<8x128xf32, #tpu.memory_space<hbm>>
      tpu.enqueue_dma source(%dma_start3A_1464 : memref<8x128xf32, #tpu.memory_space<hbm>>) target(%dma_start3A_1461 : memref<8x128xf32, #tpu.memory_space<vmem>>) target_semaphore(%arg30 : memref<!tpu.dma_semaphore, #tpu.memory_space<semaphore_mem>>)
      %dma_start3A_1465 = arith.constant 1 : i32
      %dma_start3A_1466 = arith.constant 1 : i32
      %dma_start3A_1467 = arith.constant 0 : i32
      %dma_start3A_1468 = arith.constant 0 : i32
      %dma_start3A_1469 = tpu.memref_slice %arg15[%dma_start3A_1466, %dma_start3A_1467, %dma_start3A_1468] : memref<4x8x128xf32, #tpu.memory_space<vmem>> -> memref<1x8x128xf32, #tpu.memory_space<vmem>>
      %dma_start3A_1470 = tpu.memref_squeeze %dma_start3A_1469 : memref<1x8x128xf32, #tpu.memory_space<vmem>> -> memref<8x128xf32, #tpu.memory_space<vmem>>
      %dma_start3A_1471 = arith.constant 0 : i32
      %dma_start3A_1472 = tpu.memref_slice %arg5[%dma_start3A_1465, %dma_start3A_1471, %multiple_of3A_1416] : memref<4x8x1000000xf32, #tpu.memory_space<hbm>> -> memref<1x8x128xf32, #tpu.memory_space<hbm>>
      %dma_start3A_1473 = tpu.memref_squeeze %dma_start3A_1472 : memref<1x8x128xf32, #tpu.memory_space<hbm>> -> memref<8x128xf32, #tpu.memory_space<hbm>>
      %dma_start3A_1474 = arith.constant 0 : i32
      %dma_start3A_1475 = arith.constant 0 : i32
      %dma_start3A_1476 = tpu.memref_slice %arg15[%dma_start3A_1466, %dma_start3A_1474, %dma_start3A_1475] : memref<4x8x128xf32, #tpu.memory_space<vmem>> -> memref<1x8x128xf32, #tpu.memory_space<vmem>>
      %dma_start3A_1477 = tpu.memref_squeeze %dma_start3A_1476 : memref<1x8x128xf32, #tpu.memory_space<vmem>> -> memref<8x128xf32, #tpu.memory_space<vmem>>
      %dma_start3A_1478 = arith.constant 0 : i32
      %dma_start3A_1479 = tpu.memref_slice %arg5[%dma_start3A_1465, %dma_start3A_1478, %multiple_of3A_1416] : memref<4x8x1000000xf32, #tpu.memory_space<hbm>> -> memref<1x8x128xf32, #tpu.memory_space<hbm>>
      %dma_start3A_1480 = tpu.memref_squeeze %dma_start3A_1479 : memref<1x8x128xf32, #tpu.memory_space<hbm>> -> memref<8x128xf32, #tpu.memory_space<hbm>>
      tpu.enqueue_dma source(%dma_start3A_1480 : memref<8x128xf32, #tpu.memory_space<hbm>>) target(%dma_start3A_1477 : memref<8x128xf32, #tpu.memory_space<vmem>>) target_semaphore(%arg31 : memref<!tpu.dma_semaphore, #tpu.memory_space<semaphore_mem>>)
      %dma_start3A_1481 = arith.constant 2 : i32
      %dma_start3A_1482 = arith.constant 2 : i32
      %dma_start3A_1483 = arith.constant 0 : i32
      %dma_start3A_1484 = arith.constant 0 : i32
      %dma_start3A_1485 = tpu.memref_slice %arg11[%dma_start3A_1482, %dma_start3A_1483, %dma_start3A_1484] : memref<4x8x128xf32, #tpu.memory_space<vmem>> -> memref<1x8x128xf32, #tpu.memory_space<vmem>>
      %dma_start3A_1486 = tpu.memref_squeeze %dma_start3A_1485 : memref<1x8x128xf32, #tpu.memory_space<vmem>> -> memref<8x128xf32, #tpu.memory_space<vmem>>
      %dma_start3A_1487 = arith.constant 0 : i32
      %dma_start3A_1488 = tpu.memref_slice %arg4[%dma_start3A_1481, %dma_start3A_1487, %multiple_of3A_1413] : memref<4x8x1000000xf32, #tpu.memory_space<hbm>> -> memref<1x8x128xf32, #tpu.memory_space<hbm>>
      %dma_start3A_1489 = tpu.memref_squeeze %dma_start3A_1488 : memref<1x8x128xf32, #tpu.memory_space<hbm>> -> memref<8x128xf32, #tpu.memory_space<hbm>>
      %dma_start3A_1490 = arith.constant 0 : i32
      %dma_start3A_1491 = arith.constant 0 : i32
      %dma_start3A_1492 = tpu.memref_slice %arg11[%dma_start3A_1482, %dma_start3A_1490, %dma_start3A_1491] : memref<4x8x128xf32, #tpu.memory_space<vmem>> -> memref<1x8x128xf32, #tpu.memory_space<vmem>>
      %dma_start3A_1493 = tpu.memref_squeeze %dma_start3A_1492 : memref<1x8x128xf32, #tpu.memory_space<vmem>> -> memref<8x128xf32, #tpu.memory_space<vmem>>
      %dma_start3A_1494 = arith.constant 0 : i32
      %dma_start3A_1495 = tpu.memref_slice %arg4[%dma_start3A_1481, %dma_start3A_1494, %multiple_of3A_1413] : memref<4x8x1000000xf32, #tpu.memory_space<hbm>> -> memref<1x8x128xf32, #tpu.memory_space<hbm>>
      %dma_start3A_1496 = tpu.memref_squeeze %dma_start3A_1495 : memref<1x8x128xf32, #tpu.memory_space<hbm>> -> memref<8x128xf32, #tpu.memory_space<hbm>>
      tpu.enqueue_dma source(%dma_start3A_1496 : memref<8x128xf32, #tpu.memory_space<hbm>>) target(%dma_start3A_1493 : memref<8x128xf32, #tpu.memory_space<vmem>>) target_semaphore(%arg30 : memref<!tpu.dma_semaphore, #tpu.memory_space<semaphore_mem>>)
      %dma_start3A_1497 = arith.constant 2 : i32
      %dma_start3A_1498 = arith.constant 2 : i32
      %dma_start3A_1499 = arith.constant 0 : i32
      %dma_start3A_1500 = arith.constant 0 : i32
      %dma_start3A_1501 = tpu.memref_slice %arg15[%dma_start3A_1498, %dma_start3A_1499, %dma_start3A_1500] : memref<4x8x128xf32, #tpu.memory_space<vmem>> -> memref<1x8x128xf32, #tpu.memory_space<vmem>>
      %dma_start3A_1502 = tpu.memref_squeeze %dma_start3A_1501 : memref<1x8x128xf32, #tpu.memory_space<vmem>> -> memref<8x128xf32, #tpu.memory_space<vmem>>
      %dma_start3A_1503 = arith.constant 0 : i32
      %dma_start3A_1504 = tpu.memref_slice %arg5[%dma_start3A_1497, %dma_start3A_1503, %multiple_of3A_1416] : memref<4x8x1000000xf32, #tpu.memory_space<hbm>> -> memref<1x8x128xf32, #tpu.memory_space<hbm>>
      %dma_start3A_1505 = tpu.memref_squeeze %dma_start3A_1504 : memref<1x8x128xf32, #tpu.memory_space<hbm>> -> memref<8x128xf32, #tpu.memory_space<hbm>>
      %dma_start3A_1506 = arith.constant 0 : i32
      %dma_start3A_1507 = arith.constant 0 : i32
      %dma_start3A_1508 = tpu.memref_slice %arg15[%dma_start3A_1498, %dma_start3A_1506, %dma_start3A_1507] : memref<4x8x128xf32, #tpu.memory_space<vmem>> -> memref<1x8x128xf32, #tpu.memory_space<vmem>>
      %dma_start3A_1509 = tpu.memref_squeeze %dma_start3A_1508 : memref<1x8x128xf32, #tpu.memory_space<vmem>> -> memref<8x128xf32, #tpu.memory_space<vmem>>
      %dma_start3A_1510 = arith.constant 0 : i32
      %dma_start3A_1511 = tpu.memref_slice %arg5[%dma_start3A_1497, %dma_start3A_1510, %multiple_of3A_1416] : memref<4x8x1000000xf32, #tpu.memory_space<hbm>> -> memref<1x8x128xf32, #tpu.memory_space<hbm>>
      %dma_start3A_1512 = tpu.memref_squeeze %dma_start3A_1511 : memref<1x8x128xf32, #tpu.memory_space<hbm>> -> memref<8x128xf32, #tpu.memory_space<hbm>>
      tpu.enqueue_dma source(%dma_start3A_1512 : memref<8x128xf32, #tpu.memory_space<hbm>>) target(%dma_start3A_1509 : memref<8x128xf32, #tpu.memory_space<vmem>>) target_semaphore(%arg31 : memref<!tpu.dma_semaphore, #tpu.memory_space<semaphore_mem>>)
      %dma_start3A_1513 = arith.constant 3 : i32
      %dma_start3A_1514 = arith.constant 3 : i32
      %dma_start3A_1515 = arith.constant 0 : i32
      %dma_start3A_1516 = arith.constant 0 : i32
      %dma_start3A_1517 = tpu.memref_slice %arg11[%dma_start3A_1514, %dma_start3A_1515, %dma_start3A_1516] : memref<4x8x128xf32, #tpu.memory_space<vmem>> -> memref<1x8x128xf32, #tpu.memory_space<vmem>>
      %dma_start3A_1518 = tpu.memref_squeeze %dma_start3A_1517 : memref<1x8x128xf32, #tpu.memory_space<vmem>> -> memref<8x128xf32, #tpu.memory_space<vmem>>
      %dma_start3A_1519 = arith.constant 0 : i32
      %dma_start3A_1520 = tpu.memref_slice %arg4[%dma_start3A_1513, %dma_start3A_1519, %multiple_of3A_1413] : memref<4x8x1000000xf32, #tpu.memory_space<hbm>> -> memref<1x8x128xf32, #tpu.memory_space<hbm>>
      %dma_start3A_1521 = tpu.memref_squeeze %dma_start3A_1520 : memref<1x8x128xf32, #tpu.memory_space<hbm>> -> memref<8x128xf32, #tpu.memory_space<hbm>>
      %dma_start3A_1522 = arith.constant 0 : i32
      %dma_start3A_1523 = arith.constant 0 : i32
      %dma_start3A_1524 = tpu.memref_slice %arg11[%dma_start3A_1514, %dma_start3A_1522, %dma_start3A_1523] : memref<4x8x128xf32, #tpu.memory_space<vmem>> -> memref<1x8x128xf32, #tpu.memory_space<vmem>>
      %dma_start3A_1525 = tpu.memref_squeeze %dma_start3A_1524 : memref<1x8x128xf32, #tpu.memory_space<vmem>> -> memref<8x128xf32, #tpu.memory_space<vmem>>
      %dma_start3A_1526 = arith.constant 0 : i32
      %dma_start3A_1527 = tpu.memref_slice %arg4[%dma_start3A_1513, %dma_start3A_1526, %multiple_of3A_1413] : memref<4x8x1000000xf32, #tpu.memory_space<hbm>> -> memref<1x8x128xf32, #tpu.memory_space<hbm>>
      %dma_start3A_1528 = tpu.memref_squeeze %dma_start3A_1527 : memref<1x8x128xf32, #tpu.memory_space<hbm>> -> memref<8x128xf32, #tpu.memory_space<hbm>>
      tpu.enqueue_dma source(%dma_start3A_1528 : memref<8x128xf32, #tpu.memory_space<hbm>>) target(%dma_start3A_1525 : memref<8x128xf32, #tpu.memory_space<vmem>>) target_semaphore(%arg30 : memref<!tpu.dma_semaphore, #tpu.memory_space<semaphore_mem>>)
      %dma_start3A_1529 = arith.constant 3 : i32
      %dma_start3A_1530 = arith.constant 3 : i32
      %dma_start3A_1531 = arith.constant 0 : i32
      %dma_start3A_1532 = arith.constant 0 : i32
      %dma_start3A_1533 = tpu.memref_slice %arg15[%dma_start3A_1530, %dma_start3A_1531, %dma_start3A_1532] : memref<4x8x128xf32, #tpu.memory_space<vmem>> -> memref<1x8x128xf32, #tpu.memory_space<vmem>>
      %dma_start3A_1534 = tpu.memref_squeeze %dma_start3A_1533 : memref<1x8x128xf32, #tpu.memory_space<vmem>> -> memref<8x128xf32, #tpu.memory_space<vmem>>
      %dma_start3A_1535 = arith.constant 0 : i32
      %dma_start3A_1536 = tpu.memref_slice %arg5[%dma_start3A_1529, %dma_start3A_1535, %multiple_of3A_1416] : memref<4x8x1000000xf32, #tpu.memory_space<hbm>> -> memref<1x8x128xf32, #tpu.memory_space<hbm>>
      %dma_start3A_1537 = tpu.memref_squeeze %dma_start3A_1536 : memref<1x8x128xf32, #tpu.memory_space<hbm>> -> memref<8x128xf32, #tpu.memory_space<hbm>>
      %dma_start3A_1538 = arith.constant 0 : i32
      %dma_start3A_1539 = arith.constant 0 : i32
      %dma_start3A_1540 = tpu.memref_slice %arg15[%dma_start3A_1530, %dma_start3A_1538, %dma_start3A_1539] : memref<4x8x128xf32, #tpu.memory_space<vmem>> -> memref<1x8x128xf32, #tpu.memory_space<vmem>>
      %dma_start3A_1541 = tpu.memref_squeeze %dma_start3A_1540 : memref<1x8x128xf32, #tpu.memory_space<vmem>> -> memref<8x128xf32, #tpu.memory_space<vmem>>
      %dma_start3A_1542 = arith.constant 0 : i32
      %dma_start3A_1543 = tpu.memref_slice %arg5[%dma_start3A_1529, %dma_start3A_1542, %multiple_of3A_1416] : memref<4x8x1000000xf32, #tpu.memory_space<hbm>> -> memref<1x8x128xf32, #tpu.memory_space<hbm>>
      %dma_start3A_1544 = tpu.memref_squeeze %dma_start3A_1543 : memref<1x8x128xf32, #tpu.memory_space<hbm>> -> memref<8x128xf32, #tpu.memory_space<hbm>>
      tpu.enqueue_dma source(%dma_start3A_1544 : memref<8x128xf32, #tpu.memory_space<hbm>>) target(%dma_start3A_1541 : memref<8x128xf32, #tpu.memory_space<vmem>>) target_semaphore(%arg31 : memref<!tpu.dma_semaphore, #tpu.memory_space<semaphore_mem>>)
      %slice3A_1545 = vector.extract_strided_slice %sub3A_1406 {offsets = [1], sizes = [1], strides = [1]} : vector<16xi32> to vector<1xi32>
      %squeeze3A_1546 = vector.extract %slice3A_1545[0] : i32 from vector<1xi32>
      %multiple_of3A_1547 = tpu.assume_multiple %squeeze3A_1546, 128 : i32
      %slice3A_1548 = vector.extract_strided_slice %sub3A_1410 {offsets = [1], sizes = [1], strides = [1]} : vector<16xi32> to vector<1xi32>
      %squeeze3A_1549 = vector.extract %slice3A_1548[0] : i32 from vector<1xi32>
      %multiple_of3A_1550 = tpu.assume_multiple %squeeze3A_1549, 128 : i32
      %dma_start3A_1551 = arith.constant 0 : i32
      %dma_start3A_1552 = arith.constant 0 : i32
      %dma_start3A_1553 = arith.constant 0 : i32
      %dma_start3A_1554 = arith.constant 0 : i32
      %dma_start3A_1555 = tpu.memref_slice %arg12[%dma_start3A_1552, %dma_start3A_1553, %dma_start3A_1554] : memref<4x8x128xf32, #tpu.memory_space<vmem>> -> memref<1x8x128xf32, #tpu.memory_space<vmem>>
      %dma_start3A_1556 = tpu.memref_squeeze %dma_start3A_1555 : memref<1x8x128xf32, #tpu.memory_space<vmem>> -> memref<8x128xf32, #tpu.memory_space<vmem>>
      %dma_start3A_1557 = arith.constant 0 : i32
      %dma_start3A_1558 = tpu.memref_slice %arg4[%dma_start3A_1551, %dma_start3A_1557, %multiple_of3A_1547] : memref<4x8x1000000xf32, #tpu.memory_space<hbm>> -> memref<1x8x128xf32, #tpu.memory_space<hbm>>
      %dma_start3A_1559 = tpu.memref_squeeze %dma_start3A_1558 : memref<1x8x128xf32, #tpu.memory_space<hbm>> -> memref<8x128xf32, #tpu.memory_space<hbm>>
      %dma_start3A_1560 = arith.constant 0 : i32
      %dma_start3A_1561 = arith.constant 0 : i32
      %dma_start3A_1562 = tpu.memref_slice %arg12[%dma_start3A_1552, %dma_start3A_1560, %dma_start3A_1561] : memref<4x8x128xf32, #tpu.memory_space<vmem>> -> memref<1x8x128xf32, #tpu.memory_space<vmem>>
      %dma_start3A_1563 = tpu.memref_squeeze %dma_start3A_1562 : memref<1x8x128xf32, #tpu.memory_space<vmem>> -> memref<8x128xf32, #tpu.memory_space<vmem>>
      %dma_start3A_1564 = arith.constant 0 : i32
      %dma_start3A_1565 = tpu.memref_slice %arg4[%dma_start3A_1551, %dma_start3A_1564, %multiple_of3A_1547] : memref<4x8x1000000xf32, #tpu.memory_space<hbm>> -> memref<1x8x128xf32, #tpu.memory_space<hbm>>
      %dma_start3A_1566 = tpu.memref_squeeze %dma_start3A_1565 : memref<1x8x128xf32, #tpu.memory_space<hbm>> -> memref<8x128xf32, #tpu.memory_space<hbm>>
      tpu.enqueue_dma source(%dma_start3A_1566 : memref<8x128xf32, #tpu.memory_space<hbm>>) target(%dma_start3A_1563 : memref<8x128xf32, #tpu.memory_space<vmem>>) target_semaphore(%arg30 : memref<!tpu.dma_semaphore, #tpu.memory_space<semaphore_mem>>)
      %dma_start3A_1567 = arith.constant 0 : i32
      %dma_start3A_1568 = arith.constant 0 : i32
      %dma_start3A_1569 = arith.constant 0 : i32
      %dma_start3A_1570 = arith.constant 0 : i32
      %dma_start3A_1571 = tpu.memref_slice %arg16[%dma_start3A_1568, %dma_start3A_1569, %dma_start3A_1570] : memref<4x8x128xf32, #tpu.memory_space<vmem>> -> memref<1x8x128xf32, #tpu.memory_space<vmem>>
      %dma_start3A_1572 = tpu.memref_squeeze %dma_start3A_1571 : memref<1x8x128xf32, #tpu.memory_space<vmem>> -> memref<8x128xf32, #tpu.memory_space<vmem>>
      %dma_start3A_1573 = arith.constant 0 : i32
      %dma_start3A_1574 = tpu.memref_slice %arg5[%dma_start3A_1567, %dma_start3A_1573, %multiple_of3A_1550] : memref<4x8x1000000xf32, #tpu.memory_space<hbm>> -> memref<1x8x128xf32, #tpu.memory_space<hbm>>
      %dma_start3A_1575 = tpu.memref_squeeze %dma_start3A_1574 : memref<1x8x128xf32, #tpu.memory_space<hbm>> -> memref<8x128xf32, #tpu.memory_space<hbm>>
      %dma_start3A_1576 = arith.constant 0 : i32
      %dma_start3A_1577 = arith.constant 0 : i32
      %dma_start3A_1578 = tpu.memref_slice %arg16[%dma_start3A_1568, %dma_start3A_1576, %dma_start3A_1577] : memref<4x8x128xf32, #tpu.memory_space<vmem>> -> memref<1x8x128xf32, #tpu.memory_space<vmem>>
      %dma_start3A_1579 = tpu.memref_squeeze %dma_start3A_1578 : memref<1x8x128xf32, #tpu.memory_space<vmem>> -> memref<8x128xf32, #tpu.memory_space<vmem>>
      %dma_start3A_1580 = arith.constant 0 : i32
      %dma_start3A_1581 = tpu.memref_slice %arg5[%dma_start3A_1567, %dma_start3A_1580, %multiple_of3A_1550] : memref<4x8x1000000xf32, #tpu.memory_space<hbm>> -> memref<1x8x128xf32, #tpu.memory_space<hbm>>
      %dma_start3A_1582 = tpu.memref_squeeze %dma_start3A_1581 : memref<1x8x128xf32, #tpu.memory_space<hbm>> -> memref<8x128xf32, #tpu.memory_space<hbm>>
      tpu.enqueue_dma source(%dma_start3A_1582 : memref<8x128xf32, #tpu.memory_space<hbm>>) target(%dma_start3A_1579 : memref<8x128xf32, #tpu.memory_space<vmem>>) target_semaphore(%arg31 : memref<!tpu.dma_semaphore, #tpu.memory_space<semaphore_mem>>)
      %dma_start3A_1583 = arith.constant 1 : i32
      %dma_start3A_1584 = arith.constant 1 : i32
      %dma_start3A_1585 = arith.constant 0 : i32
      %dma_start3A_1586 = arith.constant 0 : i32
      %dma_start3A_1587 = tpu.memref_slice %arg12[%dma_start3A_1584, %dma_start3A_1585, %dma_start3A_1586] : memref<4x8x128xf32, #tpu.memory_space<vmem>> -> memref<1x8x128xf32, #tpu.memory_space<vmem>>
      %dma_start3A_1588 = tpu.memref_squeeze %dma_start3A_1587 : memref<1x8x128xf32, #tpu.memory_space<vmem>> -> memref<8x128xf32, #tpu.memory_space<vmem>>
      %dma_start3A_1589 = arith.constant 0 : i32
      %dma_start3A_1590 = tpu.memref_slice %arg4[%dma_start3A_1583, %dma_start3A_1589, %multiple_of3A_1547] : memref<4x8x1000000xf32, #tpu.memory_space<hbm>> -> memref<1x8x128xf32, #tpu.memory_space<hbm>>
      %dma_start3A_1591 = tpu.memref_squeeze %dma_start3A_1590 : memref<1x8x128xf32, #tpu.memory_space<hbm>> -> memref<8x128xf32, #tpu.memory_space<hbm>>
      %dma_start3A_1592 = arith.constant 0 : i32
      %dma_start3A_1593 = arith.constant 0 : i32
      %dma_start3A_1594 = tpu.memref_slice %arg12[%dma_start3A_1584, %dma_start3A_1592, %dma_start3A_1593] : memref<4x8x128xf32, #tpu.memory_space<vmem>> -> memref<1x8x128xf32, #tpu.memory_space<vmem>>
      %dma_start3A_1595 = tpu.memref_squeeze %dma_start3A_1594 : memref<1x8x128xf32, #tpu.memory_space<vmem>> -> memref<8x128xf32, #tpu.memory_space<vmem>>
      %dma_start3A_1596 = arith.constant 0 : i32
      %dma_start3A_1597 = tpu.memref_slice %arg4[%dma_start3A_1583, %dma_start3A_1596, %multiple_of3A_1547] : memref<4x8x1000000xf32, #tpu.memory_space<hbm>> -> memref<1x8x128xf32, #tpu.memory_space<hbm>>
      %dma_start3A_1598 = tpu.memref_squeeze %dma_start3A_1597 : memref<1x8x128xf32, #tpu.memory_space<hbm>> -> memref<8x128xf32, #tpu.memory_space<hbm>>
      tpu.enqueue_dma source(%dma_start3A_1598 : memref<8x128xf32, #tpu.memory_space<hbm>>) target(%dma_start3A_1595 : memref<8x128xf32, #tpu.memory_space<vmem>>) target_semaphore(%arg30 : memref<!tpu.dma_semaphore, #tpu.memory_space<semaphore_mem>>)
      %dma_start3A_1599 = arith.constant 1 : i32
      %dma_start3A_1600 = arith.constant 1 : i32
      %dma_start3A_1601 = arith.constant 0 : i32
      %dma_start3A_1602 = arith.constant 0 : i32
      %dma_start3A_1603 = tpu.memref_slice %arg16[%dma_start3A_1600, %dma_start3A_1601, %dma_start3A_1602] : memref<4x8x128xf32, #tpu.memory_space<vmem>> -> memref<1x8x128xf32, #tpu.memory_space<vmem>>
      %dma_start3A_1604 = tpu.memref_squeeze %dma_start3A_1603 : memref<1x8x128xf32, #tpu.memory_space<vmem>> -> memref<8x128xf32, #tpu.memory_space<vmem>>
      %dma_start3A_1605 = arith.constant 0 : i32
      %dma_start3A_1606 = tpu.memref_slice %arg5[%dma_start3A_1599, %dma_start3A_1605, %multiple_of3A_1550] : memref<4x8x1000000xf32, #tpu.memory_space<hbm>> -> memref<1x8x128xf32, #tpu.memory_space<hbm>>
      %dma_start3A_1607 = tpu.memref_squeeze %dma_start3A_1606 : memref<1x8x128xf32, #tpu.memory_space<hbm>> -> memref<8x128xf32, #tpu.memory_space<hbm>>
      %dma_start3A_1608 = arith.constant 0 : i32
      %dma_start3A_1609 = arith.constant 0 : i32
      %dma_start3A_1610 = tpu.memref_slice %arg16[%dma_start3A_1600, %dma_start3A_1608, %dma_start3A_1609] : memref<4x8x128xf32, #tpu.memory_space<vmem>> -> memref<1x8x128xf32, #tpu.memory_space<vmem>>
      %dma_start3A_1611 = tpu.memref_squeeze %dma_start3A_1610 : memref<1x8x128xf32, #tpu.memory_space<vmem>> -> memref<8x128xf32, #tpu.memory_space<vmem>>
      %dma_start3A_1612 = arith.constant 0 : i32
      %dma_start3A_1613 = tpu.memref_slice %arg5[%dma_start3A_1599, %dma_start3A_1612, %multiple_of3A_1550] : memref<4x8x1000000xf32, #tpu.memory_space<hbm>> -> memref<1x8x128xf32, #tpu.memory_space<hbm>>
      %dma_start3A_1614 = tpu.memref_squeeze %dma_start3A_1613 : memref<1x8x128xf32, #tpu.memory_space<hbm>> -> memref<8x128xf32, #tpu.memory_space<hbm>>
      tpu.enqueue_dma source(%dma_start3A_1614 : memref<8x128xf32, #tpu.memory_space<hbm>>) target(%dma_start3A_1611 : memref<8x128xf32, #tpu.memory_space<vmem>>) target_semaphore(%arg31 : memref<!tpu.dma_semaphore, #tpu.memory_space<semaphore_mem>>)
      %dma_start3A_1615 = arith.constant 2 : i32
      %dma_start3A_1616 = arith.constant 2 : i32
      %dma_start3A_1617 = arith.constant 0 : i32
      %dma_start3A_1618 = arith.constant 0 : i32
      %dma_start3A_1619 = tpu.memref_slice %arg12[%dma_start3A_1616, %dma_start3A_1617, %dma_start3A_1618] : memref<4x8x128xf32, #tpu.memory_space<vmem>> -> memref<1x8x128xf32, #tpu.memory_space<vmem>>
      %dma_start3A_1620 = tpu.memref_squeeze %dma_start3A_1619 : memref<1x8x128xf32, #tpu.memory_space<vmem>> -> memref<8x128xf32, #tpu.memory_space<vmem>>
      %dma_start3A_1621 = arith.constant 0 : i32
      %dma_start3A_1622 = tpu.memref_slice %arg4[%dma_start3A_1615, %dma_start3A_1621, %multiple_of3A_1547] : memref<4x8x1000000xf32, #tpu.memory_space<hbm>> -> memref<1x8x128xf32, #tpu.memory_space<hbm>>
      %dma_start3A_1623 = tpu.memref_squeeze %dma_start3A_1622 : memref<1x8x128xf32, #tpu.memory_space<hbm>> -> memref<8x128xf32, #tpu.memory_space<hbm>>
      %dma_start3A_1624 = arith.constant 0 : i32
      %dma_start3A_1625 = arith.constant 0 : i32
      %dma_start3A_1626 = tpu.memref_slice %arg12[%dma_start3A_1616, %dma_start3A_1624, %dma_start3A_1625] : memref<4x8x128xf32, #tpu.memory_space<vmem>> -> memref<1x8x128xf32, #tpu.memory_space<vmem>>
      %dma_start3A_1627 = tpu.memref_squeeze %dma_start3A_1626 : memref<1x8x128xf32, #tpu.memory_space<vmem>> -> memref<8x128xf32, #tpu.memory_space<vmem>>
      %dma_start3A_1628 = arith.constant 0 : i32
      %dma_start3A_1629 = tpu.memref_slice %arg4[%dma_start3A_1615, %dma_start3A_1628, %multiple_of3A_1547] : memref<4x8x1000000xf32, #tpu.memory_space<hbm>> -> memref<1x8x128xf32, #tpu.memory_space<hbm>>
      %dma_start3A_1630 = tpu.memref_squeeze %dma_start3A_1629 : memref<1x8x128xf32, #tpu.memory_space<hbm>> -> memref<8x128xf32, #tpu.memory_space<hbm>>
      tpu.enqueue_dma source(%dma_start3A_1630 : memref<8x128xf32, #tpu.memory_space<hbm>>) target(%dma_start3A_1627 : memref<8x128xf32, #tpu.memory_space<vmem>>) target_semaphore(%arg30 : memref<!tpu.dma_semaphore, #tpu.memory_space<semaphore_mem>>)
      %dma_start3A_1631 = arith.constant 2 : i32
      %dma_start3A_1632 = arith.constant 2 : i32
      %dma_start3A_1633 = arith.constant 0 : i32
      %dma_start3A_1634 = arith.constant 0 : i32
      %dma_start3A_1635 = tpu.memref_slice %arg16[%dma_start3A_1632, %dma_start3A_1633, %dma_start3A_1634] : memref<4x8x128xf32, #tpu.memory_space<vmem>> -> memref<1x8x128xf32, #tpu.memory_space<vmem>>
      %dma_start3A_1636 = tpu.memref_squeeze %dma_start3A_1635 : memref<1x8x128xf32, #tpu.memory_space<vmem>> -> memref<8x128xf32, #tpu.memory_space<vmem>>
      %dma_start3A_1637 = arith.constant 0 : i32
      %dma_start3A_1638 = tpu.memref_slice %arg5[%dma_start3A_1631, %dma_start3A_1637, %multiple_of3A_1550] : memref<4x8x1000000xf32, #tpu.memory_space<hbm>> -> memref<1x8x128xf32, #tpu.memory_space<hbm>>
      %dma_start3A_1639 = tpu.memref_squeeze %dma_start3A_1638 : memref<1x8x128xf32, #tpu.memory_space<hbm>> -> memref<8x128xf32, #tpu.memory_space<hbm>>
      %dma_start3A_1640 = arith.constant 0 : i32
      %dma_start3A_1641 = arith.constant 0 : i32
      %dma_start3A_1642 = tpu.memref_slice %arg16[%dma_start3A_1632, %dma_start3A_1640, %dma_start3A_1641] : memref<4x8x128xf32, #tpu.memory_space<vmem>> -> memref<1x8x128xf32, #tpu.memory_space<vmem>>
      %dma_start3A_1643 = tpu.memref_squeeze %dma_start3A_1642 : memref<1x8x128xf32, #tpu.memory_space<vmem>> -> memref<8x128xf32, #tpu.memory_space<vmem>>
      %dma_start3A_1644 = arith.constant 0 : i32
      %dma_start3A_1645 = tpu.memref_slice %arg5[%dma_start3A_1631, %dma_start3A_1644, %multiple_of3A_1550] : memref<4x8x1000000xf32, #tpu.memory_space<hbm>> -> memref<1x8x128xf32, #tpu.memory_space<hbm>>
      %dma_start3A_1646 = tpu.memref_squeeze %dma_start3A_1645 : memref<1x8x128xf32, #tpu.memory_space<hbm>> -> memref<8x128xf32, #tpu.memory_space<hbm>>
      tpu.enqueue_dma source(%dma_start3A_1646 : memref<8x128xf32, #tpu.memory_space<hbm>>) target(%dma_start3A_1643 : memref<8x128xf32, #tpu.memory_space<vmem>>) target_semaphore(%arg31 : memref<!tpu.dma_semaphore, #tpu.memory_space<semaphore_mem>>)
      %dma_start3A_1647 = arith.constant 3 : i32
      %dma_start3A_1648 = arith.constant 3 : i32
      %dma_start3A_1649 = arith.constant 0 : i32
      %dma_start3A_1650 = arith.constant 0 : i32
      %dma_start3A_1651 = tpu.memref_slice %arg12[%dma_start3A_1648, %dma_start3A_1649, %dma_start3A_1650] : memref<4x8x128xf32, #tpu.memory_space<vmem>> -> memref<1x8x128xf32, #tpu.memory_space<vmem>>
      %dma_start3A_1652 = tpu.memref_squeeze %dma_start3A_1651 : memref<1x8x128xf32, #tpu.memory_space<vmem>> -> memref<8x128xf32, #tpu.memory_space<vmem>>
      %dma_start3A_1653 = arith.constant 0 : i32
      %dma_start3A_1654 = tpu.memref_slice %arg4[%dma_start3A_1647, %dma_start3A_1653, %multiple_of3A_1547] : memref<4x8x1000000xf32, #tpu.memory_space<hbm>> -> memref<1x8x128xf32, #tpu.memory_space<hbm>>
      %dma_start3A_1655 = tpu.memref_squeeze %dma_start3A_1654 : memref<1x8x128xf32, #tpu.memory_space<hbm>> -> memref<8x128xf32, #tpu.memory_space<hbm>>
      %dma_start3A_1656 = arith.constant 0 : i32
      %dma_start3A_1657 = arith.constant 0 : i32
      %dma_start3A_1658 = tpu.memref_slice %arg12[%dma_start3A_1648, %dma_start3A_1656, %dma_start3A_1657] : memref<4x8x128xf32, #tpu.memory_space<vmem>> -> memref<1x8x128xf32, #tpu.memory_space<vmem>>
      %dma_start3A_1659 = tpu.memref_squeeze %dma_start3A_1658 : memref<1x8x128xf32, #tpu.memory_space<vmem>> -> memref<8x128xf32, #tpu.memory_space<vmem>>
      %dma_start3A_1660 = arith.constant 0 : i32
      %dma_start3A_1661 = tpu.memref_slice %arg4[%dma_start3A_1647, %dma_start3A_1660, %multiple_of3A_1547] : memref<4x8x1000000xf32, #tpu.memory_space<hbm>> -> memref<1x8x128xf32, #tpu.memory_space<hbm>>
      %dma_start3A_1662 = tpu.memref_squeeze %dma_start3A_1661 : memref<1x8x128xf32, #tpu.memory_space<hbm>> -> memref<8x128xf32, #tpu.memory_space<hbm>>
      tpu.enqueue_dma source(%dma_start3A_1662 : memref<8x128xf32, #tpu.memory_space<hbm>>) target(%dma_start3A_1659 : memref<8x128xf32, #tpu.memory_space<vmem>>) target_semaphore(%arg30 : memref<!tpu.dma_semaphore, #tpu.memory_space<semaphore_mem>>)
      %dma_start3A_1663 = arith.constant 3 : i32
      %dma_start3A_1664 = arith.constant 3 : i32
      %dma_start3A_1665 = arith.constant 0 : i32
      %dma_start3A_1666 = arith.constant 0 : i32
      %dma_start3A_1667 = tpu.memref_slice %arg16[%dma_start3A_1664, %dma_start3A_1665, %dma_start3A_1666] : memref<4x8x128xf32, #tpu.memory_space<vmem>> -> memref<1x8x128xf32, #tpu.memory_space<vmem>>
      %dma_start3A_1668 = tpu.memref_squeeze %dma_start3A_1667 : memref<1x8x128xf32, #tpu.memory_space<vmem>> -> memref<8x128xf32, #tpu.memory_space<vmem>>
      %dma_start3A_1669 = arith.constant 0 : i32
      %dma_start3A_1670 = tpu.memref_slice %arg5[%dma_start3A_1663, %dma_start3A_1669, %multiple_of3A_1550] : memref<4x8x1000000xf32, #tpu.memory_space<hbm>> -> memref<1x8x128xf32, #tpu.memory_space<hbm>>
      %dma_start3A_1671 = tpu.memref_squeeze %dma_start3A_1670 : memref<1x8x128xf32, #tpu.memory_space<hbm>> -> memref<8x128xf32, #tpu.memory_space<hbm>>
      %dma_start3A_1672 = arith.constant 0 : i32
      %dma_start3A_1673 = arith.constant 0 : i32
      %dma_start3A_1674 = tpu.memref_slice %arg16[%dma_start3A_1664, %dma_start3A_1672, %dma_start3A_1673] : memref<4x8x128xf32, #tpu.memory_space<vmem>> -> memref<1x8x128xf32, #tpu.memory_space<vmem>>
      %dma_start3A_1675 = tpu.memref_squeeze %dma_start3A_1674 : memref<1x8x128xf32, #tpu.memory_space<vmem>> -> memref<8x128xf32, #tpu.memory_space<vmem>>
      %dma_start3A_1676 = arith.constant 0 : i32
      %dma_start3A_1677 = tpu.memref_slice %arg5[%dma_start3A_1663, %dma_start3A_1676, %multiple_of3A_1550] : memref<4x8x1000000xf32, #tpu.memory_space<hbm>> -> memref<1x8x128xf32, #tpu.memory_space<hbm>>
      %dma_start3A_1678 = tpu.memref_squeeze %dma_start3A_1677 : memref<1x8x128xf32, #tpu.memory_space<hbm>> -> memref<8x128xf32, #tpu.memory_space<hbm>>
      tpu.enqueue_dma source(%dma_start3A_1678 : memref<8x128xf32, #tpu.memory_space<hbm>>) target(%dma_start3A_1675 : memref<8x128xf32, #tpu.memory_space<vmem>>) target_semaphore(%arg31 : memref<!tpu.dma_semaphore, #tpu.memory_space<semaphore_mem>>)
      %slice3A_1679 = vector.extract_strided_slice %sub3A_1406 {offsets = [2], sizes = [1], strides = [1]} : vector<16xi32> to vector<1xi32>
      %squeeze3A_1680 = vector.extract %slice3A_1679[0] : i32 from vector<1xi32>
      %multiple_of3A_1681 = tpu.assume_multiple %squeeze3A_1680, 128 : i32
      %slice3A_1682 = vector.extract_strided_slice %sub3A_1410 {offsets = [2], sizes = [1], strides = [1]} : vector<16xi32> to vector<1xi32>
      %squeeze3A_1683 = vector.extract %slice3A_1682[0] : i32 from vector<1xi32>
      %multiple_of3A_1684 = tpu.assume_multiple %squeeze3A_1683, 128 : i32
      %dma_start3A_1685 = arith.constant 0 : i32
      %dma_start3A_1686 = arith.constant 0 : i32
      %dma_start3A_1687 = arith.constant 0 : i32
      %dma_start3A_1688 = arith.constant 0 : i32
      %dma_start3A_1689 = tpu.memref_slice %arg13[%dma_start3A_1686, %dma_start3A_1687, %dma_start3A_1688] : memref<4x8x128xf32, #tpu.memory_space<vmem>> -> memref<1x8x128xf32, #tpu.memory_space<vmem>>
      %dma_start3A_1690 = tpu.memref_squeeze %dma_start3A_1689 : memref<1x8x128xf32, #tpu.memory_space<vmem>> -> memref<8x128xf32, #tpu.memory_space<vmem>>
      %dma_start3A_1691 = arith.constant 0 : i32
      %dma_start3A_1692 = tpu.memref_slice %arg4[%dma_start3A_1685, %dma_start3A_1691, %multiple_of3A_1681] : memref<4x8x1000000xf32, #tpu.memory_space<hbm>> -> memref<1x8x128xf32, #tpu.memory_space<hbm>>
      %dma_start3A_1693 = tpu.memref_squeeze %dma_start3A_1692 : memref<1x8x128xf32, #tpu.memory_space<hbm>> -> memref<8x128xf32, #tpu.memory_space<hbm>>
      %dma_start3A_1694 = arith.constant 0 : i32
      %dma_start3A_1695 = arith.constant 0 : i32
      %dma_start3A_1696 = tpu.memref_slice %arg13[%dma_start3A_1686, %dma_start3A_1694, %dma_start3A_1695] : memref<4x8x128xf32, #tpu.memory_space<vmem>> -> memref<1x8x128xf32, #tpu.memory_space<vmem>>
      %dma_start3A_1697 = tpu.memref_squeeze %dma_start3A_1696 : memref<1x8x128xf32, #tpu.memory_space<vmem>> -> memref<8x128xf32, #tpu.memory_space<vmem>>
      %dma_start3A_1698 = arith.constant 0 : i32
      %dma_start3A_1699 = tpu.memref_slice %arg4[%dma_start3A_1685, %dma_start3A_1698, %multiple_of3A_1681] : memref<4x8x1000000xf32, #tpu.memory_space<hbm>> -> memref<1x8x128xf32, #tpu.memory_space<hbm>>
      %dma_start3A_1700 = tpu.memref_squeeze %dma_start3A_1699 : memref<1x8x128xf32, #tpu.memory_space<hbm>> -> memref<8x128xf32, #tpu.memory_space<hbm>>
      tpu.enqueue_dma source(%dma_start3A_1700 : memref<8x128xf32, #tpu.memory_space<hbm>>) target(%dma_start3A_1697 : memref<8x128xf32, #tpu.memory_space<vmem>>) target_semaphore(%arg30 : memref<!tpu.dma_semaphore, #tpu.memory_space<semaphore_mem>>)
      %dma_start3A_1701 = arith.constant 0 : i32
      %dma_start3A_1702 = arith.constant 0 : i32
      %dma_start3A_1703 = arith.constant 0 : i32
      %dma_start3A_1704 = arith.constant 0 : i32
      %dma_start3A_1705 = tpu.memref_slice %arg17[%dma_start3A_1702, %dma_start3A_1703, %dma_start3A_1704] : memref<4x8x128xf32, #tpu.memory_space<vmem>> -> memref<1x8x128xf32, #tpu.memory_space<vmem>>
      %dma_start3A_1706 = tpu.memref_squeeze %dma_start3A_1705 : memref<1x8x128xf32, #tpu.memory_space<vmem>> -> memref<8x128xf32, #tpu.memory_space<vmem>>
      %dma_start3A_1707 = arith.constant 0 : i32
      %dma_start3A_1708 = tpu.memref_slice %arg5[%dma_start3A_1701, %dma_start3A_1707, %multiple_of3A_1684] : memref<4x8x1000000xf32, #tpu.memory_space<hbm>> -> memref<1x8x128xf32, #tpu.memory_space<hbm>>
      %dma_start3A_1709 = tpu.memref_squeeze %dma_start3A_1708 : memref<1x8x128xf32, #tpu.memory_space<hbm>> -> memref<8x128xf32, #tpu.memory_space<hbm>>
      %dma_start3A_1710 = arith.constant 0 : i32
      %dma_start3A_1711 = arith.constant 0 : i32
      %dma_start3A_1712 = tpu.memref_slice %arg17[%dma_start3A_1702, %dma_start3A_1710, %dma_start3A_1711] : memref<4x8x128xf32, #tpu.memory_space<vmem>> -> memref<1x8x128xf32, #tpu.memory_space<vmem>>
      %dma_start3A_1713 = tpu.memref_squeeze %dma_start3A_1712 : memref<1x8x128xf32, #tpu.memory_space<vmem>> -> memref<8x128xf32, #tpu.memory_space<vmem>>
      %dma_start3A_1714 = arith.constant 0 : i32
      %dma_start3A_1715 = tpu.memref_slice %arg5[%dma_start3A_1701, %dma_start3A_1714, %multiple_of3A_1684] : memref<4x8x1000000xf32, #tpu.memory_space<hbm>> -> memref<1x8x128xf32, #tpu.memory_space<hbm>>
      %dma_start3A_1716 = tpu.memref_squeeze %dma_start3A_1715 : memref<1x8x128xf32, #tpu.memory_space<hbm>> -> memref<8x128xf32, #tpu.memory_space<hbm>>
      tpu.enqueue_dma source(%dma_start3A_1716 : memref<8x128xf32, #tpu.memory_space<hbm>>) target(%dma_start3A_1713 : memref<8x128xf32, #tpu.memory_space<vmem>>) target_semaphore(%arg31 : memref<!tpu.dma_semaphore, #tpu.memory_space<semaphore_mem>>)
      %dma_start3A_1717 = arith.constant 1 : i32
      %dma_start3A_1718 = arith.constant 1 : i32
      %dma_start3A_1719 = arith.constant 0 : i32
      %dma_start3A_1720 = arith.constant 0 : i32
      %dma_start3A_1721 = tpu.memref_slice %arg13[%dma_start3A_1718, %dma_start3A_1719, %dma_start3A_1720] : memref<4x8x128xf32, #tpu.memory_space<vmem>> -> memref<1x8x128xf32, #tpu.memory_space<vmem>>
      %dma_start3A_1722 = tpu.memref_squeeze %dma_start3A_1721 : memref<1x8x128xf32, #tpu.memory_space<vmem>> -> memref<8x128xf32, #tpu.memory_space<vmem>>
      %dma_start3A_1723 = arith.constant 0 : i32
      %dma_start3A_1724 = tpu.memref_slice %arg4[%dma_start3A_1717, %dma_start3A_1723, %multiple_of3A_1681] : memref<4x8x1000000xf32, #tpu.memory_space<hbm>> -> memref<1x8x128xf32, #tpu.memory_space<hbm>>
      %dma_start3A_1725 = tpu.memref_squeeze %dma_start3A_1724 : memref<1x8x128xf32, #tpu.memory_space<hbm>> -> memref<8x128xf32, #tpu.memory_space<hbm>>
      %dma_start3A_1726 = arith.constant 0 : i32
      %dma_start3A_1727 = arith.constant 0 : i32
      %dma_start3A_1728 = tpu.memref_slice %arg13[%dma_start3A_1718, %dma_start3A_1726, %dma_start3A_1727] : memref<4x8x128xf32, #tpu.memory_space<vmem>> -> memref<1x8x128xf32, #tpu.memory_space<vmem>>
      %dma_start3A_1729 = tpu.memref_squeeze %dma_start3A_1728 : memref<1x8x128xf32, #tpu.memory_space<vmem>> -> memref<8x128xf32, #tpu.memory_space<vmem>>
      %dma_start3A_1730 = arith.constant 0 : i32
      %dma_start3A_1731 = tpu.memref_slice %arg4[%dma_start3A_1717, %dma_start3A_1730, %multiple_of3A_1681] : memref<4x8x1000000xf32, #tpu.memory_space<hbm>> -> memref<1x8x128xf32, #tpu.memory_space<hbm>>
      %dma_start3A_1732 = tpu.memref_squeeze %dma_start3A_1731 : memref<1x8x128xf32, #tpu.memory_space<hbm>> -> memref<8x128xf32, #tpu.memory_space<hbm>>
      tpu.enqueue_dma source(%dma_start3A_1732 : memref<8x128xf32, #tpu.memory_space<hbm>>) target(%dma_start3A_1729 : memref<8x128xf32, #tpu.memory_space<vmem>>) target_semaphore(%arg30 : memref<!tpu.dma_semaphore, #tpu.memory_space<semaphore_mem>>)
      %dma_start3A_1733 = arith.constant 1 : i32
      %dma_start3A_1734 = arith.constant 1 : i32
      %dma_start3A_1735 = arith.constant 0 : i32
      %dma_start3A_1736 = arith.constant 0 : i32
      %dma_start3A_1737 = tpu.memref_slice %arg17[%dma_start3A_1734, %dma_start3A_1735, %dma_start3A_1736] : memref<4x8x128xf32, #tpu.memory_space<vmem>> -> memref<1x8x128xf32, #tpu.memory_space<vmem>>
      %dma_start3A_1738 = tpu.memref_squeeze %dma_start3A_1737 : memref<1x8x128xf32, #tpu.memory_space<vmem>> -> memref<8x128xf32, #tpu.memory_space<vmem>>
      %dma_start3A_1739 = arith.constant 0 : i32
      %dma_start3A_1740 = tpu.memref_slice %arg5[%dma_start3A_1733, %dma_start3A_1739, %multiple_of3A_1684] : memref<4x8x1000000xf32, #tpu.memory_space<hbm>> -> memref<1x8x128xf32, #tpu.memory_space<hbm>>
      %dma_start3A_1741 = tpu.memref_squeeze %dma_start3A_1740 : memref<1x8x128xf32, #tpu.memory_space<hbm>> -> memref<8x128xf32, #tpu.memory_space<hbm>>
      %dma_start3A_1742 = arith.constant 0 : i32
      %dma_start3A_1743 = arith.constant 0 : i32
      %dma_start3A_1744 = tpu.memref_slice %arg17[%dma_start3A_1734, %dma_start3A_1742, %dma_start3A_1743] : memref<4x8x128xf32, #tpu.memory_space<vmem>> -> memref<1x8x128xf32, #tpu.memory_space<vmem>>
      %dma_start3A_1745 = tpu.memref_squeeze %dma_start3A_1744 : memref<1x8x128xf32, #tpu.memory_space<vmem>> -> memref<8x128xf32, #tpu.memory_space<vmem>>
      %dma_start3A_1746 = arith.constant 0 : i32
      %dma_start3A_1747 = tpu.memref_slice %arg5[%dma_start3A_1733, %dma_start3A_1746, %multiple_of3A_1684] : memref<4x8x1000000xf32, #tpu.memory_space<hbm>> -> memref<1x8x128xf32, #tpu.memory_space<hbm>>
      %dma_start3A_1748 = tpu.memref_squeeze %dma_start3A_1747 : memref<1x8x128xf32, #tpu.memory_space<hbm>> -> memref<8x128xf32, #tpu.memory_space<hbm>>
      tpu.enqueue_dma source(%dma_start3A_1748 : memref<8x128xf32, #tpu.memory_space<hbm>>) target(%dma_start3A_1745 : memref<8x128xf32, #tpu.memory_space<vmem>>) target_semaphore(%arg31 : memref<!tpu.dma_semaphore, #tpu.memory_space<semaphore_mem>>)
      %dma_start3A_1749 = arith.constant 2 : i32
      %dma_start3A_1750 = arith.constant 2 : i32
      %dma_start3A_1751 = arith.constant 0 : i32
      %dma_start3A_1752 = arith.constant 0 : i32
      %dma_start3A_1753 = tpu.memref_slice %arg13[%dma_start3A_1750, %dma_start3A_1751, %dma_start3A_1752] : memref<4x8x128xf32, #tpu.memory_space<vmem>> -> memref<1x8x128xf32, #tpu.memory_space<vmem>>
      %dma_start3A_1754 = tpu.memref_squeeze %dma_start3A_1753 : memref<1x8x128xf32, #tpu.memory_space<vmem>> -> memref<8x128xf32, #tpu.memory_space<vmem>>
      %dma_start3A_1755 = arith.constant 0 : i32
      %dma_start3A_1756 = tpu.memref_slice %arg4[%dma_start3A_1749, %dma_start3A_1755, %multiple_of3A_1681] : memref<4x8x1000000xf32, #tpu.memory_space<hbm>> -> memref<1x8x128xf32, #tpu.memory_space<hbm>>
      %dma_start3A_1757 = tpu.memref_squeeze %dma_start3A_1756 : memref<1x8x128xf32, #tpu.memory_space<hbm>> -> memref<8x128xf32, #tpu.memory_space<hbm>>
      %dma_start3A_1758 = arith.constant 0 : i32
      %dma_start3A_1759 = arith.constant 0 : i32
      %dma_start3A_1760 = tpu.memref_slice %arg13[%dma_start3A_1750, %dma_start3A_1758, %dma_start3A_1759] : memref<4x8x128xf32, #tpu.memory_space<vmem>> -> memref<1x8x128xf32, #tpu.memory_space<vmem>>
      %dma_start3A_1761 = tpu.memref_squeeze %dma_start3A_1760 : memref<1x8x128xf32, #tpu.memory_space<vmem>> -> memref<8x128xf32, #tpu.memory_space<vmem>>
      %dma_start3A_1762 = arith.constant 0 : i32
      %dma_start3A_1763 = tpu.memref_slice %arg4[%dma_start3A_1749, %dma_start3A_1762, %multiple_of3A_1681] : memref<4x8x1000000xf32, #tpu.memory_space<hbm>> -> memref<1x8x128xf32, #tpu.memory_space<hbm>>
      %dma_start3A_1764 = tpu.memref_squeeze %dma_start3A_1763 : memref<1x8x128xf32, #tpu.memory_space<hbm>> -> memref<8x128xf32, #tpu.memory_space<hbm>>
      tpu.enqueue_dma source(%dma_start3A_1764 : memref<8x128xf32, #tpu.memory_space<hbm>>) target(%dma_start3A_1761 : memref<8x128xf32, #tpu.memory_space<vmem>>) target_semaphore(%arg30 : memref<!tpu.dma_semaphore, #tpu.memory_space<semaphore_mem>>)
      %dma_start3A_1765 = arith.constant 2 : i32
      %dma_start3A_1766 = arith.constant 2 : i32
      %dma_start3A_1767 = arith.constant 0 : i32
      %dma_start3A_1768 = arith.constant 0 : i32
      %dma_start3A_1769 = tpu.memref_slice %arg17[%dma_start3A_1766, %dma_start3A_1767, %dma_start3A_1768] : memref<4x8x128xf32, #tpu.memory_space<vmem>> -> memref<1x8x128xf32, #tpu.memory_space<vmem>>
      %dma_start3A_1770 = tpu.memref_squeeze %dma_start3A_1769 : memref<1x8x128xf32, #tpu.memory_space<vmem>> -> memref<8x128xf32, #tpu.memory_space<vmem>>
      %dma_start3A_1771 = arith.constant 0 : i32
      %dma_start3A_1772 = tpu.memref_slice %arg5[%dma_start3A_1765, %dma_start3A_1771, %multiple_of3A_1684] : memref<4x8x1000000xf32, #tpu.memory_space<hbm>> -> memref<1x8x128xf32, #tpu.memory_space<hbm>>
      %dma_start3A_1773 = tpu.memref_squeeze %dma_start3A_1772 : memref<1x8x128xf32, #tpu.memory_space<hbm>> -> memref<8x128xf32, #tpu.memory_space<hbm>>
      %dma_start3A_1774 = arith.constant 0 : i32
      %dma_start3A_1775 = arith.constant 0 : i32
      %dma_start3A_1776 = tpu.memref_slice %arg17[%dma_start3A_1766, %dma_start3A_1774, %dma_start3A_1775] : memref<4x8x128xf32, #tpu.memory_space<vmem>> -> memref<1x8x128xf32, #tpu.memory_space<vmem>>
      %dma_start3A_1777 = tpu.memref_squeeze %dma_start3A_1776 : memref<1x8x128xf32, #tpu.memory_space<vmem>> -> memref<8x128xf32, #tpu.memory_space<vmem>>
      %dma_start3A_1778 = arith.constant 0 : i32
      %dma_start3A_1779 = tpu.memref_slice %arg5[%dma_start3A_1765, %dma_start3A_1778, %multiple_of3A_1684] : memref<4x8x1000000xf32, #tpu.memory_space<hbm>> -> memref<1x8x128xf32, #tpu.memory_space<hbm>>
      %dma_start3A_1780 = tpu.memref_squeeze %dma_start3A_1779 : memref<1x8x128xf32, #tpu.memory_space<hbm>> -> memref<8x128xf32, #tpu.memory_space<hbm>>
      tpu.enqueue_dma source(%dma_start3A_1780 : memref<8x128xf32, #tpu.memory_space<hbm>>) target(%dma_start3A_1777 : memref<8x128xf32, #tpu.memory_space<vmem>>) target_semaphore(%arg31 : memref<!tpu.dma_semaphore, #tpu.memory_space<semaphore_mem>>)
      %dma_start3A_1781 = arith.constant 3 : i32
      %dma_start3A_1782 = arith.constant 3 : i32
      %dma_start3A_1783 = arith.constant 0 : i32
      %dma_start3A_1784 = arith.constant 0 : i32
      %dma_start3A_1785 = tpu.memref_slice %arg13[%dma_start3A_1782, %dma_start3A_1783, %dma_start3A_1784] : memref<4x8x128xf32, #tpu.memory_space<vmem>> -> memref<1x8x128xf32, #tpu.memory_space<vmem>>
      %dma_start3A_1786 = tpu.memref_squeeze %dma_start3A_1785 : memref<1x8x128xf32, #tpu.memory_space<vmem>> -> memref<8x128xf32, #tpu.memory_space<vmem>>
      %dma_start3A_1787 = arith.constant 0 : i32
      %dma_start3A_1788 = tpu.memref_slice %arg4[%dma_start3A_1781, %dma_start3A_1787, %multiple_of3A_1681] : memref<4x8x1000000xf32, #tpu.memory_space<hbm>> -> memref<1x8x128xf32, #tpu.memory_space<hbm>>
      %dma_start3A_1789 = tpu.memref_squeeze %dma_start3A_1788 : memref<1x8x128xf32, #tpu.memory_space<hbm>> -> memref<8x128xf32, #tpu.memory_space<hbm>>
      %dma_start3A_1790 = arith.constant 0 : i32
      %dma_start3A_1791 = arith.constant 0 : i32
      %dma_start3A_1792 = tpu.memref_slice %arg13[%dma_start3A_1782, %dma_start3A_1790, %dma_start3A_1791] : memref<4x8x128xf32, #tpu.memory_space<vmem>> -> memref<1x8x128xf32, #tpu.memory_space<vmem>>
      %dma_start3A_1793 = tpu.memref_squeeze %dma_start3A_1792 : memref<1x8x128xf32, #tpu.memory_space<vmem>> -> memref<8x128xf32, #tpu.memory_space<vmem>>
      %dma_start3A_1794 = arith.constant 0 : i32
      %dma_start3A_1795 = tpu.memref_slice %arg4[%dma_start3A_1781, %dma_start3A_1794, %multiple_of3A_1681] : memref<4x8x1000000xf32, #tpu.memory_space<hbm>> -> memref<1x8x128xf32, #tpu.memory_space<hbm>>
      %dma_start3A_1796 = tpu.memref_squeeze %dma_start3A_1795 : memref<1x8x128xf32, #tpu.memory_space<hbm>> -> memref<8x128xf32, #tpu.memory_space<hbm>>
      tpu.enqueue_dma source(%dma_start3A_1796 : memref<8x128xf32, #tpu.memory_space<hbm>>) target(%dma_start3A_1793 : memref<8x128xf32, #tpu.memory_space<vmem>>) target_semaphore(%arg30 : memref<!tpu.dma_semaphore, #tpu.memory_space<semaphore_mem>>)
      %dma_start3A_1797 = arith.constant 3 : i32
      %dma_start3A_1798 = arith.constant 3 : i32
      %dma_start3A_1799 = arith.constant 0 : i32
      %dma_start3A_1800 = arith.constant 0 : i32
      %dma_start3A_1801 = tpu.memref_slice %arg17[%dma_start3A_1798, %dma_start3A_1799, %dma_start3A_1800] : memref<4x8x128xf32, #tpu.memory_space<vmem>> -> memref<1x8x128xf32, #tpu.memory_space<vmem>>
      %dma_start3A_1802 = tpu.memref_squeeze %dma_start3A_1801 : memref<1x8x128xf32, #tpu.memory_space<vmem>> -> memref<8x128xf32, #tpu.memory_space<vmem>>
      %dma_start3A_1803 = arith.constant 0 : i32
      %dma_start3A_1804 = tpu.memref_slice %arg5[%dma_start3A_1797, %dma_start3A_1803, %multiple_of3A_1684] : memref<4x8x1000000xf32, #tpu.memory_space<hbm>> -> memref<1x8x128xf32, #tpu.memory_space<hbm>>
      %dma_start3A_1805 = tpu.memref_squeeze %dma_start3A_1804 : memref<1x8x128xf32, #tpu.memory_space<hbm>> -> memref<8x128xf32, #tpu.memory_space<hbm>>
      %dma_start3A_1806 = arith.constant 0 : i32
      %dma_start3A_1807 = arith.constant 0 : i32
      %dma_start3A_1808 = tpu.memref_slice %arg17[%dma_start3A_1798, %dma_start3A_1806, %dma_start3A_1807] : memref<4x8x128xf32, #tpu.memory_space<vmem>> -> memref<1x8x128xf32, #tpu.memory_space<vmem>>
      %dma_start3A_1809 = tpu.memref_squeeze %dma_start3A_1808 : memref<1x8x128xf32, #tpu.memory_space<vmem>> -> memref<8x128xf32, #tpu.memory_space<vmem>>
      %dma_start3A_1810 = arith.constant 0 : i32
      %dma_start3A_1811 = tpu.memref_slice %arg5[%dma_start3A_1797, %dma_start3A_1810, %multiple_of3A_1684] : memref<4x8x1000000xf32, #tpu.memory_space<hbm>> -> memref<1x8x128xf32, #tpu.memory_space<hbm>>
      %dma_start3A_1812 = tpu.memref_squeeze %dma_start3A_1811 : memref<1x8x128xf32, #tpu.memory_space<hbm>> -> memref<8x128xf32, #tpu.memory_space<hbm>>
      tpu.enqueue_dma source(%dma_start3A_1812 : memref<8x128xf32, #tpu.memory_space<hbm>>) target(%dma_start3A_1809 : memref<8x128xf32, #tpu.memory_space<vmem>>) target_semaphore(%arg31 : memref<!tpu.dma_semaphore, #tpu.memory_space<semaphore_mem>>)
      %slice3A_1813 = vector.extract_strided_slice %sub3A_1406 {offsets = [3], sizes = [1], strides = [1]} : vector<16xi32> to vector<1xi32>
      %squeeze3A_1814 = vector.extract %slice3A_1813[0] : i32 from vector<1xi32>
      %multiple_of3A_1815 = tpu.assume_multiple %squeeze3A_1814, 128 : i32
      %slice3A_1816 = vector.extract_strided_slice %sub3A_1410 {offsets = [3], sizes = [1], strides = [1]} : vector<16xi32> to vector<1xi32>
      %squeeze3A_1817 = vector.extract %slice3A_1816[0] : i32 from vector<1xi32>
      %multiple_of3A_1818 = tpu.assume_multiple %squeeze3A_1817, 128 : i32
      %dma_start3A_1819 = arith.constant 0 : i32
      %dma_start3A_1820 = arith.constant 0 : i32
      %dma_start3A_1821 = arith.constant 0 : i32
      %dma_start3A_1822 = arith.constant 0 : i32
      %dma_start3A_1823 = tpu.memref_slice %arg14[%dma_start3A_1820, %dma_start3A_1821, %dma_start3A_1822] : memref<4x8x128xf32, #tpu.memory_space<vmem>> -> memref<1x8x128xf32, #tpu.memory_space<vmem>>
      %dma_start3A_1824 = tpu.memref_squeeze %dma_start3A_1823 : memref<1x8x128xf32, #tpu.memory_space<vmem>> -> memref<8x128xf32, #tpu.memory_space<vmem>>
      %dma_start3A_1825 = arith.constant 0 : i32
      %dma_start3A_1826 = tpu.memref_slice %arg4[%dma_start3A_1819, %dma_start3A_1825, %multiple_of3A_1815] : memref<4x8x1000000xf32, #tpu.memory_space<hbm>> -> memref<1x8x128xf32, #tpu.memory_space<hbm>>
      %dma_start3A_1827 = tpu.memref_squeeze %dma_start3A_1826 : memref<1x8x128xf32, #tpu.memory_space<hbm>> -> memref<8x128xf32, #tpu.memory_space<hbm>>
      %dma_start3A_1828 = arith.constant 0 : i32
      %dma_start3A_1829 = arith.constant 0 : i32
      %dma_start3A_1830 = tpu.memref_slice %arg14[%dma_start3A_1820, %dma_start3A_1828, %dma_start3A_1829] : memref<4x8x128xf32, #tpu.memory_space<vmem>> -> memref<1x8x128xf32, #tpu.memory_space<vmem>>
      %dma_start3A_1831 = tpu.memref_squeeze %dma_start3A_1830 : memref<1x8x128xf32, #tpu.memory_space<vmem>> -> memref<8x128xf32, #tpu.memory_space<vmem>>
      %dma_start3A_1832 = arith.constant 0 : i32
      %dma_start3A_1833 = tpu.memref_slice %arg4[%dma_start3A_1819, %dma_start3A_1832, %multiple_of3A_1815] : memref<4x8x1000000xf32, #tpu.memory_space<hbm>> -> memref<1x8x128xf32, #tpu.memory_space<hbm>>
      %dma_start3A_1834 = tpu.memref_squeeze %dma_start3A_1833 : memref<1x8x128xf32, #tpu.memory_space<hbm>> -> memref<8x128xf32, #tpu.memory_space<hbm>>
      tpu.enqueue_dma source(%dma_start3A_1834 : memref<8x128xf32, #tpu.memory_space<hbm>>) target(%dma_start3A_1831 : memref<8x128xf32, #tpu.memory_space<vmem>>) target_semaphore(%arg30 : memref<!tpu.dma_semaphore, #tpu.memory_space<semaphore_mem>>)
      %dma_start3A_1835 = arith.constant 0 : i32
      %dma_start3A_1836 = arith.constant 0 : i32
      %dma_start3A_1837 = arith.constant 0 : i32
      %dma_start3A_1838 = arith.constant 0 : i32
      %dma_start3A_1839 = tpu.memref_slice %arg18[%dma_start3A_1836, %dma_start3A_1837, %dma_start3A_1838] : memref<4x8x128xf32, #tpu.memory_space<vmem>> -> memref<1x8x128xf32, #tpu.memory_space<vmem>>
      %dma_start3A_1840 = tpu.memref_squeeze %dma_start3A_1839 : memref<1x8x128xf32, #tpu.memory_space<vmem>> -> memref<8x128xf32, #tpu.memory_space<vmem>>
      %dma_start3A_1841 = arith.constant 0 : i32
      %dma_start3A_1842 = tpu.memref_slice %arg5[%dma_start3A_1835, %dma_start3A_1841, %multiple_of3A_1818] : memref<4x8x1000000xf32, #tpu.memory_space<hbm>> -> memref<1x8x128xf32, #tpu.memory_space<hbm>>
      %dma_start3A_1843 = tpu.memref_squeeze %dma_start3A_1842 : memref<1x8x128xf32, #tpu.memory_space<hbm>> -> memref<8x128xf32, #tpu.memory_space<hbm>>
      %dma_start3A_1844 = arith.constant 0 : i32
      %dma_start3A_1845 = arith.constant 0 : i32
      %dma_start3A_1846 = tpu.memref_slice %arg18[%dma_start3A_1836, %dma_start3A_1844, %dma_start3A_1845] : memref<4x8x128xf32, #tpu.memory_space<vmem>> -> memref<1x8x128xf32, #tpu.memory_space<vmem>>
      %dma_start3A_1847 = tpu.memref_squeeze %dma_start3A_1846 : memref<1x8x128xf32, #tpu.memory_space<vmem>> -> memref<8x128xf32, #tpu.memory_space<vmem>>
      %dma_start3A_1848 = arith.constant 0 : i32
      %dma_start3A_1849 = tpu.memref_slice %arg5[%dma_start3A_1835, %dma_start3A_1848, %multiple_of3A_1818] : memref<4x8x1000000xf32, #tpu.memory_space<hbm>> -> memref<1x8x128xf32, #tpu.memory_space<hbm>>
      %dma_start3A_1850 = tpu.memref_squeeze %dma_start3A_1849 : memref<1x8x128xf32, #tpu.memory_space<hbm>> -> memref<8x128xf32, #tpu.memory_space<hbm>>
      tpu.enqueue_dma source(%dma_start3A_1850 : memref<8x128xf32, #tpu.memory_space<hbm>>) target(%dma_start3A_1847 : memref<8x128xf32, #tpu.memory_space<vmem>>) target_semaphore(%arg31 : memref<!tpu.dma_semaphore, #tpu.memory_space<semaphore_mem>>)
      %dma_start3A_1851 = arith.constant 1 : i32
      %dma_start3A_1852 = arith.constant 1 : i32
      %dma_start3A_1853 = arith.constant 0 : i32
      %dma_start3A_1854 = arith.constant 0 : i32
      %dma_start3A_1855 = tpu.memref_slice %arg14[%dma_start3A_1852, %dma_start3A_1853, %dma_start3A_1854] : memref<4x8x128xf32, #tpu.memory_space<vmem>> -> memref<1x8x128xf32, #tpu.memory_space<vmem>>
      %dma_start3A_1856 = tpu.memref_squeeze %dma_start3A_1855 : memref<1x8x128xf32, #tpu.memory_space<vmem>> -> memref<8x128xf32, #tpu.memory_space<vmem>>
      %dma_start3A_1857 = arith.constant 0 : i32
      %dma_start3A_1858 = tpu.memref_slice %arg4[%dma_start3A_1851, %dma_start3A_1857, %multiple_of3A_1815] : memref<4x8x1000000xf32, #tpu.memory_space<hbm>> -> memref<1x8x128xf32, #tpu.memory_space<hbm>>
      %dma_start3A_1859 = tpu.memref_squeeze %dma_start3A_1858 : memref<1x8x128xf32, #tpu.memory_space<hbm>> -> memref<8x128xf32, #tpu.memory_space<hbm>>
      %dma_start3A_1860 = arith.constant 0 : i32
      %dma_start3A_1861 = arith.constant 0 : i32
      %dma_start3A_1862 = tpu.memref_slice %arg14[%dma_start3A_1852, %dma_start3A_1860, %dma_start3A_1861] : memref<4x8x128xf32, #tpu.memory_space<vmem>> -> memref<1x8x128xf32, #tpu.memory_space<vmem>>
      %dma_start3A_1863 = tpu.memref_squeeze %dma_start3A_1862 : memref<1x8x128xf32, #tpu.memory_space<vmem>> -> memref<8x128xf32, #tpu.memory_space<vmem>>
      %dma_start3A_1864 = arith.constant 0 : i32
      %dma_start3A_1865 = tpu.memref_slice %arg4[%dma_start3A_1851, %dma_start3A_1864, %multiple_of3A_1815] : memref<4x8x1000000xf32, #tpu.memory_space<hbm>> -> memref<1x8x128xf32, #tpu.memory_space<hbm>>
      %dma_start3A_1866 = tpu.memref_squeeze %dma_start3A_1865 : memref<1x8x128xf32, #tpu.memory_space<hbm>> -> memref<8x128xf32, #tpu.memory_space<hbm>>
      tpu.enqueue_dma source(%dma_start3A_1866 : memref<8x128xf32, #tpu.memory_space<hbm>>) target(%dma_start3A_1863 : memref<8x128xf32, #tpu.memory_space<vmem>>) target_semaphore(%arg30 : memref<!tpu.dma_semaphore, #tpu.memory_space<semaphore_mem>>)
      %dma_start3A_1867 = arith.constant 1 : i32
      %dma_start3A_1868 = arith.constant 1 : i32
      %dma_start3A_1869 = arith.constant 0 : i32
      %dma_start3A_1870 = arith.constant 0 : i32
      %dma_start3A_1871 = tpu.memref_slice %arg18[%dma_start3A_1868, %dma_start3A_1869, %dma_start3A_1870] : memref<4x8x128xf32, #tpu.memory_space<vmem>> -> memref<1x8x128xf32, #tpu.memory_space<vmem>>
      %dma_start3A_1872 = tpu.memref_squeeze %dma_start3A_1871 : memref<1x8x128xf32, #tpu.memory_space<vmem>> -> memref<8x128xf32, #tpu.memory_space<vmem>>
      %dma_start3A_1873 = arith.constant 0 : i32
      %dma_start3A_1874 = tpu.memref_slice %arg5[%dma_start3A_1867, %dma_start3A_1873, %multiple_of3A_1818] : memref<4x8x1000000xf32, #tpu.memory_space<hbm>> -> memref<1x8x128xf32, #tpu.memory_space<hbm>>
      %dma_start3A_1875 = tpu.memref_squeeze %dma_start3A_1874 : memref<1x8x128xf32, #tpu.memory_space<hbm>> -> memref<8x128xf32, #tpu.memory_space<hbm>>
      %dma_start3A_1876 = arith.constant 0 : i32
      %dma_start3A_1877 = arith.constant 0 : i32
      %dma_start3A_1878 = tpu.memref_slice %arg18[%dma_start3A_1868, %dma_start3A_1876, %dma_start3A_1877] : memref<4x8x128xf32, #tpu.memory_space<vmem>> -> memref<1x8x128xf32, #tpu.memory_space<vmem>>
      %dma_start3A_1879 = tpu.memref_squeeze %dma_start3A_1878 : memref<1x8x128xf32, #tpu.memory_space<vmem>> -> memref<8x128xf32, #tpu.memory_space<vmem>>
      %dma_start3A_1880 = arith.constant 0 : i32
      %dma_start3A_1881 = tpu.memref_slice %arg5[%dma_start3A_1867, %dma_start3A_1880, %multiple_of3A_1818] : memref<4x8x1000000xf32, #tpu.memory_space<hbm>> -> memref<1x8x128xf32, #tpu.memory_space<hbm>>
      %dma_start3A_1882 = tpu.memref_squeeze %dma_start3A_1881 : memref<1x8x128xf32, #tpu.memory_space<hbm>> -> memref<8x128xf32, #tpu.memory_space<hbm>>
      tpu.enqueue_dma source(%dma_start3A_1882 : memref<8x128xf32, #tpu.memory_space<hbm>>) target(%dma_start3A_1879 : memref<8x128xf32, #tpu.memory_space<vmem>>) target_semaphore(%arg31 : memref<!tpu.dma_semaphore, #tpu.memory_space<semaphore_mem>>)
      %dma_start3A_1883 = arith.constant 2 : i32
      %dma_start3A_1884 = arith.constant 2 : i32
      %dma_start3A_1885 = arith.constant 0 : i32
      %dma_start3A_1886 = arith.constant 0 : i32
      %dma_start3A_1887 = tpu.memref_slice %arg14[%dma_start3A_1884, %dma_start3A_1885, %dma_start3A_1886] : memref<4x8x128xf32, #tpu.memory_space<vmem>> -> memref<1x8x128xf32, #tpu.memory_space<vmem>>
      %dma_start3A_1888 = tpu.memref_squeeze %dma_start3A_1887 : memref<1x8x128xf32, #tpu.memory_space<vmem>> -> memref<8x128xf32, #tpu.memory_space<vmem>>
      %dma_start3A_1889 = arith.constant 0 : i32
      %dma_start3A_1890 = tpu.memref_slice %arg4[%dma_start3A_1883, %dma_start3A_1889, %multiple_of3A_1815] : memref<4x8x1000000xf32, #tpu.memory_space<hbm>> -> memref<1x8x128xf32, #tpu.memory_space<hbm>>
      %dma_start3A_1891 = tpu.memref_squeeze %dma_start3A_1890 : memref<1x8x128xf32, #tpu.memory_space<hbm>> -> memref<8x128xf32, #tpu.memory_space<hbm>>
      %dma_start3A_1892 = arith.constant 0 : i32
      %dma_start3A_1893 = arith.constant 0 : i32
      %dma_start3A_1894 = tpu.memref_slice %arg14[%dma_start3A_1884, %dma_start3A_1892, %dma_start3A_1893] : memref<4x8x128xf32, #tpu.memory_space<vmem>> -> memref<1x8x128xf32, #tpu.memory_space<vmem>>
      %dma_start3A_1895 = tpu.memref_squeeze %dma_start3A_1894 : memref<1x8x128xf32, #tpu.memory_space<vmem>> -> memref<8x128xf32, #tpu.memory_space<vmem>>
      %dma_start3A_1896 = arith.constant 0 : i32
      %dma_start3A_1897 = tpu.memref_slice %arg4[%dma_start3A_1883, %dma_start3A_1896, %multiple_of3A_1815] : memref<4x8x1000000xf32, #tpu.memory_space<hbm>> -> memref<1x8x128xf32, #tpu.memory_space<hbm>>
      %dma_start3A_1898 = tpu.memref_squeeze %dma_start3A_1897 : memref<1x8x128xf32, #tpu.memory_space<hbm>> -> memref<8x128xf32, #tpu.memory_space<hbm>>
      tpu.enqueue_dma source(%dma_start3A_1898 : memref<8x128xf32, #tpu.memory_space<hbm>>) target(%dma_start3A_1895 : memref<8x128xf32, #tpu.memory_space<vmem>>) target_semaphore(%arg30 : memref<!tpu.dma_semaphore, #tpu.memory_space<semaphore_mem>>)
      %dma_start3A_1899 = arith.constant 2 : i32
      %dma_start3A_1900 = arith.constant 2 : i32
      %dma_start3A_1901 = arith.constant 0 : i32
      %dma_start3A_1902 = arith.constant 0 : i32
      %dma_start3A_1903 = tpu.memref_slice %arg18[%dma_start3A_1900, %dma_start3A_1901, %dma_start3A_1902] : memref<4x8x128xf32, #tpu.memory_space<vmem>> -> memref<1x8x128xf32, #tpu.memory_space<vmem>>
      %dma_start3A_1904 = tpu.memref_squeeze %dma_start3A_1903 : memref<1x8x128xf32, #tpu.memory_space<vmem>> -> memref<8x128xf32, #tpu.memory_space<vmem>>
      %dma_start3A_1905 = arith.constant 0 : i32
      %dma_start3A_1906 = tpu.memref_slice %arg5[%dma_start3A_1899, %dma_start3A_1905, %multiple_of3A_1818] : memref<4x8x1000000xf32, #tpu.memory_space<hbm>> -> memref<1x8x128xf32, #tpu.memory_space<hbm>>
      %dma_start3A_1907 = tpu.memref_squeeze %dma_start3A_1906 : memref<1x8x128xf32, #tpu.memory_space<hbm>> -> memref<8x128xf32, #tpu.memory_space<hbm>>
      %dma_start3A_1908 = arith.constant 0 : i32
      %dma_start3A_1909 = arith.constant 0 : i32
      %dma_start3A_1910 = tpu.memref_slice %arg18[%dma_start3A_1900, %dma_start3A_1908, %dma_start3A_1909] : memref<4x8x128xf32, #tpu.memory_space<vmem>> -> memref<1x8x128xf32, #tpu.memory_space<vmem>>
      %dma_start3A_1911 = tpu.memref_squeeze %dma_start3A_1910 : memref<1x8x128xf32, #tpu.memory_space<vmem>> -> memref<8x128xf32, #tpu.memory_space<vmem>>
      %dma_start3A_1912 = arith.constant 0 : i32
      %dma_start3A_1913 = tpu.memref_slice %arg5[%dma_start3A_1899, %dma_start3A_1912, %multiple_of3A_1818] : memref<4x8x1000000xf32, #tpu.memory_space<hbm>> -> memref<1x8x128xf32, #tpu.memory_space<hbm>>
      %dma_start3A_1914 = tpu.memref_squeeze %dma_start3A_1913 : memref<1x8x128xf32, #tpu.memory_space<hbm>> -> memref<8x128xf32, #tpu.memory_space<hbm>>
      tpu.enqueue_dma source(%dma_start3A_1914 : memref<8x128xf32, #tpu.memory_space<hbm>>) target(%dma_start3A_1911 : memref<8x128xf32, #tpu.memory_space<vmem>>) target_semaphore(%arg31 : memref<!tpu.dma_semaphore, #tpu.memory_space<semaphore_mem>>)
      %dma_start3A_1915 = arith.constant 3 : i32
      %dma_start3A_1916 = arith.constant 3 : i32
      %dma_start3A_1917 = arith.constant 0 : i32
      %dma_start3A_1918 = arith.constant 0 : i32
      %dma_start3A_1919 = tpu.memref_slice %arg14[%dma_start3A_1916, %dma_start3A_1917, %dma_start3A_1918] : memref<4x8x128xf32, #tpu.memory_space<vmem>> -> memref<1x8x128xf32, #tpu.memory_space<vmem>>
      %dma_start3A_1920 = tpu.memref_squeeze %dma_start3A_1919 : memref<1x8x128xf32, #tpu.memory_space<vmem>> -> memref<8x128xf32, #tpu.memory_space<vmem>>
      %dma_start3A_1921 = arith.constant 0 : i32
      %dma_start3A_1922 = tpu.memref_slice %arg4[%dma_start3A_1915, %dma_start3A_1921, %multiple_of3A_1815] : memref<4x8x1000000xf32, #tpu.memory_space<hbm>> -> memref<1x8x128xf32, #tpu.memory_space<hbm>>
      %dma_start3A_1923 = tpu.memref_squeeze %dma_start3A_1922 : memref<1x8x128xf32, #tpu.memory_space<hbm>> -> memref<8x128xf32, #tpu.memory_space<hbm>>
      %dma_start3A_1924 = arith.constant 0 : i32
      %dma_start3A_1925 = arith.constant 0 : i32
      %dma_start3A_1926 = tpu.memref_slice %arg14[%dma_start3A_1916, %dma_start3A_1924, %dma_start3A_1925] : memref<4x8x128xf32, #tpu.memory_space<vmem>> -> memref<1x8x128xf32, #tpu.memory_space<vmem>>
      %dma_start3A_1927 = tpu.memref_squeeze %dma_start3A_1926 : memref<1x8x128xf32, #tpu.memory_space<vmem>> -> memref<8x128xf32, #tpu.memory_space<vmem>>
      %dma_start3A_1928 = arith.constant 0 : i32
      %dma_start3A_1929 = tpu.memref_slice %arg4[%dma_start3A_1915, %dma_start3A_1928, %multiple_of3A_1815] : memref<4x8x1000000xf32, #tpu.memory_space<hbm>> -> memref<1x8x128xf32, #tpu.memory_space<hbm>>
      %dma_start3A_1930 = tpu.memref_squeeze %dma_start3A_1929 : memref<1x8x128xf32, #tpu.memory_space<hbm>> -> memref<8x128xf32, #tpu.memory_space<hbm>>
      tpu.enqueue_dma source(%dma_start3A_1930 : memref<8x128xf32, #tpu.memory_space<hbm>>) target(%dma_start3A_1927 : memref<8x128xf32, #tpu.memory_space<vmem>>) target_semaphore(%arg30 : memref<!tpu.dma_semaphore, #tpu.memory_space<semaphore_mem>>)
      %dma_start3A_1931 = arith.constant 3 : i32
      %dma_start3A_1932 = arith.constant 3 : i32
      %dma_start3A_1933 = arith.constant 0 : i32
      %dma_start3A_1934 = arith.constant 0 : i32
      %dma_start3A_1935 = tpu.memref_slice %arg18[%dma_start3A_1932, %dma_start3A_1933, %dma_start3A_1934] : memref<4x8x128xf32, #tpu.memory_space<vmem>> -> memref<1x8x128xf32, #tpu.memory_space<vmem>>
      %dma_start3A_1936 = tpu.memref_squeeze %dma_start3A_1935 : memref<1x8x128xf32, #tpu.memory_space<vmem>> -> memref<8x128xf32, #tpu.memory_space<vmem>>
      %dma_start3A_1937 = arith.constant 0 : i32
      %dma_start3A_1938 = tpu.memref_slice %arg5[%dma_start3A_1931, %dma_start3A_1937, %multiple_of3A_1818] : memref<4x8x1000000xf32, #tpu.memory_space<hbm>> -> memref<1x8x128xf32, #tpu.memory_space<hbm>>
      %dma_start3A_1939 = tpu.memref_squeeze %dma_start3A_1938 : memref<1x8x128xf32, #tpu.memory_space<hbm>> -> memref<8x128xf32, #tpu.memory_space<hbm>>
      %dma_start3A_1940 = arith.constant 0 : i32
      %dma_start3A_1941 = arith.constant 0 : i32
      %dma_start3A_1942 = tpu.memref_slice %arg18[%dma_start3A_1932, %dma_start3A_1940, %dma_start3A_1941] : memref<4x8x128xf32, #tpu.memory_space<vmem>> -> memref<1x8x128xf32, #tpu.memory_space<vmem>>
      %dma_start3A_1943 = tpu.memref_squeeze %dma_start3A_1942 : memref<1x8x128xf32, #tpu.memory_space<vmem>> -> memref<8x128xf32, #tpu.memory_space<vmem>>
      %dma_start3A_1944 = arith.constant 0 : i32
      %dma_start3A_1945 = tpu.memref_slice %arg5[%dma_start3A_1931, %dma_start3A_1944, %multiple_of3A_1818] : memref<4x8x1000000xf32, #tpu.memory_space<hbm>> -> memref<1x8x128xf32, #tpu.memory_space<hbm>>
      %dma_start3A_1946 = tpu.memref_squeeze %dma_start3A_1945 : memref<1x8x128xf32, #tpu.memory_space<hbm>> -> memref<8x128xf32, #tpu.memory_space<hbm>>
      tpu.enqueue_dma source(%dma_start3A_1946 : memref<8x128xf32, #tpu.memory_space<hbm>>) target(%dma_start3A_1943 : memref<8x128xf32, #tpu.memory_space<vmem>>) target_semaphore(%arg31 : memref<!tpu.dma_semaphore, #tpu.memory_space<semaphore_mem>>)
      %dma_wait3A_1947 = arith.constant 0 : i32
      %dma_wait3A_1948 = arith.constant 0 : i32
      %dma_wait3A_1949 = arith.constant 0 : i32
      %dma_wait3A_1950 = tpu.memref_slice %arg4[%dma_wait3A_1947, %dma_wait3A_1948, %dma_wait3A_1949] : memref<4x8x1000000xf32, #tpu.memory_space<hbm>> -> memref<4x8x128xf32, #tpu.memory_space<hbm>>
      %dma_wait3A_1951 = arith.constant 0 : i32
      %dma_wait3A_1952 = arith.constant 0 : i32
      %dma_wait3A_1953 = arith.constant 0 : i32
      %dma_wait3A_1954 = tpu.memref_slice %arg4[%dma_wait3A_1951, %dma_wait3A_1952, %dma_wait3A_1953] : memref<4x8x1000000xf32, #tpu.memory_space<hbm>> -> memref<4x8x128xf32, #tpu.memory_space<hbm>>
      tpu.wait_dma2 semaphore(%arg32 : memref<!tpu.dma_semaphore, #tpu.memory_space<semaphore_mem>>) src(%dma_wait3A_1954 : memref<4x8x128xf32, #tpu.memory_space<hbm>>) dst(%arg19 : memref<4x8x128xf32, #tpu.memory_space<vmem>>)
      %dma_wait3A_1955 = arith.constant 0 : i32
      %dma_wait3A_1956 = arith.constant 0 : i32
      %dma_wait3A_1957 = arith.constant 0 : i32
      %dma_wait3A_1958 = tpu.memref_slice %arg5[%dma_wait3A_1955, %dma_wait3A_1956, %dma_wait3A_1957] : memref<4x8x1000000xf32, #tpu.memory_space<hbm>> -> memref<4x8x128xf32, #tpu.memory_space<hbm>>
      %dma_wait3A_1959 = arith.constant 0 : i32
      %dma_wait3A_1960 = arith.constant 0 : i32
      %dma_wait3A_1961 = arith.constant 0 : i32
      %dma_wait3A_1962 = tpu.memref_slice %arg5[%dma_wait3A_1959, %dma_wait3A_1960, %dma_wait3A_1961] : memref<4x8x1000000xf32, #tpu.memory_space<hbm>> -> memref<4x8x128xf32, #tpu.memory_space<hbm>>
      tpu.wait_dma2 semaphore(%arg33 : memref<!tpu.dma_semaphore, #tpu.memory_space<semaphore_mem>>) src(%dma_wait3A_1962 : memref<4x8x128xf32, #tpu.memory_space<hbm>>) dst(%arg23 : memref<4x8x128xf32, #tpu.memory_space<vmem>>)
      %dma_wait3A_1963 = arith.constant 0 : i32
      %dma_wait3A_1964 = arith.constant 0 : i32
      %dma_wait3A_1965 = arith.constant 0 : i32
      %dma_wait3A_1966 = tpu.memref_slice %arg4[%dma_wait3A_1963, %dma_wait3A_1964, %dma_wait3A_1965] : memref<4x8x1000000xf32, #tpu.memory_space<hbm>> -> memref<4x8x128xf32, #tpu.memory_space<hbm>>
      %dma_wait3A_1967 = arith.constant 0 : i32
      %dma_wait3A_1968 = arith.constant 0 : i32
      %dma_wait3A_1969 = arith.constant 0 : i32
      %dma_wait3A_1970 = tpu.memref_slice %arg4[%dma_wait3A_1967, %dma_wait3A_1968, %dma_wait3A_1969] : memref<4x8x1000000xf32, #tpu.memory_space<hbm>> -> memref<4x8x128xf32, #tpu.memory_space<hbm>>
      tpu.wait_dma2 semaphore(%arg32 : memref<!tpu.dma_semaphore, #tpu.memory_space<semaphore_mem>>) src(%dma_wait3A_1970 : memref<4x8x128xf32, #tpu.memory_space<hbm>>) dst(%arg20 : memref<4x8x128xf32, #tpu.memory_space<vmem>>)
      %dma_wait3A_1971 = arith.constant 0 : i32
      %dma_wait3A_1972 = arith.constant 0 : i32
      %dma_wait3A_1973 = arith.constant 0 : i32
      %dma_wait3A_1974 = tpu.memref_slice %arg5[%dma_wait3A_1971, %dma_wait3A_1972, %dma_wait3A_1973] : memref<4x8x1000000xf32, #tpu.memory_space<hbm>> -> memref<4x8x128xf32, #tpu.memory_space<hbm>>
      %dma_wait3A_1975 = arith.constant 0 : i32
      %dma_wait3A_1976 = arith.constant 0 : i32
      %dma_wait3A_1977 = arith.constant 0 : i32
      %dma_wait3A_1978 = tpu.memref_slice %arg5[%dma_wait3A_1975, %dma_wait3A_1976, %dma_wait3A_1977] : memref<4x8x1000000xf32, #tpu.memory_space<hbm>> -> memref<4x8x128xf32, #tpu.memory_space<hbm>>
      tpu.wait_dma2 semaphore(%arg33 : memref<!tpu.dma_semaphore, #tpu.memory_space<semaphore_mem>>) src(%dma_wait3A_1978 : memref<4x8x128xf32, #tpu.memory_space<hbm>>) dst(%arg24 : memref<4x8x128xf32, #tpu.memory_space<vmem>>)
      %dma_wait3A_1979 = arith.constant 0 : i32
      %dma_wait3A_1980 = arith.constant 0 : i32
      %dma_wait3A_1981 = arith.constant 0 : i32
      %dma_wait3A_1982 = tpu.memref_slice %arg4[%dma_wait3A_1979, %dma_wait3A_1980, %dma_wait3A_1981] : memref<4x8x1000000xf32, #tpu.memory_space<hbm>> -> memref<4x8x128xf32, #tpu.memory_space<hbm>>
      %dma_wait3A_1983 = arith.constant 0 : i32
      %dma_wait3A_1984 = arith.constant 0 : i32
      %dma_wait3A_1985 = arith.constant 0 : i32
      %dma_wait3A_1986 = tpu.memref_slice %arg4[%dma_wait3A_1983, %dma_wait3A_1984, %dma_wait3A_1985] : memref<4x8x1000000xf32, #tpu.memory_space<hbm>> -> memref<4x8x128xf32, #tpu.memory_space<hbm>>
      tpu.wait_dma2 semaphore(%arg32 : memref<!tpu.dma_semaphore, #tpu.memory_space<semaphore_mem>>) src(%dma_wait3A_1986 : memref<4x8x128xf32, #tpu.memory_space<hbm>>) dst(%arg21 : memref<4x8x128xf32, #tpu.memory_space<vmem>>)
      %dma_wait3A_1987 = arith.constant 0 : i32
      %dma_wait3A_1988 = arith.constant 0 : i32
      %dma_wait3A_1989 = arith.constant 0 : i32
      %dma_wait3A_1990 = tpu.memref_slice %arg5[%dma_wait3A_1987, %dma_wait3A_1988, %dma_wait3A_1989] : memref<4x8x1000000xf32, #tpu.memory_space<hbm>> -> memref<4x8x128xf32, #tpu.memory_space<hbm>>
      %dma_wait3A_1991 = arith.constant 0 : i32
      %dma_wait3A_1992 = arith.constant 0 : i32
      %dma_wait3A_1993 = arith.constant 0 : i32
      %dma_wait3A_1994 = tpu.memref_slice %arg5[%dma_wait3A_1991, %dma_wait3A_1992, %dma_wait3A_1993] : memref<4x8x1000000xf32, #tpu.memory_space<hbm>> -> memref<4x8x128xf32, #tpu.memory_space<hbm>>
      tpu.wait_dma2 semaphore(%arg33 : memref<!tpu.dma_semaphore, #tpu.memory_space<semaphore_mem>>) src(%dma_wait3A_1994 : memref<4x8x128xf32, #tpu.memory_space<hbm>>) dst(%arg25 : memref<4x8x128xf32, #tpu.memory_space<vmem>>)
      %dma_wait3A_1995 = arith.constant 0 : i32
      %dma_wait3A_1996 = arith.constant 0 : i32
      %dma_wait3A_1997 = arith.constant 0 : i32
      %dma_wait3A_1998 = tpu.memref_slice %arg4[%dma_wait3A_1995, %dma_wait3A_1996, %dma_wait3A_1997] : memref<4x8x1000000xf32, #tpu.memory_space<hbm>> -> memref<4x8x128xf32, #tpu.memory_space<hbm>>
      %dma_wait3A_1999 = arith.constant 0 : i32
      %dma_wait3A_2000 = arith.constant 0 : i32
      %dma_wait3A_2001 = arith.constant 0 : i32
      %dma_wait3A_2002 = tpu.memref_slice %arg4[%dma_wait3A_1999, %dma_wait3A_2000, %dma_wait3A_2001] : memref<4x8x1000000xf32, #tpu.memory_space<hbm>> -> memref<4x8x128xf32, #tpu.memory_space<hbm>>
      tpu.wait_dma2 semaphore(%arg32 : memref<!tpu.dma_semaphore, #tpu.memory_space<semaphore_mem>>) src(%dma_wait3A_2002 : memref<4x8x128xf32, #tpu.memory_space<hbm>>) dst(%arg22 : memref<4x8x128xf32, #tpu.memory_space<vmem>>)
      %dma_wait3A_2003 = arith.constant 0 : i32
      %dma_wait3A_2004 = arith.constant 0 : i32
      %dma_wait3A_2005 = arith.constant 0 : i32
      %dma_wait3A_2006 = tpu.memref_slice %arg5[%dma_wait3A_2003, %dma_wait3A_2004, %dma_wait3A_2005] : memref<4x8x1000000xf32, #tpu.memory_space<hbm>> -> memref<4x8x128xf32, #tpu.memory_space<hbm>>
      %dma_wait3A_2007 = arith.constant 0 : i32
      %dma_wait3A_2008 = arith.constant 0 : i32
      %dma_wait3A_2009 = arith.constant 0 : i32
      %dma_wait3A_2010 = tpu.memref_slice %arg5[%dma_wait3A_2007, %dma_wait3A_2008, %dma_wait3A_2009] : memref<4x8x1000000xf32, #tpu.memory_space<hbm>> -> memref<4x8x128xf32, #tpu.memory_space<hbm>>
      tpu.wait_dma2 semaphore(%arg33 : memref<!tpu.dma_semaphore, #tpu.memory_space<semaphore_mem>>) src(%dma_wait3A_2010 : memref<4x8x128xf32, #tpu.memory_space<hbm>>) dst(%arg26 : memref<4x8x128xf32, #tpu.memory_space<vmem>>)
      %add3A_2011 = arith.constant 4 : i32
      %add3A_2012 = arith.addi %mul3A_672, %add3A_2011 : i32
      %get3A_2013 = arith.index_cast %add3A_2012 : i32 to index
      %get3A_2014 = tpu.vector_load %arg9[%get3A_2013] {strides = array<i32>} : memref<528xi32, #tpu.memory_space<vmem>>, vector<16xi32>,
      %get3A_2015 = arith.index_cast %add3A_2012 : i32 to index
      %get3A_2016 = tpu.vector_load %arg10[%get3A_2015] {strides = array<i32>} : memref<528xi32, #tpu.memory_space<vmem>>, vector<16xi32>,
      %and3A_2017 = arith.constant 127 : i32
      %and3A_2018 = vector.broadcast %and3A_2017 : i32 to vector<16xi32>
      %and3A_2019 = arith.andi %get3A_2014, %and3A_2018 : vector<16xi32>
      %and3A_2020 = arith.constant 127 : i32
      %and3A_2021 = vector.broadcast %and3A_2020 : i32 to vector<16xi32>
      %and3A_2022 = arith.andi %get3A_2016, %and3A_2021 : vector<16xi32>
      %slice3A_2023 = vector.extract_strided_slice %and3A_2019 {offsets = [0], sizes = [1], strides = [1]} : vector<16xi32> to vector<1xi32>
      %squeeze3A_2024 = vector.extract %slice3A_2023[0] : i32 from vector<1xi32>
      %broadcast_in_dim3A_2025 = vector.broadcast %squeeze3A_2024 : i32 to vector<16xi32>
      %gather3A_2026 = tpu.vector_load_idx %arg19[%select_n3A, %select_n3A_54, %broadcast_in_dim3A_2025] : memref<4x8x128xf32, #tpu.memory_space<vmem>>[vector<16xi32>, vector<16xi32>, vector<16xi32>], vector<16xf32>,
      %gather3A_2027 = tpu.vector_load_idx %arg19[%add3A_57, %select_n3A_54, %broadcast_in_dim3A_2025] : memref<4x8x128xf32, #tpu.memory_space<vmem>>[vector<16xi32>, vector<16xi32>, vector<16xi32>], vector<16xf32>,
      %slice3A_2028 = vector.extract_strided_slice %and3A_2022 {offsets = [0], sizes = [1], strides = [1]} : vector<16xi32> to vector<1xi32>
      %squeeze3A_2029 = vector.extract %slice3A_2028[0] : i32 from vector<1xi32>
      %broadcast_in_dim3A_2030 = vector.broadcast %squeeze3A_2029 : i32 to vector<16xi32>
      %gather3A_2031 = tpu.vector_load_idx %arg23[%select_n3A, %select_n3A_54, %broadcast_in_dim3A_2030] : memref<4x8x128xf32, #tpu.memory_space<vmem>>[vector<16xi32>, vector<16xi32>, vector<16xi32>], vector<16xf32>,
      %gather3A_2032 = tpu.vector_load_idx %arg23[%add3A_57, %select_n3A_54, %broadcast_in_dim3A_2030] : memref<4x8x128xf32, #tpu.memory_space<vmem>>[vector<16xi32>, vector<16xi32>, vector<16xi32>], vector<16xf32>,
      %mul3A_2033 = arith.mulf %gather3A_2026, %gather3A_2031 : vector<16xf32>
      %mul3A_2034 = arith.mulf %mul3A_2033, %get3A_7 : vector<16xf32>
      %mul3A_2035 = arith.mulf %gather3A_2027, %gather3A_2032 : vector<16xf32>
      %mul3A_2036 = arith.mulf %mul3A_2035, %get3A_9 : vector<16xf32>
      %add3A_2037 = arith.addf %mul3A_2034, %mul3A_2036 : vector<16xf32>
      %reduce_sum3A_2038 = arith.constant true
      %reduce_sum3A_2039 = vector.broadcast %reduce_sum3A_2038 : i1 to vector<16xi1>
      %reduce_sum3A_2040 = tpu.scan <sum>, %add3A_2037 masked %reduce_sum3A_2039 : vector<16xf32>, vector<16xi1> -> vector<16xf32>
      %reduce_sum3A_2041 = vector.extract %reduce_sum3A_2040[15] : f32 from vector<16xf32>
      %eq3A_2042 = arith.constant 4 : i32
      %eq3A_2043 = vector.broadcast %eq3A_2042 : i32 to vector<16xi32>
      %eq3A_2044 = arith.cmpi eq, %iota3A, %eq3A_2043 : vector<16xi32>
      %add3A_2045 = vector.broadcast %reduce_sum3A_2041 : f32 to vector<16xf32>
      %add3A_2046 = arith.addf %select_n3A_1396, %add3A_2045 : vector<16xf32>
      %select_n3A_2047 = arith.select %eq3A_2044, %add3A_2046, %select_n3A_1396 : vector<16xi1>, vector<16xf32>
      %slice3A_2048 = vector.extract_strided_slice %and3A_2019 {offsets = [1], sizes = [1], strides = [1]} : vector<16xi32> to vector<1xi32>
      %squeeze3A_2049 = vector.extract %slice3A_2048[0] : i32 from vector<1xi32>
      %broadcast_in_dim3A_2050 = vector.broadcast %squeeze3A_2049 : i32 to vector<16xi32>
      %gather3A_2051 = tpu.vector_load_idx %arg20[%select_n3A, %select_n3A_54, %broadcast_in_dim3A_2050] : memref<4x8x128xf32, #tpu.memory_space<vmem>>[vector<16xi32>, vector<16xi32>, vector<16xi32>], vector<16xf32>,
      %gather3A_2052 = tpu.vector_load_idx %arg20[%add3A_57, %select_n3A_54, %broadcast_in_dim3A_2050] : memref<4x8x128xf32, #tpu.memory_space<vmem>>[vector<16xi32>, vector<16xi32>, vector<16xi32>], vector<16xf32>,
      %slice3A_2053 = vector.extract_strided_slice %and3A_2022 {offsets = [1], sizes = [1], strides = [1]} : vector<16xi32> to vector<1xi32>
      %squeeze3A_2054 = vector.extract %slice3A_2053[0] : i32 from vector<1xi32>
      %broadcast_in_dim3A_2055 = vector.broadcast %squeeze3A_2054 : i32 to vector<16xi32>
      %gather3A_2056 = tpu.vector_load_idx %arg24[%select_n3A, %select_n3A_54, %broadcast_in_dim3A_2055] : memref<4x8x128xf32, #tpu.memory_space<vmem>>[vector<16xi32>, vector<16xi32>, vector<16xi32>], vector<16xf32>,
      %gather3A_2057 = tpu.vector_load_idx %arg24[%add3A_57, %select_n3A_54, %broadcast_in_dim3A_2055] : memref<4x8x128xf32, #tpu.memory_space<vmem>>[vector<16xi32>, vector<16xi32>, vector<16xi32>], vector<16xf32>,
      %mul3A_2058 = arith.mulf %gather3A_2051, %gather3A_2056 : vector<16xf32>
      %mul3A_2059 = arith.mulf %mul3A_2058, %get3A_7 : vector<16xf32>
      %mul3A_2060 = arith.mulf %gather3A_2052, %gather3A_2057 : vector<16xf32>
      %mul3A_2061 = arith.mulf %mul3A_2060, %get3A_9 : vector<16xf32>
      %add3A_2062 = arith.addf %mul3A_2059, %mul3A_2061 : vector<16xf32>
      %reduce_sum3A_2063 = arith.constant true
      %reduce_sum3A_2064 = vector.broadcast %reduce_sum3A_2063 : i1 to vector<16xi1>
      %reduce_sum3A_2065 = tpu.scan <sum>, %add3A_2062 masked %reduce_sum3A_2064 : vector<16xf32>, vector<16xi1> -> vector<16xf32>
      %reduce_sum3A_2066 = vector.extract %reduce_sum3A_2065[15] : f32 from vector<16xf32>
      %eq3A_2067 = arith.constant 5 : i32
      %eq3A_2068 = vector.broadcast %eq3A_2067 : i32 to vector<16xi32>
      %eq3A_2069 = arith.cmpi eq, %iota3A, %eq3A_2068 : vector<16xi32>
      %add3A_2070 = vector.broadcast %reduce_sum3A_2066 : f32 to vector<16xf32>
      %add3A_2071 = arith.addf %select_n3A_2047, %add3A_2070 : vector<16xf32>
      %select_n3A_2072 = arith.select %eq3A_2069, %add3A_2071, %select_n3A_2047 : vector<16xi1>, vector<16xf32>
      %slice3A_2073 = vector.extract_strided_slice %and3A_2019 {offsets = [2], sizes = [1], strides = [1]} : vector<16xi32> to vector<1xi32>
      %squeeze3A_2074 = vector.extract %slice3A_2073[0] : i32 from vector<1xi32>
      %broadcast_in_dim3A_2075 = vector.broadcast %squeeze3A_2074 : i32 to vector<16xi32>
      %gather3A_2076 = tpu.vector_load_idx %arg21[%select_n3A, %select_n3A_54, %broadcast_in_dim3A_2075] : memref<4x8x128xf32, #tpu.memory_space<vmem>>[vector<16xi32>, vector<16xi32>, vector<16xi32>], vector<16xf32>,
      %gather3A_2077 = tpu.vector_load_idx %arg21[%add3A_57, %select_n3A_54, %broadcast_in_dim3A_2075] : memref<4x8x128xf32, #tpu.memory_space<vmem>>[vector<16xi32>, vector<16xi32>, vector<16xi32>], vector<16xf32>,
      %slice3A_2078 = vector.extract_strided_slice %and3A_2022 {offsets = [2], sizes = [1], strides = [1]} : vector<16xi32> to vector<1xi32>
      %squeeze3A_2079 = vector.extract %slice3A_2078[0] : i32 from vector<1xi32>
      %broadcast_in_dim3A_2080 = vector.broadcast %squeeze3A_2079 : i32 to vector<16xi32>
      %gather3A_2081 = tpu.vector_load_idx %arg25[%select_n3A, %select_n3A_54, %broadcast_in_dim3A_2080] : memref<4x8x128xf32, #tpu.memory_space<vmem>>[vector<16xi32>, vector<16xi32>, vector<16xi32>], vector<16xf32>,
      %gather3A_2082 = tpu.vector_load_idx %arg25[%add3A_57, %select_n3A_54, %broadcast_in_dim3A_2080] : memref<4x8x128xf32, #tpu.memory_space<vmem>>[vector<16xi32>, vector<16xi32>, vector<16xi32>], vector<16xf32>,
      %mul3A_2083 = arith.mulf %gather3A_2076, %gather3A_2081 : vector<16xf32>
      %mul3A_2084 = arith.mulf %mul3A_2083, %get3A_7 : vector<16xf32>
      %mul3A_2085 = arith.mulf %gather3A_2077, %gather3A_2082 : vector<16xf32>
      %mul3A_2086 = arith.mulf %mul3A_2085, %get3A_9 : vector<16xf32>
      %add3A_2087 = arith.addf %mul3A_2084, %mul3A_2086 : vector<16xf32>
      %reduce_sum3A_2088 = arith.constant true
      %reduce_sum3A_2089 = vector.broadcast %reduce_sum3A_2088 : i1 to vector<16xi1>
      %reduce_sum3A_2090 = tpu.scan <sum>, %add3A_2087 masked %reduce_sum3A_2089 : vector<16xf32>, vector<16xi1> -> vector<16xf32>
      %reduce_sum3A_2091 = vector.extract %reduce_sum3A_2090[15] : f32 from vector<16xf32>
      %eq3A_2092 = arith.constant 6 : i32
      %eq3A_2093 = vector.broadcast %eq3A_2092 : i32 to vector<16xi32>
      %eq3A_2094 = arith.cmpi eq, %iota3A, %eq3A_2093 : vector<16xi32>
      %add3A_2095 = vector.broadcast %reduce_sum3A_2091 : f32 to vector<16xf32>
      %add3A_2096 = arith.addf %select_n3A_2072, %add3A_2095 : vector<16xf32>
      %select_n3A_2097 = arith.select %eq3A_2094, %add3A_2096, %select_n3A_2072 : vector<16xi1>, vector<16xf32>
      %slice3A_2098 = vector.extract_strided_slice %and3A_2019 {offsets = [3], sizes = [1], strides = [1]} : vector<16xi32> to vector<1xi32>
      %squeeze3A_2099 = vector.extract %slice3A_2098[0] : i32 from vector<1xi32>
      %broadcast_in_dim3A_2100 = vector.broadcast %squeeze3A_2099 : i32 to vector<16xi32>
      %gather3A_2101 = tpu.vector_load_idx %arg22[%select_n3A, %select_n3A_54, %broadcast_in_dim3A_2100] : memref<4x8x128xf32, #tpu.memory_space<vmem>>[vector<16xi32>, vector<16xi32>, vector<16xi32>], vector<16xf32>,
      %gather3A_2102 = tpu.vector_load_idx %arg22[%add3A_57, %select_n3A_54, %broadcast_in_dim3A_2100] : memref<4x8x128xf32, #tpu.memory_space<vmem>>[vector<16xi32>, vector<16xi32>, vector<16xi32>], vector<16xf32>,
      %slice3A_2103 = vector.extract_strided_slice %and3A_2022 {offsets = [3], sizes = [1], strides = [1]} : vector<16xi32> to vector<1xi32>
      %squeeze3A_2104 = vector.extract %slice3A_2103[0] : i32 from vector<1xi32>
      %broadcast_in_dim3A_2105 = vector.broadcast %squeeze3A_2104 : i32 to vector<16xi32>
      %gather3A_2106 = tpu.vector_load_idx %arg26[%select_n3A, %select_n3A_54, %broadcast_in_dim3A_2105] : memref<4x8x128xf32, #tpu.memory_space<vmem>>[vector<16xi32>, vector<16xi32>, vector<16xi32>], vector<16xf32>,
      %gather3A_2107 = tpu.vector_load_idx %arg26[%add3A_57, %select_n3A_54, %broadcast_in_dim3A_2105] : memref<4x8x128xf32, #tpu.memory_space<vmem>>[vector<16xi32>, vector<16xi32>, vector<16xi32>], vector<16xf32>,
      %mul3A_2108 = arith.mulf %gather3A_2101, %gather3A_2106 : vector<16xf32>
      %mul3A_2109 = arith.mulf %mul3A_2108, %get3A_7 : vector<16xf32>
      %mul3A_2110 = arith.mulf %gather3A_2102, %gather3A_2107 : vector<16xf32>
      %mul3A_2111 = arith.mulf %mul3A_2110, %get3A_9 : vector<16xf32>
      %add3A_2112 = arith.addf %mul3A_2109, %mul3A_2111 : vector<16xf32>
      %reduce_sum3A_2113 = arith.constant true
      %reduce_sum3A_2114 = vector.broadcast %reduce_sum3A_2113 : i1 to vector<16xi1>
      %reduce_sum3A_2115 = tpu.scan <sum>, %add3A_2112 masked %reduce_sum3A_2114 : vector<16xf32>, vector<16xi1> -> vector<16xf32>
      %reduce_sum3A_2116 = vector.extract %reduce_sum3A_2115[15] : f32 from vector<16xf32>
      %eq3A_2117 = arith.constant 7 : i32
      %eq3A_2118 = vector.broadcast %eq3A_2117 : i32 to vector<16xi32>
      %eq3A_2119 = arith.cmpi eq, %iota3A, %eq3A_2118 : vector<16xi32>
      %add3A_2120 = vector.broadcast %reduce_sum3A_2116 : f32 to vector<16xf32>
      %add3A_2121 = arith.addf %select_n3A_2097, %add3A_2120 : vector<16xf32>
      %select_n3A_2122 = arith.select %eq3A_2119, %add3A_2121, %select_n3A_2097 : vector<16xi1>, vector<16xf32>
      %add3A_2123 = arith.constant 12 : i32
      %add3A_2124 = arith.addi %mul3A_672, %add3A_2123 : i32
      %get3A_2125 = arith.index_cast %add3A_2124 : i32 to index
      %get3A_2126 = tpu.vector_load %arg9[%get3A_2125] {strides = array<i32>} : memref<528xi32, #tpu.memory_space<vmem>>, vector<16xi32>,
      %get3A_2127 = arith.index_cast %add3A_2124 : i32 to index
      %get3A_2128 = tpu.vector_load %arg10[%get3A_2127] {strides = array<i32>} : memref<528xi32, #tpu.memory_space<vmem>>, vector<16xi32>,
      %and3A_2129 = arith.constant 127 : i32
      %and3A_2130 = vector.broadcast %and3A_2129 : i32 to vector<16xi32>
      %and3A_2131 = arith.andi %get3A_2126, %and3A_2130 : vector<16xi32>
      %sub3A_2132 = arith.subi %get3A_2126, %and3A_2131 : vector<16xi32>
      %and3A_2133 = arith.constant 127 : i32
      %and3A_2134 = vector.broadcast %and3A_2133 : i32 to vector<16xi32>
      %and3A_2135 = arith.andi %get3A_2128, %and3A_2134 : vector<16xi32>
      %sub3A_2136 = arith.subi %get3A_2128, %and3A_2135 : vector<16xi32>
      %slice3A_2137 = vector.extract_strided_slice %sub3A_2132 {offsets = [0], sizes = [1], strides = [1]} : vector<16xi32> to vector<1xi32>
      %squeeze3A_2138 = vector.extract %slice3A_2137[0] : i32 from vector<1xi32>
      %multiple_of3A_2139 = tpu.assume_multiple %squeeze3A_2138, 128 : i32
      %slice3A_2140 = vector.extract_strided_slice %sub3A_2136 {offsets = [0], sizes = [1], strides = [1]} : vector<16xi32> to vector<1xi32>
      %squeeze3A_2141 = vector.extract %slice3A_2140[0] : i32 from vector<1xi32>
      %multiple_of3A_2142 = tpu.assume_multiple %squeeze3A_2141, 128 : i32
      %dma_start3A_2143 = arith.constant 0 : i32
      %dma_start3A_2144 = arith.constant 0 : i32
      %dma_start3A_2145 = arith.constant 0 : i32
      %dma_start3A_2146 = arith.constant 0 : i32
      %dma_start3A_2147 = tpu.memref_slice %arg19[%dma_start3A_2144, %dma_start3A_2145, %dma_start3A_2146] : memref<4x8x128xf32, #tpu.memory_space<vmem>> -> memref<1x8x128xf32, #tpu.memory_space<vmem>>
      %dma_start3A_2148 = tpu.memref_squeeze %dma_start3A_2147 : memref<1x8x128xf32, #tpu.memory_space<vmem>> -> memref<8x128xf32, #tpu.memory_space<vmem>>
      %dma_start3A_2149 = arith.constant 0 : i32
      %dma_start3A_2150 = tpu.memref_slice %arg4[%dma_start3A_2143, %dma_start3A_2149, %multiple_of3A_2139] : memref<4x8x1000000xf32, #tpu.memory_space<hbm>> -> memref<1x8x128xf32, #tpu.memory_space<hbm>>
      %dma_start3A_2151 = tpu.memref_squeeze %dma_start3A_2150 : memref<1x8x128xf32, #tpu.memory_space<hbm>> -> memref<8x128xf32, #tpu.memory_space<hbm>>
      %dma_start3A_2152 = arith.constant 0 : i32
      %dma_start3A_2153 = arith.constant 0 : i32
      %dma_start3A_2154 = tpu.memref_slice %arg19[%dma_start3A_2144, %dma_start3A_2152, %dma_start3A_2153] : memref<4x8x128xf32, #tpu.memory_space<vmem>> -> memref<1x8x128xf32, #tpu.memory_space<vmem>>
      %dma_start3A_2155 = tpu.memref_squeeze %dma_start3A_2154 : memref<1x8x128xf32, #tpu.memory_space<vmem>> -> memref<8x128xf32, #tpu.memory_space<vmem>>
      %dma_start3A_2156 = arith.constant 0 : i32
      %dma_start3A_2157 = tpu.memref_slice %arg4[%dma_start3A_2143, %dma_start3A_2156, %multiple_of3A_2139] : memref<4x8x1000000xf32, #tpu.memory_space<hbm>> -> memref<1x8x128xf32, #tpu.memory_space<hbm>>
      %dma_start3A_2158 = tpu.memref_squeeze %dma_start3A_2157 : memref<1x8x128xf32, #tpu.memory_space<hbm>> -> memref<8x128xf32, #tpu.memory_space<hbm>>
      tpu.enqueue_dma source(%dma_start3A_2158 : memref<8x128xf32, #tpu.memory_space<hbm>>) target(%dma_start3A_2155 : memref<8x128xf32, #tpu.memory_space<vmem>>) target_semaphore(%arg32 : memref<!tpu.dma_semaphore, #tpu.memory_space<semaphore_mem>>)
      %dma_start3A_2159 = arith.constant 0 : i32
      %dma_start3A_2160 = arith.constant 0 : i32
      %dma_start3A_2161 = arith.constant 0 : i32
      %dma_start3A_2162 = arith.constant 0 : i32
      %dma_start3A_2163 = tpu.memref_slice %arg23[%dma_start3A_2160, %dma_start3A_2161, %dma_start3A_2162] : memref<4x8x128xf32, #tpu.memory_space<vmem>> -> memref<1x8x128xf32, #tpu.memory_space<vmem>>
      %dma_start3A_2164 = tpu.memref_squeeze %dma_start3A_2163 : memref<1x8x128xf32, #tpu.memory_space<vmem>> -> memref<8x128xf32, #tpu.memory_space<vmem>>
      %dma_start3A_2165 = arith.constant 0 : i32
      %dma_start3A_2166 = tpu.memref_slice %arg5[%dma_start3A_2159, %dma_start3A_2165, %multiple_of3A_2142] : memref<4x8x1000000xf32, #tpu.memory_space<hbm>> -> memref<1x8x128xf32, #tpu.memory_space<hbm>>
      %dma_start3A_2167 = tpu.memref_squeeze %dma_start3A_2166 : memref<1x8x128xf32, #tpu.memory_space<hbm>> -> memref<8x128xf32, #tpu.memory_space<hbm>>
      %dma_start3A_2168 = arith.constant 0 : i32
      %dma_start3A_2169 = arith.constant 0 : i32
      %dma_start3A_2170 = tpu.memref_slice %arg23[%dma_start3A_2160, %dma_start3A_2168, %dma_start3A_2169] : memref<4x8x128xf32, #tpu.memory_space<vmem>> -> memref<1x8x128xf32, #tpu.memory_space<vmem>>
      %dma_start3A_2171 = tpu.memref_squeeze %dma_start3A_2170 : memref<1x8x128xf32, #tpu.memory_space<vmem>> -> memref<8x128xf32, #tpu.memory_space<vmem>>
      %dma_start3A_2172 = arith.constant 0 : i32
      %dma_start3A_2173 = tpu.memref_slice %arg5[%dma_start3A_2159, %dma_start3A_2172, %multiple_of3A_2142] : memref<4x8x1000000xf32, #tpu.memory_space<hbm>> -> memref<1x8x128xf32, #tpu.memory_space<hbm>>
      %dma_start3A_2174 = tpu.memref_squeeze %dma_start3A_2173 : memref<1x8x128xf32, #tpu.memory_space<hbm>> -> memref<8x128xf32, #tpu.memory_space<hbm>>
      tpu.enqueue_dma source(%dma_start3A_2174 : memref<8x128xf32, #tpu.memory_space<hbm>>) target(%dma_start3A_2171 : memref<8x128xf32, #tpu.memory_space<vmem>>) target_semaphore(%arg33 : memref<!tpu.dma_semaphore, #tpu.memory_space<semaphore_mem>>)
      %dma_start3A_2175 = arith.constant 1 : i32
      %dma_start3A_2176 = arith.constant 1 : i32
      %dma_start3A_2177 = arith.constant 0 : i32
      %dma_start3A_2178 = arith.constant 0 : i32
      %dma_start3A_2179 = tpu.memref_slice %arg19[%dma_start3A_2176, %dma_start3A_2177, %dma_start3A_2178] : memref<4x8x128xf32, #tpu.memory_space<vmem>> -> memref<1x8x128xf32, #tpu.memory_space<vmem>>
      %dma_start3A_2180 = tpu.memref_squeeze %dma_start3A_2179 : memref<1x8x128xf32, #tpu.memory_space<vmem>> -> memref<8x128xf32, #tpu.memory_space<vmem>>
      %dma_start3A_2181 = arith.constant 0 : i32
      %dma_start3A_2182 = tpu.memref_slice %arg4[%dma_start3A_2175, %dma_start3A_2181, %multiple_of3A_2139] : memref<4x8x1000000xf32, #tpu.memory_space<hbm>> -> memref<1x8x128xf32, #tpu.memory_space<hbm>>
      %dma_start3A_2183 = tpu.memref_squeeze %dma_start3A_2182 : memref<1x8x128xf32, #tpu.memory_space<hbm>> -> memref<8x128xf32, #tpu.memory_space<hbm>>
      %dma_start3A_2184 = arith.constant 0 : i32
      %dma_start3A_2185 = arith.constant 0 : i32
      %dma_start3A_2186 = tpu.memref_slice %arg19[%dma_start3A_2176, %dma_start3A_2184, %dma_start3A_2185] : memref<4x8x128xf32, #tpu.memory_space<vmem>> -> memref<1x8x128xf32, #tpu.memory_space<vmem>>
      %dma_start3A_2187 = tpu.memref_squeeze %dma_start3A_2186 : memref<1x8x128xf32, #tpu.memory_space<vmem>> -> memref<8x128xf32, #tpu.memory_space<vmem>>
      %dma_start3A_2188 = arith.constant 0 : i32
      %dma_start3A_2189 = tpu.memref_slice %arg4[%dma_start3A_2175, %dma_start3A_2188, %multiple_of3A_2139] : memref<4x8x1000000xf32, #tpu.memory_space<hbm>> -> memref<1x8x128xf32, #tpu.memory_space<hbm>>
      %dma_start3A_2190 = tpu.memref_squeeze %dma_start3A_2189 : memref<1x8x128xf32, #tpu.memory_space<hbm>> -> memref<8x128xf32, #tpu.memory_space<hbm>>
      tpu.enqueue_dma source(%dma_start3A_2190 : memref<8x128xf32, #tpu.memory_space<hbm>>) target(%dma_start3A_2187 : memref<8x128xf32, #tpu.memory_space<vmem>>) target_semaphore(%arg32 : memref<!tpu.dma_semaphore, #tpu.memory_space<semaphore_mem>>)
      %dma_start3A_2191 = arith.constant 1 : i32
      %dma_start3A_2192 = arith.constant 1 : i32
      %dma_start3A_2193 = arith.constant 0 : i32
      %dma_start3A_2194 = arith.constant 0 : i32
      %dma_start3A_2195 = tpu.memref_slice %arg23[%dma_start3A_2192, %dma_start3A_2193, %dma_start3A_2194] : memref<4x8x128xf32, #tpu.memory_space<vmem>> -> memref<1x8x128xf32, #tpu.memory_space<vmem>>
      %dma_start3A_2196 = tpu.memref_squeeze %dma_start3A_2195 : memref<1x8x128xf32, #tpu.memory_space<vmem>> -> memref<8x128xf32, #tpu.memory_space<vmem>>
      %dma_start3A_2197 = arith.constant 0 : i32
      %dma_start3A_2198 = tpu.memref_slice %arg5[%dma_start3A_2191, %dma_start3A_2197, %multiple_of3A_2142] : memref<4x8x1000000xf32, #tpu.memory_space<hbm>> -> memref<1x8x128xf32, #tpu.memory_space<hbm>>
      %dma_start3A_2199 = tpu.memref_squeeze %dma_start3A_2198 : memref<1x8x128xf32, #tpu.memory_space<hbm>> -> memref<8x128xf32, #tpu.memory_space<hbm>>
      %dma_start3A_2200 = arith.constant 0 : i32
      %dma_start3A_2201 = arith.constant 0 : i32
      %dma_start3A_2202 = tpu.memref_slice %arg23[%dma_start3A_2192, %dma_start3A_2200, %dma_start3A_2201] : memref<4x8x128xf32, #tpu.memory_space<vmem>> -> memref<1x8x128xf32, #tpu.memory_space<vmem>>
      %dma_start3A_2203 = tpu.memref_squeeze %dma_start3A_2202 : memref<1x8x128xf32, #tpu.memory_space<vmem>> -> memref<8x128xf32, #tpu.memory_space<vmem>>
      %dma_start3A_2204 = arith.constant 0 : i32
      %dma_start3A_2205 = tpu.memref_slice %arg5[%dma_start3A_2191, %dma_start3A_2204, %multiple_of3A_2142] : memref<4x8x1000000xf32, #tpu.memory_space<hbm>> -> memref<1x8x128xf32, #tpu.memory_space<hbm>>
      %dma_start3A_2206 = tpu.memref_squeeze %dma_start3A_2205 : memref<1x8x128xf32, #tpu.memory_space<hbm>> -> memref<8x128xf32, #tpu.memory_space<hbm>>
      tpu.enqueue_dma source(%dma_start3A_2206 : memref<8x128xf32, #tpu.memory_space<hbm>>) target(%dma_start3A_2203 : memref<8x128xf32, #tpu.memory_space<vmem>>) target_semaphore(%arg33 : memref<!tpu.dma_semaphore, #tpu.memory_space<semaphore_mem>>)
      %dma_start3A_2207 = arith.constant 2 : i32
      %dma_start3A_2208 = arith.constant 2 : i32
      %dma_start3A_2209 = arith.constant 0 : i32
      %dma_start3A_2210 = arith.constant 0 : i32
      %dma_start3A_2211 = tpu.memref_slice %arg19[%dma_start3A_2208, %dma_start3A_2209, %dma_start3A_2210] : memref<4x8x128xf32, #tpu.memory_space<vmem>> -> memref<1x8x128xf32, #tpu.memory_space<vmem>>
      %dma_start3A_2212 = tpu.memref_squeeze %dma_start3A_2211 : memref<1x8x128xf32, #tpu.memory_space<vmem>> -> memref<8x128xf32, #tpu.memory_space<vmem>>
      %dma_start3A_2213 = arith.constant 0 : i32
      %dma_start3A_2214 = tpu.memref_slice %arg4[%dma_start3A_2207, %dma_start3A_2213, %multiple_of3A_2139] : memref<4x8x1000000xf32, #tpu.memory_space<hbm>> -> memref<1x8x128xf32, #tpu.memory_space<hbm>>
      %dma_start3A_2215 = tpu.memref_squeeze %dma_start3A_2214 : memref<1x8x128xf32, #tpu.memory_space<hbm>> -> memref<8x128xf32, #tpu.memory_space<hbm>>
      %dma_start3A_2216 = arith.constant 0 : i32
      %dma_start3A_2217 = arith.constant 0 : i32
      %dma_start3A_2218 = tpu.memref_slice %arg19[%dma_start3A_2208, %dma_start3A_2216, %dma_start3A_2217] : memref<4x8x128xf32, #tpu.memory_space<vmem>> -> memref<1x8x128xf32, #tpu.memory_space<vmem>>
      %dma_start3A_2219 = tpu.memref_squeeze %dma_start3A_2218 : memref<1x8x128xf32, #tpu.memory_space<vmem>> -> memref<8x128xf32, #tpu.memory_space<vmem>>
      %dma_start3A_2220 = arith.constant 0 : i32
      %dma_start3A_2221 = tpu.memref_slice %arg4[%dma_start3A_2207, %dma_start3A_2220, %multiple_of3A_2139] : memref<4x8x1000000xf32, #tpu.memory_space<hbm>> -> memref<1x8x128xf32, #tpu.memory_space<hbm>>
      %dma_start3A_2222 = tpu.memref_squeeze %dma_start3A_2221 : memref<1x8x128xf32, #tpu.memory_space<hbm>> -> memref<8x128xf32, #tpu.memory_space<hbm>>
      tpu.enqueue_dma source(%dma_start3A_2222 : memref<8x128xf32, #tpu.memory_space<hbm>>) target(%dma_start3A_2219 : memref<8x128xf32, #tpu.memory_space<vmem>>) target_semaphore(%arg32 : memref<!tpu.dma_semaphore, #tpu.memory_space<semaphore_mem>>)
      %dma_start3A_2223 = arith.constant 2 : i32
      %dma_start3A_2224 = arith.constant 2 : i32
      %dma_start3A_2225 = arith.constant 0 : i32
      %dma_start3A_2226 = arith.constant 0 : i32
      %dma_start3A_2227 = tpu.memref_slice %arg23[%dma_start3A_2224, %dma_start3A_2225, %dma_start3A_2226] : memref<4x8x128xf32, #tpu.memory_space<vmem>> -> memref<1x8x128xf32, #tpu.memory_space<vmem>>
      %dma_start3A_2228 = tpu.memref_squeeze %dma_start3A_2227 : memref<1x8x128xf32, #tpu.memory_space<vmem>> -> memref<8x128xf32, #tpu.memory_space<vmem>>
      %dma_start3A_2229 = arith.constant 0 : i32
      %dma_start3A_2230 = tpu.memref_slice %arg5[%dma_start3A_2223, %dma_start3A_2229, %multiple_of3A_2142] : memref<4x8x1000000xf32, #tpu.memory_space<hbm>> -> memref<1x8x128xf32, #tpu.memory_space<hbm>>
      %dma_start3A_2231 = tpu.memref_squeeze %dma_start3A_2230 : memref<1x8x128xf32, #tpu.memory_space<hbm>> -> memref<8x128xf32, #tpu.memory_space<hbm>>
      %dma_start3A_2232 = arith.constant 0 : i32
      %dma_start3A_2233 = arith.constant 0 : i32
      %dma_start3A_2234 = tpu.memref_slice %arg23[%dma_start3A_2224, %dma_start3A_2232, %dma_start3A_2233] : memref<4x8x128xf32, #tpu.memory_space<vmem>> -> memref<1x8x128xf32, #tpu.memory_space<vmem>>
      %dma_start3A_2235 = tpu.memref_squeeze %dma_start3A_2234 : memref<1x8x128xf32, #tpu.memory_space<vmem>> -> memref<8x128xf32, #tpu.memory_space<vmem>>
      %dma_start3A_2236 = arith.constant 0 : i32
      %dma_start3A_2237 = tpu.memref_slice %arg5[%dma_start3A_2223, %dma_start3A_2236, %multiple_of3A_2142] : memref<4x8x1000000xf32, #tpu.memory_space<hbm>> -> memref<1x8x128xf32, #tpu.memory_space<hbm>>
      %dma_start3A_2238 = tpu.memref_squeeze %dma_start3A_2237 : memref<1x8x128xf32, #tpu.memory_space<hbm>> -> memref<8x128xf32, #tpu.memory_space<hbm>>
      tpu.enqueue_dma source(%dma_start3A_2238 : memref<8x128xf32, #tpu.memory_space<hbm>>) target(%dma_start3A_2235 : memref<8x128xf32, #tpu.memory_space<vmem>>) target_semaphore(%arg33 : memref<!tpu.dma_semaphore, #tpu.memory_space<semaphore_mem>>)
      %dma_start3A_2239 = arith.constant 3 : i32
      %dma_start3A_2240 = arith.constant 3 : i32
      %dma_start3A_2241 = arith.constant 0 : i32
      %dma_start3A_2242 = arith.constant 0 : i32
      %dma_start3A_2243 = tpu.memref_slice %arg19[%dma_start3A_2240, %dma_start3A_2241, %dma_start3A_2242] : memref<4x8x128xf32, #tpu.memory_space<vmem>> -> memref<1x8x128xf32, #tpu.memory_space<vmem>>
      %dma_start3A_2244 = tpu.memref_squeeze %dma_start3A_2243 : memref<1x8x128xf32, #tpu.memory_space<vmem>> -> memref<8x128xf32, #tpu.memory_space<vmem>>
      %dma_start3A_2245 = arith.constant 0 : i32
      %dma_start3A_2246 = tpu.memref_slice %arg4[%dma_start3A_2239, %dma_start3A_2245, %multiple_of3A_2139] : memref<4x8x1000000xf32, #tpu.memory_space<hbm>> -> memref<1x8x128xf32, #tpu.memory_space<hbm>>
      %dma_start3A_2247 = tpu.memref_squeeze %dma_start3A_2246 : memref<1x8x128xf32, #tpu.memory_space<hbm>> -> memref<8x128xf32, #tpu.memory_space<hbm>>
      %dma_start3A_2248 = arith.constant 0 : i32
      %dma_start3A_2249 = arith.constant 0 : i32
      %dma_start3A_2250 = tpu.memref_slice %arg19[%dma_start3A_2240, %dma_start3A_2248, %dma_start3A_2249] : memref<4x8x128xf32, #tpu.memory_space<vmem>> -> memref<1x8x128xf32, #tpu.memory_space<vmem>>
      %dma_start3A_2251 = tpu.memref_squeeze %dma_start3A_2250 : memref<1x8x128xf32, #tpu.memory_space<vmem>> -> memref<8x128xf32, #tpu.memory_space<vmem>>
      %dma_start3A_2252 = arith.constant 0 : i32
      %dma_start3A_2253 = tpu.memref_slice %arg4[%dma_start3A_2239, %dma_start3A_2252, %multiple_of3A_2139] : memref<4x8x1000000xf32, #tpu.memory_space<hbm>> -> memref<1x8x128xf32, #tpu.memory_space<hbm>>
      %dma_start3A_2254 = tpu.memref_squeeze %dma_start3A_2253 : memref<1x8x128xf32, #tpu.memory_space<hbm>> -> memref<8x128xf32, #tpu.memory_space<hbm>>
      tpu.enqueue_dma source(%dma_start3A_2254 : memref<8x128xf32, #tpu.memory_space<hbm>>) target(%dma_start3A_2251 : memref<8x128xf32, #tpu.memory_space<vmem>>) target_semaphore(%arg32 : memref<!tpu.dma_semaphore, #tpu.memory_space<semaphore_mem>>)
      %dma_start3A_2255 = arith.constant 3 : i32
      %dma_start3A_2256 = arith.constant 3 : i32
      %dma_start3A_2257 = arith.constant 0 : i32
      %dma_start3A_2258 = arith.constant 0 : i32
      %dma_start3A_2259 = tpu.memref_slice %arg23[%dma_start3A_2256, %dma_start3A_2257, %dma_start3A_2258] : memref<4x8x128xf32, #tpu.memory_space<vmem>> -> memref<1x8x128xf32, #tpu.memory_space<vmem>>
      %dma_start3A_2260 = tpu.memref_squeeze %dma_start3A_2259 : memref<1x8x128xf32, #tpu.memory_space<vmem>> -> memref<8x128xf32, #tpu.memory_space<vmem>>
      %dma_start3A_2261 = arith.constant 0 : i32
      %dma_start3A_2262 = tpu.memref_slice %arg5[%dma_start3A_2255, %dma_start3A_2261, %multiple_of3A_2142] : memref<4x8x1000000xf32, #tpu.memory_space<hbm>> -> memref<1x8x128xf32, #tpu.memory_space<hbm>>
      %dma_start3A_2263 = tpu.memref_squeeze %dma_start3A_2262 : memref<1x8x128xf32, #tpu.memory_space<hbm>> -> memref<8x128xf32, #tpu.memory_space<hbm>>
      %dma_start3A_2264 = arith.constant 0 : i32
      %dma_start3A_2265 = arith.constant 0 : i32
      %dma_start3A_2266 = tpu.memref_slice %arg23[%dma_start3A_2256, %dma_start3A_2264, %dma_start3A_2265] : memref<4x8x128xf32, #tpu.memory_space<vmem>> -> memref<1x8x128xf32, #tpu.memory_space<vmem>>
      %dma_start3A_2267 = tpu.memref_squeeze %dma_start3A_2266 : memref<1x8x128xf32, #tpu.memory_space<vmem>> -> memref<8x128xf32, #tpu.memory_space<vmem>>
      %dma_start3A_2268 = arith.constant 0 : i32
      %dma_start3A_2269 = tpu.memref_slice %arg5[%dma_start3A_2255, %dma_start3A_2268, %multiple_of3A_2142] : memref<4x8x1000000xf32, #tpu.memory_space<hbm>> -> memref<1x8x128xf32, #tpu.memory_space<hbm>>
      %dma_start3A_2270 = tpu.memref_squeeze %dma_start3A_2269 : memref<1x8x128xf32, #tpu.memory_space<hbm>> -> memref<8x128xf32, #tpu.memory_space<hbm>>
      tpu.enqueue_dma source(%dma_start3A_2270 : memref<8x128xf32, #tpu.memory_space<hbm>>) target(%dma_start3A_2267 : memref<8x128xf32, #tpu.memory_space<vmem>>) target_semaphore(%arg33 : memref<!tpu.dma_semaphore, #tpu.memory_space<semaphore_mem>>)
      %slice3A_2271 = vector.extract_strided_slice %sub3A_2132 {offsets = [1], sizes = [1], strides = [1]} : vector<16xi32> to vector<1xi32>
      %squeeze3A_2272 = vector.extract %slice3A_2271[0] : i32 from vector<1xi32>
      %multiple_of3A_2273 = tpu.assume_multiple %squeeze3A_2272, 128 : i32
      %slice3A_2274 = vector.extract_strided_slice %sub3A_2136 {offsets = [1], sizes = [1], strides = [1]} : vector<16xi32> to vector<1xi32>
      %squeeze3A_2275 = vector.extract %slice3A_2274[0] : i32 from vector<1xi32>
      %multiple_of3A_2276 = tpu.assume_multiple %squeeze3A_2275, 128 : i32
      %dma_start3A_2277 = arith.constant 0 : i32
      %dma_start3A_2278 = arith.constant 0 : i32
      %dma_start3A_2279 = arith.constant 0 : i32
      %dma_start3A_2280 = arith.constant 0 : i32
      %dma_start3A_2281 = tpu.memref_slice %arg20[%dma_start3A_2278, %dma_start3A_2279, %dma_start3A_2280] : memref<4x8x128xf32, #tpu.memory_space<vmem>> -> memref<1x8x128xf32, #tpu.memory_space<vmem>>
      %dma_start3A_2282 = tpu.memref_squeeze %dma_start3A_2281 : memref<1x8x128xf32, #tpu.memory_space<vmem>> -> memref<8x128xf32, #tpu.memory_space<vmem>>
      %dma_start3A_2283 = arith.constant 0 : i32
      %dma_start3A_2284 = tpu.memref_slice %arg4[%dma_start3A_2277, %dma_start3A_2283, %multiple_of3A_2273] : memref<4x8x1000000xf32, #tpu.memory_space<hbm>> -> memref<1x8x128xf32, #tpu.memory_space<hbm>>
      %dma_start3A_2285 = tpu.memref_squeeze %dma_start3A_2284 : memref<1x8x128xf32, #tpu.memory_space<hbm>> -> memref<8x128xf32, #tpu.memory_space<hbm>>
      %dma_start3A_2286 = arith.constant 0 : i32
      %dma_start3A_2287 = arith.constant 0 : i32
      %dma_start3A_2288 = tpu.memref_slice %arg20[%dma_start3A_2278, %dma_start3A_2286, %dma_start3A_2287] : memref<4x8x128xf32, #tpu.memory_space<vmem>> -> memref<1x8x128xf32, #tpu.memory_space<vmem>>
      %dma_start3A_2289 = tpu.memref_squeeze %dma_start3A_2288 : memref<1x8x128xf32, #tpu.memory_space<vmem>> -> memref<8x128xf32, #tpu.memory_space<vmem>>
      %dma_start3A_2290 = arith.constant 0 : i32
      %dma_start3A_2291 = tpu.memref_slice %arg4[%dma_start3A_2277, %dma_start3A_2290, %multiple_of3A_2273] : memref<4x8x1000000xf32, #tpu.memory_space<hbm>> -> memref<1x8x128xf32, #tpu.memory_space<hbm>>
      %dma_start3A_2292 = tpu.memref_squeeze %dma_start3A_2291 : memref<1x8x128xf32, #tpu.memory_space<hbm>> -> memref<8x128xf32, #tpu.memory_space<hbm>>
      tpu.enqueue_dma source(%dma_start3A_2292 : memref<8x128xf32, #tpu.memory_space<hbm>>) target(%dma_start3A_2289 : memref<8x128xf32, #tpu.memory_space<vmem>>) target_semaphore(%arg32 : memref<!tpu.dma_semaphore, #tpu.memory_space<semaphore_mem>>)
      %dma_start3A_2293 = arith.constant 0 : i32
      %dma_start3A_2294 = arith.constant 0 : i32
      %dma_start3A_2295 = arith.constant 0 : i32
      %dma_start3A_2296 = arith.constant 0 : i32
      %dma_start3A_2297 = tpu.memref_slice %arg24[%dma_start3A_2294, %dma_start3A_2295, %dma_start3A_2296] : memref<4x8x128xf32, #tpu.memory_space<vmem>> -> memref<1x8x128xf32, #tpu.memory_space<vmem>>
      %dma_start3A_2298 = tpu.memref_squeeze %dma_start3A_2297 : memref<1x8x128xf32, #tpu.memory_space<vmem>> -> memref<8x128xf32, #tpu.memory_space<vmem>>
      %dma_start3A_2299 = arith.constant 0 : i32
      %dma_start3A_2300 = tpu.memref_slice %arg5[%dma_start3A_2293, %dma_start3A_2299, %multiple_of3A_2276] : memref<4x8x1000000xf32, #tpu.memory_space<hbm>> -> memref<1x8x128xf32, #tpu.memory_space<hbm>>
      %dma_start3A_2301 = tpu.memref_squeeze %dma_start3A_2300 : memref<1x8x128xf32, #tpu.memory_space<hbm>> -> memref<8x128xf32, #tpu.memory_space<hbm>>
      %dma_start3A_2302 = arith.constant 0 : i32
      %dma_start3A_2303 = arith.constant 0 : i32
      %dma_start3A_2304 = tpu.memref_slice %arg24[%dma_start3A_2294, %dma_start3A_2302, %dma_start3A_2303] : memref<4x8x128xf32, #tpu.memory_space<vmem>> -> memref<1x8x128xf32, #tpu.memory_space<vmem>>
      %dma_start3A_2305 = tpu.memref_squeeze %dma_start3A_2304 : memref<1x8x128xf32, #tpu.memory_space<vmem>> -> memref<8x128xf32, #tpu.memory_space<vmem>>
      %dma_start3A_2306 = arith.constant 0 : i32
      %dma_start3A_2307 = tpu.memref_slice %arg5[%dma_start3A_2293, %dma_start3A_2306, %multiple_of3A_2276] : memref<4x8x1000000xf32, #tpu.memory_space<hbm>> -> memref<1x8x128xf32, #tpu.memory_space<hbm>>
      %dma_start3A_2308 = tpu.memref_squeeze %dma_start3A_2307 : memref<1x8x128xf32, #tpu.memory_space<hbm>> -> memref<8x128xf32, #tpu.memory_space<hbm>>
      tpu.enqueue_dma source(%dma_start3A_2308 : memref<8x128xf32, #tpu.memory_space<hbm>>) target(%dma_start3A_2305 : memref<8x128xf32, #tpu.memory_space<vmem>>) target_semaphore(%arg33 : memref<!tpu.dma_semaphore, #tpu.memory_space<semaphore_mem>>)
      %dma_start3A_2309 = arith.constant 1 : i32
      %dma_start3A_2310 = arith.constant 1 : i32
      %dma_start3A_2311 = arith.constant 0 : i32
      %dma_start3A_2312 = arith.constant 0 : i32
      %dma_start3A_2313 = tpu.memref_slice %arg20[%dma_start3A_2310, %dma_start3A_2311, %dma_start3A_2312] : memref<4x8x128xf32, #tpu.memory_space<vmem>> -> memref<1x8x128xf32, #tpu.memory_space<vmem>>
      %dma_start3A_2314 = tpu.memref_squeeze %dma_start3A_2313 : memref<1x8x128xf32, #tpu.memory_space<vmem>> -> memref<8x128xf32, #tpu.memory_space<vmem>>
      %dma_start3A_2315 = arith.constant 0 : i32
      %dma_start3A_2316 = tpu.memref_slice %arg4[%dma_start3A_2309, %dma_start3A_2315, %multiple_of3A_2273] : memref<4x8x1000000xf32, #tpu.memory_space<hbm>> -> memref<1x8x128xf32, #tpu.memory_space<hbm>>
      %dma_start3A_2317 = tpu.memref_squeeze %dma_start3A_2316 : memref<1x8x128xf32, #tpu.memory_space<hbm>> -> memref<8x128xf32, #tpu.memory_space<hbm>>
      %dma_start3A_2318 = arith.constant 0 : i32
      %dma_start3A_2319 = arith.constant 0 : i32
      %dma_start3A_2320 = tpu.memref_slice %arg20[%dma_start3A_2310, %dma_start3A_2318, %dma_start3A_2319] : memref<4x8x128xf32, #tpu.memory_space<vmem>> -> memref<1x8x128xf32, #tpu.memory_space<vmem>>
      %dma_start3A_2321 = tpu.memref_squeeze %dma_start3A_2320 : memref<1x8x128xf32, #tpu.memory_space<vmem>> -> memref<8x128xf32, #tpu.memory_space<vmem>>
      %dma_start3A_2322 = arith.constant 0 : i32
      %dma_start3A_2323 = tpu.memref_slice %arg4[%dma_start3A_2309, %dma_start3A_2322, %multiple_of3A_2273] : memref<4x8x1000000xf32, #tpu.memory_space<hbm>> -> memref<1x8x128xf32, #tpu.memory_space<hbm>>
      %dma_start3A_2324 = tpu.memref_squeeze %dma_start3A_2323 : memref<1x8x128xf32, #tpu.memory_space<hbm>> -> memref<8x128xf32, #tpu.memory_space<hbm>>
      tpu.enqueue_dma source(%dma_start3A_2324 : memref<8x128xf32, #tpu.memory_space<hbm>>) target(%dma_start3A_2321 : memref<8x128xf32, #tpu.memory_space<vmem>>) target_semaphore(%arg32 : memref<!tpu.dma_semaphore, #tpu.memory_space<semaphore_mem>>)
      %dma_start3A_2325 = arith.constant 1 : i32
      %dma_start3A_2326 = arith.constant 1 : i32
      %dma_start3A_2327 = arith.constant 0 : i32
      %dma_start3A_2328 = arith.constant 0 : i32
      %dma_start3A_2329 = tpu.memref_slice %arg24[%dma_start3A_2326, %dma_start3A_2327, %dma_start3A_2328] : memref<4x8x128xf32, #tpu.memory_space<vmem>> -> memref<1x8x128xf32, #tpu.memory_space<vmem>>
      %dma_start3A_2330 = tpu.memref_squeeze %dma_start3A_2329 : memref<1x8x128xf32, #tpu.memory_space<vmem>> -> memref<8x128xf32, #tpu.memory_space<vmem>>
      %dma_start3A_2331 = arith.constant 0 : i32
      %dma_start3A_2332 = tpu.memref_slice %arg5[%dma_start3A_2325, %dma_start3A_2331, %multiple_of3A_2276] : memref<4x8x1000000xf32, #tpu.memory_space<hbm>> -> memref<1x8x128xf32, #tpu.memory_space<hbm>>
      %dma_start3A_2333 = tpu.memref_squeeze %dma_start3A_2332 : memref<1x8x128xf32, #tpu.memory_space<hbm>> -> memref<8x128xf32, #tpu.memory_space<hbm>>
      %dma_start3A_2334 = arith.constant 0 : i32
      %dma_start3A_2335 = arith.constant 0 : i32
      %dma_start3A_2336 = tpu.memref_slice %arg24[%dma_start3A_2326, %dma_start3A_2334, %dma_start3A_2335] : memref<4x8x128xf32, #tpu.memory_space<vmem>> -> memref<1x8x128xf32, #tpu.memory_space<vmem>>
      %dma_start3A_2337 = tpu.memref_squeeze %dma_start3A_2336 : memref<1x8x128xf32, #tpu.memory_space<vmem>> -> memref<8x128xf32, #tpu.memory_space<vmem>>
      %dma_start3A_2338 = arith.constant 0 : i32
      %dma_start3A_2339 = tpu.memref_slice %arg5[%dma_start3A_2325, %dma_start3A_2338, %multiple_of3A_2276] : memref<4x8x1000000xf32, #tpu.memory_space<hbm>> -> memref<1x8x128xf32, #tpu.memory_space<hbm>>
      %dma_start3A_2340 = tpu.memref_squeeze %dma_start3A_2339 : memref<1x8x128xf32, #tpu.memory_space<hbm>> -> memref<8x128xf32, #tpu.memory_space<hbm>>
      tpu.enqueue_dma source(%dma_start3A_2340 : memref<8x128xf32, #tpu.memory_space<hbm>>) target(%dma_start3A_2337 : memref<8x128xf32, #tpu.memory_space<vmem>>) target_semaphore(%arg33 : memref<!tpu.dma_semaphore, #tpu.memory_space<semaphore_mem>>)
      %dma_start3A_2341 = arith.constant 2 : i32
      %dma_start3A_2342 = arith.constant 2 : i32
      %dma_start3A_2343 = arith.constant 0 : i32
      %dma_start3A_2344 = arith.constant 0 : i32
      %dma_start3A_2345 = tpu.memref_slice %arg20[%dma_start3A_2342, %dma_start3A_2343, %dma_start3A_2344] : memref<4x8x128xf32, #tpu.memory_space<vmem>> -> memref<1x8x128xf32, #tpu.memory_space<vmem>>
      %dma_start3A_2346 = tpu.memref_squeeze %dma_start3A_2345 : memref<1x8x128xf32, #tpu.memory_space<vmem>> -> memref<8x128xf32, #tpu.memory_space<vmem>>
      %dma_start3A_2347 = arith.constant 0 : i32
      %dma_start3A_2348 = tpu.memref_slice %arg4[%dma_start3A_2341, %dma_start3A_2347, %multiple_of3A_2273] : memref<4x8x1000000xf32, #tpu.memory_space<hbm>> -> memref<1x8x128xf32, #tpu.memory_space<hbm>>
      %dma_start3A_2349 = tpu.memref_squeeze %dma_start3A_2348 : memref<1x8x128xf32, #tpu.memory_space<hbm>> -> memref<8x128xf32, #tpu.memory_space<hbm>>
      %dma_start3A_2350 = arith.constant 0 : i32
      %dma_start3A_2351 = arith.constant 0 : i32
      %dma_start3A_2352 = tpu.memref_slice %arg20[%dma_start3A_2342, %dma_start3A_2350, %dma_start3A_2351] : memref<4x8x128xf32, #tpu.memory_space<vmem>> -> memref<1x8x128xf32, #tpu.memory_space<vmem>>
      %dma_start3A_2353 = tpu.memref_squeeze %dma_start3A_2352 : memref<1x8x128xf32, #tpu.memory_space<vmem>> -> memref<8x128xf32, #tpu.memory_space<vmem>>
      %dma_start3A_2354 = arith.constant 0 : i32
      %dma_start3A_2355 = tpu.memref_slice %arg4[%dma_start3A_2341, %dma_start3A_2354, %multiple_of3A_2273] : memref<4x8x1000000xf32, #tpu.memory_space<hbm>> -> memref<1x8x128xf32, #tpu.memory_space<hbm>>
      %dma_start3A_2356 = tpu.memref_squeeze %dma_start3A_2355 : memref<1x8x128xf32, #tpu.memory_space<hbm>> -> memref<8x128xf32, #tpu.memory_space<hbm>>
      tpu.enqueue_dma source(%dma_start3A_2356 : memref<8x128xf32, #tpu.memory_space<hbm>>) target(%dma_start3A_2353 : memref<8x128xf32, #tpu.memory_space<vmem>>) target_semaphore(%arg32 : memref<!tpu.dma_semaphore, #tpu.memory_space<semaphore_mem>>)
      %dma_start3A_2357 = arith.constant 2 : i32
      %dma_start3A_2358 = arith.constant 2 : i32
      %dma_start3A_2359 = arith.constant 0 : i32
      %dma_start3A_2360 = arith.constant 0 : i32
      %dma_start3A_2361 = tpu.memref_slice %arg24[%dma_start3A_2358, %dma_start3A_2359, %dma_start3A_2360] : memref<4x8x128xf32, #tpu.memory_space<vmem>> -> memref<1x8x128xf32, #tpu.memory_space<vmem>>
      %dma_start3A_2362 = tpu.memref_squeeze %dma_start3A_2361 : memref<1x8x128xf32, #tpu.memory_space<vmem>> -> memref<8x128xf32, #tpu.memory_space<vmem>>
      %dma_start3A_2363 = arith.constant 0 : i32
      %dma_start3A_2364 = tpu.memref_slice %arg5[%dma_start3A_2357, %dma_start3A_2363, %multiple_of3A_2276] : memref<4x8x1000000xf32, #tpu.memory_space<hbm>> -> memref<1x8x128xf32, #tpu.memory_space<hbm>>
      %dma_start3A_2365 = tpu.memref_squeeze %dma_start3A_2364 : memref<1x8x128xf32, #tpu.memory_space<hbm>> -> memref<8x128xf32, #tpu.memory_space<hbm>>
      %dma_start3A_2366 = arith.constant 0 : i32
      %dma_start3A_2367 = arith.constant 0 : i32
      %dma_start3A_2368 = tpu.memref_slice %arg24[%dma_start3A_2358, %dma_start3A_2366, %dma_start3A_2367] : memref<4x8x128xf32, #tpu.memory_space<vmem>> -> memref<1x8x128xf32, #tpu.memory_space<vmem>>
      %dma_start3A_2369 = tpu.memref_squeeze %dma_start3A_2368 : memref<1x8x128xf32, #tpu.memory_space<vmem>> -> memref<8x128xf32, #tpu.memory_space<vmem>>
      %dma_start3A_2370 = arith.constant 0 : i32
      %dma_start3A_2371 = tpu.memref_slice %arg5[%dma_start3A_2357, %dma_start3A_2370, %multiple_of3A_2276] : memref<4x8x1000000xf32, #tpu.memory_space<hbm>> -> memref<1x8x128xf32, #tpu.memory_space<hbm>>
      %dma_start3A_2372 = tpu.memref_squeeze %dma_start3A_2371 : memref<1x8x128xf32, #tpu.memory_space<hbm>> -> memref<8x128xf32, #tpu.memory_space<hbm>>
      tpu.enqueue_dma source(%dma_start3A_2372 : memref<8x128xf32, #tpu.memory_space<hbm>>) target(%dma_start3A_2369 : memref<8x128xf32, #tpu.memory_space<vmem>>) target_semaphore(%arg33 : memref<!tpu.dma_semaphore, #tpu.memory_space<semaphore_mem>>)
      %dma_start3A_2373 = arith.constant 3 : i32
      %dma_start3A_2374 = arith.constant 3 : i32
      %dma_start3A_2375 = arith.constant 0 : i32
      %dma_start3A_2376 = arith.constant 0 : i32
      %dma_start3A_2377 = tpu.memref_slice %arg20[%dma_start3A_2374, %dma_start3A_2375, %dma_start3A_2376] : memref<4x8x128xf32, #tpu.memory_space<vmem>> -> memref<1x8x128xf32, #tpu.memory_space<vmem>>
      %dma_start3A_2378 = tpu.memref_squeeze %dma_start3A_2377 : memref<1x8x128xf32, #tpu.memory_space<vmem>> -> memref<8x128xf32, #tpu.memory_space<vmem>>
      %dma_start3A_2379 = arith.constant 0 : i32
      %dma_start3A_2380 = tpu.memref_slice %arg4[%dma_start3A_2373, %dma_start3A_2379, %multiple_of3A_2273] : memref<4x8x1000000xf32, #tpu.memory_space<hbm>> -> memref<1x8x128xf32, #tpu.memory_space<hbm>>
      %dma_start3A_2381 = tpu.memref_squeeze %dma_start3A_2380 : memref<1x8x128xf32, #tpu.memory_space<hbm>> -> memref<8x128xf32, #tpu.memory_space<hbm>>
      %dma_start3A_2382 = arith.constant 0 : i32
      %dma_start3A_2383 = arith.constant 0 : i32
      %dma_start3A_2384 = tpu.memref_slice %arg20[%dma_start3A_2374, %dma_start3A_2382, %dma_start3A_2383] : memref<4x8x128xf32, #tpu.memory_space<vmem>> -> memref<1x8x128xf32, #tpu.memory_space<vmem>>
      %dma_start3A_2385 = tpu.memref_squeeze %dma_start3A_2384 : memref<1x8x128xf32, #tpu.memory_space<vmem>> -> memref<8x128xf32, #tpu.memory_space<vmem>>
      %dma_start3A_2386 = arith.constant 0 : i32
      %dma_start3A_2387 = tpu.memref_slice %arg4[%dma_start3A_2373, %dma_start3A_2386, %multiple_of3A_2273] : memref<4x8x1000000xf32, #tpu.memory_space<hbm>> -> memref<1x8x128xf32, #tpu.memory_space<hbm>>
      %dma_start3A_2388 = tpu.memref_squeeze %dma_start3A_2387 : memref<1x8x128xf32, #tpu.memory_space<hbm>> -> memref<8x128xf32, #tpu.memory_space<hbm>>
      tpu.enqueue_dma source(%dma_start3A_2388 : memref<8x128xf32, #tpu.memory_space<hbm>>) target(%dma_start3A_2385 : memref<8x128xf32, #tpu.memory_space<vmem>>) target_semaphore(%arg32 : memref<!tpu.dma_semaphore, #tpu.memory_space<semaphore_mem>>)
      %dma_start3A_2389 = arith.constant 3 : i32
      %dma_start3A_2390 = arith.constant 3 : i32
      %dma_start3A_2391 = arith.constant 0 : i32
      %dma_start3A_2392 = arith.constant 0 : i32
      %dma_start3A_2393 = tpu.memref_slice %arg24[%dma_start3A_2390, %dma_start3A_2391, %dma_start3A_2392] : memref<4x8x128xf32, #tpu.memory_space<vmem>> -> memref<1x8x128xf32, #tpu.memory_space<vmem>>
      %dma_start3A_2394 = tpu.memref_squeeze %dma_start3A_2393 : memref<1x8x128xf32, #tpu.memory_space<vmem>> -> memref<8x128xf32, #tpu.memory_space<vmem>>
      %dma_start3A_2395 = arith.constant 0 : i32
      %dma_start3A_2396 = tpu.memref_slice %arg5[%dma_start3A_2389, %dma_start3A_2395, %multiple_of3A_2276] : memref<4x8x1000000xf32, #tpu.memory_space<hbm>> -> memref<1x8x128xf32, #tpu.memory_space<hbm>>
      %dma_start3A_2397 = tpu.memref_squeeze %dma_start3A_2396 : memref<1x8x128xf32, #tpu.memory_space<hbm>> -> memref<8x128xf32, #tpu.memory_space<hbm>>
      %dma_start3A_2398 = arith.constant 0 : i32
      %dma_start3A_2399 = arith.constant 0 : i32
      %dma_start3A_2400 = tpu.memref_slice %arg24[%dma_start3A_2390, %dma_start3A_2398, %dma_start3A_2399] : memref<4x8x128xf32, #tpu.memory_space<vmem>> -> memref<1x8x128xf32, #tpu.memory_space<vmem>>
      %dma_start3A_2401 = tpu.memref_squeeze %dma_start3A_2400 : memref<1x8x128xf32, #tpu.memory_space<vmem>> -> memref<8x128xf32, #tpu.memory_space<vmem>>
      %dma_start3A_2402 = arith.constant 0 : i32
      %dma_start3A_2403 = tpu.memref_slice %arg5[%dma_start3A_2389, %dma_start3A_2402, %multiple_of3A_2276] : memref<4x8x1000000xf32, #tpu.memory_space<hbm>> -> memref<1x8x128xf32, #tpu.memory_space<hbm>>
      %dma_start3A_2404 = tpu.memref_squeeze %dma_start3A_2403 : memref<1x8x128xf32, #tpu.memory_space<hbm>> -> memref<8x128xf32, #tpu.memory_space<hbm>>
      tpu.enqueue_dma source(%dma_start3A_2404 : memref<8x128xf32, #tpu.memory_space<hbm>>) target(%dma_start3A_2401 : memref<8x128xf32, #tpu.memory_space<vmem>>) target_semaphore(%arg33 : memref<!tpu.dma_semaphore, #tpu.memory_space<semaphore_mem>>)
      %slice3A_2405 = vector.extract_strided_slice %sub3A_2132 {offsets = [2], sizes = [1], strides = [1]} : vector<16xi32> to vector<1xi32>
      %squeeze3A_2406 = vector.extract %slice3A_2405[0] : i32 from vector<1xi32>
      %multiple_of3A_2407 = tpu.assume_multiple %squeeze3A_2406, 128 : i32
      %slice3A_2408 = vector.extract_strided_slice %sub3A_2136 {offsets = [2], sizes = [1], strides = [1]} : vector<16xi32> to vector<1xi32>
      %squeeze3A_2409 = vector.extract %slice3A_2408[0] : i32 from vector<1xi32>
      %multiple_of3A_2410 = tpu.assume_multiple %squeeze3A_2409, 128 : i32
      %dma_start3A_2411 = arith.constant 0 : i32
      %dma_start3A_2412 = arith.constant 0 : i32
      %dma_start3A_2413 = arith.constant 0 : i32
      %dma_start3A_2414 = arith.constant 0 : i32
      %dma_start3A_2415 = tpu.memref_slice %arg21[%dma_start3A_2412, %dma_start3A_2413, %dma_start3A_2414] : memref<4x8x128xf32, #tpu.memory_space<vmem>> -> memref<1x8x128xf32, #tpu.memory_space<vmem>>
      %dma_start3A_2416 = tpu.memref_squeeze %dma_start3A_2415 : memref<1x8x128xf32, #tpu.memory_space<vmem>> -> memref<8x128xf32, #tpu.memory_space<vmem>>
      %dma_start3A_2417 = arith.constant 0 : i32
      %dma_start3A_2418 = tpu.memref_slice %arg4[%dma_start3A_2411, %dma_start3A_2417, %multiple_of3A_2407] : memref<4x8x1000000xf32, #tpu.memory_space<hbm>> -> memref<1x8x128xf32, #tpu.memory_space<hbm>>
      %dma_start3A_2419 = tpu.memref_squeeze %dma_start3A_2418 : memref<1x8x128xf32, #tpu.memory_space<hbm>> -> memref<8x128xf32, #tpu.memory_space<hbm>>
      %dma_start3A_2420 = arith.constant 0 : i32
      %dma_start3A_2421 = arith.constant 0 : i32
      %dma_start3A_2422 = tpu.memref_slice %arg21[%dma_start3A_2412, %dma_start3A_2420, %dma_start3A_2421] : memref<4x8x128xf32, #tpu.memory_space<vmem>> -> memref<1x8x128xf32, #tpu.memory_space<vmem>>
      %dma_start3A_2423 = tpu.memref_squeeze %dma_start3A_2422 : memref<1x8x128xf32, #tpu.memory_space<vmem>> -> memref<8x128xf32, #tpu.memory_space<vmem>>
      %dma_start3A_2424 = arith.constant 0 : i32
      %dma_start3A_2425 = tpu.memref_slice %arg4[%dma_start3A_2411, %dma_start3A_2424, %multiple_of3A_2407] : memref<4x8x1000000xf32, #tpu.memory_space<hbm>> -> memref<1x8x128xf32, #tpu.memory_space<hbm>>
      %dma_start3A_2426 = tpu.memref_squeeze %dma_start3A_2425 : memref<1x8x128xf32, #tpu.memory_space<hbm>> -> memref<8x128xf32, #tpu.memory_space<hbm>>
      tpu.enqueue_dma source(%dma_start3A_2426 : memref<8x128xf32, #tpu.memory_space<hbm>>) target(%dma_start3A_2423 : memref<8x128xf32, #tpu.memory_space<vmem>>) target_semaphore(%arg32 : memref<!tpu.dma_semaphore, #tpu.memory_space<semaphore_mem>>)
      %dma_start3A_2427 = arith.constant 0 : i32
      %dma_start3A_2428 = arith.constant 0 : i32
      %dma_start3A_2429 = arith.constant 0 : i32
      %dma_start3A_2430 = arith.constant 0 : i32
      %dma_start3A_2431 = tpu.memref_slice %arg25[%dma_start3A_2428, %dma_start3A_2429, %dma_start3A_2430] : memref<4x8x128xf32, #tpu.memory_space<vmem>> -> memref<1x8x128xf32, #tpu.memory_space<vmem>>
      %dma_start3A_2432 = tpu.memref_squeeze %dma_start3A_2431 : memref<1x8x128xf32, #tpu.memory_space<vmem>> -> memref<8x128xf32, #tpu.memory_space<vmem>>
      %dma_start3A_2433 = arith.constant 0 : i32
      %dma_start3A_2434 = tpu.memref_slice %arg5[%dma_start3A_2427, %dma_start3A_2433, %multiple_of3A_2410] : memref<4x8x1000000xf32, #tpu.memory_space<hbm>> -> memref<1x8x128xf32, #tpu.memory_space<hbm>>
      %dma_start3A_2435 = tpu.memref_squeeze %dma_start3A_2434 : memref<1x8x128xf32, #tpu.memory_space<hbm>> -> memref<8x128xf32, #tpu.memory_space<hbm>>
      %dma_start3A_2436 = arith.constant 0 : i32
      %dma_start3A_2437 = arith.constant 0 : i32
      %dma_start3A_2438 = tpu.memref_slice %arg25[%dma_start3A_2428, %dma_start3A_2436, %dma_start3A_2437] : memref<4x8x128xf32, #tpu.memory_space<vmem>> -> memref<1x8x128xf32, #tpu.memory_space<vmem>>
      %dma_start3A_2439 = tpu.memref_squeeze %dma_start3A_2438 : memref<1x8x128xf32, #tpu.memory_space<vmem>> -> memref<8x128xf32, #tpu.memory_space<vmem>>
      %dma_start3A_2440 = arith.constant 0 : i32
      %dma_start3A_2441 = tpu.memref_slice %arg5[%dma_start3A_2427, %dma_start3A_2440, %multiple_of3A_2410] : memref<4x8x1000000xf32, #tpu.memory_space<hbm>> -> memref<1x8x128xf32, #tpu.memory_space<hbm>>
      %dma_start3A_2442 = tpu.memref_squeeze %dma_start3A_2441 : memref<1x8x128xf32, #tpu.memory_space<hbm>> -> memref<8x128xf32, #tpu.memory_space<hbm>>
      tpu.enqueue_dma source(%dma_start3A_2442 : memref<8x128xf32, #tpu.memory_space<hbm>>) target(%dma_start3A_2439 : memref<8x128xf32, #tpu.memory_space<vmem>>) target_semaphore(%arg33 : memref<!tpu.dma_semaphore, #tpu.memory_space<semaphore_mem>>)
      %dma_start3A_2443 = arith.constant 1 : i32
      %dma_start3A_2444 = arith.constant 1 : i32
      %dma_start3A_2445 = arith.constant 0 : i32
      %dma_start3A_2446 = arith.constant 0 : i32
      %dma_start3A_2447 = tpu.memref_slice %arg21[%dma_start3A_2444, %dma_start3A_2445, %dma_start3A_2446] : memref<4x8x128xf32, #tpu.memory_space<vmem>> -> memref<1x8x128xf32, #tpu.memory_space<vmem>>
      %dma_start3A_2448 = tpu.memref_squeeze %dma_start3A_2447 : memref<1x8x128xf32, #tpu.memory_space<vmem>> -> memref<8x128xf32, #tpu.memory_space<vmem>>
      %dma_start3A_2449 = arith.constant 0 : i32
      %dma_start3A_2450 = tpu.memref_slice %arg4[%dma_start3A_2443, %dma_start3A_2449, %multiple_of3A_2407] : memref<4x8x1000000xf32, #tpu.memory_space<hbm>> -> memref<1x8x128xf32, #tpu.memory_space<hbm>>
      %dma_start3A_2451 = tpu.memref_squeeze %dma_start3A_2450 : memref<1x8x128xf32, #tpu.memory_space<hbm>> -> memref<8x128xf32, #tpu.memory_space<hbm>>
      %dma_start3A_2452 = arith.constant 0 : i32
      %dma_start3A_2453 = arith.constant 0 : i32
      %dma_start3A_2454 = tpu.memref_slice %arg21[%dma_start3A_2444, %dma_start3A_2452, %dma_start3A_2453] : memref<4x8x128xf32, #tpu.memory_space<vmem>> -> memref<1x8x128xf32, #tpu.memory_space<vmem>>
      %dma_start3A_2455 = tpu.memref_squeeze %dma_start3A_2454 : memref<1x8x128xf32, #tpu.memory_space<vmem>> -> memref<8x128xf32, #tpu.memory_space<vmem>>
      %dma_start3A_2456 = arith.constant 0 : i32
      %dma_start3A_2457 = tpu.memref_slice %arg4[%dma_start3A_2443, %dma_start3A_2456, %multiple_of3A_2407] : memref<4x8x1000000xf32, #tpu.memory_space<hbm>> -> memref<1x8x128xf32, #tpu.memory_space<hbm>>
      %dma_start3A_2458 = tpu.memref_squeeze %dma_start3A_2457 : memref<1x8x128xf32, #tpu.memory_space<hbm>> -> memref<8x128xf32, #tpu.memory_space<hbm>>
      tpu.enqueue_dma source(%dma_start3A_2458 : memref<8x128xf32, #tpu.memory_space<hbm>>) target(%dma_start3A_2455 : memref<8x128xf32, #tpu.memory_space<vmem>>) target_semaphore(%arg32 : memref<!tpu.dma_semaphore, #tpu.memory_space<semaphore_mem>>)
      %dma_start3A_2459 = arith.constant 1 : i32
      %dma_start3A_2460 = arith.constant 1 : i32
      %dma_start3A_2461 = arith.constant 0 : i32
      %dma_start3A_2462 = arith.constant 0 : i32
      %dma_start3A_2463 = tpu.memref_slice %arg25[%dma_start3A_2460, %dma_start3A_2461, %dma_start3A_2462] : memref<4x8x128xf32, #tpu.memory_space<vmem>> -> memref<1x8x128xf32, #tpu.memory_space<vmem>>
      %dma_start3A_2464 = tpu.memref_squeeze %dma_start3A_2463 : memref<1x8x128xf32, #tpu.memory_space<vmem>> -> memref<8x128xf32, #tpu.memory_space<vmem>>
      %dma_start3A_2465 = arith.constant 0 : i32
      %dma_start3A_2466 = tpu.memref_slice %arg5[%dma_start3A_2459, %dma_start3A_2465, %multiple_of3A_2410] : memref<4x8x1000000xf32, #tpu.memory_space<hbm>> -> memref<1x8x128xf32, #tpu.memory_space<hbm>>
      %dma_start3A_2467 = tpu.memref_squeeze %dma_start3A_2466 : memref<1x8x128xf32, #tpu.memory_space<hbm>> -> memref<8x128xf32, #tpu.memory_space<hbm>>
      %dma_start3A_2468 = arith.constant 0 : i32
      %dma_start3A_2469 = arith.constant 0 : i32
      %dma_start3A_2470 = tpu.memref_slice %arg25[%dma_start3A_2460, %dma_start3A_2468, %dma_start3A_2469] : memref<4x8x128xf32, #tpu.memory_space<vmem>> -> memref<1x8x128xf32, #tpu.memory_space<vmem>>
      %dma_start3A_2471 = tpu.memref_squeeze %dma_start3A_2470 : memref<1x8x128xf32, #tpu.memory_space<vmem>> -> memref<8x128xf32, #tpu.memory_space<vmem>>
      %dma_start3A_2472 = arith.constant 0 : i32
      %dma_start3A_2473 = tpu.memref_slice %arg5[%dma_start3A_2459, %dma_start3A_2472, %multiple_of3A_2410] : memref<4x8x1000000xf32, #tpu.memory_space<hbm>> -> memref<1x8x128xf32, #tpu.memory_space<hbm>>
      %dma_start3A_2474 = tpu.memref_squeeze %dma_start3A_2473 : memref<1x8x128xf32, #tpu.memory_space<hbm>> -> memref<8x128xf32, #tpu.memory_space<hbm>>
      tpu.enqueue_dma source(%dma_start3A_2474 : memref<8x128xf32, #tpu.memory_space<hbm>>) target(%dma_start3A_2471 : memref<8x128xf32, #tpu.memory_space<vmem>>) target_semaphore(%arg33 : memref<!tpu.dma_semaphore, #tpu.memory_space<semaphore_mem>>)
      %dma_start3A_2475 = arith.constant 2 : i32
      %dma_start3A_2476 = arith.constant 2 : i32
      %dma_start3A_2477 = arith.constant 0 : i32
      %dma_start3A_2478 = arith.constant 0 : i32
      %dma_start3A_2479 = tpu.memref_slice %arg21[%dma_start3A_2476, %dma_start3A_2477, %dma_start3A_2478] : memref<4x8x128xf32, #tpu.memory_space<vmem>> -> memref<1x8x128xf32, #tpu.memory_space<vmem>>
      %dma_start3A_2480 = tpu.memref_squeeze %dma_start3A_2479 : memref<1x8x128xf32, #tpu.memory_space<vmem>> -> memref<8x128xf32, #tpu.memory_space<vmem>>
      %dma_start3A_2481 = arith.constant 0 : i32
      %dma_start3A_2482 = tpu.memref_slice %arg4[%dma_start3A_2475, %dma_start3A_2481, %multiple_of3A_2407] : memref<4x8x1000000xf32, #tpu.memory_space<hbm>> -> memref<1x8x128xf32, #tpu.memory_space<hbm>>
      %dma_start3A_2483 = tpu.memref_squeeze %dma_start3A_2482 : memref<1x8x128xf32, #tpu.memory_space<hbm>> -> memref<8x128xf32, #tpu.memory_space<hbm>>
      %dma_start3A_2484 = arith.constant 0 : i32
      %dma_start3A_2485 = arith.constant 0 : i32
      %dma_start3A_2486 = tpu.memref_slice %arg21[%dma_start3A_2476, %dma_start3A_2484, %dma_start3A_2485] : memref<4x8x128xf32, #tpu.memory_space<vmem>> -> memref<1x8x128xf32, #tpu.memory_space<vmem>>
      %dma_start3A_2487 = tpu.memref_squeeze %dma_start3A_2486 : memref<1x8x128xf32, #tpu.memory_space<vmem>> -> memref<8x128xf32, #tpu.memory_space<vmem>>
      %dma_start3A_2488 = arith.constant 0 : i32
      %dma_start3A_2489 = tpu.memref_slice %arg4[%dma_start3A_2475, %dma_start3A_2488, %multiple_of3A_2407] : memref<4x8x1000000xf32, #tpu.memory_space<hbm>> -> memref<1x8x128xf32, #tpu.memory_space<hbm>>
      %dma_start3A_2490 = tpu.memref_squeeze %dma_start3A_2489 : memref<1x8x128xf32, #tpu.memory_space<hbm>> -> memref<8x128xf32, #tpu.memory_space<hbm>>
      tpu.enqueue_dma source(%dma_start3A_2490 : memref<8x128xf32, #tpu.memory_space<hbm>>) target(%dma_start3A_2487 : memref<8x128xf32, #tpu.memory_space<vmem>>) target_semaphore(%arg32 : memref<!tpu.dma_semaphore, #tpu.memory_space<semaphore_mem>>)
      %dma_start3A_2491 = arith.constant 2 : i32
      %dma_start3A_2492 = arith.constant 2 : i32
      %dma_start3A_2493 = arith.constant 0 : i32
      %dma_start3A_2494 = arith.constant 0 : i32
      %dma_start3A_2495 = tpu.memref_slice %arg25[%dma_start3A_2492, %dma_start3A_2493, %dma_start3A_2494] : memref<4x8x128xf32, #tpu.memory_space<vmem>> -> memref<1x8x128xf32, #tpu.memory_space<vmem>>
      %dma_start3A_2496 = tpu.memref_squeeze %dma_start3A_2495 : memref<1x8x128xf32, #tpu.memory_space<vmem>> -> memref<8x128xf32, #tpu.memory_space<vmem>>
      %dma_start3A_2497 = arith.constant 0 : i32
      %dma_start3A_2498 = tpu.memref_slice %arg5[%dma_start3A_2491, %dma_start3A_2497, %multiple_of3A_2410] : memref<4x8x1000000xf32, #tpu.memory_space<hbm>> -> memref<1x8x128xf32, #tpu.memory_space<hbm>>
      %dma_start3A_2499 = tpu.memref_squeeze %dma_start3A_2498 : memref<1x8x128xf32, #tpu.memory_space<hbm>> -> memref<8x128xf32, #tpu.memory_space<hbm>>
      %dma_start3A_2500 = arith.constant 0 : i32
      %dma_start3A_2501 = arith.constant 0 : i32
      %dma_start3A_2502 = tpu.memref_slice %arg25[%dma_start3A_2492, %dma_start3A_2500, %dma_start3A_2501] : memref<4x8x128xf32, #tpu.memory_space<vmem>> -> memref<1x8x128xf32, #tpu.memory_space<vmem>>
      %dma_start3A_2503 = tpu.memref_squeeze %dma_start3A_2502 : memref<1x8x128xf32, #tpu.memory_space<vmem>> -> memref<8x128xf32, #tpu.memory_space<vmem>>
      %dma_start3A_2504 = arith.constant 0 : i32
      %dma_start3A_2505 = tpu.memref_slice %arg5[%dma_start3A_2491, %dma_start3A_2504, %multiple_of3A_2410] : memref<4x8x1000000xf32, #tpu.memory_space<hbm>> -> memref<1x8x128xf32, #tpu.memory_space<hbm>>
      %dma_start3A_2506 = tpu.memref_squeeze %dma_start3A_2505 : memref<1x8x128xf32, #tpu.memory_space<hbm>> -> memref<8x128xf32, #tpu.memory_space<hbm>>
      tpu.enqueue_dma source(%dma_start3A_2506 : memref<8x128xf32, #tpu.memory_space<hbm>>) target(%dma_start3A_2503 : memref<8x128xf32, #tpu.memory_space<vmem>>) target_semaphore(%arg33 : memref<!tpu.dma_semaphore, #tpu.memory_space<semaphore_mem>>)
      %dma_start3A_2507 = arith.constant 3 : i32
      %dma_start3A_2508 = arith.constant 3 : i32
      %dma_start3A_2509 = arith.constant 0 : i32
      %dma_start3A_2510 = arith.constant 0 : i32
      %dma_start3A_2511 = tpu.memref_slice %arg21[%dma_start3A_2508, %dma_start3A_2509, %dma_start3A_2510] : memref<4x8x128xf32, #tpu.memory_space<vmem>> -> memref<1x8x128xf32, #tpu.memory_space<vmem>>
      %dma_start3A_2512 = tpu.memref_squeeze %dma_start3A_2511 : memref<1x8x128xf32, #tpu.memory_space<vmem>> -> memref<8x128xf32, #tpu.memory_space<vmem>>
      %dma_start3A_2513 = arith.constant 0 : i32
      %dma_start3A_2514 = tpu.memref_slice %arg4[%dma_start3A_2507, %dma_start3A_2513, %multiple_of3A_2407] : memref<4x8x1000000xf32, #tpu.memory_space<hbm>> -> memref<1x8x128xf32, #tpu.memory_space<hbm>>
      %dma_start3A_2515 = tpu.memref_squeeze %dma_start3A_2514 : memref<1x8x128xf32, #tpu.memory_space<hbm>> -> memref<8x128xf32, #tpu.memory_space<hbm>>
      %dma_start3A_2516 = arith.constant 0 : i32
      %dma_start3A_2517 = arith.constant 0 : i32
      %dma_start3A_2518 = tpu.memref_slice %arg21[%dma_start3A_2508, %dma_start3A_2516, %dma_start3A_2517] : memref<4x8x128xf32, #tpu.memory_space<vmem>> -> memref<1x8x128xf32, #tpu.memory_space<vmem>>
      %dma_start3A_2519 = tpu.memref_squeeze %dma_start3A_2518 : memref<1x8x128xf32, #tpu.memory_space<vmem>> -> memref<8x128xf32, #tpu.memory_space<vmem>>
      %dma_start3A_2520 = arith.constant 0 : i32
      %dma_start3A_2521 = tpu.memref_slice %arg4[%dma_start3A_2507, %dma_start3A_2520, %multiple_of3A_2407] : memref<4x8x1000000xf32, #tpu.memory_space<hbm>> -> memref<1x8x128xf32, #tpu.memory_space<hbm>>
      %dma_start3A_2522 = tpu.memref_squeeze %dma_start3A_2521 : memref<1x8x128xf32, #tpu.memory_space<hbm>> -> memref<8x128xf32, #tpu.memory_space<hbm>>
      tpu.enqueue_dma source(%dma_start3A_2522 : memref<8x128xf32, #tpu.memory_space<hbm>>) target(%dma_start3A_2519 : memref<8x128xf32, #tpu.memory_space<vmem>>) target_semaphore(%arg32 : memref<!tpu.dma_semaphore, #tpu.memory_space<semaphore_mem>>)
      %dma_start3A_2523 = arith.constant 3 : i32
      %dma_start3A_2524 = arith.constant 3 : i32
      %dma_start3A_2525 = arith.constant 0 : i32
      %dma_start3A_2526 = arith.constant 0 : i32
      %dma_start3A_2527 = tpu.memref_slice %arg25[%dma_start3A_2524, %dma_start3A_2525, %dma_start3A_2526] : memref<4x8x128xf32, #tpu.memory_space<vmem>> -> memref<1x8x128xf32, #tpu.memory_space<vmem>>
      %dma_start3A_2528 = tpu.memref_squeeze %dma_start3A_2527 : memref<1x8x128xf32, #tpu.memory_space<vmem>> -> memref<8x128xf32, #tpu.memory_space<vmem>>
      %dma_start3A_2529 = arith.constant 0 : i32
      %dma_start3A_2530 = tpu.memref_slice %arg5[%dma_start3A_2523, %dma_start3A_2529, %multiple_of3A_2410] : memref<4x8x1000000xf32, #tpu.memory_space<hbm>> -> memref<1x8x128xf32, #tpu.memory_space<hbm>>
      %dma_start3A_2531 = tpu.memref_squeeze %dma_start3A_2530 : memref<1x8x128xf32, #tpu.memory_space<hbm>> -> memref<8x128xf32, #tpu.memory_space<hbm>>
      %dma_start3A_2532 = arith.constant 0 : i32
      %dma_start3A_2533 = arith.constant 0 : i32
      %dma_start3A_2534 = tpu.memref_slice %arg25[%dma_start3A_2524, %dma_start3A_2532, %dma_start3A_2533] : memref<4x8x128xf32, #tpu.memory_space<vmem>> -> memref<1x8x128xf32, #tpu.memory_space<vmem>>
      %dma_start3A_2535 = tpu.memref_squeeze %dma_start3A_2534 : memref<1x8x128xf32, #tpu.memory_space<vmem>> -> memref<8x128xf32, #tpu.memory_space<vmem>>
      %dma_start3A_2536 = arith.constant 0 : i32
      %dma_start3A_2537 = tpu.memref_slice %arg5[%dma_start3A_2523, %dma_start3A_2536, %multiple_of3A_2410] : memref<4x8x1000000xf32, #tpu.memory_space<hbm>> -> memref<1x8x128xf32, #tpu.memory_space<hbm>>
      %dma_start3A_2538 = tpu.memref_squeeze %dma_start3A_2537 : memref<1x8x128xf32, #tpu.memory_space<hbm>> -> memref<8x128xf32, #tpu.memory_space<hbm>>
      tpu.enqueue_dma source(%dma_start3A_2538 : memref<8x128xf32, #tpu.memory_space<hbm>>) target(%dma_start3A_2535 : memref<8x128xf32, #tpu.memory_space<vmem>>) target_semaphore(%arg33 : memref<!tpu.dma_semaphore, #tpu.memory_space<semaphore_mem>>)
      %slice3A_2539 = vector.extract_strided_slice %sub3A_2132 {offsets = [3], sizes = [1], strides = [1]} : vector<16xi32> to vector<1xi32>
      %squeeze3A_2540 = vector.extract %slice3A_2539[0] : i32 from vector<1xi32>
      %multiple_of3A_2541 = tpu.assume_multiple %squeeze3A_2540, 128 : i32
      %slice3A_2542 = vector.extract_strided_slice %sub3A_2136 {offsets = [3], sizes = [1], strides = [1]} : vector<16xi32> to vector<1xi32>
      %squeeze3A_2543 = vector.extract %slice3A_2542[0] : i32 from vector<1xi32>
      %multiple_of3A_2544 = tpu.assume_multiple %squeeze3A_2543, 128 : i32
      %dma_start3A_2545 = arith.constant 0 : i32
      %dma_start3A_2546 = arith.constant 0 : i32
      %dma_start3A_2547 = arith.constant 0 : i32
      %dma_start3A_2548 = arith.constant 0 : i32
      %dma_start3A_2549 = tpu.memref_slice %arg22[%dma_start3A_2546, %dma_start3A_2547, %dma_start3A_2548] : memref<4x8x128xf32, #tpu.memory_space<vmem>> -> memref<1x8x128xf32, #tpu.memory_space<vmem>>
      %dma_start3A_2550 = tpu.memref_squeeze %dma_start3A_2549 : memref<1x8x128xf32, #tpu.memory_space<vmem>> -> memref<8x128xf32, #tpu.memory_space<vmem>>
      %dma_start3A_2551 = arith.constant 0 : i32
      %dma_start3A_2552 = tpu.memref_slice %arg4[%dma_start3A_2545, %dma_start3A_2551, %multiple_of3A_2541] : memref<4x8x1000000xf32, #tpu.memory_space<hbm>> -> memref<1x8x128xf32, #tpu.memory_space<hbm>>
      %dma_start3A_2553 = tpu.memref_squeeze %dma_start3A_2552 : memref<1x8x128xf32, #tpu.memory_space<hbm>> -> memref<8x128xf32, #tpu.memory_space<hbm>>
      %dma_start3A_2554 = arith.constant 0 : i32
      %dma_start3A_2555 = arith.constant 0 : i32
      %dma_start3A_2556 = tpu.memref_slice %arg22[%dma_start3A_2546, %dma_start3A_2554, %dma_start3A_2555] : memref<4x8x128xf32, #tpu.memory_space<vmem>> -> memref<1x8x128xf32, #tpu.memory_space<vmem>>
      %dma_start3A_2557 = tpu.memref_squeeze %dma_start3A_2556 : memref<1x8x128xf32, #tpu.memory_space<vmem>> -> memref<8x128xf32, #tpu.memory_space<vmem>>
      %dma_start3A_2558 = arith.constant 0 : i32
      %dma_start3A_2559 = tpu.memref_slice %arg4[%dma_start3A_2545, %dma_start3A_2558, %multiple_of3A_2541] : memref<4x8x1000000xf32, #tpu.memory_space<hbm>> -> memref<1x8x128xf32, #tpu.memory_space<hbm>>
      %dma_start3A_2560 = tpu.memref_squeeze %dma_start3A_2559 : memref<1x8x128xf32, #tpu.memory_space<hbm>> -> memref<8x128xf32, #tpu.memory_space<hbm>>
      tpu.enqueue_dma source(%dma_start3A_2560 : memref<8x128xf32, #tpu.memory_space<hbm>>) target(%dma_start3A_2557 : memref<8x128xf32, #tpu.memory_space<vmem>>) target_semaphore(%arg32 : memref<!tpu.dma_semaphore, #tpu.memory_space<semaphore_mem>>)
      %dma_start3A_2561 = arith.constant 0 : i32
      %dma_start3A_2562 = arith.constant 0 : i32
      %dma_start3A_2563 = arith.constant 0 : i32
      %dma_start3A_2564 = arith.constant 0 : i32
      %dma_start3A_2565 = tpu.memref_slice %arg26[%dma_start3A_2562, %dma_start3A_2563, %dma_start3A_2564] : memref<4x8x128xf32, #tpu.memory_space<vmem>> -> memref<1x8x128xf32, #tpu.memory_space<vmem>>
      %dma_start3A_2566 = tpu.memref_squeeze %dma_start3A_2565 : memref<1x8x128xf32, #tpu.memory_space<vmem>> -> memref<8x128xf32, #tpu.memory_space<vmem>>
      %dma_start3A_2567 = arith.constant 0 : i32
      %dma_start3A_2568 = tpu.memref_slice %arg5[%dma_start3A_2561, %dma_start3A_2567, %multiple_of3A_2544] : memref<4x8x1000000xf32, #tpu.memory_space<hbm>> -> memref<1x8x128xf32, #tpu.memory_space<hbm>>
      %dma_start3A_2569 = tpu.memref_squeeze %dma_start3A_2568 : memref<1x8x128xf32, #tpu.memory_space<hbm>> -> memref<8x128xf32, #tpu.memory_space<hbm>>
      %dma_start3A_2570 = arith.constant 0 : i32
      %dma_start3A_2571 = arith.constant 0 : i32
      %dma_start3A_2572 = tpu.memref_slice %arg26[%dma_start3A_2562, %dma_start3A_2570, %dma_start3A_2571] : memref<4x8x128xf32, #tpu.memory_space<vmem>> -> memref<1x8x128xf32, #tpu.memory_space<vmem>>
      %dma_start3A_2573 = tpu.memref_squeeze %dma_start3A_2572 : memref<1x8x128xf32, #tpu.memory_space<vmem>> -> memref<8x128xf32, #tpu.memory_space<vmem>>
      %dma_start3A_2574 = arith.constant 0 : i32
      %dma_start3A_2575 = tpu.memref_slice %arg5[%dma_start3A_2561, %dma_start3A_2574, %multiple_of3A_2544] : memref<4x8x1000000xf32, #tpu.memory_space<hbm>> -> memref<1x8x128xf32, #tpu.memory_space<hbm>>
      %dma_start3A_2576 = tpu.memref_squeeze %dma_start3A_2575 : memref<1x8x128xf32, #tpu.memory_space<hbm>> -> memref<8x128xf32, #tpu.memory_space<hbm>>
      tpu.enqueue_dma source(%dma_start3A_2576 : memref<8x128xf32, #tpu.memory_space<hbm>>) target(%dma_start3A_2573 : memref<8x128xf32, #tpu.memory_space<vmem>>) target_semaphore(%arg33 : memref<!tpu.dma_semaphore, #tpu.memory_space<semaphore_mem>>)
      %dma_start3A_2577 = arith.constant 1 : i32
      %dma_start3A_2578 = arith.constant 1 : i32
      %dma_start3A_2579 = arith.constant 0 : i32
      %dma_start3A_2580 = arith.constant 0 : i32
      %dma_start3A_2581 = tpu.memref_slice %arg22[%dma_start3A_2578, %dma_start3A_2579, %dma_start3A_2580] : memref<4x8x128xf32, #tpu.memory_space<vmem>> -> memref<1x8x128xf32, #tpu.memory_space<vmem>>
      %dma_start3A_2582 = tpu.memref_squeeze %dma_start3A_2581 : memref<1x8x128xf32, #tpu.memory_space<vmem>> -> memref<8x128xf32, #tpu.memory_space<vmem>>
      %dma_start3A_2583 = arith.constant 0 : i32
      %dma_start3A_2584 = tpu.memref_slice %arg4[%dma_start3A_2577, %dma_start3A_2583, %multiple_of3A_2541] : memref<4x8x1000000xf32, #tpu.memory_space<hbm>> -> memref<1x8x128xf32, #tpu.memory_space<hbm>>
      %dma_start3A_2585 = tpu.memref_squeeze %dma_start3A_2584 : memref<1x8x128xf32, #tpu.memory_space<hbm>> -> memref<8x128xf32, #tpu.memory_space<hbm>>
      %dma_start3A_2586 = arith.constant 0 : i32
      %dma_start3A_2587 = arith.constant 0 : i32
      %dma_start3A_2588 = tpu.memref_slice %arg22[%dma_start3A_2578, %dma_start3A_2586, %dma_start3A_2587] : memref<4x8x128xf32, #tpu.memory_space<vmem>> -> memref<1x8x128xf32, #tpu.memory_space<vmem>>
      %dma_start3A_2589 = tpu.memref_squeeze %dma_start3A_2588 : memref<1x8x128xf32, #tpu.memory_space<vmem>> -> memref<8x128xf32, #tpu.memory_space<vmem>>
      %dma_start3A_2590 = arith.constant 0 : i32
      %dma_start3A_2591 = tpu.memref_slice %arg4[%dma_start3A_2577, %dma_start3A_2590, %multiple_of3A_2541] : memref<4x8x1000000xf32, #tpu.memory_space<hbm>> -> memref<1x8x128xf32, #tpu.memory_space<hbm>>
      %dma_start3A_2592 = tpu.memref_squeeze %dma_start3A_2591 : memref<1x8x128xf32, #tpu.memory_space<hbm>> -> memref<8x128xf32, #tpu.memory_space<hbm>>
      tpu.enqueue_dma source(%dma_start3A_2592 : memref<8x128xf32, #tpu.memory_space<hbm>>) target(%dma_start3A_2589 : memref<8x128xf32, #tpu.memory_space<vmem>>) target_semaphore(%arg32 : memref<!tpu.dma_semaphore, #tpu.memory_space<semaphore_mem>>)
      %dma_start3A_2593 = arith.constant 1 : i32
      %dma_start3A_2594 = arith.constant 1 : i32
      %dma_start3A_2595 = arith.constant 0 : i32
      %dma_start3A_2596 = arith.constant 0 : i32
      %dma_start3A_2597 = tpu.memref_slice %arg26[%dma_start3A_2594, %dma_start3A_2595, %dma_start3A_2596] : memref<4x8x128xf32, #tpu.memory_space<vmem>> -> memref<1x8x128xf32, #tpu.memory_space<vmem>>
      %dma_start3A_2598 = tpu.memref_squeeze %dma_start3A_2597 : memref<1x8x128xf32, #tpu.memory_space<vmem>> -> memref<8x128xf32, #tpu.memory_space<vmem>>
      %dma_start3A_2599 = arith.constant 0 : i32
      %dma_start3A_2600 = tpu.memref_slice %arg5[%dma_start3A_2593, %dma_start3A_2599, %multiple_of3A_2544] : memref<4x8x1000000xf32, #tpu.memory_space<hbm>> -> memref<1x8x128xf32, #tpu.memory_space<hbm>>
      %dma_start3A_2601 = tpu.memref_squeeze %dma_start3A_2600 : memref<1x8x128xf32, #tpu.memory_space<hbm>> -> memref<8x128xf32, #tpu.memory_space<hbm>>
      %dma_start3A_2602 = arith.constant 0 : i32
      %dma_start3A_2603 = arith.constant 0 : i32
      %dma_start3A_2604 = tpu.memref_slice %arg26[%dma_start3A_2594, %dma_start3A_2602, %dma_start3A_2603] : memref<4x8x128xf32, #tpu.memory_space<vmem>> -> memref<1x8x128xf32, #tpu.memory_space<vmem>>
      %dma_start3A_2605 = tpu.memref_squeeze %dma_start3A_2604 : memref<1x8x128xf32, #tpu.memory_space<vmem>> -> memref<8x128xf32, #tpu.memory_space<vmem>>
      %dma_start3A_2606 = arith.constant 0 : i32
      %dma_start3A_2607 = tpu.memref_slice %arg5[%dma_start3A_2593, %dma_start3A_2606, %multiple_of3A_2544] : memref<4x8x1000000xf32, #tpu.memory_space<hbm>> -> memref<1x8x128xf32, #tpu.memory_space<hbm>>
      %dma_start3A_2608 = tpu.memref_squeeze %dma_start3A_2607 : memref<1x8x128xf32, #tpu.memory_space<hbm>> -> memref<8x128xf32, #tpu.memory_space<hbm>>
      tpu.enqueue_dma source(%dma_start3A_2608 : memref<8x128xf32, #tpu.memory_space<hbm>>) target(%dma_start3A_2605 : memref<8x128xf32, #tpu.memory_space<vmem>>) target_semaphore(%arg33 : memref<!tpu.dma_semaphore, #tpu.memory_space<semaphore_mem>>)
      %dma_start3A_2609 = arith.constant 2 : i32
      %dma_start3A_2610 = arith.constant 2 : i32
      %dma_start3A_2611 = arith.constant 0 : i32
      %dma_start3A_2612 = arith.constant 0 : i32
      %dma_start3A_2613 = tpu.memref_slice %arg22[%dma_start3A_2610, %dma_start3A_2611, %dma_start3A_2612] : memref<4x8x128xf32, #tpu.memory_space<vmem>> -> memref<1x8x128xf32, #tpu.memory_space<vmem>>
      %dma_start3A_2614 = tpu.memref_squeeze %dma_start3A_2613 : memref<1x8x128xf32, #tpu.memory_space<vmem>> -> memref<8x128xf32, #tpu.memory_space<vmem>>
      %dma_start3A_2615 = arith.constant 0 : i32
      %dma_start3A_2616 = tpu.memref_slice %arg4[%dma_start3A_2609, %dma_start3A_2615, %multiple_of3A_2541] : memref<4x8x1000000xf32, #tpu.memory_space<hbm>> -> memref<1x8x128xf32, #tpu.memory_space<hbm>>
      %dma_start3A_2617 = tpu.memref_squeeze %dma_start3A_2616 : memref<1x8x128xf32, #tpu.memory_space<hbm>> -> memref<8x128xf32, #tpu.memory_space<hbm>>
      %dma_start3A_2618 = arith.constant 0 : i32
      %dma_start3A_2619 = arith.constant 0 : i32
      %dma_start3A_2620 = tpu.memref_slice %arg22[%dma_start3A_2610, %dma_start3A_2618, %dma_start3A_2619] : memref<4x8x128xf32, #tpu.memory_space<vmem>> -> memref<1x8x128xf32, #tpu.memory_space<vmem>>
      %dma_start3A_2621 = tpu.memref_squeeze %dma_start3A_2620 : memref<1x8x128xf32, #tpu.memory_space<vmem>> -> memref<8x128xf32, #tpu.memory_space<vmem>>
      %dma_start3A_2622 = arith.constant 0 : i32
      %dma_start3A_2623 = tpu.memref_slice %arg4[%dma_start3A_2609, %dma_start3A_2622, %multiple_of3A_2541] : memref<4x8x1000000xf32, #tpu.memory_space<hbm>> -> memref<1x8x128xf32, #tpu.memory_space<hbm>>
      %dma_start3A_2624 = tpu.memref_squeeze %dma_start3A_2623 : memref<1x8x128xf32, #tpu.memory_space<hbm>> -> memref<8x128xf32, #tpu.memory_space<hbm>>
      tpu.enqueue_dma source(%dma_start3A_2624 : memref<8x128xf32, #tpu.memory_space<hbm>>) target(%dma_start3A_2621 : memref<8x128xf32, #tpu.memory_space<vmem>>) target_semaphore(%arg32 : memref<!tpu.dma_semaphore, #tpu.memory_space<semaphore_mem>>)
      %dma_start3A_2625 = arith.constant 2 : i32
      %dma_start3A_2626 = arith.constant 2 : i32
      %dma_start3A_2627 = arith.constant 0 : i32
      %dma_start3A_2628 = arith.constant 0 : i32
      %dma_start3A_2629 = tpu.memref_slice %arg26[%dma_start3A_2626, %dma_start3A_2627, %dma_start3A_2628] : memref<4x8x128xf32, #tpu.memory_space<vmem>> -> memref<1x8x128xf32, #tpu.memory_space<vmem>>
      %dma_start3A_2630 = tpu.memref_squeeze %dma_start3A_2629 : memref<1x8x128xf32, #tpu.memory_space<vmem>> -> memref<8x128xf32, #tpu.memory_space<vmem>>
      %dma_start3A_2631 = arith.constant 0 : i32
      %dma_start3A_2632 = tpu.memref_slice %arg5[%dma_start3A_2625, %dma_start3A_2631, %multiple_of3A_2544] : memref<4x8x1000000xf32, #tpu.memory_space<hbm>> -> memref<1x8x128xf32, #tpu.memory_space<hbm>>
      %dma_start3A_2633 = tpu.memref_squeeze %dma_start3A_2632 : memref<1x8x128xf32, #tpu.memory_space<hbm>> -> memref<8x128xf32, #tpu.memory_space<hbm>>
      %dma_start3A_2634 = arith.constant 0 : i32
      %dma_start3A_2635 = arith.constant 0 : i32
      %dma_start3A_2636 = tpu.memref_slice %arg26[%dma_start3A_2626, %dma_start3A_2634, %dma_start3A_2635] : memref<4x8x128xf32, #tpu.memory_space<vmem>> -> memref<1x8x128xf32, #tpu.memory_space<vmem>>
      %dma_start3A_2637 = tpu.memref_squeeze %dma_start3A_2636 : memref<1x8x128xf32, #tpu.memory_space<vmem>> -> memref<8x128xf32, #tpu.memory_space<vmem>>
      %dma_start3A_2638 = arith.constant 0 : i32
      %dma_start3A_2639 = tpu.memref_slice %arg5[%dma_start3A_2625, %dma_start3A_2638, %multiple_of3A_2544] : memref<4x8x1000000xf32, #tpu.memory_space<hbm>> -> memref<1x8x128xf32, #tpu.memory_space<hbm>>
      %dma_start3A_2640 = tpu.memref_squeeze %dma_start3A_2639 : memref<1x8x128xf32, #tpu.memory_space<hbm>> -> memref<8x128xf32, #tpu.memory_space<hbm>>
      tpu.enqueue_dma source(%dma_start3A_2640 : memref<8x128xf32, #tpu.memory_space<hbm>>) target(%dma_start3A_2637 : memref<8x128xf32, #tpu.memory_space<vmem>>) target_semaphore(%arg33 : memref<!tpu.dma_semaphore, #tpu.memory_space<semaphore_mem>>)
      %dma_start3A_2641 = arith.constant 3 : i32
      %dma_start3A_2642 = arith.constant 3 : i32
      %dma_start3A_2643 = arith.constant 0 : i32
      %dma_start3A_2644 = arith.constant 0 : i32
      %dma_start3A_2645 = tpu.memref_slice %arg22[%dma_start3A_2642, %dma_start3A_2643, %dma_start3A_2644] : memref<4x8x128xf32, #tpu.memory_space<vmem>> -> memref<1x8x128xf32, #tpu.memory_space<vmem>>
      %dma_start3A_2646 = tpu.memref_squeeze %dma_start3A_2645 : memref<1x8x128xf32, #tpu.memory_space<vmem>> -> memref<8x128xf32, #tpu.memory_space<vmem>>
      %dma_start3A_2647 = arith.constant 0 : i32
      %dma_start3A_2648 = tpu.memref_slice %arg4[%dma_start3A_2641, %dma_start3A_2647, %multiple_of3A_2541] : memref<4x8x1000000xf32, #tpu.memory_space<hbm>> -> memref<1x8x128xf32, #tpu.memory_space<hbm>>
      %dma_start3A_2649 = tpu.memref_squeeze %dma_start3A_2648 : memref<1x8x128xf32, #tpu.memory_space<hbm>> -> memref<8x128xf32, #tpu.memory_space<hbm>>
      %dma_start3A_2650 = arith.constant 0 : i32
      %dma_start3A_2651 = arith.constant 0 : i32
      %dma_start3A_2652 = tpu.memref_slice %arg22[%dma_start3A_2642, %dma_start3A_2650, %dma_start3A_2651] : memref<4x8x128xf32, #tpu.memory_space<vmem>> -> memref<1x8x128xf32, #tpu.memory_space<vmem>>
      %dma_start3A_2653 = tpu.memref_squeeze %dma_start3A_2652 : memref<1x8x128xf32, #tpu.memory_space<vmem>> -> memref<8x128xf32, #tpu.memory_space<vmem>>
      %dma_start3A_2654 = arith.constant 0 : i32
      %dma_start3A_2655 = tpu.memref_slice %arg4[%dma_start3A_2641, %dma_start3A_2654, %multiple_of3A_2541] : memref<4x8x1000000xf32, #tpu.memory_space<hbm>> -> memref<1x8x128xf32, #tpu.memory_space<hbm>>
      %dma_start3A_2656 = tpu.memref_squeeze %dma_start3A_2655 : memref<1x8x128xf32, #tpu.memory_space<hbm>> -> memref<8x128xf32, #tpu.memory_space<hbm>>
      tpu.enqueue_dma source(%dma_start3A_2656 : memref<8x128xf32, #tpu.memory_space<hbm>>) target(%dma_start3A_2653 : memref<8x128xf32, #tpu.memory_space<vmem>>) target_semaphore(%arg32 : memref<!tpu.dma_semaphore, #tpu.memory_space<semaphore_mem>>)
      %dma_start3A_2657 = arith.constant 3 : i32
      %dma_start3A_2658 = arith.constant 3 : i32
      %dma_start3A_2659 = arith.constant 0 : i32
      %dma_start3A_2660 = arith.constant 0 : i32
      %dma_start3A_2661 = tpu.memref_slice %arg26[%dma_start3A_2658, %dma_start3A_2659, %dma_start3A_2660] : memref<4x8x128xf32, #tpu.memory_space<vmem>> -> memref<1x8x128xf32, #tpu.memory_space<vmem>>
      %dma_start3A_2662 = tpu.memref_squeeze %dma_start3A_2661 : memref<1x8x128xf32, #tpu.memory_space<vmem>> -> memref<8x128xf32, #tpu.memory_space<vmem>>
      %dma_start3A_2663 = arith.constant 0 : i32
      %dma_start3A_2664 = tpu.memref_slice %arg5[%dma_start3A_2657, %dma_start3A_2663, %multiple_of3A_2544] : memref<4x8x1000000xf32, #tpu.memory_space<hbm>> -> memref<1x8x128xf32, #tpu.memory_space<hbm>>
      %dma_start3A_2665 = tpu.memref_squeeze %dma_start3A_2664 : memref<1x8x128xf32, #tpu.memory_space<hbm>> -> memref<8x128xf32, #tpu.memory_space<hbm>>
      %dma_start3A_2666 = arith.constant 0 : i32
      %dma_start3A_2667 = arith.constant 0 : i32
      %dma_start3A_2668 = tpu.memref_slice %arg26[%dma_start3A_2658, %dma_start3A_2666, %dma_start3A_2667] : memref<4x8x128xf32, #tpu.memory_space<vmem>> -> memref<1x8x128xf32, #tpu.memory_space<vmem>>
      %dma_start3A_2669 = tpu.memref_squeeze %dma_start3A_2668 : memref<1x8x128xf32, #tpu.memory_space<vmem>> -> memref<8x128xf32, #tpu.memory_space<vmem>>
      %dma_start3A_2670 = arith.constant 0 : i32
      %dma_start3A_2671 = tpu.memref_slice %arg5[%dma_start3A_2657, %dma_start3A_2670, %multiple_of3A_2544] : memref<4x8x1000000xf32, #tpu.memory_space<hbm>> -> memref<1x8x128xf32, #tpu.memory_space<hbm>>
      %dma_start3A_2672 = tpu.memref_squeeze %dma_start3A_2671 : memref<1x8x128xf32, #tpu.memory_space<hbm>> -> memref<8x128xf32, #tpu.memory_space<hbm>>
      tpu.enqueue_dma source(%dma_start3A_2672 : memref<8x128xf32, #tpu.memory_space<hbm>>) target(%dma_start3A_2669 : memref<8x128xf32, #tpu.memory_space<vmem>>) target_semaphore(%arg33 : memref<!tpu.dma_semaphore, #tpu.memory_space<semaphore_mem>>)
      %dma_wait3A_2673 = arith.constant 0 : i32
      %dma_wait3A_2674 = arith.constant 0 : i32
      %dma_wait3A_2675 = arith.constant 0 : i32
      %dma_wait3A_2676 = tpu.memref_slice %arg4[%dma_wait3A_2673, %dma_wait3A_2674, %dma_wait3A_2675] : memref<4x8x1000000xf32, #tpu.memory_space<hbm>> -> memref<4x8x128xf32, #tpu.memory_space<hbm>>
      %dma_wait3A_2677 = arith.constant 0 : i32
      %dma_wait3A_2678 = arith.constant 0 : i32
      %dma_wait3A_2679 = arith.constant 0 : i32
      %dma_wait3A_2680 = tpu.memref_slice %arg4[%dma_wait3A_2677, %dma_wait3A_2678, %dma_wait3A_2679] : memref<4x8x1000000xf32, #tpu.memory_space<hbm>> -> memref<4x8x128xf32, #tpu.memory_space<hbm>>
      tpu.wait_dma2 semaphore(%arg30 : memref<!tpu.dma_semaphore, #tpu.memory_space<semaphore_mem>>) src(%dma_wait3A_2680 : memref<4x8x128xf32, #tpu.memory_space<hbm>>) dst(%arg11 : memref<4x8x128xf32, #tpu.memory_space<vmem>>)
      %dma_wait3A_2681 = arith.constant 0 : i32
      %dma_wait3A_2682 = arith.constant 0 : i32
      %dma_wait3A_2683 = arith.constant 0 : i32
      %dma_wait3A_2684 = tpu.memref_slice %arg5[%dma_wait3A_2681, %dma_wait3A_2682, %dma_wait3A_2683] : memref<4x8x1000000xf32, #tpu.memory_space<hbm>> -> memref<4x8x128xf32, #tpu.memory_space<hbm>>
      %dma_wait3A_2685 = arith.constant 0 : i32
      %dma_wait3A_2686 = arith.constant 0 : i32
      %dma_wait3A_2687 = arith.constant 0 : i32
      %dma_wait3A_2688 = tpu.memref_slice %arg5[%dma_wait3A_2685, %dma_wait3A_2686, %dma_wait3A_2687] : memref<4x8x1000000xf32, #tpu.memory_space<hbm>> -> memref<4x8x128xf32, #tpu.memory_space<hbm>>
      tpu.wait_dma2 semaphore(%arg31 : memref<!tpu.dma_semaphore, #tpu.memory_space<semaphore_mem>>) src(%dma_wait3A_2688 : memref<4x8x128xf32, #tpu.memory_space<hbm>>) dst(%arg15 : memref<4x8x128xf32, #tpu.memory_space<vmem>>)
      %dma_wait3A_2689 = arith.constant 0 : i32
      %dma_wait3A_2690 = arith.constant 0 : i32
      %dma_wait3A_2691 = arith.constant 0 : i32
      %dma_wait3A_2692 = tpu.memref_slice %arg4[%dma_wait3A_2689, %dma_wait3A_2690, %dma_wait3A_2691] : memref<4x8x1000000xf32, #tpu.memory_space<hbm>> -> memref<4x8x128xf32, #tpu.memory_space<hbm>>
      %dma_wait3A_2693 = arith.constant 0 : i32
      %dma_wait3A_2694 = arith.constant 0 : i32
      %dma_wait3A_2695 = arith.constant 0 : i32
      %dma_wait3A_2696 = tpu.memref_slice %arg4[%dma_wait3A_2693, %dma_wait3A_2694, %dma_wait3A_2695] : memref<4x8x1000000xf32, #tpu.memory_space<hbm>> -> memref<4x8x128xf32, #tpu.memory_space<hbm>>
      tpu.wait_dma2 semaphore(%arg30 : memref<!tpu.dma_semaphore, #tpu.memory_space<semaphore_mem>>) src(%dma_wait3A_2696 : memref<4x8x128xf32, #tpu.memory_space<hbm>>) dst(%arg12 : memref<4x8x128xf32, #tpu.memory_space<vmem>>)
      %dma_wait3A_2697 = arith.constant 0 : i32
      %dma_wait3A_2698 = arith.constant 0 : i32
      %dma_wait3A_2699 = arith.constant 0 : i32
      %dma_wait3A_2700 = tpu.memref_slice %arg5[%dma_wait3A_2697, %dma_wait3A_2698, %dma_wait3A_2699] : memref<4x8x1000000xf32, #tpu.memory_space<hbm>> -> memref<4x8x128xf32, #tpu.memory_space<hbm>>
      %dma_wait3A_2701 = arith.constant 0 : i32
      %dma_wait3A_2702 = arith.constant 0 : i32
      %dma_wait3A_2703 = arith.constant 0 : i32
      %dma_wait3A_2704 = tpu.memref_slice %arg5[%dma_wait3A_2701, %dma_wait3A_2702, %dma_wait3A_2703] : memref<4x8x1000000xf32, #tpu.memory_space<hbm>> -> memref<4x8x128xf32, #tpu.memory_space<hbm>>
      tpu.wait_dma2 semaphore(%arg31 : memref<!tpu.dma_semaphore, #tpu.memory_space<semaphore_mem>>) src(%dma_wait3A_2704 : memref<4x8x128xf32, #tpu.memory_space<hbm>>) dst(%arg16 : memref<4x8x128xf32, #tpu.memory_space<vmem>>)
      %dma_wait3A_2705 = arith.constant 0 : i32
      %dma_wait3A_2706 = arith.constant 0 : i32
      %dma_wait3A_2707 = arith.constant 0 : i32
      %dma_wait3A_2708 = tpu.memref_slice %arg4[%dma_wait3A_2705, %dma_wait3A_2706, %dma_wait3A_2707] : memref<4x8x1000000xf32, #tpu.memory_space<hbm>> -> memref<4x8x128xf32, #tpu.memory_space<hbm>>
      %dma_wait3A_2709 = arith.constant 0 : i32
      %dma_wait3A_2710 = arith.constant 0 : i32
      %dma_wait3A_2711 = arith.constant 0 : i32
      %dma_wait3A_2712 = tpu.memref_slice %arg4[%dma_wait3A_2709, %dma_wait3A_2710, %dma_wait3A_2711] : memref<4x8x1000000xf32, #tpu.memory_space<hbm>> -> memref<4x8x128xf32, #tpu.memory_space<hbm>>
      tpu.wait_dma2 semaphore(%arg30 : memref<!tpu.dma_semaphore, #tpu.memory_space<semaphore_mem>>) src(%dma_wait3A_2712 : memref<4x8x128xf32, #tpu.memory_space<hbm>>) dst(%arg13 : memref<4x8x128xf32, #tpu.memory_space<vmem>>)
      %dma_wait3A_2713 = arith.constant 0 : i32
      %dma_wait3A_2714 = arith.constant 0 : i32
      %dma_wait3A_2715 = arith.constant 0 : i32
      %dma_wait3A_2716 = tpu.memref_slice %arg5[%dma_wait3A_2713, %dma_wait3A_2714, %dma_wait3A_2715] : memref<4x8x1000000xf32, #tpu.memory_space<hbm>> -> memref<4x8x128xf32, #tpu.memory_space<hbm>>
      %dma_wait3A_2717 = arith.constant 0 : i32
      %dma_wait3A_2718 = arith.constant 0 : i32
      %dma_wait3A_2719 = arith.constant 0 : i32
      %dma_wait3A_2720 = tpu.memref_slice %arg5[%dma_wait3A_2717, %dma_wait3A_2718, %dma_wait3A_2719] : memref<4x8x1000000xf32, #tpu.memory_space<hbm>> -> memref<4x8x128xf32, #tpu.memory_space<hbm>>
      tpu.wait_dma2 semaphore(%arg31 : memref<!tpu.dma_semaphore, #tpu.memory_space<semaphore_mem>>) src(%dma_wait3A_2720 : memref<4x8x128xf32, #tpu.memory_space<hbm>>) dst(%arg17 : memref<4x8x128xf32, #tpu.memory_space<vmem>>)
      %dma_wait3A_2721 = arith.constant 0 : i32
      %dma_wait3A_2722 = arith.constant 0 : i32
      %dma_wait3A_2723 = arith.constant 0 : i32
      %dma_wait3A_2724 = tpu.memref_slice %arg4[%dma_wait3A_2721, %dma_wait3A_2722, %dma_wait3A_2723] : memref<4x8x1000000xf32, #tpu.memory_space<hbm>> -> memref<4x8x128xf32, #tpu.memory_space<hbm>>
      %dma_wait3A_2725 = arith.constant 0 : i32
      %dma_wait3A_2726 = arith.constant 0 : i32
      %dma_wait3A_2727 = arith.constant 0 : i32
      %dma_wait3A_2728 = tpu.memref_slice %arg4[%dma_wait3A_2725, %dma_wait3A_2726, %dma_wait3A_2727] : memref<4x8x1000000xf32, #tpu.memory_space<hbm>> -> memref<4x8x128xf32, #tpu.memory_space<hbm>>
      tpu.wait_dma2 semaphore(%arg30 : memref<!tpu.dma_semaphore, #tpu.memory_space<semaphore_mem>>) src(%dma_wait3A_2728 : memref<4x8x128xf32, #tpu.memory_space<hbm>>) dst(%arg14 : memref<4x8x128xf32, #tpu.memory_space<vmem>>)
      %dma_wait3A_2729 = arith.constant 0 : i32
      %dma_wait3A_2730 = arith.constant 0 : i32
      %dma_wait3A_2731 = arith.constant 0 : i32
      %dma_wait3A_2732 = tpu.memref_slice %arg5[%dma_wait3A_2729, %dma_wait3A_2730, %dma_wait3A_2731] : memref<4x8x1000000xf32, #tpu.memory_space<hbm>> -> memref<4x8x128xf32, #tpu.memory_space<hbm>>
      %dma_wait3A_2733 = arith.constant 0 : i32
      %dma_wait3A_2734 = arith.constant 0 : i32
      %dma_wait3A_2735 = arith.constant 0 : i32
      %dma_wait3A_2736 = tpu.memref_slice %arg5[%dma_wait3A_2733, %dma_wait3A_2734, %dma_wait3A_2735] : memref<4x8x1000000xf32, #tpu.memory_space<hbm>> -> memref<4x8x128xf32, #tpu.memory_space<hbm>>
      tpu.wait_dma2 semaphore(%arg31 : memref<!tpu.dma_semaphore, #tpu.memory_space<semaphore_mem>>) src(%dma_wait3A_2736 : memref<4x8x128xf32, #tpu.memory_space<hbm>>) dst(%arg18 : memref<4x8x128xf32, #tpu.memory_space<vmem>>)
      %add3A_2737 = arith.constant 8 : i32
      %add3A_2738 = arith.addi %mul3A_672, %add3A_2737 : i32
      %get3A_2739 = arith.index_cast %add3A_2738 : i32 to index
      %get3A_2740 = tpu.vector_load %arg9[%get3A_2739] {strides = array<i32>} : memref<528xi32, #tpu.memory_space<vmem>>, vector<16xi32>,
      %get3A_2741 = arith.index_cast %add3A_2738 : i32 to index
      %get3A_2742 = tpu.vector_load %arg10[%get3A_2741] {strides = array<i32>} : memref<528xi32, #tpu.memory_space<vmem>>, vector<16xi32>,
      %and3A_2743 = arith.constant 127 : i32
      %and3A_2744 = vector.broadcast %and3A_2743 : i32 to vector<16xi32>
      %and3A_2745 = arith.andi %get3A_2740, %and3A_2744 : vector<16xi32>
      %and3A_2746 = arith.constant 127 : i32
      %and3A_2747 = vector.broadcast %and3A_2746 : i32 to vector<16xi32>
      %and3A_2748 = arith.andi %get3A_2742, %and3A_2747 : vector<16xi32>
      %slice3A_2749 = vector.extract_strided_slice %and3A_2745 {offsets = [0], sizes = [1], strides = [1]} : vector<16xi32> to vector<1xi32>
      %squeeze3A_2750 = vector.extract %slice3A_2749[0] : i32 from vector<1xi32>
      %broadcast_in_dim3A_2751 = vector.broadcast %squeeze3A_2750 : i32 to vector<16xi32>
      %gather3A_2752 = tpu.vector_load_idx %arg11[%select_n3A, %select_n3A_54, %broadcast_in_dim3A_2751] : memref<4x8x128xf32, #tpu.memory_space<vmem>>[vector<16xi32>, vector<16xi32>, vector<16xi32>], vector<16xf32>,
      %gather3A_2753 = tpu.vector_load_idx %arg11[%add3A_57, %select_n3A_54, %broadcast_in_dim3A_2751] : memref<4x8x128xf32, #tpu.memory_space<vmem>>[vector<16xi32>, vector<16xi32>, vector<16xi32>], vector<16xf32>,
      %slice3A_2754 = vector.extract_strided_slice %and3A_2748 {offsets = [0], sizes = [1], strides = [1]} : vector<16xi32> to vector<1xi32>
      %squeeze3A_2755 = vector.extract %slice3A_2754[0] : i32 from vector<1xi32>
      %broadcast_in_dim3A_2756 = vector.broadcast %squeeze3A_2755 : i32 to vector<16xi32>
      %gather3A_2757 = tpu.vector_load_idx %arg15[%select_n3A, %select_n3A_54, %broadcast_in_dim3A_2756] : memref<4x8x128xf32, #tpu.memory_space<vmem>>[vector<16xi32>, vector<16xi32>, vector<16xi32>], vector<16xf32>,
      %gather3A_2758 = tpu.vector_load_idx %arg15[%add3A_57, %select_n3A_54, %broadcast_in_dim3A_2756] : memref<4x8x128xf32, #tpu.memory_space<vmem>>[vector<16xi32>, vector<16xi32>, vector<16xi32>], vector<16xf32>,
      %mul3A_2759 = arith.mulf %gather3A_2752, %gather3A_2757 : vector<16xf32>
      %mul3A_2760 = arith.mulf %mul3A_2759, %get3A_7 : vector<16xf32>
      %mul3A_2761 = arith.mulf %gather3A_2753, %gather3A_2758 : vector<16xf32>
      %mul3A_2762 = arith.mulf %mul3A_2761, %get3A_9 : vector<16xf32>
      %add3A_2763 = arith.addf %mul3A_2760, %mul3A_2762 : vector<16xf32>
      %reduce_sum3A_2764 = arith.constant true
      %reduce_sum3A_2765 = vector.broadcast %reduce_sum3A_2764 : i1 to vector<16xi1>
      %reduce_sum3A_2766 = tpu.scan <sum>, %add3A_2763 masked %reduce_sum3A_2765 : vector<16xf32>, vector<16xi1> -> vector<16xf32>
      %reduce_sum3A_2767 = vector.extract %reduce_sum3A_2766[15] : f32 from vector<16xf32>
      %eq3A_2768 = arith.constant 8 : i32
      %eq3A_2769 = vector.broadcast %eq3A_2768 : i32 to vector<16xi32>
      %eq3A_2770 = arith.cmpi eq, %iota3A, %eq3A_2769 : vector<16xi32>
      %add3A_2771 = vector.broadcast %reduce_sum3A_2767 : f32 to vector<16xf32>
      %add3A_2772 = arith.addf %select_n3A_2122, %add3A_2771 : vector<16xf32>
      %select_n3A_2773 = arith.select %eq3A_2770, %add3A_2772, %select_n3A_2122 : vector<16xi1>, vector<16xf32>
      %slice3A_2774 = vector.extract_strided_slice %and3A_2745 {offsets = [1], sizes = [1], strides = [1]} : vector<16xi32> to vector<1xi32>
      %squeeze3A_2775 = vector.extract %slice3A_2774[0] : i32 from vector<1xi32>
      %broadcast_in_dim3A_2776 = vector.broadcast %squeeze3A_2775 : i32 to vector<16xi32>
      %gather3A_2777 = tpu.vector_load_idx %arg12[%select_n3A, %select_n3A_54, %broadcast_in_dim3A_2776] : memref<4x8x128xf32, #tpu.memory_space<vmem>>[vector<16xi32>, vector<16xi32>, vector<16xi32>], vector<16xf32>,
      %gather3A_2778 = tpu.vector_load_idx %arg12[%add3A_57, %select_n3A_54, %broadcast_in_dim3A_2776] : memref<4x8x128xf32, #tpu.memory_space<vmem>>[vector<16xi32>, vector<16xi32>, vector<16xi32>], vector<16xf32>,
      %slice3A_2779 = vector.extract_strided_slice %and3A_2748 {offsets = [1], sizes = [1], strides = [1]} : vector<16xi32> to vector<1xi32>
      %squeeze3A_2780 = vector.extract %slice3A_2779[0] : i32 from vector<1xi32>
      %broadcast_in_dim3A_2781 = vector.broadcast %squeeze3A_2780 : i32 to vector<16xi32>
      %gather3A_2782 = tpu.vector_load_idx %arg16[%select_n3A, %select_n3A_54, %broadcast_in_dim3A_2781] : memref<4x8x128xf32, #tpu.memory_space<vmem>>[vector<16xi32>, vector<16xi32>, vector<16xi32>], vector<16xf32>,
      %gather3A_2783 = tpu.vector_load_idx %arg16[%add3A_57, %select_n3A_54, %broadcast_in_dim3A_2781] : memref<4x8x128xf32, #tpu.memory_space<vmem>>[vector<16xi32>, vector<16xi32>, vector<16xi32>], vector<16xf32>,
      %mul3A_2784 = arith.mulf %gather3A_2777, %gather3A_2782 : vector<16xf32>
      %mul3A_2785 = arith.mulf %mul3A_2784, %get3A_7 : vector<16xf32>
      %mul3A_2786 = arith.mulf %gather3A_2778, %gather3A_2783 : vector<16xf32>
      %mul3A_2787 = arith.mulf %mul3A_2786, %get3A_9 : vector<16xf32>
      %add3A_2788 = arith.addf %mul3A_2785, %mul3A_2787 : vector<16xf32>
      %reduce_sum3A_2789 = arith.constant true
      %reduce_sum3A_2790 = vector.broadcast %reduce_sum3A_2789 : i1 to vector<16xi1>
      %reduce_sum3A_2791 = tpu.scan <sum>, %add3A_2788 masked %reduce_sum3A_2790 : vector<16xf32>, vector<16xi1> -> vector<16xf32>
      %reduce_sum3A_2792 = vector.extract %reduce_sum3A_2791[15] : f32 from vector<16xf32>
      %eq3A_2793 = arith.constant 9 : i32
      %eq3A_2794 = vector.broadcast %eq3A_2793 : i32 to vector<16xi32>
      %eq3A_2795 = arith.cmpi eq, %iota3A, %eq3A_2794 : vector<16xi32>
      %add3A_2796 = vector.broadcast %reduce_sum3A_2792 : f32 to vector<16xf32>
      %add3A_2797 = arith.addf %select_n3A_2773, %add3A_2796 : vector<16xf32>
      %select_n3A_2798 = arith.select %eq3A_2795, %add3A_2797, %select_n3A_2773 : vector<16xi1>, vector<16xf32>
      %slice3A_2799 = vector.extract_strided_slice %and3A_2745 {offsets = [2], sizes = [1], strides = [1]} : vector<16xi32> to vector<1xi32>
      %squeeze3A_2800 = vector.extract %slice3A_2799[0] : i32 from vector<1xi32>
      %broadcast_in_dim3A_2801 = vector.broadcast %squeeze3A_2800 : i32 to vector<16xi32>
      %gather3A_2802 = tpu.vector_load_idx %arg13[%select_n3A, %select_n3A_54, %broadcast_in_dim3A_2801] : memref<4x8x128xf32, #tpu.memory_space<vmem>>[vector<16xi32>, vector<16xi32>, vector<16xi32>], vector<16xf32>,
      %gather3A_2803 = tpu.vector_load_idx %arg13[%add3A_57, %select_n3A_54, %broadcast_in_dim3A_2801] : memref<4x8x128xf32, #tpu.memory_space<vmem>>[vector<16xi32>, vector<16xi32>, vector<16xi32>], vector<16xf32>,
      %slice3A_2804 = vector.extract_strided_slice %and3A_2748 {offsets = [2], sizes = [1], strides = [1]} : vector<16xi32> to vector<1xi32>
      %squeeze3A_2805 = vector.extract %slice3A_2804[0] : i32 from vector<1xi32>
      %broadcast_in_dim3A_2806 = vector.broadcast %squeeze3A_2805 : i32 to vector<16xi32>
      %gather3A_2807 = tpu.vector_load_idx %arg17[%select_n3A, %select_n3A_54, %broadcast_in_dim3A_2806] : memref<4x8x128xf32, #tpu.memory_space<vmem>>[vector<16xi32>, vector<16xi32>, vector<16xi32>], vector<16xf32>,
      %gather3A_2808 = tpu.vector_load_idx %arg17[%add3A_57, %select_n3A_54, %broadcast_in_dim3A_2806] : memref<4x8x128xf32, #tpu.memory_space<vmem>>[vector<16xi32>, vector<16xi32>, vector<16xi32>], vector<16xf32>,
      %mul3A_2809 = arith.mulf %gather3A_2802, %gather3A_2807 : vector<16xf32>
      %mul3A_2810 = arith.mulf %mul3A_2809, %get3A_7 : vector<16xf32>
      %mul3A_2811 = arith.mulf %gather3A_2803, %gather3A_2808 : vector<16xf32>
      %mul3A_2812 = arith.mulf %mul3A_2811, %get3A_9 : vector<16xf32>
      %add3A_2813 = arith.addf %mul3A_2810, %mul3A_2812 : vector<16xf32>
      %reduce_sum3A_2814 = arith.constant true
      %reduce_sum3A_2815 = vector.broadcast %reduce_sum3A_2814 : i1 to vector<16xi1>
      %reduce_sum3A_2816 = tpu.scan <sum>, %add3A_2813 masked %reduce_sum3A_2815 : vector<16xf32>, vector<16xi1> -> vector<16xf32>
      %reduce_sum3A_2817 = vector.extract %reduce_sum3A_2816[15] : f32 from vector<16xf32>
      %eq3A_2818 = arith.constant 10 : i32
      %eq3A_2819 = vector.broadcast %eq3A_2818 : i32 to vector<16xi32>
      %eq3A_2820 = arith.cmpi eq, %iota3A, %eq3A_2819 : vector<16xi32>
      %add3A_2821 = vector.broadcast %reduce_sum3A_2817 : f32 to vector<16xf32>
      %add3A_2822 = arith.addf %select_n3A_2798, %add3A_2821 : vector<16xf32>
      %select_n3A_2823 = arith.select %eq3A_2820, %add3A_2822, %select_n3A_2798 : vector<16xi1>, vector<16xf32>
      %slice3A_2824 = vector.extract_strided_slice %and3A_2745 {offsets = [3], sizes = [1], strides = [1]} : vector<16xi32> to vector<1xi32>
      %squeeze3A_2825 = vector.extract %slice3A_2824[0] : i32 from vector<1xi32>
      %broadcast_in_dim3A_2826 = vector.broadcast %squeeze3A_2825 : i32 to vector<16xi32>
      %gather3A_2827 = tpu.vector_load_idx %arg14[%select_n3A, %select_n3A_54, %broadcast_in_dim3A_2826] : memref<4x8x128xf32, #tpu.memory_space<vmem>>[vector<16xi32>, vector<16xi32>, vector<16xi32>], vector<16xf32>,
      %gather3A_2828 = tpu.vector_load_idx %arg14[%add3A_57, %select_n3A_54, %broadcast_in_dim3A_2826] : memref<4x8x128xf32, #tpu.memory_space<vmem>>[vector<16xi32>, vector<16xi32>, vector<16xi32>], vector<16xf32>,
      %slice3A_2829 = vector.extract_strided_slice %and3A_2748 {offsets = [3], sizes = [1], strides = [1]} : vector<16xi32> to vector<1xi32>
      %squeeze3A_2830 = vector.extract %slice3A_2829[0] : i32 from vector<1xi32>
      %broadcast_in_dim3A_2831 = vector.broadcast %squeeze3A_2830 : i32 to vector<16xi32>
      %gather3A_2832 = tpu.vector_load_idx %arg18[%select_n3A, %select_n3A_54, %broadcast_in_dim3A_2831] : memref<4x8x128xf32, #tpu.memory_space<vmem>>[vector<16xi32>, vector<16xi32>, vector<16xi32>], vector<16xf32>,
      %gather3A_2833 = tpu.vector_load_idx %arg18[%add3A_57, %select_n3A_54, %broadcast_in_dim3A_2831] : memref<4x8x128xf32, #tpu.memory_space<vmem>>[vector<16xi32>, vector<16xi32>, vector<16xi32>], vector<16xf32>,
      %mul3A_2834 = arith.mulf %gather3A_2827, %gather3A_2832 : vector<16xf32>
      %mul3A_2835 = arith.mulf %mul3A_2834, %get3A_7 : vector<16xf32>
      %mul3A_2836 = arith.mulf %gather3A_2828, %gather3A_2833 : vector<16xf32>
      %mul3A_2837 = arith.mulf %mul3A_2836, %get3A_9 : vector<16xf32>
      %add3A_2838 = arith.addf %mul3A_2835, %mul3A_2837 : vector<16xf32>
      %reduce_sum3A_2839 = arith.constant true
      %reduce_sum3A_2840 = vector.broadcast %reduce_sum3A_2839 : i1 to vector<16xi1>
      %reduce_sum3A_2841 = tpu.scan <sum>, %add3A_2838 masked %reduce_sum3A_2840 : vector<16xf32>, vector<16xi1> -> vector<16xf32>
      %reduce_sum3A_2842 = vector.extract %reduce_sum3A_2841[15] : f32 from vector<16xf32>
      %eq3A_2843 = arith.constant 11 : i32
      %eq3A_2844 = vector.broadcast %eq3A_2843 : i32 to vector<16xi32>
      %eq3A_2845 = arith.cmpi eq, %iota3A, %eq3A_2844 : vector<16xi32>
      %add3A_2846 = vector.broadcast %reduce_sum3A_2842 : f32 to vector<16xf32>
      %add3A_2847 = arith.addf %select_n3A_2823, %add3A_2846 : vector<16xf32>
      %select_n3A_2848 = arith.select %eq3A_2845, %add3A_2847, %select_n3A_2823 : vector<16xi1>, vector<16xf32>
      %add3A_2849 = arith.constant 16 : i32
      %add3A_2850 = arith.addi %mul3A_672, %add3A_2849 : i32
      %get3A_2851 = arith.index_cast %add3A_2850 : i32 to index
      %get3A_2852 = tpu.vector_load %arg9[%get3A_2851] {strides = array<i32>} : memref<528xi32, #tpu.memory_space<vmem>>, vector<16xi32>,
      %get3A_2853 = arith.index_cast %add3A_2850 : i32 to index
      %get3A_2854 = tpu.vector_load %arg10[%get3A_2853] {strides = array<i32>} : memref<528xi32, #tpu.memory_space<vmem>>, vector<16xi32>,
      %and3A_2855 = arith.constant 127 : i32
      %and3A_2856 = vector.broadcast %and3A_2855 : i32 to vector<16xi32>
      %and3A_2857 = arith.andi %get3A_2852, %and3A_2856 : vector<16xi32>
      %sub3A_2858 = arith.subi %get3A_2852, %and3A_2857 : vector<16xi32>
      %and3A_2859 = arith.constant 127 : i32
      %and3A_2860 = vector.broadcast %and3A_2859 : i32 to vector<16xi32>
      %and3A_2861 = arith.andi %get3A_2854, %and3A_2860 : vector<16xi32>
      %sub3A_2862 = arith.subi %get3A_2854, %and3A_2861 : vector<16xi32>
      %slice3A_2863 = vector.extract_strided_slice %sub3A_2858 {offsets = [0], sizes = [1], strides = [1]} : vector<16xi32> to vector<1xi32>
      %squeeze3A_2864 = vector.extract %slice3A_2863[0] : i32 from vector<1xi32>
      %multiple_of3A_2865 = tpu.assume_multiple %squeeze3A_2864, 128 : i32
      %slice3A_2866 = vector.extract_strided_slice %sub3A_2862 {offsets = [0], sizes = [1], strides = [1]} : vector<16xi32> to vector<1xi32>
      %squeeze3A_2867 = vector.extract %slice3A_2866[0] : i32 from vector<1xi32>
      %multiple_of3A_2868 = tpu.assume_multiple %squeeze3A_2867, 128 : i32
      %dma_start3A_2869 = arith.constant 0 : i32
      %dma_start3A_2870 = arith.constant 0 : i32
      %dma_start3A_2871 = arith.constant 0 : i32
      %dma_start3A_2872 = arith.constant 0 : i32
      %dma_start3A_2873 = tpu.memref_slice %arg11[%dma_start3A_2870, %dma_start3A_2871, %dma_start3A_2872] : memref<4x8x128xf32, #tpu.memory_space<vmem>> -> memref<1x8x128xf32, #tpu.memory_space<vmem>>
      %dma_start3A_2874 = tpu.memref_squeeze %dma_start3A_2873 : memref<1x8x128xf32, #tpu.memory_space<vmem>> -> memref<8x128xf32, #tpu.memory_space<vmem>>
      %dma_start3A_2875 = arith.constant 0 : i32
      %dma_start3A_2876 = tpu.memref_slice %arg4[%dma_start3A_2869, %dma_start3A_2875, %multiple_of3A_2865] : memref<4x8x1000000xf32, #tpu.memory_space<hbm>> -> memref<1x8x128xf32, #tpu.memory_space<hbm>>
      %dma_start3A_2877 = tpu.memref_squeeze %dma_start3A_2876 : memref<1x8x128xf32, #tpu.memory_space<hbm>> -> memref<8x128xf32, #tpu.memory_space<hbm>>
      %dma_start3A_2878 = arith.constant 0 : i32
      %dma_start3A_2879 = arith.constant 0 : i32
      %dma_start3A_2880 = tpu.memref_slice %arg11[%dma_start3A_2870, %dma_start3A_2878, %dma_start3A_2879] : memref<4x8x128xf32, #tpu.memory_space<vmem>> -> memref<1x8x128xf32, #tpu.memory_space<vmem>>
      %dma_start3A_2881 = tpu.memref_squeeze %dma_start3A_2880 : memref<1x8x128xf32, #tpu.memory_space<vmem>> -> memref<8x128xf32, #tpu.memory_space<vmem>>
      %dma_start3A_2882 = arith.constant 0 : i32
      %dma_start3A_2883 = tpu.memref_slice %arg4[%dma_start3A_2869, %dma_start3A_2882, %multiple_of3A_2865] : memref<4x8x1000000xf32, #tpu.memory_space<hbm>> -> memref<1x8x128xf32, #tpu.memory_space<hbm>>
      %dma_start3A_2884 = tpu.memref_squeeze %dma_start3A_2883 : memref<1x8x128xf32, #tpu.memory_space<hbm>> -> memref<8x128xf32, #tpu.memory_space<hbm>>
      tpu.enqueue_dma source(%dma_start3A_2884 : memref<8x128xf32, #tpu.memory_space<hbm>>) target(%dma_start3A_2881 : memref<8x128xf32, #tpu.memory_space<vmem>>) target_semaphore(%arg30 : memref<!tpu.dma_semaphore, #tpu.memory_space<semaphore_mem>>)
      %dma_start3A_2885 = arith.constant 0 : i32
      %dma_start3A_2886 = arith.constant 0 : i32
      %dma_start3A_2887 = arith.constant 0 : i32
      %dma_start3A_2888 = arith.constant 0 : i32
      %dma_start3A_2889 = tpu.memref_slice %arg15[%dma_start3A_2886, %dma_start3A_2887, %dma_start3A_2888] : memref<4x8x128xf32, #tpu.memory_space<vmem>> -> memref<1x8x128xf32, #tpu.memory_space<vmem>>
      %dma_start3A_2890 = tpu.memref_squeeze %dma_start3A_2889 : memref<1x8x128xf32, #tpu.memory_space<vmem>> -> memref<8x128xf32, #tpu.memory_space<vmem>>
      %dma_start3A_2891 = arith.constant 0 : i32
      %dma_start3A_2892 = tpu.memref_slice %arg5[%dma_start3A_2885, %dma_start3A_2891, %multiple_of3A_2868] : memref<4x8x1000000xf32, #tpu.memory_space<hbm>> -> memref<1x8x128xf32, #tpu.memory_space<hbm>>
      %dma_start3A_2893 = tpu.memref_squeeze %dma_start3A_2892 : memref<1x8x128xf32, #tpu.memory_space<hbm>> -> memref<8x128xf32, #tpu.memory_space<hbm>>
      %dma_start3A_2894 = arith.constant 0 : i32
      %dma_start3A_2895 = arith.constant 0 : i32
      %dma_start3A_2896 = tpu.memref_slice %arg15[%dma_start3A_2886, %dma_start3A_2894, %dma_start3A_2895] : memref<4x8x128xf32, #tpu.memory_space<vmem>> -> memref<1x8x128xf32, #tpu.memory_space<vmem>>
      %dma_start3A_2897 = tpu.memref_squeeze %dma_start3A_2896 : memref<1x8x128xf32, #tpu.memory_space<vmem>> -> memref<8x128xf32, #tpu.memory_space<vmem>>
      %dma_start3A_2898 = arith.constant 0 : i32
      %dma_start3A_2899 = tpu.memref_slice %arg5[%dma_start3A_2885, %dma_start3A_2898, %multiple_of3A_2868] : memref<4x8x1000000xf32, #tpu.memory_space<hbm>> -> memref<1x8x128xf32, #tpu.memory_space<hbm>>
      %dma_start3A_2900 = tpu.memref_squeeze %dma_start3A_2899 : memref<1x8x128xf32, #tpu.memory_space<hbm>> -> memref<8x128xf32, #tpu.memory_space<hbm>>
      tpu.enqueue_dma source(%dma_start3A_2900 : memref<8x128xf32, #tpu.memory_space<hbm>>) target(%dma_start3A_2897 : memref<8x128xf32, #tpu.memory_space<vmem>>) target_semaphore(%arg31 : memref<!tpu.dma_semaphore, #tpu.memory_space<semaphore_mem>>)
      %dma_start3A_2901 = arith.constant 1 : i32
      %dma_start3A_2902 = arith.constant 1 : i32
      %dma_start3A_2903 = arith.constant 0 : i32
      %dma_start3A_2904 = arith.constant 0 : i32
      %dma_start3A_2905 = tpu.memref_slice %arg11[%dma_start3A_2902, %dma_start3A_2903, %dma_start3A_2904] : memref<4x8x128xf32, #tpu.memory_space<vmem>> -> memref<1x8x128xf32, #tpu.memory_space<vmem>>
      %dma_start3A_2906 = tpu.memref_squeeze %dma_start3A_2905 : memref<1x8x128xf32, #tpu.memory_space<vmem>> -> memref<8x128xf32, #tpu.memory_space<vmem>>
      %dma_start3A_2907 = arith.constant 0 : i32
      %dma_start3A_2908 = tpu.memref_slice %arg4[%dma_start3A_2901, %dma_start3A_2907, %multiple_of3A_2865] : memref<4x8x1000000xf32, #tpu.memory_space<hbm>> -> memref<1x8x128xf32, #tpu.memory_space<hbm>>
      %dma_start3A_2909 = tpu.memref_squeeze %dma_start3A_2908 : memref<1x8x128xf32, #tpu.memory_space<hbm>> -> memref<8x128xf32, #tpu.memory_space<hbm>>
      %dma_start3A_2910 = arith.constant 0 : i32
      %dma_start3A_2911 = arith.constant 0 : i32
      %dma_start3A_2912 = tpu.memref_slice %arg11[%dma_start3A_2902, %dma_start3A_2910, %dma_start3A_2911] : memref<4x8x128xf32, #tpu.memory_space<vmem>> -> memref<1x8x128xf32, #tpu.memory_space<vmem>>
      %dma_start3A_2913 = tpu.memref_squeeze %dma_start3A_2912 : memref<1x8x128xf32, #tpu.memory_space<vmem>> -> memref<8x128xf32, #tpu.memory_space<vmem>>
      %dma_start3A_2914 = arith.constant 0 : i32
      %dma_start3A_2915 = tpu.memref_slice %arg4[%dma_start3A_2901, %dma_start3A_2914, %multiple_of3A_2865] : memref<4x8x1000000xf32, #tpu.memory_space<hbm>> -> memref<1x8x128xf32, #tpu.memory_space<hbm>>
      %dma_start3A_2916 = tpu.memref_squeeze %dma_start3A_2915 : memref<1x8x128xf32, #tpu.memory_space<hbm>> -> memref<8x128xf32, #tpu.memory_space<hbm>>
      tpu.enqueue_dma source(%dma_start3A_2916 : memref<8x128xf32, #tpu.memory_space<hbm>>) target(%dma_start3A_2913 : memref<8x128xf32, #tpu.memory_space<vmem>>) target_semaphore(%arg30 : memref<!tpu.dma_semaphore, #tpu.memory_space<semaphore_mem>>)
      %dma_start3A_2917 = arith.constant 1 : i32
      %dma_start3A_2918 = arith.constant 1 : i32
      %dma_start3A_2919 = arith.constant 0 : i32
      %dma_start3A_2920 = arith.constant 0 : i32
      %dma_start3A_2921 = tpu.memref_slice %arg15[%dma_start3A_2918, %dma_start3A_2919, %dma_start3A_2920] : memref<4x8x128xf32, #tpu.memory_space<vmem>> -> memref<1x8x128xf32, #tpu.memory_space<vmem>>
      %dma_start3A_2922 = tpu.memref_squeeze %dma_start3A_2921 : memref<1x8x128xf32, #tpu.memory_space<vmem>> -> memref<8x128xf32, #tpu.memory_space<vmem>>
      %dma_start3A_2923 = arith.constant 0 : i32
      %dma_start3A_2924 = tpu.memref_slice %arg5[%dma_start3A_2917, %dma_start3A_2923, %multiple_of3A_2868] : memref<4x8x1000000xf32, #tpu.memory_space<hbm>> -> memref<1x8x128xf32, #tpu.memory_space<hbm>>
      %dma_start3A_2925 = tpu.memref_squeeze %dma_start3A_2924 : memref<1x8x128xf32, #tpu.memory_space<hbm>> -> memref<8x128xf32, #tpu.memory_space<hbm>>
      %dma_start3A_2926 = arith.constant 0 : i32
      %dma_start3A_2927 = arith.constant 0 : i32
      %dma_start3A_2928 = tpu.memref_slice %arg15[%dma_start3A_2918, %dma_start3A_2926, %dma_start3A_2927] : memref<4x8x128xf32, #tpu.memory_space<vmem>> -> memref<1x8x128xf32, #tpu.memory_space<vmem>>
      %dma_start3A_2929 = tpu.memref_squeeze %dma_start3A_2928 : memref<1x8x128xf32, #tpu.memory_space<vmem>> -> memref<8x128xf32, #tpu.memory_space<vmem>>
      %dma_start3A_2930 = arith.constant 0 : i32
      %dma_start3A_2931 = tpu.memref_slice %arg5[%dma_start3A_2917, %dma_start3A_2930, %multiple_of3A_2868] : memref<4x8x1000000xf32, #tpu.memory_space<hbm>> -> memref<1x8x128xf32, #tpu.memory_space<hbm>>
      %dma_start3A_2932 = tpu.memref_squeeze %dma_start3A_2931 : memref<1x8x128xf32, #tpu.memory_space<hbm>> -> memref<8x128xf32, #tpu.memory_space<hbm>>
      tpu.enqueue_dma source(%dma_start3A_2932 : memref<8x128xf32, #tpu.memory_space<hbm>>) target(%dma_start3A_2929 : memref<8x128xf32, #tpu.memory_space<vmem>>) target_semaphore(%arg31 : memref<!tpu.dma_semaphore, #tpu.memory_space<semaphore_mem>>)
      %dma_start3A_2933 = arith.constant 2 : i32
      %dma_start3A_2934 = arith.constant 2 : i32
      %dma_start3A_2935 = arith.constant 0 : i32
      %dma_start3A_2936 = arith.constant 0 : i32
      %dma_start3A_2937 = tpu.memref_slice %arg11[%dma_start3A_2934, %dma_start3A_2935, %dma_start3A_2936] : memref<4x8x128xf32, #tpu.memory_space<vmem>> -> memref<1x8x128xf32, #tpu.memory_space<vmem>>
      %dma_start3A_2938 = tpu.memref_squeeze %dma_start3A_2937 : memref<1x8x128xf32, #tpu.memory_space<vmem>> -> memref<8x128xf32, #tpu.memory_space<vmem>>
      %dma_start3A_2939 = arith.constant 0 : i32
      %dma_start3A_2940 = tpu.memref_slice %arg4[%dma_start3A_2933, %dma_start3A_2939, %multiple_of3A_2865] : memref<4x8x1000000xf32, #tpu.memory_space<hbm>> -> memref<1x8x128xf32, #tpu.memory_space<hbm>>
      %dma_start3A_2941 = tpu.memref_squeeze %dma_start3A_2940 : memref<1x8x128xf32, #tpu.memory_space<hbm>> -> memref<8x128xf32, #tpu.memory_space<hbm>>
      %dma_start3A_2942 = arith.constant 0 : i32
      %dma_start3A_2943 = arith.constant 0 : i32
      %dma_start3A_2944 = tpu.memref_slice %arg11[%dma_start3A_2934, %dma_start3A_2942, %dma_start3A_2943] : memref<4x8x128xf32, #tpu.memory_space<vmem>> -> memref<1x8x128xf32, #tpu.memory_space<vmem>>
      %dma_start3A_2945 = tpu.memref_squeeze %dma_start3A_2944 : memref<1x8x128xf32, #tpu.memory_space<vmem>> -> memref<8x128xf32, #tpu.memory_space<vmem>>
      %dma_start3A_2946 = arith.constant 0 : i32
      %dma_start3A_2947 = tpu.memref_slice %arg4[%dma_start3A_2933, %dma_start3A_2946, %multiple_of3A_2865] : memref<4x8x1000000xf32, #tpu.memory_space<hbm>> -> memref<1x8x128xf32, #tpu.memory_space<hbm>>
      %dma_start3A_2948 = tpu.memref_squeeze %dma_start3A_2947 : memref<1x8x128xf32, #tpu.memory_space<hbm>> -> memref<8x128xf32, #tpu.memory_space<hbm>>
      tpu.enqueue_dma source(%dma_start3A_2948 : memref<8x128xf32, #tpu.memory_space<hbm>>) target(%dma_start3A_2945 : memref<8x128xf32, #tpu.memory_space<vmem>>) target_semaphore(%arg30 : memref<!tpu.dma_semaphore, #tpu.memory_space<semaphore_mem>>)
      %dma_start3A_2949 = arith.constant 2 : i32
      %dma_start3A_2950 = arith.constant 2 : i32
      %dma_start3A_2951 = arith.constant 0 : i32
      %dma_start3A_2952 = arith.constant 0 : i32
      %dma_start3A_2953 = tpu.memref_slice %arg15[%dma_start3A_2950, %dma_start3A_2951, %dma_start3A_2952] : memref<4x8x128xf32, #tpu.memory_space<vmem>> -> memref<1x8x128xf32, #tpu.memory_space<vmem>>
      %dma_start3A_2954 = tpu.memref_squeeze %dma_start3A_2953 : memref<1x8x128xf32, #tpu.memory_space<vmem>> -> memref<8x128xf32, #tpu.memory_space<vmem>>
      %dma_start3A_2955 = arith.constant 0 : i32
      %dma_start3A_2956 = tpu.memref_slice %arg5[%dma_start3A_2949, %dma_start3A_2955, %multiple_of3A_2868] : memref<4x8x1000000xf32, #tpu.memory_space<hbm>> -> memref<1x8x128xf32, #tpu.memory_space<hbm>>
      %dma_start3A_2957 = tpu.memref_squeeze %dma_start3A_2956 : memref<1x8x128xf32, #tpu.memory_space<hbm>> -> memref<8x128xf32, #tpu.memory_space<hbm>>
      %dma_start3A_2958 = arith.constant 0 : i32
      %dma_start3A_2959 = arith.constant 0 : i32
      %dma_start3A_2960 = tpu.memref_slice %arg15[%dma_start3A_2950, %dma_start3A_2958, %dma_start3A_2959] : memref<4x8x128xf32, #tpu.memory_space<vmem>> -> memref<1x8x128xf32, #tpu.memory_space<vmem>>
      %dma_start3A_2961 = tpu.memref_squeeze %dma_start3A_2960 : memref<1x8x128xf32, #tpu.memory_space<vmem>> -> memref<8x128xf32, #tpu.memory_space<vmem>>
      %dma_start3A_2962 = arith.constant 0 : i32
      %dma_start3A_2963 = tpu.memref_slice %arg5[%dma_start3A_2949, %dma_start3A_2962, %multiple_of3A_2868] : memref<4x8x1000000xf32, #tpu.memory_space<hbm>> -> memref<1x8x128xf32, #tpu.memory_space<hbm>>
      %dma_start3A_2964 = tpu.memref_squeeze %dma_start3A_2963 : memref<1x8x128xf32, #tpu.memory_space<hbm>> -> memref<8x128xf32, #tpu.memory_space<hbm>>
      tpu.enqueue_dma source(%dma_start3A_2964 : memref<8x128xf32, #tpu.memory_space<hbm>>) target(%dma_start3A_2961 : memref<8x128xf32, #tpu.memory_space<vmem>>) target_semaphore(%arg31 : memref<!tpu.dma_semaphore, #tpu.memory_space<semaphore_mem>>)
      %dma_start3A_2965 = arith.constant 3 : i32
      %dma_start3A_2966 = arith.constant 3 : i32
      %dma_start3A_2967 = arith.constant 0 : i32
      %dma_start3A_2968 = arith.constant 0 : i32
      %dma_start3A_2969 = tpu.memref_slice %arg11[%dma_start3A_2966, %dma_start3A_2967, %dma_start3A_2968] : memref<4x8x128xf32, #tpu.memory_space<vmem>> -> memref<1x8x128xf32, #tpu.memory_space<vmem>>
      %dma_start3A_2970 = tpu.memref_squeeze %dma_start3A_2969 : memref<1x8x128xf32, #tpu.memory_space<vmem>> -> memref<8x128xf32, #tpu.memory_space<vmem>>
      %dma_start3A_2971 = arith.constant 0 : i32
      %dma_start3A_2972 = tpu.memref_slice %arg4[%dma_start3A_2965, %dma_start3A_2971, %multiple_of3A_2865] : memref<4x8x1000000xf32, #tpu.memory_space<hbm>> -> memref<1x8x128xf32, #tpu.memory_space<hbm>>
      %dma_start3A_2973 = tpu.memref_squeeze %dma_start3A_2972 : memref<1x8x128xf32, #tpu.memory_space<hbm>> -> memref<8x128xf32, #tpu.memory_space<hbm>>
      %dma_start3A_2974 = arith.constant 0 : i32
      %dma_start3A_2975 = arith.constant 0 : i32
      %dma_start3A_2976 = tpu.memref_slice %arg11[%dma_start3A_2966, %dma_start3A_2974, %dma_start3A_2975] : memref<4x8x128xf32, #tpu.memory_space<vmem>> -> memref<1x8x128xf32, #tpu.memory_space<vmem>>
      %dma_start3A_2977 = tpu.memref_squeeze %dma_start3A_2976 : memref<1x8x128xf32, #tpu.memory_space<vmem>> -> memref<8x128xf32, #tpu.memory_space<vmem>>
      %dma_start3A_2978 = arith.constant 0 : i32
      %dma_start3A_2979 = tpu.memref_slice %arg4[%dma_start3A_2965, %dma_start3A_2978, %multiple_of3A_2865] : memref<4x8x1000000xf32, #tpu.memory_space<hbm>> -> memref<1x8x128xf32, #tpu.memory_space<hbm>>
      %dma_start3A_2980 = tpu.memref_squeeze %dma_start3A_2979 : memref<1x8x128xf32, #tpu.memory_space<hbm>> -> memref<8x128xf32, #tpu.memory_space<hbm>>
      tpu.enqueue_dma source(%dma_start3A_2980 : memref<8x128xf32, #tpu.memory_space<hbm>>) target(%dma_start3A_2977 : memref<8x128xf32, #tpu.memory_space<vmem>>) target_semaphore(%arg30 : memref<!tpu.dma_semaphore, #tpu.memory_space<semaphore_mem>>)
      %dma_start3A_2981 = arith.constant 3 : i32
      %dma_start3A_2982 = arith.constant 3 : i32
      %dma_start3A_2983 = arith.constant 0 : i32
      %dma_start3A_2984 = arith.constant 0 : i32
      %dma_start3A_2985 = tpu.memref_slice %arg15[%dma_start3A_2982, %dma_start3A_2983, %dma_start3A_2984] : memref<4x8x128xf32, #tpu.memory_space<vmem>> -> memref<1x8x128xf32, #tpu.memory_space<vmem>>
      %dma_start3A_2986 = tpu.memref_squeeze %dma_start3A_2985 : memref<1x8x128xf32, #tpu.memory_space<vmem>> -> memref<8x128xf32, #tpu.memory_space<vmem>>
      %dma_start3A_2987 = arith.constant 0 : i32
      %dma_start3A_2988 = tpu.memref_slice %arg5[%dma_start3A_2981, %dma_start3A_2987, %multiple_of3A_2868] : memref<4x8x1000000xf32, #tpu.memory_space<hbm>> -> memref<1x8x128xf32, #tpu.memory_space<hbm>>
      %dma_start3A_2989 = tpu.memref_squeeze %dma_start3A_2988 : memref<1x8x128xf32, #tpu.memory_space<hbm>> -> memref<8x128xf32, #tpu.memory_space<hbm>>
      %dma_start3A_2990 = arith.constant 0 : i32
      %dma_start3A_2991 = arith.constant 0 : i32
      %dma_start3A_2992 = tpu.memref_slice %arg15[%dma_start3A_2982, %dma_start3A_2990, %dma_start3A_2991] : memref<4x8x128xf32, #tpu.memory_space<vmem>> -> memref<1x8x128xf32, #tpu.memory_space<vmem>>
      %dma_start3A_2993 = tpu.memref_squeeze %dma_start3A_2992 : memref<1x8x128xf32, #tpu.memory_space<vmem>> -> memref<8x128xf32, #tpu.memory_space<vmem>>
      %dma_start3A_2994 = arith.constant 0 : i32
      %dma_start3A_2995 = tpu.memref_slice %arg5[%dma_start3A_2981, %dma_start3A_2994, %multiple_of3A_2868] : memref<4x8x1000000xf32, #tpu.memory_space<hbm>> -> memref<1x8x128xf32, #tpu.memory_space<hbm>>
      %dma_start3A_2996 = tpu.memref_squeeze %dma_start3A_2995 : memref<1x8x128xf32, #tpu.memory_space<hbm>> -> memref<8x128xf32, #tpu.memory_space<hbm>>
      tpu.enqueue_dma source(%dma_start3A_2996 : memref<8x128xf32, #tpu.memory_space<hbm>>) target(%dma_start3A_2993 : memref<8x128xf32, #tpu.memory_space<vmem>>) target_semaphore(%arg31 : memref<!tpu.dma_semaphore, #tpu.memory_space<semaphore_mem>>)
      %slice3A_2997 = vector.extract_strided_slice %sub3A_2858 {offsets = [1], sizes = [1], strides = [1]} : vector<16xi32> to vector<1xi32>
      %squeeze3A_2998 = vector.extract %slice3A_2997[0] : i32 from vector<1xi32>
      %multiple_of3A_2999 = tpu.assume_multiple %squeeze3A_2998, 128 : i32
      %slice3A_3000 = vector.extract_strided_slice %sub3A_2862 {offsets = [1], sizes = [1], strides = [1]} : vector<16xi32> to vector<1xi32>
      %squeeze3A_3001 = vector.extract %slice3A_3000[0] : i32 from vector<1xi32>
      %multiple_of3A_3002 = tpu.assume_multiple %squeeze3A_3001, 128 : i32
      %dma_start3A_3003 = arith.constant 0 : i32
      %dma_start3A_3004 = arith.constant 0 : i32
      %dma_start3A_3005 = arith.constant 0 : i32
      %dma_start3A_3006 = arith.constant 0 : i32
      %dma_start3A_3007 = tpu.memref_slice %arg12[%dma_start3A_3004, %dma_start3A_3005, %dma_start3A_3006] : memref<4x8x128xf32, #tpu.memory_space<vmem>> -> memref<1x8x128xf32, #tpu.memory_space<vmem>>
      %dma_start3A_3008 = tpu.memref_squeeze %dma_start3A_3007 : memref<1x8x128xf32, #tpu.memory_space<vmem>> -> memref<8x128xf32, #tpu.memory_space<vmem>>
      %dma_start3A_3009 = arith.constant 0 : i32
      %dma_start3A_3010 = tpu.memref_slice %arg4[%dma_start3A_3003, %dma_start3A_3009, %multiple_of3A_2999] : memref<4x8x1000000xf32, #tpu.memory_space<hbm>> -> memref<1x8x128xf32, #tpu.memory_space<hbm>>
      %dma_start3A_3011 = tpu.memref_squeeze %dma_start3A_3010 : memref<1x8x128xf32, #tpu.memory_space<hbm>> -> memref<8x128xf32, #tpu.memory_space<hbm>>
      %dma_start3A_3012 = arith.constant 0 : i32
      %dma_start3A_3013 = arith.constant 0 : i32
      %dma_start3A_3014 = tpu.memref_slice %arg12[%dma_start3A_3004, %dma_start3A_3012, %dma_start3A_3013] : memref<4x8x128xf32, #tpu.memory_space<vmem>> -> memref<1x8x128xf32, #tpu.memory_space<vmem>>
      %dma_start3A_3015 = tpu.memref_squeeze %dma_start3A_3014 : memref<1x8x128xf32, #tpu.memory_space<vmem>> -> memref<8x128xf32, #tpu.memory_space<vmem>>
      %dma_start3A_3016 = arith.constant 0 : i32
      %dma_start3A_3017 = tpu.memref_slice %arg4[%dma_start3A_3003, %dma_start3A_3016, %multiple_of3A_2999] : memref<4x8x1000000xf32, #tpu.memory_space<hbm>> -> memref<1x8x128xf32, #tpu.memory_space<hbm>>
      %dma_start3A_3018 = tpu.memref_squeeze %dma_start3A_3017 : memref<1x8x128xf32, #tpu.memory_space<hbm>> -> memref<8x128xf32, #tpu.memory_space<hbm>>
      tpu.enqueue_dma source(%dma_start3A_3018 : memref<8x128xf32, #tpu.memory_space<hbm>>) target(%dma_start3A_3015 : memref<8x128xf32, #tpu.memory_space<vmem>>) target_semaphore(%arg30 : memref<!tpu.dma_semaphore, #tpu.memory_space<semaphore_mem>>)
      %dma_start3A_3019 = arith.constant 0 : i32
      %dma_start3A_3020 = arith.constant 0 : i32
      %dma_start3A_3021 = arith.constant 0 : i32
      %dma_start3A_3022 = arith.constant 0 : i32
      %dma_start3A_3023 = tpu.memref_slice %arg16[%dma_start3A_3020, %dma_start3A_3021, %dma_start3A_3022] : memref<4x8x128xf32, #tpu.memory_space<vmem>> -> memref<1x8x128xf32, #tpu.memory_space<vmem>>
      %dma_start3A_3024 = tpu.memref_squeeze %dma_start3A_3023 : memref<1x8x128xf32, #tpu.memory_space<vmem>> -> memref<8x128xf32, #tpu.memory_space<vmem>>
      %dma_start3A_3025 = arith.constant 0 : i32
      %dma_start3A_3026 = tpu.memref_slice %arg5[%dma_start3A_3019, %dma_start3A_3025, %multiple_of3A_3002] : memref<4x8x1000000xf32, #tpu.memory_space<hbm>> -> memref<1x8x128xf32, #tpu.memory_space<hbm>>
      %dma_start3A_3027 = tpu.memref_squeeze %dma_start3A_3026 : memref<1x8x128xf32, #tpu.memory_space<hbm>> -> memref<8x128xf32, #tpu.memory_space<hbm>>
      %dma_start3A_3028 = arith.constant 0 : i32
      %dma_start3A_3029 = arith.constant 0 : i32
      %dma_start3A_3030 = tpu.memref_slice %arg16[%dma_start3A_3020, %dma_start3A_3028, %dma_start3A_3029] : memref<4x8x128xf32, #tpu.memory_space<vmem>> -> memref<1x8x128xf32, #tpu.memory_space<vmem>>
      %dma_start3A_3031 = tpu.memref_squeeze %dma_start3A_3030 : memref<1x8x128xf32, #tpu.memory_space<vmem>> -> memref<8x128xf32, #tpu.memory_space<vmem>>
      %dma_start3A_3032 = arith.constant 0 : i32
      %dma_start3A_3033 = tpu.memref_slice %arg5[%dma_start3A_3019, %dma_start3A_3032, %multiple_of3A_3002] : memref<4x8x1000000xf32, #tpu.memory_space<hbm>> -> memref<1x8x128xf32, #tpu.memory_space<hbm>>
      %dma_start3A_3034 = tpu.memref_squeeze %dma_start3A_3033 : memref<1x8x128xf32, #tpu.memory_space<hbm>> -> memref<8x128xf32, #tpu.memory_space<hbm>>
      tpu.enqueue_dma source(%dma_start3A_3034 : memref<8x128xf32, #tpu.memory_space<hbm>>) target(%dma_start3A_3031 : memref<8x128xf32, #tpu.memory_space<vmem>>) target_semaphore(%arg31 : memref<!tpu.dma_semaphore, #tpu.memory_space<semaphore_mem>>)
      %dma_start3A_3035 = arith.constant 1 : i32
      %dma_start3A_3036 = arith.constant 1 : i32
      %dma_start3A_3037 = arith.constant 0 : i32
      %dma_start3A_3038 = arith.constant 0 : i32
      %dma_start3A_3039 = tpu.memref_slice %arg12[%dma_start3A_3036, %dma_start3A_3037, %dma_start3A_3038] : memref<4x8x128xf32, #tpu.memory_space<vmem>> -> memref<1x8x128xf32, #tpu.memory_space<vmem>>
      %dma_start3A_3040 = tpu.memref_squeeze %dma_start3A_3039 : memref<1x8x128xf32, #tpu.memory_space<vmem>> -> memref<8x128xf32, #tpu.memory_space<vmem>>
      %dma_start3A_3041 = arith.constant 0 : i32
      %dma_start3A_3042 = tpu.memref_slice %arg4[%dma_start3A_3035, %dma_start3A_3041, %multiple_of3A_2999] : memref<4x8x1000000xf32, #tpu.memory_space<hbm>> -> memref<1x8x128xf32, #tpu.memory_space<hbm>>
      %dma_start3A_3043 = tpu.memref_squeeze %dma_start3A_3042 : memref<1x8x128xf32, #tpu.memory_space<hbm>> -> memref<8x128xf32, #tpu.memory_space<hbm>>
      %dma_start3A_3044 = arith.constant 0 : i32
      %dma_start3A_3045 = arith.constant 0 : i32
      %dma_start3A_3046 = tpu.memref_slice %arg12[%dma_start3A_3036, %dma_start3A_3044, %dma_start3A_3045] : memref<4x8x128xf32, #tpu.memory_space<vmem>> -> memref<1x8x128xf32, #tpu.memory_space<vmem>>
      %dma_start3A_3047 = tpu.memref_squeeze %dma_start3A_3046 : memref<1x8x128xf32, #tpu.memory_space<vmem>> -> memref<8x128xf32, #tpu.memory_space<vmem>>
      %dma_start3A_3048 = arith.constant 0 : i32
      %dma_start3A_3049 = tpu.memref_slice %arg4[%dma_start3A_3035, %dma_start3A_3048, %multiple_of3A_2999] : memref<4x8x1000000xf32, #tpu.memory_space<hbm>> -> memref<1x8x128xf32, #tpu.memory_space<hbm>>
      %dma_start3A_3050 = tpu.memref_squeeze %dma_start3A_3049 : memref<1x8x128xf32, #tpu.memory_space<hbm>> -> memref<8x128xf32, #tpu.memory_space<hbm>>
      tpu.enqueue_dma source(%dma_start3A_3050 : memref<8x128xf32, #tpu.memory_space<hbm>>) target(%dma_start3A_3047 : memref<8x128xf32, #tpu.memory_space<vmem>>) target_semaphore(%arg30 : memref<!tpu.dma_semaphore, #tpu.memory_space<semaphore_mem>>)
      %dma_start3A_3051 = arith.constant 1 : i32
      %dma_start3A_3052 = arith.constant 1 : i32
      %dma_start3A_3053 = arith.constant 0 : i32
      %dma_start3A_3054 = arith.constant 0 : i32
      %dma_start3A_3055 = tpu.memref_slice %arg16[%dma_start3A_3052, %dma_start3A_3053, %dma_start3A_3054] : memref<4x8x128xf32, #tpu.memory_space<vmem>> -> memref<1x8x128xf32, #tpu.memory_space<vmem>>
      %dma_start3A_3056 = tpu.memref_squeeze %dma_start3A_3055 : memref<1x8x128xf32, #tpu.memory_space<vmem>> -> memref<8x128xf32, #tpu.memory_space<vmem>>
      %dma_start3A_3057 = arith.constant 0 : i32
      %dma_start3A_3058 = tpu.memref_slice %arg5[%dma_start3A_3051, %dma_start3A_3057, %multiple_of3A_3002] : memref<4x8x1000000xf32, #tpu.memory_space<hbm>> -> memref<1x8x128xf32, #tpu.memory_space<hbm>>
      %dma_start3A_3059 = tpu.memref_squeeze %dma_start3A_3058 : memref<1x8x128xf32, #tpu.memory_space<hbm>> -> memref<8x128xf32, #tpu.memory_space<hbm>>
      %dma_start3A_3060 = arith.constant 0 : i32
      %dma_start3A_3061 = arith.constant 0 : i32
      %dma_start3A_3062 = tpu.memref_slice %arg16[%dma_start3A_3052, %dma_start3A_3060, %dma_start3A_3061] : memref<4x8x128xf32, #tpu.memory_space<vmem>> -> memref<1x8x128xf32, #tpu.memory_space<vmem>>
      %dma_start3A_3063 = tpu.memref_squeeze %dma_start3A_3062 : memref<1x8x128xf32, #tpu.memory_space<vmem>> -> memref<8x128xf32, #tpu.memory_space<vmem>>
      %dma_start3A_3064 = arith.constant 0 : i32
      %dma_start3A_3065 = tpu.memref_slice %arg5[%dma_start3A_3051, %dma_start3A_3064, %multiple_of3A_3002] : memref<4x8x1000000xf32, #tpu.memory_space<hbm>> -> memref<1x8x128xf32, #tpu.memory_space<hbm>>
      %dma_start3A_3066 = tpu.memref_squeeze %dma_start3A_3065 : memref<1x8x128xf32, #tpu.memory_space<hbm>> -> memref<8x128xf32, #tpu.memory_space<hbm>>
      tpu.enqueue_dma source(%dma_start3A_3066 : memref<8x128xf32, #tpu.memory_space<hbm>>) target(%dma_start3A_3063 : memref<8x128xf32, #tpu.memory_space<vmem>>) target_semaphore(%arg31 : memref<!tpu.dma_semaphore, #tpu.memory_space<semaphore_mem>>)
      %dma_start3A_3067 = arith.constant 2 : i32
      %dma_start3A_3068 = arith.constant 2 : i32
      %dma_start3A_3069 = arith.constant 0 : i32
      %dma_start3A_3070 = arith.constant 0 : i32
      %dma_start3A_3071 = tpu.memref_slice %arg12[%dma_start3A_3068, %dma_start3A_3069, %dma_start3A_3070] : memref<4x8x128xf32, #tpu.memory_space<vmem>> -> memref<1x8x128xf32, #tpu.memory_space<vmem>>
      %dma_start3A_3072 = tpu.memref_squeeze %dma_start3A_3071 : memref<1x8x128xf32, #tpu.memory_space<vmem>> -> memref<8x128xf32, #tpu.memory_space<vmem>>
      %dma_start3A_3073 = arith.constant 0 : i32
      %dma_start3A_3074 = tpu.memref_slice %arg4[%dma_start3A_3067, %dma_start3A_3073, %multiple_of3A_2999] : memref<4x8x1000000xf32, #tpu.memory_space<hbm>> -> memref<1x8x128xf32, #tpu.memory_space<hbm>>
      %dma_start3A_3075 = tpu.memref_squeeze %dma_start3A_3074 : memref<1x8x128xf32, #tpu.memory_space<hbm>> -> memref<8x128xf32, #tpu.memory_space<hbm>>
      %dma_start3A_3076 = arith.constant 0 : i32
      %dma_start3A_3077 = arith.constant 0 : i32
      %dma_start3A_3078 = tpu.memref_slice %arg12[%dma_start3A_3068, %dma_start3A_3076, %dma_start3A_3077] : memref<4x8x128xf32, #tpu.memory_space<vmem>> -> memref<1x8x128xf32, #tpu.memory_space<vmem>>
      %dma_start3A_3079 = tpu.memref_squeeze %dma_start3A_3078 : memref<1x8x128xf32, #tpu.memory_space<vmem>> -> memref<8x128xf32, #tpu.memory_space<vmem>>
      %dma_start3A_3080 = arith.constant 0 : i32
      %dma_start3A_3081 = tpu.memref_slice %arg4[%dma_start3A_3067, %dma_start3A_3080, %multiple_of3A_2999] : memref<4x8x1000000xf32, #tpu.memory_space<hbm>> -> memref<1x8x128xf32, #tpu.memory_space<hbm>>
      %dma_start3A_3082 = tpu.memref_squeeze %dma_start3A_3081 : memref<1x8x128xf32, #tpu.memory_space<hbm>> -> memref<8x128xf32, #tpu.memory_space<hbm>>
      tpu.enqueue_dma source(%dma_start3A_3082 : memref<8x128xf32, #tpu.memory_space<hbm>>) target(%dma_start3A_3079 : memref<8x128xf32, #tpu.memory_space<vmem>>) target_semaphore(%arg30 : memref<!tpu.dma_semaphore, #tpu.memory_space<semaphore_mem>>)
      %dma_start3A_3083 = arith.constant 2 : i32
      %dma_start3A_3084 = arith.constant 2 : i32
      %dma_start3A_3085 = arith.constant 0 : i32
      %dma_start3A_3086 = arith.constant 0 : i32
      %dma_start3A_3087 = tpu.memref_slice %arg16[%dma_start3A_3084, %dma_start3A_3085, %dma_start3A_3086] : memref<4x8x128xf32, #tpu.memory_space<vmem>> -> memref<1x8x128xf32, #tpu.memory_space<vmem>>
      %dma_start3A_3088 = tpu.memref_squeeze %dma_start3A_3087 : memref<1x8x128xf32, #tpu.memory_space<vmem>> -> memref<8x128xf32, #tpu.memory_space<vmem>>
      %dma_start3A_3089 = arith.constant 0 : i32
      %dma_start3A_3090 = tpu.memref_slice %arg5[%dma_start3A_3083, %dma_start3A_3089, %multiple_of3A_3002] : memref<4x8x1000000xf32, #tpu.memory_space<hbm>> -> memref<1x8x128xf32, #tpu.memory_space<hbm>>
      %dma_start3A_3091 = tpu.memref_squeeze %dma_start3A_3090 : memref<1x8x128xf32, #tpu.memory_space<hbm>> -> memref<8x128xf32, #tpu.memory_space<hbm>>
      %dma_start3A_3092 = arith.constant 0 : i32
      %dma_start3A_3093 = arith.constant 0 : i32
      %dma_start3A_3094 = tpu.memref_slice %arg16[%dma_start3A_3084, %dma_start3A_3092, %dma_start3A_3093] : memref<4x8x128xf32, #tpu.memory_space<vmem>> -> memref<1x8x128xf32, #tpu.memory_space<vmem>>
      %dma_start3A_3095 = tpu.memref_squeeze %dma_start3A_3094 : memref<1x8x128xf32, #tpu.memory_space<vmem>> -> memref<8x128xf32, #tpu.memory_space<vmem>>
      %dma_start3A_3096 = arith.constant 0 : i32
      %dma_start3A_3097 = tpu.memref_slice %arg5[%dma_start3A_3083, %dma_start3A_3096, %multiple_of3A_3002] : memref<4x8x1000000xf32, #tpu.memory_space<hbm>> -> memref<1x8x128xf32, #tpu.memory_space<hbm>>
      %dma_start3A_3098 = tpu.memref_squeeze %dma_start3A_3097 : memref<1x8x128xf32, #tpu.memory_space<hbm>> -> memref<8x128xf32, #tpu.memory_space<hbm>>
      tpu.enqueue_dma source(%dma_start3A_3098 : memref<8x128xf32, #tpu.memory_space<hbm>>) target(%dma_start3A_3095 : memref<8x128xf32, #tpu.memory_space<vmem>>) target_semaphore(%arg31 : memref<!tpu.dma_semaphore, #tpu.memory_space<semaphore_mem>>)
      %dma_start3A_3099 = arith.constant 3 : i32
      %dma_start3A_3100 = arith.constant 3 : i32
      %dma_start3A_3101 = arith.constant 0 : i32
      %dma_start3A_3102 = arith.constant 0 : i32
      %dma_start3A_3103 = tpu.memref_slice %arg12[%dma_start3A_3100, %dma_start3A_3101, %dma_start3A_3102] : memref<4x8x128xf32, #tpu.memory_space<vmem>> -> memref<1x8x128xf32, #tpu.memory_space<vmem>>
      %dma_start3A_3104 = tpu.memref_squeeze %dma_start3A_3103 : memref<1x8x128xf32, #tpu.memory_space<vmem>> -> memref<8x128xf32, #tpu.memory_space<vmem>>
      %dma_start3A_3105 = arith.constant 0 : i32
      %dma_start3A_3106 = tpu.memref_slice %arg4[%dma_start3A_3099, %dma_start3A_3105, %multiple_of3A_2999] : memref<4x8x1000000xf32, #tpu.memory_space<hbm>> -> memref<1x8x128xf32, #tpu.memory_space<hbm>>
      %dma_start3A_3107 = tpu.memref_squeeze %dma_start3A_3106 : memref<1x8x128xf32, #tpu.memory_space<hbm>> -> memref<8x128xf32, #tpu.memory_space<hbm>>
      %dma_start3A_3108 = arith.constant 0 : i32
      %dma_start3A_3109 = arith.constant 0 : i32
      %dma_start3A_3110 = tpu.memref_slice %arg12[%dma_start3A_3100, %dma_start3A_3108, %dma_start3A_3109] : memref<4x8x128xf32, #tpu.memory_space<vmem>> -> memref<1x8x128xf32, #tpu.memory_space<vmem>>
      %dma_start3A_3111 = tpu.memref_squeeze %dma_start3A_3110 : memref<1x8x128xf32, #tpu.memory_space<vmem>> -> memref<8x128xf32, #tpu.memory_space<vmem>>
      %dma_start3A_3112 = arith.constant 0 : i32
      %dma_start3A_3113 = tpu.memref_slice %arg4[%dma_start3A_3099, %dma_start3A_3112, %multiple_of3A_2999] : memref<4x8x1000000xf32, #tpu.memory_space<hbm>> -> memref<1x8x128xf32, #tpu.memory_space<hbm>>
      %dma_start3A_3114 = tpu.memref_squeeze %dma_start3A_3113 : memref<1x8x128xf32, #tpu.memory_space<hbm>> -> memref<8x128xf32, #tpu.memory_space<hbm>>
      tpu.enqueue_dma source(%dma_start3A_3114 : memref<8x128xf32, #tpu.memory_space<hbm>>) target(%dma_start3A_3111 : memref<8x128xf32, #tpu.memory_space<vmem>>) target_semaphore(%arg30 : memref<!tpu.dma_semaphore, #tpu.memory_space<semaphore_mem>>)
      %dma_start3A_3115 = arith.constant 3 : i32
      %dma_start3A_3116 = arith.constant 3 : i32
      %dma_start3A_3117 = arith.constant 0 : i32
      %dma_start3A_3118 = arith.constant 0 : i32
      %dma_start3A_3119 = tpu.memref_slice %arg16[%dma_start3A_3116, %dma_start3A_3117, %dma_start3A_3118] : memref<4x8x128xf32, #tpu.memory_space<vmem>> -> memref<1x8x128xf32, #tpu.memory_space<vmem>>
      %dma_start3A_3120 = tpu.memref_squeeze %dma_start3A_3119 : memref<1x8x128xf32, #tpu.memory_space<vmem>> -> memref<8x128xf32, #tpu.memory_space<vmem>>
      %dma_start3A_3121 = arith.constant 0 : i32
      %dma_start3A_3122 = tpu.memref_slice %arg5[%dma_start3A_3115, %dma_start3A_3121, %multiple_of3A_3002] : memref<4x8x1000000xf32, #tpu.memory_space<hbm>> -> memref<1x8x128xf32, #tpu.memory_space<hbm>>
      %dma_start3A_3123 = tpu.memref_squeeze %dma_start3A_3122 : memref<1x8x128xf32, #tpu.memory_space<hbm>> -> memref<8x128xf32, #tpu.memory_space<hbm>>
      %dma_start3A_3124 = arith.constant 0 : i32
      %dma_start3A_3125 = arith.constant 0 : i32
      %dma_start3A_3126 = tpu.memref_slice %arg16[%dma_start3A_3116, %dma_start3A_3124, %dma_start3A_3125] : memref<4x8x128xf32, #tpu.memory_space<vmem>> -> memref<1x8x128xf32, #tpu.memory_space<vmem>>
      %dma_start3A_3127 = tpu.memref_squeeze %dma_start3A_3126 : memref<1x8x128xf32, #tpu.memory_space<vmem>> -> memref<8x128xf32, #tpu.memory_space<vmem>>
      %dma_start3A_3128 = arith.constant 0 : i32
      %dma_start3A_3129 = tpu.memref_slice %arg5[%dma_start3A_3115, %dma_start3A_3128, %multiple_of3A_3002] : memref<4x8x1000000xf32, #tpu.memory_space<hbm>> -> memref<1x8x128xf32, #tpu.memory_space<hbm>>
      %dma_start3A_3130 = tpu.memref_squeeze %dma_start3A_3129 : memref<1x8x128xf32, #tpu.memory_space<hbm>> -> memref<8x128xf32, #tpu.memory_space<hbm>>
      tpu.enqueue_dma source(%dma_start3A_3130 : memref<8x128xf32, #tpu.memory_space<hbm>>) target(%dma_start3A_3127 : memref<8x128xf32, #tpu.memory_space<vmem>>) target_semaphore(%arg31 : memref<!tpu.dma_semaphore, #tpu.memory_space<semaphore_mem>>)
      %slice3A_3131 = vector.extract_strided_slice %sub3A_2858 {offsets = [2], sizes = [1], strides = [1]} : vector<16xi32> to vector<1xi32>
      %squeeze3A_3132 = vector.extract %slice3A_3131[0] : i32 from vector<1xi32>
      %multiple_of3A_3133 = tpu.assume_multiple %squeeze3A_3132, 128 : i32
      %slice3A_3134 = vector.extract_strided_slice %sub3A_2862 {offsets = [2], sizes = [1], strides = [1]} : vector<16xi32> to vector<1xi32>
      %squeeze3A_3135 = vector.extract %slice3A_3134[0] : i32 from vector<1xi32>
      %multiple_of3A_3136 = tpu.assume_multiple %squeeze3A_3135, 128 : i32
      %dma_start3A_3137 = arith.constant 0 : i32
      %dma_start3A_3138 = arith.constant 0 : i32
      %dma_start3A_3139 = arith.constant 0 : i32
      %dma_start3A_3140 = arith.constant 0 : i32
      %dma_start3A_3141 = tpu.memref_slice %arg13[%dma_start3A_3138, %dma_start3A_3139, %dma_start3A_3140] : memref<4x8x128xf32, #tpu.memory_space<vmem>> -> memref<1x8x128xf32, #tpu.memory_space<vmem>>
      %dma_start3A_3142 = tpu.memref_squeeze %dma_start3A_3141 : memref<1x8x128xf32, #tpu.memory_space<vmem>> -> memref<8x128xf32, #tpu.memory_space<vmem>>
      %dma_start3A_3143 = arith.constant 0 : i32
      %dma_start3A_3144 = tpu.memref_slice %arg4[%dma_start3A_3137, %dma_start3A_3143, %multiple_of3A_3133] : memref<4x8x1000000xf32, #tpu.memory_space<hbm>> -> memref<1x8x128xf32, #tpu.memory_space<hbm>>
      %dma_start3A_3145 = tpu.memref_squeeze %dma_start3A_3144 : memref<1x8x128xf32, #tpu.memory_space<hbm>> -> memref<8x128xf32, #tpu.memory_space<hbm>>
      %dma_start3A_3146 = arith.constant 0 : i32
      %dma_start3A_3147 = arith.constant 0 : i32
      %dma_start3A_3148 = tpu.memref_slice %arg13[%dma_start3A_3138, %dma_start3A_3146, %dma_start3A_3147] : memref<4x8x128xf32, #tpu.memory_space<vmem>> -> memref<1x8x128xf32, #tpu.memory_space<vmem>>
      %dma_start3A_3149 = tpu.memref_squeeze %dma_start3A_3148 : memref<1x8x128xf32, #tpu.memory_space<vmem>> -> memref<8x128xf32, #tpu.memory_space<vmem>>
      %dma_start3A_3150 = arith.constant 0 : i32
      %dma_start3A_3151 = tpu.memref_slice %arg4[%dma_start3A_3137, %dma_start3A_3150, %multiple_of3A_3133] : memref<4x8x1000000xf32, #tpu.memory_space<hbm>> -> memref<1x8x128xf32, #tpu.memory_space<hbm>>
      %dma_start3A_3152 = tpu.memref_squeeze %dma_start3A_3151 : memref<1x8x128xf32, #tpu.memory_space<hbm>> -> memref<8x128xf32, #tpu.memory_space<hbm>>
      tpu.enqueue_dma source(%dma_start3A_3152 : memref<8x128xf32, #tpu.memory_space<hbm>>) target(%dma_start3A_3149 : memref<8x128xf32, #tpu.memory_space<vmem>>) target_semaphore(%arg30 : memref<!tpu.dma_semaphore, #tpu.memory_space<semaphore_mem>>)
      %dma_start3A_3153 = arith.constant 0 : i32
      %dma_start3A_3154 = arith.constant 0 : i32
      %dma_start3A_3155 = arith.constant 0 : i32
      %dma_start3A_3156 = arith.constant 0 : i32
      %dma_start3A_3157 = tpu.memref_slice %arg17[%dma_start3A_3154, %dma_start3A_3155, %dma_start3A_3156] : memref<4x8x128xf32, #tpu.memory_space<vmem>> -> memref<1x8x128xf32, #tpu.memory_space<vmem>>
      %dma_start3A_3158 = tpu.memref_squeeze %dma_start3A_3157 : memref<1x8x128xf32, #tpu.memory_space<vmem>> -> memref<8x128xf32, #tpu.memory_space<vmem>>
      %dma_start3A_3159 = arith.constant 0 : i32
      %dma_start3A_3160 = tpu.memref_slice %arg5[%dma_start3A_3153, %dma_start3A_3159, %multiple_of3A_3136] : memref<4x8x1000000xf32, #tpu.memory_space<hbm>> -> memref<1x8x128xf32, #tpu.memory_space<hbm>>
      %dma_start3A_3161 = tpu.memref_squeeze %dma_start3A_3160 : memref<1x8x128xf32, #tpu.memory_space<hbm>> -> memref<8x128xf32, #tpu.memory_space<hbm>>
      %dma_start3A_3162 = arith.constant 0 : i32
      %dma_start3A_3163 = arith.constant 0 : i32
      %dma_start3A_3164 = tpu.memref_slice %arg17[%dma_start3A_3154, %dma_start3A_3162, %dma_start3A_3163] : memref<4x8x128xf32, #tpu.memory_space<vmem>> -> memref<1x8x128xf32, #tpu.memory_space<vmem>>
      %dma_start3A_3165 = tpu.memref_squeeze %dma_start3A_3164 : memref<1x8x128xf32, #tpu.memory_space<vmem>> -> memref<8x128xf32, #tpu.memory_space<vmem>>
      %dma_start3A_3166 = arith.constant 0 : i32
      %dma_start3A_3167 = tpu.memref_slice %arg5[%dma_start3A_3153, %dma_start3A_3166, %multiple_of3A_3136] : memref<4x8x1000000xf32, #tpu.memory_space<hbm>> -> memref<1x8x128xf32, #tpu.memory_space<hbm>>
      %dma_start3A_3168 = tpu.memref_squeeze %dma_start3A_3167 : memref<1x8x128xf32, #tpu.memory_space<hbm>> -> memref<8x128xf32, #tpu.memory_space<hbm>>
      tpu.enqueue_dma source(%dma_start3A_3168 : memref<8x128xf32, #tpu.memory_space<hbm>>) target(%dma_start3A_3165 : memref<8x128xf32, #tpu.memory_space<vmem>>) target_semaphore(%arg31 : memref<!tpu.dma_semaphore, #tpu.memory_space<semaphore_mem>>)
      %dma_start3A_3169 = arith.constant 1 : i32
      %dma_start3A_3170 = arith.constant 1 : i32
      %dma_start3A_3171 = arith.constant 0 : i32
      %dma_start3A_3172 = arith.constant 0 : i32
      %dma_start3A_3173 = tpu.memref_slice %arg13[%dma_start3A_3170, %dma_start3A_3171, %dma_start3A_3172] : memref<4x8x128xf32, #tpu.memory_space<vmem>> -> memref<1x8x128xf32, #tpu.memory_space<vmem>>
      %dma_start3A_3174 = tpu.memref_squeeze %dma_start3A_3173 : memref<1x8x128xf32, #tpu.memory_space<vmem>> -> memref<8x128xf32, #tpu.memory_space<vmem>>
      %dma_start3A_3175 = arith.constant 0 : i32
      %dma_start3A_3176 = tpu.memref_slice %arg4[%dma_start3A_3169, %dma_start3A_3175, %multiple_of3A_3133] : memref<4x8x1000000xf32, #tpu.memory_space<hbm>> -> memref<1x8x128xf32, #tpu.memory_space<hbm>>
      %dma_start3A_3177 = tpu.memref_squeeze %dma_start3A_3176 : memref<1x8x128xf32, #tpu.memory_space<hbm>> -> memref<8x128xf32, #tpu.memory_space<hbm>>
      %dma_start3A_3178 = arith.constant 0 : i32
      %dma_start3A_3179 = arith.constant 0 : i32
      %dma_start3A_3180 = tpu.memref_slice %arg13[%dma_start3A_3170, %dma_start3A_3178, %dma_start3A_3179] : memref<4x8x128xf32, #tpu.memory_space<vmem>> -> memref<1x8x128xf32, #tpu.memory_space<vmem>>
      %dma_start3A_3181 = tpu.memref_squeeze %dma_start3A_3180 : memref<1x8x128xf32, #tpu.memory_space<vmem>> -> memref<8x128xf32, #tpu.memory_space<vmem>>
      %dma_start3A_3182 = arith.constant 0 : i32
      %dma_start3A_3183 = tpu.memref_slice %arg4[%dma_start3A_3169, %dma_start3A_3182, %multiple_of3A_3133] : memref<4x8x1000000xf32, #tpu.memory_space<hbm>> -> memref<1x8x128xf32, #tpu.memory_space<hbm>>
      %dma_start3A_3184 = tpu.memref_squeeze %dma_start3A_3183 : memref<1x8x128xf32, #tpu.memory_space<hbm>> -> memref<8x128xf32, #tpu.memory_space<hbm>>
      tpu.enqueue_dma source(%dma_start3A_3184 : memref<8x128xf32, #tpu.memory_space<hbm>>) target(%dma_start3A_3181 : memref<8x128xf32, #tpu.memory_space<vmem>>) target_semaphore(%arg30 : memref<!tpu.dma_semaphore, #tpu.memory_space<semaphore_mem>>)
      %dma_start3A_3185 = arith.constant 1 : i32
      %dma_start3A_3186 = arith.constant 1 : i32
      %dma_start3A_3187 = arith.constant 0 : i32
      %dma_start3A_3188 = arith.constant 0 : i32
      %dma_start3A_3189 = tpu.memref_slice %arg17[%dma_start3A_3186, %dma_start3A_3187, %dma_start3A_3188] : memref<4x8x128xf32, #tpu.memory_space<vmem>> -> memref<1x8x128xf32, #tpu.memory_space<vmem>>
      %dma_start3A_3190 = tpu.memref_squeeze %dma_start3A_3189 : memref<1x8x128xf32, #tpu.memory_space<vmem>> -> memref<8x128xf32, #tpu.memory_space<vmem>>
      %dma_start3A_3191 = arith.constant 0 : i32
      %dma_start3A_3192 = tpu.memref_slice %arg5[%dma_start3A_3185, %dma_start3A_3191, %multiple_of3A_3136] : memref<4x8x1000000xf32, #tpu.memory_space<hbm>> -> memref<1x8x128xf32, #tpu.memory_space<hbm>>
      %dma_start3A_3193 = tpu.memref_squeeze %dma_start3A_3192 : memref<1x8x128xf32, #tpu.memory_space<hbm>> -> memref<8x128xf32, #tpu.memory_space<hbm>>
      %dma_start3A_3194 = arith.constant 0 : i32
      %dma_start3A_3195 = arith.constant 0 : i32
      %dma_start3A_3196 = tpu.memref_slice %arg17[%dma_start3A_3186, %dma_start3A_3194, %dma_start3A_3195] : memref<4x8x128xf32, #tpu.memory_space<vmem>> -> memref<1x8x128xf32, #tpu.memory_space<vmem>>
      %dma_start3A_3197 = tpu.memref_squeeze %dma_start3A_3196 : memref<1x8x128xf32, #tpu.memory_space<vmem>> -> memref<8x128xf32, #tpu.memory_space<vmem>>
      %dma_start3A_3198 = arith.constant 0 : i32
      %dma_start3A_3199 = tpu.memref_slice %arg5[%dma_start3A_3185, %dma_start3A_3198, %multiple_of3A_3136] : memref<4x8x1000000xf32, #tpu.memory_space<hbm>> -> memref<1x8x128xf32, #tpu.memory_space<hbm>>
      %dma_start3A_3200 = tpu.memref_squeeze %dma_start3A_3199 : memref<1x8x128xf32, #tpu.memory_space<hbm>> -> memref<8x128xf32, #tpu.memory_space<hbm>>
      tpu.enqueue_dma source(%dma_start3A_3200 : memref<8x128xf32, #tpu.memory_space<hbm>>) target(%dma_start3A_3197 : memref<8x128xf32, #tpu.memory_space<vmem>>) target_semaphore(%arg31 : memref<!tpu.dma_semaphore, #tpu.memory_space<semaphore_mem>>)
      %dma_start3A_3201 = arith.constant 2 : i32
      %dma_start3A_3202 = arith.constant 2 : i32
      %dma_start3A_3203 = arith.constant 0 : i32
      %dma_start3A_3204 = arith.constant 0 : i32
      %dma_start3A_3205 = tpu.memref_slice %arg13[%dma_start3A_3202, %dma_start3A_3203, %dma_start3A_3204] : memref<4x8x128xf32, #tpu.memory_space<vmem>> -> memref<1x8x128xf32, #tpu.memory_space<vmem>>
      %dma_start3A_3206 = tpu.memref_squeeze %dma_start3A_3205 : memref<1x8x128xf32, #tpu.memory_space<vmem>> -> memref<8x128xf32, #tpu.memory_space<vmem>>
      %dma_start3A_3207 = arith.constant 0 : i32
      %dma_start3A_3208 = tpu.memref_slice %arg4[%dma_start3A_3201, %dma_start3A_3207, %multiple_of3A_3133] : memref<4x8x1000000xf32, #tpu.memory_space<hbm>> -> memref<1x8x128xf32, #tpu.memory_space<hbm>>
      %dma_start3A_3209 = tpu.memref_squeeze %dma_start3A_3208 : memref<1x8x128xf32, #tpu.memory_space<hbm>> -> memref<8x128xf32, #tpu.memory_space<hbm>>
      %dma_start3A_3210 = arith.constant 0 : i32
      %dma_start3A_3211 = arith.constant 0 : i32
      %dma_start3A_3212 = tpu.memref_slice %arg13[%dma_start3A_3202, %dma_start3A_3210, %dma_start3A_3211] : memref<4x8x128xf32, #tpu.memory_space<vmem>> -> memref<1x8x128xf32, #tpu.memory_space<vmem>>
      %dma_start3A_3213 = tpu.memref_squeeze %dma_start3A_3212 : memref<1x8x128xf32, #tpu.memory_space<vmem>> -> memref<8x128xf32, #tpu.memory_space<vmem>>
      %dma_start3A_3214 = arith.constant 0 : i32
      %dma_start3A_3215 = tpu.memref_slice %arg4[%dma_start3A_3201, %dma_start3A_3214, %multiple_of3A_3133] : memref<4x8x1000000xf32, #tpu.memory_space<hbm>> -> memref<1x8x128xf32, #tpu.memory_space<hbm>>
      %dma_start3A_3216 = tpu.memref_squeeze %dma_start3A_3215 : memref<1x8x128xf32, #tpu.memory_space<hbm>> -> memref<8x128xf32, #tpu.memory_space<hbm>>
      tpu.enqueue_dma source(%dma_start3A_3216 : memref<8x128xf32, #tpu.memory_space<hbm>>) target(%dma_start3A_3213 : memref<8x128xf32, #tpu.memory_space<vmem>>) target_semaphore(%arg30 : memref<!tpu.dma_semaphore, #tpu.memory_space<semaphore_mem>>)
      %dma_start3A_3217 = arith.constant 2 : i32
      %dma_start3A_3218 = arith.constant 2 : i32
      %dma_start3A_3219 = arith.constant 0 : i32
      %dma_start3A_3220 = arith.constant 0 : i32
      %dma_start3A_3221 = tpu.memref_slice %arg17[%dma_start3A_3218, %dma_start3A_3219, %dma_start3A_3220] : memref<4x8x128xf32, #tpu.memory_space<vmem>> -> memref<1x8x128xf32, #tpu.memory_space<vmem>>
      %dma_start3A_3222 = tpu.memref_squeeze %dma_start3A_3221 : memref<1x8x128xf32, #tpu.memory_space<vmem>> -> memref<8x128xf32, #tpu.memory_space<vmem>>
      %dma_start3A_3223 = arith.constant 0 : i32
      %dma_start3A_3224 = tpu.memref_slice %arg5[%dma_start3A_3217, %dma_start3A_3223, %multiple_of3A_3136] : memref<4x8x1000000xf32, #tpu.memory_space<hbm>> -> memref<1x8x128xf32, #tpu.memory_space<hbm>>
      %dma_start3A_3225 = tpu.memref_squeeze %dma_start3A_3224 : memref<1x8x128xf32, #tpu.memory_space<hbm>> -> memref<8x128xf32, #tpu.memory_space<hbm>>
      %dma_start3A_3226 = arith.constant 0 : i32
      %dma_start3A_3227 = arith.constant 0 : i32
      %dma_start3A_3228 = tpu.memref_slice %arg17[%dma_start3A_3218, %dma_start3A_3226, %dma_start3A_3227] : memref<4x8x128xf32, #tpu.memory_space<vmem>> -> memref<1x8x128xf32, #tpu.memory_space<vmem>>
      %dma_start3A_3229 = tpu.memref_squeeze %dma_start3A_3228 : memref<1x8x128xf32, #tpu.memory_space<vmem>> -> memref<8x128xf32, #tpu.memory_space<vmem>>
      %dma_start3A_3230 = arith.constant 0 : i32
      %dma_start3A_3231 = tpu.memref_slice %arg5[%dma_start3A_3217, %dma_start3A_3230, %multiple_of3A_3136] : memref<4x8x1000000xf32, #tpu.memory_space<hbm>> -> memref<1x8x128xf32, #tpu.memory_space<hbm>>
      %dma_start3A_3232 = tpu.memref_squeeze %dma_start3A_3231 : memref<1x8x128xf32, #tpu.memory_space<hbm>> -> memref<8x128xf32, #tpu.memory_space<hbm>>
      tpu.enqueue_dma source(%dma_start3A_3232 : memref<8x128xf32, #tpu.memory_space<hbm>>) target(%dma_start3A_3229 : memref<8x128xf32, #tpu.memory_space<vmem>>) target_semaphore(%arg31 : memref<!tpu.dma_semaphore, #tpu.memory_space<semaphore_mem>>)
      %dma_start3A_3233 = arith.constant 3 : i32
      %dma_start3A_3234 = arith.constant 3 : i32
      %dma_start3A_3235 = arith.constant 0 : i32
      %dma_start3A_3236 = arith.constant 0 : i32
      %dma_start3A_3237 = tpu.memref_slice %arg13[%dma_start3A_3234, %dma_start3A_3235, %dma_start3A_3236] : memref<4x8x128xf32, #tpu.memory_space<vmem>> -> memref<1x8x128xf32, #tpu.memory_space<vmem>>
      %dma_start3A_3238 = tpu.memref_squeeze %dma_start3A_3237 : memref<1x8x128xf32, #tpu.memory_space<vmem>> -> memref<8x128xf32, #tpu.memory_space<vmem>>
      %dma_start3A_3239 = arith.constant 0 : i32
      %dma_start3A_3240 = tpu.memref_slice %arg4[%dma_start3A_3233, %dma_start3A_3239, %multiple_of3A_3133] : memref<4x8x1000000xf32, #tpu.memory_space<hbm>> -> memref<1x8x128xf32, #tpu.memory_space<hbm>>
      %dma_start3A_3241 = tpu.memref_squeeze %dma_start3A_3240 : memref<1x8x128xf32, #tpu.memory_space<hbm>> -> memref<8x128xf32, #tpu.memory_space<hbm>>
      %dma_start3A_3242 = arith.constant 0 : i32
      %dma_start3A_3243 = arith.constant 0 : i32
      %dma_start3A_3244 = tpu.memref_slice %arg13[%dma_start3A_3234, %dma_start3A_3242, %dma_start3A_3243] : memref<4x8x128xf32, #tpu.memory_space<vmem>> -> memref<1x8x128xf32, #tpu.memory_space<vmem>>
      %dma_start3A_3245 = tpu.memref_squeeze %dma_start3A_3244 : memref<1x8x128xf32, #tpu.memory_space<vmem>> -> memref<8x128xf32, #tpu.memory_space<vmem>>
      %dma_start3A_3246 = arith.constant 0 : i32
      %dma_start3A_3247 = tpu.memref_slice %arg4[%dma_start3A_3233, %dma_start3A_3246, %multiple_of3A_3133] : memref<4x8x1000000xf32, #tpu.memory_space<hbm>> -> memref<1x8x128xf32, #tpu.memory_space<hbm>>
      %dma_start3A_3248 = tpu.memref_squeeze %dma_start3A_3247 : memref<1x8x128xf32, #tpu.memory_space<hbm>> -> memref<8x128xf32, #tpu.memory_space<hbm>>
      tpu.enqueue_dma source(%dma_start3A_3248 : memref<8x128xf32, #tpu.memory_space<hbm>>) target(%dma_start3A_3245 : memref<8x128xf32, #tpu.memory_space<vmem>>) target_semaphore(%arg30 : memref<!tpu.dma_semaphore, #tpu.memory_space<semaphore_mem>>)
      %dma_start3A_3249 = arith.constant 3 : i32
      %dma_start3A_3250 = arith.constant 3 : i32
      %dma_start3A_3251 = arith.constant 0 : i32
      %dma_start3A_3252 = arith.constant 0 : i32
      %dma_start3A_3253 = tpu.memref_slice %arg17[%dma_start3A_3250, %dma_start3A_3251, %dma_start3A_3252] : memref<4x8x128xf32, #tpu.memory_space<vmem>> -> memref<1x8x128xf32, #tpu.memory_space<vmem>>
      %dma_start3A_3254 = tpu.memref_squeeze %dma_start3A_3253 : memref<1x8x128xf32, #tpu.memory_space<vmem>> -> memref<8x128xf32, #tpu.memory_space<vmem>>
      %dma_start3A_3255 = arith.constant 0 : i32
      %dma_start3A_3256 = tpu.memref_slice %arg5[%dma_start3A_3249, %dma_start3A_3255, %multiple_of3A_3136] : memref<4x8x1000000xf32, #tpu.memory_space<hbm>> -> memref<1x8x128xf32, #tpu.memory_space<hbm>>
      %dma_start3A_3257 = tpu.memref_squeeze %dma_start3A_3256 : memref<1x8x128xf32, #tpu.memory_space<hbm>> -> memref<8x128xf32, #tpu.memory_space<hbm>>
      %dma_start3A_3258 = arith.constant 0 : i32
      %dma_start3A_3259 = arith.constant 0 : i32
      %dma_start3A_3260 = tpu.memref_slice %arg17[%dma_start3A_3250, %dma_start3A_3258, %dma_start3A_3259] : memref<4x8x128xf32, #tpu.memory_space<vmem>> -> memref<1x8x128xf32, #tpu.memory_space<vmem>>
      %dma_start3A_3261 = tpu.memref_squeeze %dma_start3A_3260 : memref<1x8x128xf32, #tpu.memory_space<vmem>> -> memref<8x128xf32, #tpu.memory_space<vmem>>
      %dma_start3A_3262 = arith.constant 0 : i32
      %dma_start3A_3263 = tpu.memref_slice %arg5[%dma_start3A_3249, %dma_start3A_3262, %multiple_of3A_3136] : memref<4x8x1000000xf32, #tpu.memory_space<hbm>> -> memref<1x8x128xf32, #tpu.memory_space<hbm>>
      %dma_start3A_3264 = tpu.memref_squeeze %dma_start3A_3263 : memref<1x8x128xf32, #tpu.memory_space<hbm>> -> memref<8x128xf32, #tpu.memory_space<hbm>>
      tpu.enqueue_dma source(%dma_start3A_3264 : memref<8x128xf32, #tpu.memory_space<hbm>>) target(%dma_start3A_3261 : memref<8x128xf32, #tpu.memory_space<vmem>>) target_semaphore(%arg31 : memref<!tpu.dma_semaphore, #tpu.memory_space<semaphore_mem>>)
      %slice3A_3265 = vector.extract_strided_slice %sub3A_2858 {offsets = [3], sizes = [1], strides = [1]} : vector<16xi32> to vector<1xi32>
      %squeeze3A_3266 = vector.extract %slice3A_3265[0] : i32 from vector<1xi32>
      %multiple_of3A_3267 = tpu.assume_multiple %squeeze3A_3266, 128 : i32
      %slice3A_3268 = vector.extract_strided_slice %sub3A_2862 {offsets = [3], sizes = [1], strides = [1]} : vector<16xi32> to vector<1xi32>
      %squeeze3A_3269 = vector.extract %slice3A_3268[0] : i32 from vector<1xi32>
      %multiple_of3A_3270 = tpu.assume_multiple %squeeze3A_3269, 128 : i32
      %dma_start3A_3271 = arith.constant 0 : i32
      %dma_start3A_3272 = arith.constant 0 : i32
      %dma_start3A_3273 = arith.constant 0 : i32
      %dma_start3A_3274 = arith.constant 0 : i32
      %dma_start3A_3275 = tpu.memref_slice %arg14[%dma_start3A_3272, %dma_start3A_3273, %dma_start3A_3274] : memref<4x8x128xf32, #tpu.memory_space<vmem>> -> memref<1x8x128xf32, #tpu.memory_space<vmem>>
      %dma_start3A_3276 = tpu.memref_squeeze %dma_start3A_3275 : memref<1x8x128xf32, #tpu.memory_space<vmem>> -> memref<8x128xf32, #tpu.memory_space<vmem>>
      %dma_start3A_3277 = arith.constant 0 : i32
      %dma_start3A_3278 = tpu.memref_slice %arg4[%dma_start3A_3271, %dma_start3A_3277, %multiple_of3A_3267] : memref<4x8x1000000xf32, #tpu.memory_space<hbm>> -> memref<1x8x128xf32, #tpu.memory_space<hbm>>
      %dma_start3A_3279 = tpu.memref_squeeze %dma_start3A_3278 : memref<1x8x128xf32, #tpu.memory_space<hbm>> -> memref<8x128xf32, #tpu.memory_space<hbm>>
      %dma_start3A_3280 = arith.constant 0 : i32
      %dma_start3A_3281 = arith.constant 0 : i32
      %dma_start3A_3282 = tpu.memref_slice %arg14[%dma_start3A_3272, %dma_start3A_3280, %dma_start3A_3281] : memref<4x8x128xf32, #tpu.memory_space<vmem>> -> memref<1x8x128xf32, #tpu.memory_space<vmem>>
      %dma_start3A_3283 = tpu.memref_squeeze %dma_start3A_3282 : memref<1x8x128xf32, #tpu.memory_space<vmem>> -> memref<8x128xf32, #tpu.memory_space<vmem>>
      %dma_start3A_3284 = arith.constant 0 : i32
      %dma_start3A_3285 = tpu.memref_slice %arg4[%dma_start3A_3271, %dma_start3A_3284, %multiple_of3A_3267] : memref<4x8x1000000xf32, #tpu.memory_space<hbm>> -> memref<1x8x128xf32, #tpu.memory_space<hbm>>
      %dma_start3A_3286 = tpu.memref_squeeze %dma_start3A_3285 : memref<1x8x128xf32, #tpu.memory_space<hbm>> -> memref<8x128xf32, #tpu.memory_space<hbm>>
      tpu.enqueue_dma source(%dma_start3A_3286 : memref<8x128xf32, #tpu.memory_space<hbm>>) target(%dma_start3A_3283 : memref<8x128xf32, #tpu.memory_space<vmem>>) target_semaphore(%arg30 : memref<!tpu.dma_semaphore, #tpu.memory_space<semaphore_mem>>)
      %dma_start3A_3287 = arith.constant 0 : i32
      %dma_start3A_3288 = arith.constant 0 : i32
      %dma_start3A_3289 = arith.constant 0 : i32
      %dma_start3A_3290 = arith.constant 0 : i32
      %dma_start3A_3291 = tpu.memref_slice %arg18[%dma_start3A_3288, %dma_start3A_3289, %dma_start3A_3290] : memref<4x8x128xf32, #tpu.memory_space<vmem>> -> memref<1x8x128xf32, #tpu.memory_space<vmem>>
      %dma_start3A_3292 = tpu.memref_squeeze %dma_start3A_3291 : memref<1x8x128xf32, #tpu.memory_space<vmem>> -> memref<8x128xf32, #tpu.memory_space<vmem>>
      %dma_start3A_3293 = arith.constant 0 : i32
      %dma_start3A_3294 = tpu.memref_slice %arg5[%dma_start3A_3287, %dma_start3A_3293, %multiple_of3A_3270] : memref<4x8x1000000xf32, #tpu.memory_space<hbm>> -> memref<1x8x128xf32, #tpu.memory_space<hbm>>
      %dma_start3A_3295 = tpu.memref_squeeze %dma_start3A_3294 : memref<1x8x128xf32, #tpu.memory_space<hbm>> -> memref<8x128xf32, #tpu.memory_space<hbm>>
      %dma_start3A_3296 = arith.constant 0 : i32
      %dma_start3A_3297 = arith.constant 0 : i32
      %dma_start3A_3298 = tpu.memref_slice %arg18[%dma_start3A_3288, %dma_start3A_3296, %dma_start3A_3297] : memref<4x8x128xf32, #tpu.memory_space<vmem>> -> memref<1x8x128xf32, #tpu.memory_space<vmem>>
      %dma_start3A_3299 = tpu.memref_squeeze %dma_start3A_3298 : memref<1x8x128xf32, #tpu.memory_space<vmem>> -> memref<8x128xf32, #tpu.memory_space<vmem>>
      %dma_start3A_3300 = arith.constant 0 : i32
      %dma_start3A_3301 = tpu.memref_slice %arg5[%dma_start3A_3287, %dma_start3A_3300, %multiple_of3A_3270] : memref<4x8x1000000xf32, #tpu.memory_space<hbm>> -> memref<1x8x128xf32, #tpu.memory_space<hbm>>
      %dma_start3A_3302 = tpu.memref_squeeze %dma_start3A_3301 : memref<1x8x128xf32, #tpu.memory_space<hbm>> -> memref<8x128xf32, #tpu.memory_space<hbm>>
      tpu.enqueue_dma source(%dma_start3A_3302 : memref<8x128xf32, #tpu.memory_space<hbm>>) target(%dma_start3A_3299 : memref<8x128xf32, #tpu.memory_space<vmem>>) target_semaphore(%arg31 : memref<!tpu.dma_semaphore, #tpu.memory_space<semaphore_mem>>)
      %dma_start3A_3303 = arith.constant 1 : i32
      %dma_start3A_3304 = arith.constant 1 : i32
      %dma_start3A_3305 = arith.constant 0 : i32
      %dma_start3A_3306 = arith.constant 0 : i32
      %dma_start3A_3307 = tpu.memref_slice %arg14[%dma_start3A_3304, %dma_start3A_3305, %dma_start3A_3306] : memref<4x8x128xf32, #tpu.memory_space<vmem>> -> memref<1x8x128xf32, #tpu.memory_space<vmem>>
      %dma_start3A_3308 = tpu.memref_squeeze %dma_start3A_3307 : memref<1x8x128xf32, #tpu.memory_space<vmem>> -> memref<8x128xf32, #tpu.memory_space<vmem>>
      %dma_start3A_3309 = arith.constant 0 : i32
      %dma_start3A_3310 = tpu.memref_slice %arg4[%dma_start3A_3303, %dma_start3A_3309, %multiple_of3A_3267] : memref<4x8x1000000xf32, #tpu.memory_space<hbm>> -> memref<1x8x128xf32, #tpu.memory_space<hbm>>
      %dma_start3A_3311 = tpu.memref_squeeze %dma_start3A_3310 : memref<1x8x128xf32, #tpu.memory_space<hbm>> -> memref<8x128xf32, #tpu.memory_space<hbm>>
      %dma_start3A_3312 = arith.constant 0 : i32
      %dma_start3A_3313 = arith.constant 0 : i32
      %dma_start3A_3314 = tpu.memref_slice %arg14[%dma_start3A_3304, %dma_start3A_3312, %dma_start3A_3313] : memref<4x8x128xf32, #tpu.memory_space<vmem>> -> memref<1x8x128xf32, #tpu.memory_space<vmem>>
      %dma_start3A_3315 = tpu.memref_squeeze %dma_start3A_3314 : memref<1x8x128xf32, #tpu.memory_space<vmem>> -> memref<8x128xf32, #tpu.memory_space<vmem>>
      %dma_start3A_3316 = arith.constant 0 : i32
      %dma_start3A_3317 = tpu.memref_slice %arg4[%dma_start3A_3303, %dma_start3A_3316, %multiple_of3A_3267] : memref<4x8x1000000xf32, #tpu.memory_space<hbm>> -> memref<1x8x128xf32, #tpu.memory_space<hbm>>
      %dma_start3A_3318 = tpu.memref_squeeze %dma_start3A_3317 : memref<1x8x128xf32, #tpu.memory_space<hbm>> -> memref<8x128xf32, #tpu.memory_space<hbm>>
      tpu.enqueue_dma source(%dma_start3A_3318 : memref<8x128xf32, #tpu.memory_space<hbm>>) target(%dma_start3A_3315 : memref<8x128xf32, #tpu.memory_space<vmem>>) target_semaphore(%arg30 : memref<!tpu.dma_semaphore, #tpu.memory_space<semaphore_mem>>)
      %dma_start3A_3319 = arith.constant 1 : i32
      %dma_start3A_3320 = arith.constant 1 : i32
      %dma_start3A_3321 = arith.constant 0 : i32
      %dma_start3A_3322 = arith.constant 0 : i32
      %dma_start3A_3323 = tpu.memref_slice %arg18[%dma_start3A_3320, %dma_start3A_3321, %dma_start3A_3322] : memref<4x8x128xf32, #tpu.memory_space<vmem>> -> memref<1x8x128xf32, #tpu.memory_space<vmem>>
      %dma_start3A_3324 = tpu.memref_squeeze %dma_start3A_3323 : memref<1x8x128xf32, #tpu.memory_space<vmem>> -> memref<8x128xf32, #tpu.memory_space<vmem>>
      %dma_start3A_3325 = arith.constant 0 : i32
      %dma_start3A_3326 = tpu.memref_slice %arg5[%dma_start3A_3319, %dma_start3A_3325, %multiple_of3A_3270] : memref<4x8x1000000xf32, #tpu.memory_space<hbm>> -> memref<1x8x128xf32, #tpu.memory_space<hbm>>
      %dma_start3A_3327 = tpu.memref_squeeze %dma_start3A_3326 : memref<1x8x128xf32, #tpu.memory_space<hbm>> -> memref<8x128xf32, #tpu.memory_space<hbm>>
      %dma_start3A_3328 = arith.constant 0 : i32
      %dma_start3A_3329 = arith.constant 0 : i32
      %dma_start3A_3330 = tpu.memref_slice %arg18[%dma_start3A_3320, %dma_start3A_3328, %dma_start3A_3329] : memref<4x8x128xf32, #tpu.memory_space<vmem>> -> memref<1x8x128xf32, #tpu.memory_space<vmem>>
      %dma_start3A_3331 = tpu.memref_squeeze %dma_start3A_3330 : memref<1x8x128xf32, #tpu.memory_space<vmem>> -> memref<8x128xf32, #tpu.memory_space<vmem>>
      %dma_start3A_3332 = arith.constant 0 : i32
      %dma_start3A_3333 = tpu.memref_slice %arg5[%dma_start3A_3319, %dma_start3A_3332, %multiple_of3A_3270] : memref<4x8x1000000xf32, #tpu.memory_space<hbm>> -> memref<1x8x128xf32, #tpu.memory_space<hbm>>
      %dma_start3A_3334 = tpu.memref_squeeze %dma_start3A_3333 : memref<1x8x128xf32, #tpu.memory_space<hbm>> -> memref<8x128xf32, #tpu.memory_space<hbm>>
      tpu.enqueue_dma source(%dma_start3A_3334 : memref<8x128xf32, #tpu.memory_space<hbm>>) target(%dma_start3A_3331 : memref<8x128xf32, #tpu.memory_space<vmem>>) target_semaphore(%arg31 : memref<!tpu.dma_semaphore, #tpu.memory_space<semaphore_mem>>)
      %dma_start3A_3335 = arith.constant 2 : i32
      %dma_start3A_3336 = arith.constant 2 : i32
      %dma_start3A_3337 = arith.constant 0 : i32
      %dma_start3A_3338 = arith.constant 0 : i32
      %dma_start3A_3339 = tpu.memref_slice %arg14[%dma_start3A_3336, %dma_start3A_3337, %dma_start3A_3338] : memref<4x8x128xf32, #tpu.memory_space<vmem>> -> memref<1x8x128xf32, #tpu.memory_space<vmem>>
      %dma_start3A_3340 = tpu.memref_squeeze %dma_start3A_3339 : memref<1x8x128xf32, #tpu.memory_space<vmem>> -> memref<8x128xf32, #tpu.memory_space<vmem>>
      %dma_start3A_3341 = arith.constant 0 : i32
      %dma_start3A_3342 = tpu.memref_slice %arg4[%dma_start3A_3335, %dma_start3A_3341, %multiple_of3A_3267] : memref<4x8x1000000xf32, #tpu.memory_space<hbm>> -> memref<1x8x128xf32, #tpu.memory_space<hbm>>
      %dma_start3A_3343 = tpu.memref_squeeze %dma_start3A_3342 : memref<1x8x128xf32, #tpu.memory_space<hbm>> -> memref<8x128xf32, #tpu.memory_space<hbm>>
      %dma_start3A_3344 = arith.constant 0 : i32
      %dma_start3A_3345 = arith.constant 0 : i32
      %dma_start3A_3346 = tpu.memref_slice %arg14[%dma_start3A_3336, %dma_start3A_3344, %dma_start3A_3345] : memref<4x8x128xf32, #tpu.memory_space<vmem>> -> memref<1x8x128xf32, #tpu.memory_space<vmem>>
      %dma_start3A_3347 = tpu.memref_squeeze %dma_start3A_3346 : memref<1x8x128xf32, #tpu.memory_space<vmem>> -> memref<8x128xf32, #tpu.memory_space<vmem>>
      %dma_start3A_3348 = arith.constant 0 : i32
      %dma_start3A_3349 = tpu.memref_slice %arg4[%dma_start3A_3335, %dma_start3A_3348, %multiple_of3A_3267] : memref<4x8x1000000xf32, #tpu.memory_space<hbm>> -> memref<1x8x128xf32, #tpu.memory_space<hbm>>
      %dma_start3A_3350 = tpu.memref_squeeze %dma_start3A_3349 : memref<1x8x128xf32, #tpu.memory_space<hbm>> -> memref<8x128xf32, #tpu.memory_space<hbm>>
      tpu.enqueue_dma source(%dma_start3A_3350 : memref<8x128xf32, #tpu.memory_space<hbm>>) target(%dma_start3A_3347 : memref<8x128xf32, #tpu.memory_space<vmem>>) target_semaphore(%arg30 : memref<!tpu.dma_semaphore, #tpu.memory_space<semaphore_mem>>)
      %dma_start3A_3351 = arith.constant 2 : i32
      %dma_start3A_3352 = arith.constant 2 : i32
      %dma_start3A_3353 = arith.constant 0 : i32
      %dma_start3A_3354 = arith.constant 0 : i32
      %dma_start3A_3355 = tpu.memref_slice %arg18[%dma_start3A_3352, %dma_start3A_3353, %dma_start3A_3354] : memref<4x8x128xf32, #tpu.memory_space<vmem>> -> memref<1x8x128xf32, #tpu.memory_space<vmem>>
      %dma_start3A_3356 = tpu.memref_squeeze %dma_start3A_3355 : memref<1x8x128xf32, #tpu.memory_space<vmem>> -> memref<8x128xf32, #tpu.memory_space<vmem>>
      %dma_start3A_3357 = arith.constant 0 : i32
      %dma_start3A_3358 = tpu.memref_slice %arg5[%dma_start3A_3351, %dma_start3A_3357, %multiple_of3A_3270] : memref<4x8x1000000xf32, #tpu.memory_space<hbm>> -> memref<1x8x128xf32, #tpu.memory_space<hbm>>
      %dma_start3A_3359 = tpu.memref_squeeze %dma_start3A_3358 : memref<1x8x128xf32, #tpu.memory_space<hbm>> -> memref<8x128xf32, #tpu.memory_space<hbm>>
      %dma_start3A_3360 = arith.constant 0 : i32
      %dma_start3A_3361 = arith.constant 0 : i32
      %dma_start3A_3362 = tpu.memref_slice %arg18[%dma_start3A_3352, %dma_start3A_3360, %dma_start3A_3361] : memref<4x8x128xf32, #tpu.memory_space<vmem>> -> memref<1x8x128xf32, #tpu.memory_space<vmem>>
      %dma_start3A_3363 = tpu.memref_squeeze %dma_start3A_3362 : memref<1x8x128xf32, #tpu.memory_space<vmem>> -> memref<8x128xf32, #tpu.memory_space<vmem>>
      %dma_start3A_3364 = arith.constant 0 : i32
      %dma_start3A_3365 = tpu.memref_slice %arg5[%dma_start3A_3351, %dma_start3A_3364, %multiple_of3A_3270] : memref<4x8x1000000xf32, #tpu.memory_space<hbm>> -> memref<1x8x128xf32, #tpu.memory_space<hbm>>
      %dma_start3A_3366 = tpu.memref_squeeze %dma_start3A_3365 : memref<1x8x128xf32, #tpu.memory_space<hbm>> -> memref<8x128xf32, #tpu.memory_space<hbm>>
      tpu.enqueue_dma source(%dma_start3A_3366 : memref<8x128xf32, #tpu.memory_space<hbm>>) target(%dma_start3A_3363 : memref<8x128xf32, #tpu.memory_space<vmem>>) target_semaphore(%arg31 : memref<!tpu.dma_semaphore, #tpu.memory_space<semaphore_mem>>)
      %dma_start3A_3367 = arith.constant 3 : i32
      %dma_start3A_3368 = arith.constant 3 : i32
      %dma_start3A_3369 = arith.constant 0 : i32
      %dma_start3A_3370 = arith.constant 0 : i32
      %dma_start3A_3371 = tpu.memref_slice %arg14[%dma_start3A_3368, %dma_start3A_3369, %dma_start3A_3370] : memref<4x8x128xf32, #tpu.memory_space<vmem>> -> memref<1x8x128xf32, #tpu.memory_space<vmem>>
      %dma_start3A_3372 = tpu.memref_squeeze %dma_start3A_3371 : memref<1x8x128xf32, #tpu.memory_space<vmem>> -> memref<8x128xf32, #tpu.memory_space<vmem>>
      %dma_start3A_3373 = arith.constant 0 : i32
      %dma_start3A_3374 = tpu.memref_slice %arg4[%dma_start3A_3367, %dma_start3A_3373, %multiple_of3A_3267] : memref<4x8x1000000xf32, #tpu.memory_space<hbm>> -> memref<1x8x128xf32, #tpu.memory_space<hbm>>
      %dma_start3A_3375 = tpu.memref_squeeze %dma_start3A_3374 : memref<1x8x128xf32, #tpu.memory_space<hbm>> -> memref<8x128xf32, #tpu.memory_space<hbm>>
      %dma_start3A_3376 = arith.constant 0 : i32
      %dma_start3A_3377 = arith.constant 0 : i32
      %dma_start3A_3378 = tpu.memref_slice %arg14[%dma_start3A_3368, %dma_start3A_3376, %dma_start3A_3377] : memref<4x8x128xf32, #tpu.memory_space<vmem>> -> memref<1x8x128xf32, #tpu.memory_space<vmem>>
      %dma_start3A_3379 = tpu.memref_squeeze %dma_start3A_3378 : memref<1x8x128xf32, #tpu.memory_space<vmem>> -> memref<8x128xf32, #tpu.memory_space<vmem>>
      %dma_start3A_3380 = arith.constant 0 : i32
      %dma_start3A_3381 = tpu.memref_slice %arg4[%dma_start3A_3367, %dma_start3A_3380, %multiple_of3A_3267] : memref<4x8x1000000xf32, #tpu.memory_space<hbm>> -> memref<1x8x128xf32, #tpu.memory_space<hbm>>
      %dma_start3A_3382 = tpu.memref_squeeze %dma_start3A_3381 : memref<1x8x128xf32, #tpu.memory_space<hbm>> -> memref<8x128xf32, #tpu.memory_space<hbm>>
      tpu.enqueue_dma source(%dma_start3A_3382 : memref<8x128xf32, #tpu.memory_space<hbm>>) target(%dma_start3A_3379 : memref<8x128xf32, #tpu.memory_space<vmem>>) target_semaphore(%arg30 : memref<!tpu.dma_semaphore, #tpu.memory_space<semaphore_mem>>)
      %dma_start3A_3383 = arith.constant 3 : i32
      %dma_start3A_3384 = arith.constant 3 : i32
      %dma_start3A_3385 = arith.constant 0 : i32
      %dma_start3A_3386 = arith.constant 0 : i32
      %dma_start3A_3387 = tpu.memref_slice %arg18[%dma_start3A_3384, %dma_start3A_3385, %dma_start3A_3386] : memref<4x8x128xf32, #tpu.memory_space<vmem>> -> memref<1x8x128xf32, #tpu.memory_space<vmem>>
      %dma_start3A_3388 = tpu.memref_squeeze %dma_start3A_3387 : memref<1x8x128xf32, #tpu.memory_space<vmem>> -> memref<8x128xf32, #tpu.memory_space<vmem>>
      %dma_start3A_3389 = arith.constant 0 : i32
      %dma_start3A_3390 = tpu.memref_slice %arg5[%dma_start3A_3383, %dma_start3A_3389, %multiple_of3A_3270] : memref<4x8x1000000xf32, #tpu.memory_space<hbm>> -> memref<1x8x128xf32, #tpu.memory_space<hbm>>
      %dma_start3A_3391 = tpu.memref_squeeze %dma_start3A_3390 : memref<1x8x128xf32, #tpu.memory_space<hbm>> -> memref<8x128xf32, #tpu.memory_space<hbm>>
      %dma_start3A_3392 = arith.constant 0 : i32
      %dma_start3A_3393 = arith.constant 0 : i32
      %dma_start3A_3394 = tpu.memref_slice %arg18[%dma_start3A_3384, %dma_start3A_3392, %dma_start3A_3393] : memref<4x8x128xf32, #tpu.memory_space<vmem>> -> memref<1x8x128xf32, #tpu.memory_space<vmem>>
      %dma_start3A_3395 = tpu.memref_squeeze %dma_start3A_3394 : memref<1x8x128xf32, #tpu.memory_space<vmem>> -> memref<8x128xf32, #tpu.memory_space<vmem>>
      %dma_start3A_3396 = arith.constant 0 : i32
      %dma_start3A_3397 = tpu.memref_slice %arg5[%dma_start3A_3383, %dma_start3A_3396, %multiple_of3A_3270] : memref<4x8x1000000xf32, #tpu.memory_space<hbm>> -> memref<1x8x128xf32, #tpu.memory_space<hbm>>
      %dma_start3A_3398 = tpu.memref_squeeze %dma_start3A_3397 : memref<1x8x128xf32, #tpu.memory_space<hbm>> -> memref<8x128xf32, #tpu.memory_space<hbm>>
      tpu.enqueue_dma source(%dma_start3A_3398 : memref<8x128xf32, #tpu.memory_space<hbm>>) target(%dma_start3A_3395 : memref<8x128xf32, #tpu.memory_space<vmem>>) target_semaphore(%arg31 : memref<!tpu.dma_semaphore, #tpu.memory_space<semaphore_mem>>)
      %dma_wait3A_3399 = arith.constant 0 : i32
      %dma_wait3A_3400 = arith.constant 0 : i32
      %dma_wait3A_3401 = arith.constant 0 : i32
      %dma_wait3A_3402 = tpu.memref_slice %arg4[%dma_wait3A_3399, %dma_wait3A_3400, %dma_wait3A_3401] : memref<4x8x1000000xf32, #tpu.memory_space<hbm>> -> memref<4x8x128xf32, #tpu.memory_space<hbm>>
      %dma_wait3A_3403 = arith.constant 0 : i32
      %dma_wait3A_3404 = arith.constant 0 : i32
      %dma_wait3A_3405 = arith.constant 0 : i32
      %dma_wait3A_3406 = tpu.memref_slice %arg4[%dma_wait3A_3403, %dma_wait3A_3404, %dma_wait3A_3405] : memref<4x8x1000000xf32, #tpu.memory_space<hbm>> -> memref<4x8x128xf32, #tpu.memory_space<hbm>>
      tpu.wait_dma2 semaphore(%arg32 : memref<!tpu.dma_semaphore, #tpu.memory_space<semaphore_mem>>) src(%dma_wait3A_3406 : memref<4x8x128xf32, #tpu.memory_space<hbm>>) dst(%arg19 : memref<4x8x128xf32, #tpu.memory_space<vmem>>)
      %dma_wait3A_3407 = arith.constant 0 : i32
      %dma_wait3A_3408 = arith.constant 0 : i32
      %dma_wait3A_3409 = arith.constant 0 : i32
      %dma_wait3A_3410 = tpu.memref_slice %arg5[%dma_wait3A_3407, %dma_wait3A_3408, %dma_wait3A_3409] : memref<4x8x1000000xf32, #tpu.memory_space<hbm>> -> memref<4x8x128xf32, #tpu.memory_space<hbm>>
      %dma_wait3A_3411 = arith.constant 0 : i32
      %dma_wait3A_3412 = arith.constant 0 : i32
      %dma_wait3A_3413 = arith.constant 0 : i32
      %dma_wait3A_3414 = tpu.memref_slice %arg5[%dma_wait3A_3411, %dma_wait3A_3412, %dma_wait3A_3413] : memref<4x8x1000000xf32, #tpu.memory_space<hbm>> -> memref<4x8x128xf32, #tpu.memory_space<hbm>>
      tpu.wait_dma2 semaphore(%arg33 : memref<!tpu.dma_semaphore, #tpu.memory_space<semaphore_mem>>) src(%dma_wait3A_3414 : memref<4x8x128xf32, #tpu.memory_space<hbm>>) dst(%arg23 : memref<4x8x128xf32, #tpu.memory_space<vmem>>)
      %dma_wait3A_3415 = arith.constant 0 : i32
      %dma_wait3A_3416 = arith.constant 0 : i32
      %dma_wait3A_3417 = arith.constant 0 : i32
      %dma_wait3A_3418 = tpu.memref_slice %arg4[%dma_wait3A_3415, %dma_wait3A_3416, %dma_wait3A_3417] : memref<4x8x1000000xf32, #tpu.memory_space<hbm>> -> memref<4x8x128xf32, #tpu.memory_space<hbm>>
      %dma_wait3A_3419 = arith.constant 0 : i32
      %dma_wait3A_3420 = arith.constant 0 : i32
      %dma_wait3A_3421 = arith.constant 0 : i32
      %dma_wait3A_3422 = tpu.memref_slice %arg4[%dma_wait3A_3419, %dma_wait3A_3420, %dma_wait3A_3421] : memref<4x8x1000000xf32, #tpu.memory_space<hbm>> -> memref<4x8x128xf32, #tpu.memory_space<hbm>>
      tpu.wait_dma2 semaphore(%arg32 : memref<!tpu.dma_semaphore, #tpu.memory_space<semaphore_mem>>) src(%dma_wait3A_3422 : memref<4x8x128xf32, #tpu.memory_space<hbm>>) dst(%arg20 : memref<4x8x128xf32, #tpu.memory_space<vmem>>)
      %dma_wait3A_3423 = arith.constant 0 : i32
      %dma_wait3A_3424 = arith.constant 0 : i32
      %dma_wait3A_3425 = arith.constant 0 : i32
      %dma_wait3A_3426 = tpu.memref_slice %arg5[%dma_wait3A_3423, %dma_wait3A_3424, %dma_wait3A_3425] : memref<4x8x1000000xf32, #tpu.memory_space<hbm>> -> memref<4x8x128xf32, #tpu.memory_space<hbm>>
      %dma_wait3A_3427 = arith.constant 0 : i32
      %dma_wait3A_3428 = arith.constant 0 : i32
      %dma_wait3A_3429 = arith.constant 0 : i32
      %dma_wait3A_3430 = tpu.memref_slice %arg5[%dma_wait3A_3427, %dma_wait3A_3428, %dma_wait3A_3429] : memref<4x8x1000000xf32, #tpu.memory_space<hbm>> -> memref<4x8x128xf32, #tpu.memory_space<hbm>>
      tpu.wait_dma2 semaphore(%arg33 : memref<!tpu.dma_semaphore, #tpu.memory_space<semaphore_mem>>) src(%dma_wait3A_3430 : memref<4x8x128xf32, #tpu.memory_space<hbm>>) dst(%arg24 : memref<4x8x128xf32, #tpu.memory_space<vmem>>)
      %dma_wait3A_3431 = arith.constant 0 : i32
      %dma_wait3A_3432 = arith.constant 0 : i32
      %dma_wait3A_3433 = arith.constant 0 : i32
      %dma_wait3A_3434 = tpu.memref_slice %arg4[%dma_wait3A_3431, %dma_wait3A_3432, %dma_wait3A_3433] : memref<4x8x1000000xf32, #tpu.memory_space<hbm>> -> memref<4x8x128xf32, #tpu.memory_space<hbm>>
      %dma_wait3A_3435 = arith.constant 0 : i32
      %dma_wait3A_3436 = arith.constant 0 : i32
      %dma_wait3A_3437 = arith.constant 0 : i32
      %dma_wait3A_3438 = tpu.memref_slice %arg4[%dma_wait3A_3435, %dma_wait3A_3436, %dma_wait3A_3437] : memref<4x8x1000000xf32, #tpu.memory_space<hbm>> -> memref<4x8x128xf32, #tpu.memory_space<hbm>>
      tpu.wait_dma2 semaphore(%arg32 : memref<!tpu.dma_semaphore, #tpu.memory_space<semaphore_mem>>) src(%dma_wait3A_3438 : memref<4x8x128xf32, #tpu.memory_space<hbm>>) dst(%arg21 : memref<4x8x128xf32, #tpu.memory_space<vmem>>)
      %dma_wait3A_3439 = arith.constant 0 : i32
      %dma_wait3A_3440 = arith.constant 0 : i32
      %dma_wait3A_3441 = arith.constant 0 : i32
      %dma_wait3A_3442 = tpu.memref_slice %arg5[%dma_wait3A_3439, %dma_wait3A_3440, %dma_wait3A_3441] : memref<4x8x1000000xf32, #tpu.memory_space<hbm>> -> memref<4x8x128xf32, #tpu.memory_space<hbm>>
      %dma_wait3A_3443 = arith.constant 0 : i32
      %dma_wait3A_3444 = arith.constant 0 : i32
      %dma_wait3A_3445 = arith.constant 0 : i32
      %dma_wait3A_3446 = tpu.memref_slice %arg5[%dma_wait3A_3443, %dma_wait3A_3444, %dma_wait3A_3445] : memref<4x8x1000000xf32, #tpu.memory_space<hbm>> -> memref<4x8x128xf32, #tpu.memory_space<hbm>>
      tpu.wait_dma2 semaphore(%arg33 : memref<!tpu.dma_semaphore, #tpu.memory_space<semaphore_mem>>) src(%dma_wait3A_3446 : memref<4x8x128xf32, #tpu.memory_space<hbm>>) dst(%arg25 : memref<4x8x128xf32, #tpu.memory_space<vmem>>)
      %dma_wait3A_3447 = arith.constant 0 : i32
      %dma_wait3A_3448 = arith.constant 0 : i32
      %dma_wait3A_3449 = arith.constant 0 : i32
      %dma_wait3A_3450 = tpu.memref_slice %arg4[%dma_wait3A_3447, %dma_wait3A_3448, %dma_wait3A_3449] : memref<4x8x1000000xf32, #tpu.memory_space<hbm>> -> memref<4x8x128xf32, #tpu.memory_space<hbm>>
      %dma_wait3A_3451 = arith.constant 0 : i32
      %dma_wait3A_3452 = arith.constant 0 : i32
      %dma_wait3A_3453 = arith.constant 0 : i32
      %dma_wait3A_3454 = tpu.memref_slice %arg4[%dma_wait3A_3451, %dma_wait3A_3452, %dma_wait3A_3453] : memref<4x8x1000000xf32, #tpu.memory_space<hbm>> -> memref<4x8x128xf32, #tpu.memory_space<hbm>>
      tpu.wait_dma2 semaphore(%arg32 : memref<!tpu.dma_semaphore, #tpu.memory_space<semaphore_mem>>) src(%dma_wait3A_3454 : memref<4x8x128xf32, #tpu.memory_space<hbm>>) dst(%arg22 : memref<4x8x128xf32, #tpu.memory_space<vmem>>)
      %dma_wait3A_3455 = arith.constant 0 : i32
      %dma_wait3A_3456 = arith.constant 0 : i32
      %dma_wait3A_3457 = arith.constant 0 : i32
      %dma_wait3A_3458 = tpu.memref_slice %arg5[%dma_wait3A_3455, %dma_wait3A_3456, %dma_wait3A_3457] : memref<4x8x1000000xf32, #tpu.memory_space<hbm>> -> memref<4x8x128xf32, #tpu.memory_space<hbm>>
      %dma_wait3A_3459 = arith.constant 0 : i32
      %dma_wait3A_3460 = arith.constant 0 : i32
      %dma_wait3A_3461 = arith.constant 0 : i32
      %dma_wait3A_3462 = tpu.memref_slice %arg5[%dma_wait3A_3459, %dma_wait3A_3460, %dma_wait3A_3461] : memref<4x8x1000000xf32, #tpu.memory_space<hbm>> -> memref<4x8x128xf32, #tpu.memory_space<hbm>>
      tpu.wait_dma2 semaphore(%arg33 : memref<!tpu.dma_semaphore, #tpu.memory_space<semaphore_mem>>) src(%dma_wait3A_3462 : memref<4x8x128xf32, #tpu.memory_space<hbm>>) dst(%arg26 : memref<4x8x128xf32, #tpu.memory_space<vmem>>)
      %add3A_3463 = arith.constant 12 : i32
      %add3A_3464 = arith.addi %mul3A_672, %add3A_3463 : i32
      %get3A_3465 = arith.index_cast %add3A_3464 : i32 to index
      %get3A_3466 = tpu.vector_load %arg9[%get3A_3465] {strides = array<i32>} : memref<528xi32, #tpu.memory_space<vmem>>, vector<16xi32>,
      %get3A_3467 = arith.index_cast %add3A_3464 : i32 to index
      %get3A_3468 = tpu.vector_load %arg10[%get3A_3467] {strides = array<i32>} : memref<528xi32, #tpu.memory_space<vmem>>, vector<16xi32>,
      %and3A_3469 = arith.constant 127 : i32
      %and3A_3470 = vector.broadcast %and3A_3469 : i32 to vector<16xi32>
      %and3A_3471 = arith.andi %get3A_3466, %and3A_3470 : vector<16xi32>
      %and3A_3472 = arith.constant 127 : i32
      %and3A_3473 = vector.broadcast %and3A_3472 : i32 to vector<16xi32>
      %and3A_3474 = arith.andi %get3A_3468, %and3A_3473 : vector<16xi32>
      %slice3A_3475 = vector.extract_strided_slice %and3A_3471 {offsets = [0], sizes = [1], strides = [1]} : vector<16xi32> to vector<1xi32>
      %squeeze3A_3476 = vector.extract %slice3A_3475[0] : i32 from vector<1xi32>
      %broadcast_in_dim3A_3477 = vector.broadcast %squeeze3A_3476 : i32 to vector<16xi32>
      %gather3A_3478 = tpu.vector_load_idx %arg19[%select_n3A, %select_n3A_54, %broadcast_in_dim3A_3477] : memref<4x8x128xf32, #tpu.memory_space<vmem>>[vector<16xi32>, vector<16xi32>, vector<16xi32>], vector<16xf32>,
      %gather3A_3479 = tpu.vector_load_idx %arg19[%add3A_57, %select_n3A_54, %broadcast_in_dim3A_3477] : memref<4x8x128xf32, #tpu.memory_space<vmem>>[vector<16xi32>, vector<16xi32>, vector<16xi32>], vector<16xf32>,
      %slice3A_3480 = vector.extract_strided_slice %and3A_3474 {offsets = [0], sizes = [1], strides = [1]} : vector<16xi32> to vector<1xi32>
      %squeeze3A_3481 = vector.extract %slice3A_3480[0] : i32 from vector<1xi32>
      %broadcast_in_dim3A_3482 = vector.broadcast %squeeze3A_3481 : i32 to vector<16xi32>
      %gather3A_3483 = tpu.vector_load_idx %arg23[%select_n3A, %select_n3A_54, %broadcast_in_dim3A_3482] : memref<4x8x128xf32, #tpu.memory_space<vmem>>[vector<16xi32>, vector<16xi32>, vector<16xi32>], vector<16xf32>,
      %gather3A_3484 = tpu.vector_load_idx %arg23[%add3A_57, %select_n3A_54, %broadcast_in_dim3A_3482] : memref<4x8x128xf32, #tpu.memory_space<vmem>>[vector<16xi32>, vector<16xi32>, vector<16xi32>], vector<16xf32>,
      %mul3A_3485 = arith.mulf %gather3A_3478, %gather3A_3483 : vector<16xf32>
      %mul3A_3486 = arith.mulf %mul3A_3485, %get3A_7 : vector<16xf32>
      %mul3A_3487 = arith.mulf %gather3A_3479, %gather3A_3484 : vector<16xf32>
      %mul3A_3488 = arith.mulf %mul3A_3487, %get3A_9 : vector<16xf32>
      %add3A_3489 = arith.addf %mul3A_3486, %mul3A_3488 : vector<16xf32>
      %reduce_sum3A_3490 = arith.constant true
      %reduce_sum3A_3491 = vector.broadcast %reduce_sum3A_3490 : i1 to vector<16xi1>
      %reduce_sum3A_3492 = tpu.scan <sum>, %add3A_3489 masked %reduce_sum3A_3491 : vector<16xf32>, vector<16xi1> -> vector<16xf32>
      %reduce_sum3A_3493 = vector.extract %reduce_sum3A_3492[15] : f32 from vector<16xf32>
      %eq3A_3494 = arith.constant 12 : i32
      %eq3A_3495 = vector.broadcast %eq3A_3494 : i32 to vector<16xi32>
      %eq3A_3496 = arith.cmpi eq, %iota3A, %eq3A_3495 : vector<16xi32>
      %add3A_3497 = vector.broadcast %reduce_sum3A_3493 : f32 to vector<16xf32>
      %add3A_3498 = arith.addf %select_n3A_2848, %add3A_3497 : vector<16xf32>
      %select_n3A_3499 = arith.select %eq3A_3496, %add3A_3498, %select_n3A_2848 : vector<16xi1>, vector<16xf32>
      %slice3A_3500 = vector.extract_strided_slice %and3A_3471 {offsets = [1], sizes = [1], strides = [1]} : vector<16xi32> to vector<1xi32>
      %squeeze3A_3501 = vector.extract %slice3A_3500[0] : i32 from vector<1xi32>
      %broadcast_in_dim3A_3502 = vector.broadcast %squeeze3A_3501 : i32 to vector<16xi32>
      %gather3A_3503 = tpu.vector_load_idx %arg20[%select_n3A, %select_n3A_54, %broadcast_in_dim3A_3502] : memref<4x8x128xf32, #tpu.memory_space<vmem>>[vector<16xi32>, vector<16xi32>, vector<16xi32>], vector<16xf32>,
      %gather3A_3504 = tpu.vector_load_idx %arg20[%add3A_57, %select_n3A_54, %broadcast_in_dim3A_3502] : memref<4x8x128xf32, #tpu.memory_space<vmem>>[vector<16xi32>, vector<16xi32>, vector<16xi32>], vector<16xf32>,
      %slice3A_3505 = vector.extract_strided_slice %and3A_3474 {offsets = [1], sizes = [1], strides = [1]} : vector<16xi32> to vector<1xi32>
      %squeeze3A_3506 = vector.extract %slice3A_3505[0] : i32 from vector<1xi32>
      %broadcast_in_dim3A_3507 = vector.broadcast %squeeze3A_3506 : i32 to vector<16xi32>
      %gather3A_3508 = tpu.vector_load_idx %arg24[%select_n3A, %select_n3A_54, %broadcast_in_dim3A_3507] : memref<4x8x128xf32, #tpu.memory_space<vmem>>[vector<16xi32>, vector<16xi32>, vector<16xi32>], vector<16xf32>,
      %gather3A_3509 = tpu.vector_load_idx %arg24[%add3A_57, %select_n3A_54, %broadcast_in_dim3A_3507] : memref<4x8x128xf32, #tpu.memory_space<vmem>>[vector<16xi32>, vector<16xi32>, vector<16xi32>], vector<16xf32>,
      %mul3A_3510 = arith.mulf %gather3A_3503, %gather3A_3508 : vector<16xf32>
      %mul3A_3511 = arith.mulf %mul3A_3510, %get3A_7 : vector<16xf32>
      %mul3A_3512 = arith.mulf %gather3A_3504, %gather3A_3509 : vector<16xf32>
      %mul3A_3513 = arith.mulf %mul3A_3512, %get3A_9 : vector<16xf32>
      %add3A_3514 = arith.addf %mul3A_3511, %mul3A_3513 : vector<16xf32>
      %reduce_sum3A_3515 = arith.constant true
      %reduce_sum3A_3516 = vector.broadcast %reduce_sum3A_3515 : i1 to vector<16xi1>
      %reduce_sum3A_3517 = tpu.scan <sum>, %add3A_3514 masked %reduce_sum3A_3516 : vector<16xf32>, vector<16xi1> -> vector<16xf32>
      %reduce_sum3A_3518 = vector.extract %reduce_sum3A_3517[15] : f32 from vector<16xf32>
      %eq3A_3519 = arith.constant 13 : i32
      %eq3A_3520 = vector.broadcast %eq3A_3519 : i32 to vector<16xi32>
      %eq3A_3521 = arith.cmpi eq, %iota3A, %eq3A_3520 : vector<16xi32>
      %add3A_3522 = vector.broadcast %reduce_sum3A_3518 : f32 to vector<16xf32>
      %add3A_3523 = arith.addf %select_n3A_3499, %add3A_3522 : vector<16xf32>
      %select_n3A_3524 = arith.select %eq3A_3521, %add3A_3523, %select_n3A_3499 : vector<16xi1>, vector<16xf32>
      %slice3A_3525 = vector.extract_strided_slice %and3A_3471 {offsets = [2], sizes = [1], strides = [1]} : vector<16xi32> to vector<1xi32>
      %squeeze3A_3526 = vector.extract %slice3A_3525[0] : i32 from vector<1xi32>
      %broadcast_in_dim3A_3527 = vector.broadcast %squeeze3A_3526 : i32 to vector<16xi32>
      %gather3A_3528 = tpu.vector_load_idx %arg21[%select_n3A, %select_n3A_54, %broadcast_in_dim3A_3527] : memref<4x8x128xf32, #tpu.memory_space<vmem>>[vector<16xi32>, vector<16xi32>, vector<16xi32>], vector<16xf32>,
      %gather3A_3529 = tpu.vector_load_idx %arg21[%add3A_57, %select_n3A_54, %broadcast_in_dim3A_3527] : memref<4x8x128xf32, #tpu.memory_space<vmem>>[vector<16xi32>, vector<16xi32>, vector<16xi32>], vector<16xf32>,
      %slice3A_3530 = vector.extract_strided_slice %and3A_3474 {offsets = [2], sizes = [1], strides = [1]} : vector<16xi32> to vector<1xi32>
      %squeeze3A_3531 = vector.extract %slice3A_3530[0] : i32 from vector<1xi32>
      %broadcast_in_dim3A_3532 = vector.broadcast %squeeze3A_3531 : i32 to vector<16xi32>
      %gather3A_3533 = tpu.vector_load_idx %arg25[%select_n3A, %select_n3A_54, %broadcast_in_dim3A_3532] : memref<4x8x128xf32, #tpu.memory_space<vmem>>[vector<16xi32>, vector<16xi32>, vector<16xi32>], vector<16xf32>,
      %gather3A_3534 = tpu.vector_load_idx %arg25[%add3A_57, %select_n3A_54, %broadcast_in_dim3A_3532] : memref<4x8x128xf32, #tpu.memory_space<vmem>>[vector<16xi32>, vector<16xi32>, vector<16xi32>], vector<16xf32>,
      %mul3A_3535 = arith.mulf %gather3A_3528, %gather3A_3533 : vector<16xf32>
      %mul3A_3536 = arith.mulf %mul3A_3535, %get3A_7 : vector<16xf32>
      %mul3A_3537 = arith.mulf %gather3A_3529, %gather3A_3534 : vector<16xf32>
      %mul3A_3538 = arith.mulf %mul3A_3537, %get3A_9 : vector<16xf32>
      %add3A_3539 = arith.addf %mul3A_3536, %mul3A_3538 : vector<16xf32>
      %reduce_sum3A_3540 = arith.constant true
      %reduce_sum3A_3541 = vector.broadcast %reduce_sum3A_3540 : i1 to vector<16xi1>
      %reduce_sum3A_3542 = tpu.scan <sum>, %add3A_3539 masked %reduce_sum3A_3541 : vector<16xf32>, vector<16xi1> -> vector<16xf32>
      %reduce_sum3A_3543 = vector.extract %reduce_sum3A_3542[15] : f32 from vector<16xf32>
      %eq3A_3544 = arith.constant 14 : i32
      %eq3A_3545 = vector.broadcast %eq3A_3544 : i32 to vector<16xi32>
      %eq3A_3546 = arith.cmpi eq, %iota3A, %eq3A_3545 : vector<16xi32>
      %add3A_3547 = vector.broadcast %reduce_sum3A_3543 : f32 to vector<16xf32>
      %add3A_3548 = arith.addf %select_n3A_3524, %add3A_3547 : vector<16xf32>
      %select_n3A_3549 = arith.select %eq3A_3546, %add3A_3548, %select_n3A_3524 : vector<16xi1>, vector<16xf32>
      %slice3A_3550 = vector.extract_strided_slice %and3A_3471 {offsets = [3], sizes = [1], strides = [1]} : vector<16xi32> to vector<1xi32>
      %squeeze3A_3551 = vector.extract %slice3A_3550[0] : i32 from vector<1xi32>
      %broadcast_in_dim3A_3552 = vector.broadcast %squeeze3A_3551 : i32 to vector<16xi32>
      %gather3A_3553 = tpu.vector_load_idx %arg22[%select_n3A, %select_n3A_54, %broadcast_in_dim3A_3552] : memref<4x8x128xf32, #tpu.memory_space<vmem>>[vector<16xi32>, vector<16xi32>, vector<16xi32>], vector<16xf32>,
      %gather3A_3554 = tpu.vector_load_idx %arg22[%add3A_57, %select_n3A_54, %broadcast_in_dim3A_3552] : memref<4x8x128xf32, #tpu.memory_space<vmem>>[vector<16xi32>, vector<16xi32>, vector<16xi32>], vector<16xf32>,
      %slice3A_3555 = vector.extract_strided_slice %and3A_3474 {offsets = [3], sizes = [1], strides = [1]} : vector<16xi32> to vector<1xi32>
      %squeeze3A_3556 = vector.extract %slice3A_3555[0] : i32 from vector<1xi32>
      %broadcast_in_dim3A_3557 = vector.broadcast %squeeze3A_3556 : i32 to vector<16xi32>
      %gather3A_3558 = tpu.vector_load_idx %arg26[%select_n3A, %select_n3A_54, %broadcast_in_dim3A_3557] : memref<4x8x128xf32, #tpu.memory_space<vmem>>[vector<16xi32>, vector<16xi32>, vector<16xi32>], vector<16xf32>,
      %gather3A_3559 = tpu.vector_load_idx %arg26[%add3A_57, %select_n3A_54, %broadcast_in_dim3A_3557] : memref<4x8x128xf32, #tpu.memory_space<vmem>>[vector<16xi32>, vector<16xi32>, vector<16xi32>], vector<16xf32>,
      %mul3A_3560 = arith.mulf %gather3A_3553, %gather3A_3558 : vector<16xf32>
      %mul3A_3561 = arith.mulf %mul3A_3560, %get3A_7 : vector<16xf32>
      %mul3A_3562 = arith.mulf %gather3A_3554, %gather3A_3559 : vector<16xf32>
      %mul3A_3563 = arith.mulf %mul3A_3562, %get3A_9 : vector<16xf32>
      %add3A_3564 = arith.addf %mul3A_3561, %mul3A_3563 : vector<16xf32>
      %reduce_sum3A_3565 = arith.constant true
      %reduce_sum3A_3566 = vector.broadcast %reduce_sum3A_3565 : i1 to vector<16xi1>
      %reduce_sum3A_3567 = tpu.scan <sum>, %add3A_3564 masked %reduce_sum3A_3566 : vector<16xf32>, vector<16xi1> -> vector<16xf32>
      %reduce_sum3A_3568 = vector.extract %reduce_sum3A_3567[15] : f32 from vector<16xf32>
      %eq3A_3569 = arith.constant 15 : i32
      %eq3A_3570 = vector.broadcast %eq3A_3569 : i32 to vector<16xi32>
      %eq3A_3571 = arith.cmpi eq, %iota3A, %eq3A_3570 : vector<16xi32>
      %add3A_3572 = vector.broadcast %reduce_sum3A_3568 : f32 to vector<16xf32>
      %add3A_3573 = arith.addf %select_n3A_3549, %add3A_3572 : vector<16xf32>
      %select_n3A_3574 = arith.select %eq3A_3571, %add3A_3573, %select_n3A_3549 : vector<16xi1>, vector<16xf32>
      %neg3A = arith.constant 0.000000e+00 : f32
      %neg3A_3575 = vector.broadcast %neg3A : f32 to vector<16xf32>
      %neg3A_3576 = arith.subf %neg3A_3575, %select_n3A_3574 : vector<16xf32>
      %exp3A = math.exp %neg3A_3576 : vector<16xf32>
      %add3A_3577 = arith.constant 1.000000e+00 : f32
      %add3A_3578 = vector.broadcast %add3A_3577 : f32 to vector<16xf32>
      %add3A_3579 = arith.addf %add3A_3578, %exp3A : vector<16xf32>
      %div3A_3580 = arith.constant 1.000000e+00 : f32
      %div3A_3581 = vector.broadcast %div3A_3580 : f32 to vector<16xf32>
      %div3A_3582 = arith.divf %div3A_3581, %add3A_3579 : vector<16xf32>
      %swap3A_3583 = arith.index_cast %mul3A_672 : i32 to index
      %swap3A_3584 = tpu.vector_load %arg27[%swap3A_3583] {strides = array<i32>} : memref<512xf32, #tpu.memory_space<vmem>>, vector<16xf32>,
      tpu.vector_store %arg27[%swap3A_3583], %div3A_3582 {strides = array<i32>} : memref<512xf32, #tpu.memory_space<vmem>>, vector<16xf32>,
    }
    %scan3A_606 = arith.constant 32 : i32
    %dma_wait3A = arith.constant 0 : i32
    %dma_wait3A_607 = arith.constant 0 : i32
    %dma_wait3A_608 = arith.constant 0 : i32
    %dma_wait3A_609 = tpu.memref_slice %arg4[%dma_wait3A, %dma_wait3A_607, %dma_wait3A_608] : memref<4x8x1000000xf32, #tpu.memory_space<hbm>> -> memref<4x8x128xf32, #tpu.memory_space<hbm>>
    %dma_wait3A_610 = arith.constant 0 : i32
    %dma_wait3A_611 = arith.constant 0 : i32
    %dma_wait3A_612 = arith.constant 0 : i32
    %dma_wait3A_613 = tpu.memref_slice %arg4[%dma_wait3A_610, %dma_wait3A_611, %dma_wait3A_612] : memref<4x8x1000000xf32, #tpu.memory_space<hbm>> -> memref<4x8x128xf32, #tpu.memory_space<hbm>>
    tpu.wait_dma2 semaphore(%arg30 : memref<!tpu.dma_semaphore, #tpu.memory_space<semaphore_mem>>) src(%dma_wait3A_613 : memref<4x8x128xf32, #tpu.memory_space<hbm>>) dst(%arg11 : memref<4x8x128xf32, #tpu.memory_space<vmem>>)
    %dma_wait3A_614 = arith.constant 0 : i32
    %dma_wait3A_615 = arith.constant 0 : i32
    %dma_wait3A_616 = arith.constant 0 : i32
    %dma_wait3A_617 = tpu.memref_slice %arg5[%dma_wait3A_614, %dma_wait3A_615, %dma_wait3A_616] : memref<4x8x1000000xf32, #tpu.memory_space<hbm>> -> memref<4x8x128xf32, #tpu.memory_space<hbm>>
    %dma_wait3A_618 = arith.constant 0 : i32
    %dma_wait3A_619 = arith.constant 0 : i32
    %dma_wait3A_620 = arith.constant 0 : i32
    %dma_wait3A_621 = tpu.memref_slice %arg5[%dma_wait3A_618, %dma_wait3A_619, %dma_wait3A_620] : memref<4x8x1000000xf32, #tpu.memory_space<hbm>> -> memref<4x8x128xf32, #tpu.memory_space<hbm>>
    tpu.wait_dma2 semaphore(%arg31 : memref<!tpu.dma_semaphore, #tpu.memory_space<semaphore_mem>>) src(%dma_wait3A_621 : memref<4x8x128xf32, #tpu.memory_space<hbm>>) dst(%arg15 : memref<4x8x128xf32, #tpu.memory_space<vmem>>)
    %dma_wait3A_622 = arith.constant 0 : i32
    %dma_wait3A_623 = arith.constant 0 : i32
    %dma_wait3A_624 = arith.constant 0 : i32
    %dma_wait3A_625 = tpu.memref_slice %arg4[%dma_wait3A_622, %dma_wait3A_623, %dma_wait3A_624] : memref<4x8x1000000xf32, #tpu.memory_space<hbm>> -> memref<4x8x128xf32, #tpu.memory_space<hbm>>
    %dma_wait3A_626 = arith.constant 0 : i32
    %dma_wait3A_627 = arith.constant 0 : i32
    %dma_wait3A_628 = arith.constant 0 : i32
    %dma_wait3A_629 = tpu.memref_slice %arg4[%dma_wait3A_626, %dma_wait3A_627, %dma_wait3A_628] : memref<4x8x1000000xf32, #tpu.memory_space<hbm>> -> memref<4x8x128xf32, #tpu.memory_space<hbm>>
    tpu.wait_dma2 semaphore(%arg30 : memref<!tpu.dma_semaphore, #tpu.memory_space<semaphore_mem>>) src(%dma_wait3A_629 : memref<4x8x128xf32, #tpu.memory_space<hbm>>) dst(%arg12 : memref<4x8x128xf32, #tpu.memory_space<vmem>>)
    %dma_wait3A_630 = arith.constant 0 : i32
    %dma_wait3A_631 = arith.constant 0 : i32
    %dma_wait3A_632 = arith.constant 0 : i32
    %dma_wait3A_633 = tpu.memref_slice %arg5[%dma_wait3A_630, %dma_wait3A_631, %dma_wait3A_632] : memref<4x8x1000000xf32, #tpu.memory_space<hbm>> -> memref<4x8x128xf32, #tpu.memory_space<hbm>>
    %dma_wait3A_634 = arith.constant 0 : i32
    %dma_wait3A_635 = arith.constant 0 : i32
    %dma_wait3A_636 = arith.constant 0 : i32
    %dma_wait3A_637 = tpu.memref_slice %arg5[%dma_wait3A_634, %dma_wait3A_635, %dma_wait3A_636] : memref<4x8x1000000xf32, #tpu.memory_space<hbm>> -> memref<4x8x128xf32, #tpu.memory_space<hbm>>
    tpu.wait_dma2 semaphore(%arg31 : memref<!tpu.dma_semaphore, #tpu.memory_space<semaphore_mem>>) src(%dma_wait3A_637 : memref<4x8x128xf32, #tpu.memory_space<hbm>>) dst(%arg16 : memref<4x8x128xf32, #tpu.memory_space<vmem>>)
    %dma_wait3A_638 = arith.constant 0 : i32
    %dma_wait3A_639 = arith.constant 0 : i32
    %dma_wait3A_640 = arith.constant 0 : i32
    %dma_wait3A_641 = tpu.memref_slice %arg4[%dma_wait3A_638, %dma_wait3A_639, %dma_wait3A_640] : memref<4x8x1000000xf32, #tpu.memory_space<hbm>> -> memref<4x8x128xf32, #tpu.memory_space<hbm>>
    %dma_wait3A_642 = arith.constant 0 : i32
    %dma_wait3A_643 = arith.constant 0 : i32
    %dma_wait3A_644 = arith.constant 0 : i32
    %dma_wait3A_645 = tpu.memref_slice %arg4[%dma_wait3A_642, %dma_wait3A_643, %dma_wait3A_644] : memref<4x8x1000000xf32, #tpu.memory_space<hbm>> -> memref<4x8x128xf32, #tpu.memory_space<hbm>>
    tpu.wait_dma2 semaphore(%arg30 : memref<!tpu.dma_semaphore, #tpu.memory_space<semaphore_mem>>) src(%dma_wait3A_645 : memref<4x8x128xf32, #tpu.memory_space<hbm>>) dst(%arg13 : memref<4x8x128xf32, #tpu.memory_space<vmem>>)
    %dma_wait3A_646 = arith.constant 0 : i32
    %dma_wait3A_647 = arith.constant 0 : i32
    %dma_wait3A_648 = arith.constant 0 : i32
    %dma_wait3A_649 = tpu.memref_slice %arg5[%dma_wait3A_646, %dma_wait3A_647, %dma_wait3A_648] : memref<4x8x1000000xf32, #tpu.memory_space<hbm>> -> memref<4x8x128xf32, #tpu.memory_space<hbm>>
    %dma_wait3A_650 = arith.constant 0 : i32
    %dma_wait3A_651 = arith.constant 0 : i32
    %dma_wait3A_652 = arith.constant 0 : i32
    %dma_wait3A_653 = tpu.memref_slice %arg5[%dma_wait3A_650, %dma_wait3A_651, %dma_wait3A_652] : memref<4x8x1000000xf32, #tpu.memory_space<hbm>> -> memref<4x8x128xf32, #tpu.memory_space<hbm>>
    tpu.wait_dma2 semaphore(%arg31 : memref<!tpu.dma_semaphore, #tpu.memory_space<semaphore_mem>>) src(%dma_wait3A_653 : memref<4x8x128xf32, #tpu.memory_space<hbm>>) dst(%arg17 : memref<4x8x128xf32, #tpu.memory_space<vmem>>)
    %dma_wait3A_654 = arith.constant 0 : i32
    %dma_wait3A_655 = arith.constant 0 : i32
    %dma_wait3A_656 = arith.constant 0 : i32
    %dma_wait3A_657 = tpu.memref_slice %arg4[%dma_wait3A_654, %dma_wait3A_655, %dma_wait3A_656] : memref<4x8x1000000xf32, #tpu.memory_space<hbm>> -> memref<4x8x128xf32, #tpu.memory_space<hbm>>
    %dma_wait3A_658 = arith.constant 0 : i32
    %dma_wait3A_659 = arith.constant 0 : i32
    %dma_wait3A_660 = arith.constant 0 : i32
    %dma_wait3A_661 = tpu.memref_slice %arg4[%dma_wait3A_658, %dma_wait3A_659, %dma_wait3A_660] : memref<4x8x1000000xf32, #tpu.memory_space<hbm>> -> memref<4x8x128xf32, #tpu.memory_space<hbm>>
    tpu.wait_dma2 semaphore(%arg30 : memref<!tpu.dma_semaphore, #tpu.memory_space<semaphore_mem>>) src(%dma_wait3A_661 : memref<4x8x128xf32, #tpu.memory_space<hbm>>) dst(%arg14 : memref<4x8x128xf32, #tpu.memory_space<vmem>>)
    %dma_wait3A_662 = arith.constant 0 : i32
    %dma_wait3A_663 = arith.constant 0 : i32
    %dma_wait3A_664 = arith.constant 0 : i32
    %dma_wait3A_665 = tpu.memref_slice %arg5[%dma_wait3A_662, %dma_wait3A_663, %dma_wait3A_664] : memref<4x8x1000000xf32, #tpu.memory_space<hbm>> -> memref<4x8x128xf32, #tpu.memory_space<hbm>>
    %dma_wait3A_666 = arith.constant 0 : i32
    %dma_wait3A_667 = arith.constant 0 : i32
    %dma_wait3A_668 = arith.constant 0 : i32
    %dma_wait3A_669 = tpu.memref_slice %arg5[%dma_wait3A_666, %dma_wait3A_667, %dma_wait3A_668] : memref<4x8x1000000xf32, #tpu.memory_space<hbm>> -> memref<4x8x128xf32, #tpu.memory_space<hbm>>
    tpu.wait_dma2 semaphore(%arg31 : memref<!tpu.dma_semaphore, #tpu.memory_space<semaphore_mem>>) src(%dma_wait3A_669 : memref<4x8x128xf32, #tpu.memory_space<hbm>>) dst(%arg18 : memref<4x8x128xf32, #tpu.memory_space<vmem>>)
    "tpu.region"() ({
      %run_scoped3A = tpu.sem_alloc : memref<!tpu.dma_semaphore, #tpu.memory_space<semaphore_mem>>
      %dma_start3A_670 = tpu.memref_slice %arg8[%mul3A_2] : memref<16384xf32, #tpu.memory_space<hbm>> -> memref<512xf32, #tpu.memory_space<hbm>>
      %dma_start3A_671 = tpu.memref_slice %arg8[%mul3A_2] : memref<16384xf32, #tpu.memory_space<hbm>> -> memref<512xf32, #tpu.memory_space<hbm>>
      tpu.enqueue_dma source(%arg27 : memref<512xf32, #tpu.memory_space<vmem>>) target(%dma_start3A_671 : memref<512xf32, #tpu.memory_space<hbm>>) target_semaphore(%run_scoped3A : memref<!tpu.dma_semaphore, #tpu.memory_space<semaphore_mem>>)
      %dma_wait3A_672 = tpu.memref_slice %arg8[%mul3A_2] : memref<16384xf32, #tpu.memory_space<hbm>> -> memref<512xf32, #tpu.memory_space<hbm>>
      %dma_wait3A_673 = tpu.memref_slice %arg8[%mul3A_2] : memref<16384xf32, #tpu.memory_space<hbm>> -> memref<512xf32, #tpu.memory_space<hbm>>
      tpu.wait_dma2 semaphore(%run_scoped3A : memref<!tpu.dma_semaphore, #tpu.memory_space<semaphore_mem>>) src(%arg27 : memref<512xf32, #tpu.memory_space<vmem>>) dst(%dma_wait3A_673 : memref<512xf32, #tpu.memory_space<hbm>>)
      tpu.yield
    }) : () -> ()
    return
  }
}

</mosaic_0001>

<sc_bundles>
// kernel: kernel.3.cloned.1.call-start
scs
__scs_entry_jumppad:
0x0: {  	(pc) =	sbr.rel $0x88, $3  }
0x1: {  	(tag) =	ssettag $0x0;
	lr =	simm.s32 $0x1  }
0x2: {  	[smem:$0x3F9B] =	sst lr;
	_ =	strace $0xD0000000  }
0x3: {  	_ = 	snop  }
0x4: {  	_ = 	snop  }
0x5: {  	_ = 	snop  }
0x6: {  	_ = 	snop  }
0x7: {  	_ = 	snop  }
__scs_overlays_trampoline_lowered:
0x8: {  	[smem:$0x3FAA] =	sst s0  }
0x9: {  	[smem:$0x3FAB] =	sst s1  }
0xa: {  	[smem:$0x3FAC] =	sst s2  }
0xb: {  	[smem:$0x3FAD] =	sst s3  }
0xc: {  	[smem:$0x3FAE] =	sst s4  }
0xd: {  	[smem:$0x3FAF] =	sst s5  }
0xe: {  	[smem:$0x3FB0] =	sst s6  }
0xf: {  	[smem:$0x3FB1] =	sst s7  }
0x10: {  	[smem:$0x3FB2] =	sst s8  }
0x11: {  	[smem:$0x3FB3] =	sst s9;
	s0 =	simm.s32 @!p0 $0x0  }
0x12: {  	s1 =	sld [smem:$0x3F99];
	s0 =	simm.s32 @p0 $0x1  }
0x13: {  	[smem:$0x3FB4] =	sst s0;
	s0 =	simm.s32 @!p1 $0x0  }
0x14: {  	s2 =	sld [smem:$0x3F98];
	s0 =	simm.s32 @p1 $0x1  }
0x15: {  	[smem:$0x3FB5] =	sst s0;
	s0 =	simm.s32 @!p2 $0x0  }
0x16: {  	s3 =	sld [smem:$0x3FDB];
	s0 =	simm.s32 @p2 $0x1  }
0x17: {  	s4 =	simm.s32 $0x1BF5;
	[smem:$0x3FB7] =	sst s0  }
0x18: {  	s0 =	sld [smem:$0x3F9A];
	_ =	swait.ge [sflag:s4], $0x0  }
0x19: {  	s7 =	sld [smem:$0x3F9B]  }
0x1a: {  	s8 =	sadd.s32 $0xFFFFE003, lr  }
0x1b: {  	s9 =	sadd.s32 $0xFFFFFEF7, lr;
	s5 =	simm.s32 $0xFFFFFFFF;
	p2 =	slt.u32 s8, $0xFFFFF086  }
0x1c: {  	p1 =	slt.u32 s9, $0xF7A;
	s5 =	simm.s32 @!p2 $0x0  }
0x1d: {  	s5 =	simm.s32 @p1 $0x1;
	p0 =	seq.s32 s7, s2  }
0x1e: {  	s7 =	smul.u32 @!p0 $0xF7A, s2;
	p2 =	seq.s32 @!p0 s5, $0x0  }
0x1f: {  	s9 =	smul.u32 $0xF7A, s1;
	s8 =	simm.s32 @!p0 $0x1BF5;
	p2 =	por !p2, p0  }
0x20: {  	[sflag:s8] =	ssyncset.s32 @!p0 $0xFFFFF086;
	s6 =	sadd.s32 @!p0 s3, s7;
	s7 =	simm.s32 @!p0 $0x108  }
0x21: {  	s3 =	sadd.s32 s3, s9;
	s6 =	sadd.s32 @!p0 $0x88, s6;
	s7 =	simm.s32 @p2 $0x1082  }
0x22: {  	[simem:s7], [sflag:s8] =	dma.local @!p0 [hbm:s6], $0xF7A  }
0x23: {  	s9 =	sor.u32 $0xD0000000, s2;
	s6 =	simm.s32 $0x108;
	_ =	swait.ge @!p0 [sflag:s8], $0x0  }
0x24: {  	s3 =	sadd.s32 $0x88, s3;
	s6 =	simm.s32 @!p1 $0x1082;
	[sflag:s4] =	ssyncset.s32 $0xFFFFF086  }
0x25: {  	[simem:s6], [sflag:s4] =	dma.local [hbm:s3], $0xF7A  }
0x26: {  	[smem:$0x3F9B] =	sst s1;
	(tag) =	ssettag s2;
	_ =	strace s9  }
0x27: {  	s1 =	sld [smem:$0x3FAB]  }
0x28: {  	s2 =	sld [smem:$0x3FAC]  }
0x29: {  	s4 =	sld [smem:$0x3FAE]  }
0x2a: {  	p0 =	seq.s32 s5, $0x0;
	s5 =	sld [smem:$0x3FAF]  }
0x2b: {  	s6 =	sld [smem:$0x3FB0]  }
0x2c: {  	s7 =	sld [smem:$0x3FB1]  }
0x2d: {  	s3 =	simm.s32 $0x108;
	s8 =	sld [smem:$0x3FB2]  }
0x2e: {  	s3 =	simm.s32 @!p0 $0x1082;
	s9 =	sld [smem:$0x3FB3]  }
0x2f: {  	lr =	sadd.s32 s0, s3;
	s0 =	sld [smem:$0x3FAA]  }
0x30: {  	s3 =	sld [smem:$0x3FAD]  }
0x31: {  	[smem:$0x3FB6] =	sst s10  }
0x32: {  	s10 =	sld [smem:$0x3FB4];
	_ =	sdelay $0x3  }
0x33: {  	p0 =	seq.s32 s10, $0x1;
	s10 =	sld [smem:$0x3FB6];
	_ =	sdelay $0x3  }
0x34: {  	[smem:$0x3FB6] =	sst s10  }
0x35: {  	s10 =	sld [smem:$0x3FB5];
	_ =	sdelay $0x3  }
0x36: {  	p1 =	seq.s32 s10, $0x1;
	s10 =	sld [smem:$0x3FB6];
	_ =	sdelay $0x3  }
0x37: {  	[smem:$0x3FB6] =	sst s10  }
0x38: {  	s10 =	sld [smem:$0x3FB7]  }
0x39: {  	_ = 	snop;
	(pc) =	sbr.ind lr, $3  }
0x3a: {  	_ = 	snop  }
0x3b: {  	_ = 	snop  }
0x3c: {  	p2 =	seq.s32 s10, $0x1;
	s10 =	sld [smem:$0x3FB6]  }
0x3d: {  	_ =	shalt  }
0x3e: {  	_ =	shalt  }
0x3f: {  	_ =	shalt  }
0x40: {  	_ =	shalt  }
0x41: {  	_ =	shalt  }
0x42: {  	_ =	shalt  }
0x43: {  	_ =	shalt  }
0x44: {  	_ =	shalt  }
0x45: {  	_ =	shalt  }
0x46: {  	_ =	shalt  }
0x47: {  	_ =	shalt  }
0x48: {  	_ =	shalt  }
0x49: {  	_ =	shalt  }
0x4a: {  	_ =	shalt  }
0x4b: {  	_ =	shalt  }
0x4c: {  	_ =	shalt  }
0x4d: {  	_ =	shalt  }
0x4e: {  	_ =	shalt  }
0x4f: {  	_ =	shalt  }
0x50: {  	_ =	shalt  }
0x51: {  	_ =	shalt  }
0x52: {  	_ =	shalt  }
0x53: {  	_ =	shalt  }
0x54: {  	_ =	shalt  }
0x55: {  	_ =	shalt  }
0x56: {  	_ =	shalt  }
0x57: {  	_ =	shalt  }
0x58: {  	_ =	shalt  }
0x59: {  	_ =	shalt  }
0x5a: {  	_ =	shalt  }
0x5b: {  	_ =	shalt  }
0x5c: {  	_ =	shalt  }
0x5d: {  	_ =	shalt  }
0x5e: {  	_ =	shalt  }
0x5f: {  	_ =	shalt  }
0x60: {  	_ =	shalt  }
0x61: {  	_ =	shalt  }
0x62: {  	_ =	shalt  }
0x63: {  	_ =	shalt  }
0x64: {  	_ =	shalt  }
0x65: {  	_ =	shalt  }
0x66: {  	_ =	shalt  }
0x67: {  	_ =	shalt  }
0x68: {  	_ =	shalt  }
0x69: {  	_ =	shalt  }
0x6a: {  	_ =	shalt  }
0x6b: {  	_ =	shalt  }
0x6c: {  	_ =	shalt  }
0x6d: {  	_ =	shalt  }
0x6e: {  	_ =	shalt  }
0x6f: {  	_ =	shalt  }
0x70: {  	_ =	shalt  }
0x71: {  	_ =	shalt  }
0x72: {  	_ =	shalt  }
0x73: {  	_ =	shalt  }
0x74: {  	_ =	shalt  }
0x75: {  	_ =	shalt  }
0x76: {  	_ =	shalt  }
0x77: {  	_ =	shalt  }
0x78: {  	_ =	shalt  }
0x79: {  	_ =	shalt  }
0x7a: {  	_ =	shalt  }
0x7b: {  	_ =	shalt  }
0x7c: {  	_ =	shalt  }
0x7d: {  	_ =	shalt  }
0x7e: {  	_ =	shalt  }
0x7f: {  	_ =	shalt  }
0x80: {  	_ =	shalt  }
0x81: {  	_ =	shalt  }
0x82: {  	_ =	shalt  }
0x83: {  	_ =	shalt  }
0x84: {  	_ =	shalt  }
0x85: {  	_ =	shalt  }
0x86: {  	_ =	shalt  }
0x87: {  	_ =	shalt  }
.Lfunc_end0:
.L_simem_size_0:
called_computation_lowered:
.L_overlay_start_0:
0x88: {  	s2 =	sld [smem:$0x3FD9]  }
0x89: {  	s3 =	sld [smem:$0x3FFE];
	_ =	sdelay $0x1  }
0x8a: {  	s1 =	srdreg.scid  }
0x8b: {  	s0 =	sand.u32 $0x1, s1  }
0x8c: {  	s17 =	sshll.u32 s0, $0xA;
	s2 =	sadd.s32 s3, s2  }
0x8d: {  	s2 =	sadd.s32 s2, s17  }
0x8e: {  	[smem:$0x3FC2] =	sst s2  }
0x8f: {  	_ = 	snop  }
0x90: {  	s2 =	sld [smem:$0x3FC9]  }
0x91: {  	s18 =	sld [smem:$0x3FC8]  }
0x92: {  	s4 =	sld [smem:$0x3FC7]  }
0x93: {  	s5 =	sld [smem:$0x3FC6]  }
0x94: {  	s6 =	sld [smem:$0x3FC5]  }
0x95: {  	s7 =	sld [smem:$0x3FD0];
	(tm) =	ssettm $0x1  }
0x96: {  	s8 =	sld [smem:$0x3FFB];
	_ =	sdelay $0x3  }
0x97: {  	_ =	strace s8  }
0x98: {  	s8 =	sld [smem:$0x3FFC];
	_ =	sdelay $0x3  }
0x99: {  	_ =	strace s8  }
0x9a: {  	s8 =	sld [smem:$0x3FFD];
	_ =	sdelay $0x3  }
0x9b: {  	_ =	strace s8  }
0x9c: {  	_ =	strace $0x8FFFFFFF  }
0x9d: {  	s19 =	sld [smem:$0x3FDB];
	_ =	sdelay $0x1  }
0x9e: {  	s9 =	simm.s32 $_scs_section_size  }
0x9f: {  	s10 =	simm.s32 $_size__tile_overlayer_lowered;
	s11 =	simm.s32 $_tile_overlayer_lowered  }
0xa0: {  	s22 =	simm.s32 $0x1BFF;
	s21 =	sshll.u32 s11, $0x1;
	s8 =	sadd.s32 s9, s19  }
0xa1: {  	s12 =	simm.s32 $0x0;
	s20 =	sshll.u32 s10, $0x1;
	s10 =	sadd.s32 s21, s8  }
0xa2: {  	[timem:s12], [sflag:s22] =	dma.local [hbm:s10], s20  }
0xa3: {  	_ =	swait.ge [sflag:s22], s20  }
0xa4: {  	s9 =	ssub.s32 $0x0, s20;
	[sflag:s22] =	ssyncset.done $0x0  }
0xa5: {  	[sflag:s22] =	ssyncadd.s32 s9;
	_ =	sdelay $0x1  }
0xa6: {  	s23 =	simm.s32 $0x1B8B  }
0xa7: {  	_ =	swait.ge [sflag:s23], $0x1  }
0xa8: {  	[sflag:s23] =	ssyncset.done $0x0  }
0xa9: {  	s25 =	simm.s32 $0x1B8E;
	s24 =	sld [smem:$0x3FFE];
	[sflag:s23] =	ssyncadd.s32 $0xFFFFFFFF  }
0xaa: {  	s26 =	simm.s32 $execute0_lowered;
	[smem:$0x3FD2] =	sst s25  }
0xab: {  	s10 =	sshll.u32 s26, $0x1;
	_ =	strace $0x80000046;
	[dreg:$0x1] =	wrdreg $0xFFFFFFFF  }
0xac: {  	s28 =	simm.s32 $_size_execute0_lowered;
	s8 =	sadd.s32 s8, s10;
	[dreg:$0x0] =	wrdreg $0x0  }
0xad: {  	s10 =	sshll.u32 s28, $0x1;
	[dreg:$0x2] =	wrdreg s8  }
0xae: {  	[dreg:$0x3] =	wrdreg s10  }
0xaf: {  	[dreg:$0x4] =	wrdreg $0xC0  }
0xb0: {  	_ =	task [dreg:s12], $0x5FFFF  }
0xb1: {  	[dreg:$0x1] =	wrdreg $0xFFFFFFFF  }
0xb2: {  	[dreg:$0x0] =	wrdreg $0x60  }
0xb3: {  	[dreg:$0x2] =	wrdreg s2  }
0xb4: {  	[dreg:$0x3] =	wrdreg s18  }
0xb5: {  	[dreg:$0x4] =	wrdreg s4  }
0xb6: {  	[dreg:$0x5] =	wrdreg s5  }
0xb7: {  	[dreg:$0x6] =	wrdreg s6  }
0xb8: {  	[dreg:$0x7] =	wrdreg s24  }
0xb9: {  	[dreg:$0x8] =	wrdreg s7  }
0xba: {  	[dreg:$0x9] =	wrdreg $0x9  }
0xbb: {  	_ =	task.clear_ibuf [dreg:s12], $0xAFFFF;
	_ =	strace $0x90000046  }
0xbc: {  	s29 =	simm.s32 $0x9;
	_ =	strace $0x80000048  }
0xbd: {  	_ =	swait.ge [sflag:s29], $0x1  }
0xbe: {  	[sflag:s29] =	ssyncadd.s32 $0xFFFFFFFF  }
0xbf: {  	_ =	strace $0x90000048  }
0xc0: {  	_ =	sfence  }
0xc1: {  	s30 =	sld [smem:$0x0];
	_ =	sdelay $0x2  }
0xc2: {  	s31 =	sshll.u32 s1, $0xD;
	s1 =	sshrl.u32 s1, $0x2  }
0xc3: {  	s3 =	sand.u32 $0x4000, s31;
	s1 =	sadd.s32 s1, s30  }
0xc4: {  	s0 =	sor.u32 s3, s0;
	s1 =	sshll.u32 s1, $0x11  }
0xc5: {  	s0 =	sor.u32 s1, s0  }
0xc6: {  	s0 =	sadd.s32 $0x8F2B, s0  }
0xc7: {  	[sflag:s0] =	ssyncadd.remote.s32 $0x1  }
0xc8: {  	_ =	sfence.sel $0xFFFF  }
0xc9: {  	[dreg:$0x0] =	wrdreg $0xFFFFFFFF;
	(pc) =	sbr.abs _section_cstart, $3  }
0xca: {  	[dreg:$0x1] =	wrdreg $0xFFFFFFFF  }
0xcb: {  	_ =	task.clear_ibuf [dreg:s12], $0x2FFFF;
	_ =	strace $0x9FFFFFFF  }
0xcc: {  	(tm) =	ssettm $0x7FFFFFFF  }
0xcd: {  	_ =	shalt  }
tec
execute0_lowered:
.L_overlay_start_1:
0x0: {  	(tag) =	ssettag $0x1  }
0x1: {  	s0 =	rddreg [dreg:$0x0]  }
0x2: {  	s3 =	rddreg [dreg:$0x1]  }
0x3: {  	s7 =	rddreg [dreg:$0x2]  }
0x4: {  	s2 =	rddreg [dreg:$0x3]  }
0x5: {  	s5 =	rddreg [dreg:$0x5]  }
0x6: {  	s6 =	rddreg [dreg:$0x6];
	s4 =	simm.s32 $0x0  }
0x7: {  	s1 =	srdreg.scid;
	s10 =	stileid.u32;
	s18 =	simm.s32 $0x5  }
0x8: {  	s22 =	simm.s32 $0x500;
	s30 =	simm.s32 $0x900;
	s16 =	simm.s32 $0x4  }
0x9: {  	s20 =	simm.s32 $0x4500;
	s31 =	simm.s32 $0xD500;
	s28 =	simm.s32 $0xF500  }
0xa: {  	[smem:$0x7FF] =	sst s4;
	s8 =	sand.u32 $0x1, s1;
	s10 =	sshll.u32 s10, $0x7  }
0xb: {  	s5 =	sadd.s32 $0x400, s5;
	s11 =	sadd.s32 $0x1E8500, s7;
	s12 =	sadd.s32 $0x1E8500, s2  }
0xc: {  	v0 =	vlaneseq.u32;
	v1 =	vimm.s32 $0x0;
	s13 =	sadd.s32 $0x2DC780, s7;
	s14 =	sadd.s32 $0x2DC780, s2;
	_ =	strace $0x80000047  }
0xd: {  	vm0 =	vmmov $0x1;
	vm1 =	vcmask $0x30C;
	vm2 =	vcmask $0xF0C;
	s1 =	ssub.s32 $0x2, s8;
	s8 =	sshll.u32 s8, $0x6;
	[dreg:$0x8] =	wrdreg s5  }
0xe: {  	vm3 =	vcmask $0x714;
	vm4 =	vcmask $0xF18;
	vm5 =	vcmask $0x131C;
	s5 =	simm.s32 $0x1;
	s9 =	sshrl.u32 s1, $0x1;
	s24 =	sor.u32 s8, s10  }
0xf: {  	vm6 =	vcmask $0x1F1C;
	vm7 =	vcmask $0x1724;
	vm8 =	vcmask $0x1F28;
	s10 =	sadd.s32 $0xF4280, s2;
	s23 =	ssub.s32 s1, s9;
	s0 =	sadd.s32 s0, s24  }
0x10: {  	vm9 =	vcmask $0x232C;
	vm10 =	vcmask $0x2F2C;
	vm11 =	vcmask $0x2734;
	s25 =	sadd.s32 s3, s24;
	s9 =	sadd.s32 $0xF4280, s7;
	s26 =	sadd.s32 s6, s24  }
0x11: {  	vm12 =	vcmask $0x2F38;
	vm13 =	vcmask $0x333C;
	vm14 =	vmmov $0x3fff;
	s6 =	simm.s32 $0x4500;
	s1 =	simm.s32 $0x4900;
	[dreg:$0x9] =	wrdreg s0  }
0x12: {  	vm15 =	vmmov $0x7fff;
	v0 =	vmul.u32 $0x80, v0;
	vm2 =	vmor vm3, vm2;
	s24 =	simm.s32 $0x2;
	s3 =	simm.s32 $0x3;
	[dreg:$0xa] =	wrdreg s25  }
0x13: {  	vm3 =	vcmask $0xB14;
	vm6 =	vmor vm7, vm6;
	vm7 =	vcmask $0x1B24;
	[dreg:$0xb] =	wrdreg s26;
	s29 =	smax.u32 s23, $0x1;
	s0 =	simm.s32 $0x0  }
0x14: {  	vm10 =	vmor vm11, vm10;
	vm11 =	vcmask $0x2B34;
	v2 =	vor.u32 $0x800, v0;
	s23 =	simm.s32 $0x5500;
	s26 =	simm.s32 $0x6500;
	[dreg:$0xc] =	wrdreg s29  }
.LBB2_1:
0x15: {  	[dreg:$0xd] =	wrdreg s0  }
0x16: {  	s15 =	rddreg [dreg:$0x9]  }
0x17: {  	[tilespmem:s4], [sflag:$0x5] =	stream.linear.gather [hbm4b:s15+s4], $0x200, $0x38;
	[tilespmem:$0x10800] =	vst v63  }
0x18: {  	_ =	swait.ge [sflag:s18], $0x200  }
0x19: {  	[sflag:s18] =	ssyncset.done $0x0  }
0x1a: {  	s21 =	simm.s32 $0x280;
	s8 =	rddreg [dreg:$0xa];
	[sflag:s18] =	ssyncadd.s32 $0xFFFFFE00  }
0x1b: {  	[tilespmem:s21], [sflag:$0x5] =	stream.linear.gather [hbm4b:s8+s4], $0x200, $0x38;
	[tilespmem:$0x10800] =	vst v63  }
0x1c: {  	_ =	swait.ge [sflag:s18], $0x200  }
0x1d: {  	[sflag:s18] =	ssyncset.done $0x0  }
0x1e: {  	[sflag:s18] =	ssyncadd.s32 $0xFFFFFE00  }
0x1f: {  	s19 =	simm.s32 $0x10700;
	s17 =	rddreg [dreg:$0x4]  }
0x20: {  	[tilespmem:s19], [sflag:$0x5] =	stream.linear.gather [hbm4b:s17+s4], $0x80, $0x38;
	[tilespmem:$0x10800] =	vst v63  }
0x21: {  	_ =	swait.ge [sflag:s18], $0x80  }
0x22: {  	[sflag:s18] =	ssyncset.done $0x0  }
0x23: {  	s29 =	simm.s32 $0x10780;
	s25 =	rddreg [dreg:$0x8];
	[sflag:s18] =	ssyncadd.s32 $0xFFFFFF80  }
0x24: {  	[tilespmem:s29], [sflag:$0x5] =	stream.linear.gather [hbm4b:s25+s4], $0x80, $0x38;
	[tilespmem:$0x10800] =	vst v63  }
0x25: {  	_ =	swait.ge [sflag:s18], $0x80  }
0x26: {  	[sflag:s18] =	ssyncset.done $0x0  }
0x27: {  	[sflag:s18] =	ssyncadd.s32 $0xFFFFFF80  }
0x28: {  	v3 =	vld [tilespmem:$0x0]  }
0x29: {  	v4 =	vld [tilespmem:$0x280];
	_ =	sdelay $0x3  }
0x2a: {  	v6 =	vand.u32 $0xFFFFFF80, v3  }
0x2b: {  	v7 =	vand.u32 $0xFFFFFF80, v4;
	(v2sf) =	vpush v6, $0x0  }
0x2c: {  	(v2sf) =	vpush v7, $0x0;
	_ =	sdelay $0xd  }
0x2d: {  	[tilespmem:$0x200] =	vst v1;
	v5 =	vld [tilespmem:$0x10780];
	s15 =	spop (v2sf);
	(v2sf) =	vpush v6, $0x1  }
0x2e: {  	[tilespmem:$0x480] =	vst v1;
	v3 =	vld [tilespmem:$0x10700];
	s18 =	spop (v2sf);
	s0 =	sadd.s32 s7, s15  }
0x2f: {  	v4 =	vld [tilespmem:$0x10710];
	(v2sf) =	vpush v7, $0x1;
	[tilespmem:s22], [sflag:$0x1] =	stream.linear.gather [hbm4b:s0+s4], $0x400, $0x38  }
0x30: {  	s8 =	sadd.s32 s2, s18  }
0x31: {  	[tilespmem:s6], [sflag:$0x2] =	stream.linear.gather [hbm4b:s8+s4], $0x400, $0x38;
	[tilespmem:$0x10800] =	vst v63  }
0x32: {  	s17 =	sadd.s32 s15, s9  }
0x33: {  	[tilespmem:s30], [sflag:$0x1] =	stream.linear.gather [hbm4b:s17+s4], $0x400, $0x38;
	[tilespmem:$0x10800] =	vst v63  }
0x34: {  	s19 =	sadd.s32 s18, s10  }
0x35: {  	[tilespmem:s1], [sflag:$0x2] =	stream.linear.gather [hbm4b:s19+s4], $0x400, $0x38;
	[tilespmem:$0x10800] =	vst v63  }
0x36: {  	s25 =	simm.s32 $0xD00;
	s22 =	sadd.s32 s15, s11  }
0x37: {  	[tilespmem:s25], [sflag:$0x1] =	stream.linear.gather [hbm4b:s22+s4], $0x400, $0x38;
	[tilespmem:$0x10800] =	vst v63  }
0x38: {  	s29 =	sadd.s32 s18, s12;
	s30 =	simm.s32 $0x4D00  }
0x39: {  	[tilespmem:s30], [sflag:$0x2] =	stream.linear.gather [hbm4b:s29+s4], $0x400, $0x38;
	[tilespmem:$0x10800] =	vst v63  }
0x3a: {  	s15 =	sadd.s32 s15, s13;
	s1 =	simm.s32 $0x1100  }
0x3b: {  	[tilespmem:s1], [sflag:$0x1] =	stream.linear.gather [hbm4b:s15+s4], $0x400, $0x38;
	[tilespmem:$0x10800] =	vst v63  }
0x3c: {  	s6 =	sadd.s32 s18, s14;
	s8 =	simm.s32 $0x5100;
	s15 =	spop (v2sf)  }
0x3d: {  	(v2sf) =	vpush v6, $0x2;
	[tilespmem:s8], [sflag:$0x2] =	stream.linear.gather [hbm4b:s6+s4], $0x400, $0x38;
	[tilespmem:$0x10800] =	vst v63  }
0x3e: {  	s19 =	simm.s32 $0x1500;
	s18 =	spop (v2sf);
	s17 =	sadd.s32 s7, s15  }
0x3f: {  	(v2sf) =	vpush v7, $0x2;
	[tilespmem:s19], [sflag:$0x1] =	stream.linear.gather [hbm4b:s17+s4], $0x400, $0x38;
	[tilespmem:$0x10800] =	vst v63  }
0x40: {  	s25 =	simm.s32 $0x5500;
	s22 =	sadd.s32 s2, s18  }
0x41: {  	[tilespmem:s25], [sflag:$0x2] =	stream.linear.gather [hbm4b:s22+s4], $0x400, $0x38;
	[tilespmem:$0x10800] =	vst v63  }
0x42: {  	s30 =	simm.s32 $0x1900;
	s29 =	sadd.s32 s15, s9  }
0x43: {  	[tilespmem:s30], [sflag:$0x1] =	stream.linear.gather [hbm4b:s29+s4], $0x400, $0x38;
	[tilespmem:$0x10800] =	vst v63  }
0x44: {  	s6 =	simm.s32 $0x5900;
	s1 =	sadd.s32 s18, s10  }
0x45: {  	[tilespmem:s6], [sflag:$0x2] =	stream.linear.gather [hbm4b:s1+s4], $0x400, $0x38;
	[tilespmem:$0x10800] =	vst v63  }
0x46: {  	s8 =	sadd.s32 s15, s11;
	s17 =	simm.s32 $0x1D00  }
0x47: {  	[tilespmem:s17], [sflag:$0x1] =	stream.linear.gather [hbm4b:s8+s4], $0x400, $0x38;
	[tilespmem:$0x10800] =	vst v63  }
0x48: {  	s19 =	sadd.s32 s18, s12;
	s22 =	simm.s32 $0x5D00  }
0x49: {  	[tilespmem:s22], [sflag:$0x2] =	stream.linear.gather [hbm4b:s19+s4], $0x400, $0x38;
	[tilespmem:$0x10800] =	vst v63  }
0x4a: {  	s15 =	sadd.s32 s15, s13;
	s25 =	simm.s32 $0x2100  }
0x4b: {  	[tilespmem:s25], [sflag:$0x1] =	stream.linear.gather [hbm4b:s15+s4], $0x400, $0x38;
	[tilespmem:$0x10800] =	vst v63  }
0x4c: {  	s29 =	sadd.s32 s18, s14;
	s30 =	simm.s32 $0x6100;
	s15 =	spop (v2sf)  }
0x4d: {  	(v2sf) =	vpush v6, $0x3;
	[tilespmem:s30], [sflag:$0x2] =	stream.linear.gather [hbm4b:s29+s4], $0x400, $0x38;
	[tilespmem:$0x10800] =	vst v63  }
0x4e: {  	s1 =	simm.s32 $0x2500;
	s18 =	spop (v2sf);
	s0 =	sadd.s32 s7, s15  }
0x4f: {  	(v2sf) =	vpush v7, $0x3;
	[tilespmem:s1], [sflag:$0x1] =	stream.linear.gather [hbm4b:s0+s4], $0x400, $0x38;
	[tilespmem:$0x10800] =	vst v63  }
0x50: {  	s8 =	simm.s32 $0x6500;
	s6 =	sadd.s32 s2, s18  }
0x51: {  	[tilespmem:s8], [sflag:$0x2] =	stream.linear.gather [hbm4b:s6+s4], $0x400, $0x38;
	[tilespmem:$0x10800] =	vst v63  }
0x52: {  	s19 =	simm.s32 $0x2900;
	s17 =	sadd.s32 s15, s9  }
0x53: {  	[tilespmem:s19], [sflag:$0x1] =	stream.linear.gather [hbm4b:s17+s4], $0x400, $0x38;
	[tilespmem:$0x10800] =	vst v63  }
0x54: {  	s25 =	simm.s32 $0x6900;
	s22 =	sadd.s32 s18, s10  }
0x55: {  	[tilespmem:s25], [sflag:$0x2] =	stream.linear.gather [hbm4b:s22+s4], $0x400, $0x38;
	[tilespmem:$0x10800] =	vst v63  }
0x56: {  	s29 =	sadd.s32 s15, s11;
	s30 =	simm.s32 $0x2D00  }
0x57: {  	[tilespmem:s30], [sflag:$0x1] =	stream.linear.gather [hbm4b:s29+s4], $0x400, $0x38;
	[tilespmem:$0x10800] =	vst v63  }
0x58: {  	s0 =	sadd.s32 s18, s12;
	s1 =	simm.s32 $0x6D00  }
0x59: {  	[tilespmem:s1], [sflag:$0x2] =	stream.linear.gather [hbm4b:s0+s4], $0x400, $0x38;
	[tilespmem:$0x10800] =	vst v63  }
0x5a: {  	s15 =	sadd.s32 s15, s13;
	s6 =	simm.s32 $0x3100  }
0x5b: {  	[tilespmem:s6], [sflag:$0x1] =	stream.linear.gather [hbm4b:s15+s4], $0x400, $0x38;
	[tilespmem:$0x10800] =	vst v63  }
0x5c: {  	s18 =	sadd.s32 s18, s14;
	s8 =	simm.s32 $0x7100;
	s15 =	spop (v2sf)  }
0x5d: {  	[tilespmem:s8], [sflag:$0x2] =	stream.linear.gather [hbm4b:s18+s4], $0x400, $0x38;
	[tilespmem:$0x10800] =	vst v63  }
0x5e: {  	s19 =	simm.s32 $0x3500;
	s17 =	sadd.s32 s7, s15;
	s18 =	spop (v2sf)  }
0x5f: {  	[tilespmem:s19], [sflag:$0x1] =	stream.linear.gather [hbm4b:s17+s4], $0x400, $0x38;
	[tilespmem:$0x10800] =	vst v63  }
0x60: {  	s25 =	simm.s32 $0x7500;
	s22 =	sadd.s32 s2, s18  }
0x61: {  	[tilespmem:s25], [sflag:$0x2] =	stream.linear.gather [hbm4b:s22+s4], $0x400, $0x38;
	[tilespmem:$0x10800] =	vst v63  }
0x62: {  	s30 =	simm.s32 $0x3900;
	s29 =	sadd.s32 s15, s9  }
0x63: {  	[tilespmem:s30], [sflag:$0x1] =	stream.linear.gather [hbm4b:s29+s4], $0x400, $0x38;
	[tilespmem:$0x10800] =	vst v63  }
0x64: {  	s6 =	simm.s32 $0x7900;
	s1 =	sadd.s32 s18, s10  }
0x65: {  	[tilespmem:s6], [sflag:$0x2] =	stream.linear.gather [hbm4b:s1+s4], $0x400, $0x38;
	[tilespmem:$0x10800] =	vst v63  }
0x66: {  	s8 =	sadd.s32 s15, s11;
	s17 =	simm.s32 $0x3D00  }
0x67: {  	[tilespmem:s17], [sflag:$0x1] =	stream.linear.gather [hbm4b:s8+s4], $0x400, $0x38;
	[tilespmem:$0x10800] =	vst v63  }
0x68: {  	s19 =	sadd.s32 s18, s12;
	s22 =	simm.s32 $0x7D00  }
0x69: {  	[tilespmem:s22], [sflag:$0x2] =	stream.linear.gather [hbm4b:s19+s4], $0x400, $0x38;
	[tilespmem:$0x10800] =	vst v63  }
0x6a: {  	s15 =	sadd.s32 s15, s13;
	s25 =	simm.s32 $0x4100  }
0x6b: {  	[tilespmem:s25], [sflag:$0x1] =	stream.linear.gather [hbm4b:s15+s4], $0x400, $0x38;
	[tilespmem:$0x10800] =	vst v63  }
0x6c: {  	s29 =	sadd.s32 s18, s14;
	s30 =	simm.s32 $0x8100;
	s18 =	simm.s32 $0x0  }
0x6d: {  	[tilespmem:s30], [sflag:$0x2] =	stream.linear.gather [hbm4b:s29+s4], $0x400, $0x38;
	[tilespmem:$0x10800] =	vst v63  }
.LBB2_2:
0x6e: {  	s15 =	sshra.s32 s18, $0x2  }
0x6f: {  	v6 =	vld [tilespmem:s15+$0x4]  }
0x70: {  	v7 =	vld [tilespmem:s15+$0x284];
	_ =	sdelay $0x3  }
0x71: {  	v6 =	vand.u32 $0xFFFFFF80, v6  }
0x72: {  	v7 =	vand.u32 $0xFFFFFF80, v7;
	(v2sf) =	vpush v6, $0x0  }
0x73: {  	(v2sf) =	vpush v7, $0x0;
	_ =	sdelay $0xd  }
0x74: {  	s21 =	spop (v2sf);
	(v2sf) =	vpush v6, $0x1  }
0x75: {  	s0 =	simm.s32 $0x8500;
	s22 =	spop (v2sf);
	s30 =	sadd.s32 s7, s21  }
0x76: {  	(v2sf) =	vpush v7, $0x1;
	[tilespmem:s0], [sflag:$0x3] =	stream.linear.gather [hbm4b:s30+s4], $0x400, $0x38;
	[tilespmem:$0x10800] =	vst v63  }
0x77: {  	s29 =	simm.s32 $0xC500;
	s25 =	sadd.s32 s2, s22  }
0x78: {  	[tilespmem:s29], [sflag:$0x4] =	stream.linear.gather [hbm4b:s25+s4], $0x400, $0x38;
	[tilespmem:$0x10800] =	vst v63  }
0x79: {  	s1 =	simm.s32 $0x8900;
	s0 =	sadd.s32 s21, s9  }
0x7a: {  	[tilespmem:s1], [sflag:$0x3] =	stream.linear.gather [hbm4b:s0+s4], $0x400, $0x38;
	[tilespmem:$0x10800] =	vst v63  }
0x7b: {  	s8 =	simm.s32 $0xC900;
	s6 =	sadd.s32 s22, s10  }
0x7c: {  	[tilespmem:s8], [sflag:$0x4] =	stream.linear.gather [hbm4b:s6+s4], $0x400, $0x38;
	[tilespmem:$0x10800] =	vst v63  }
0x7d: {  	s19 =	simm.s32 $0x8D00;
	s17 =	sadd.s32 s21, s11  }
0x7e: {  	[tilespmem:s19], [sflag:$0x3] =	stream.linear.gather [hbm4b:s17+s4], $0x400, $0x38;
	[tilespmem:$0x10800] =	vst v63  }
0x7f: {  	s25 =	sadd.s32 s22, s12;
	s29 =	simm.s32 $0xCD00  }
0x80: {  	[tilespmem:s29], [sflag:$0x4] =	stream.linear.gather [hbm4b:s25+s4], $0x400, $0x38;
	[tilespmem:$0x10800] =	vst v63  }
0x81: {  	s21 =	sadd.s32 s21, s13;
	s1 =	simm.s32 $0x9100  }
0x82: {  	[tilespmem:s1], [sflag:$0x3] =	stream.linear.gather [hbm4b:s21+s4], $0x400, $0x38;
	[tilespmem:$0x10800] =	vst v63  }
0x83: {  	s6 =	sadd.s32 s22, s14;
	s8 =	simm.s32 $0xD100;
	s21 =	spop (v2sf)  }
0x84: {  	(v2sf) =	vpush v6, $0x2;
	[tilespmem:s8], [sflag:$0x4] =	stream.linear.gather [hbm4b:s6+s4], $0x400, $0x38;
	[tilespmem:$0x10800] =	vst v63  }
0x85: {  	s19 =	simm.s32 $0x9500;
	s22 =	spop (v2sf);
	s17 =	sadd.s32 s7, s21  }
0x86: {  	(v2sf) =	vpush v7, $0x2;
	[tilespmem:s19], [sflag:$0x3] =	stream.linear.gather [hbm4b:s17+s4], $0x400, $0x38;
	[tilespmem:$0x10800] =	vst v63  }
0x87: {  	s29 =	simm.s32 $0xD500;
	s25 =	sadd.s32 s2, s22  }
0x88: {  	[tilespmem:s29], [sflag:$0x4] =	stream.linear.gather [hbm4b:s25+s4], $0x400, $0x38;
	[tilespmem:$0x10800] =	vst v63  }
0x89: {  	s1 =	simm.s32 $0x9900;
	s0 =	sadd.s32 s21, s9  }
0x8a: {  	[tilespmem:s1], [sflag:$0x3] =	stream.linear.gather [hbm4b:s0+s4], $0x400, $0x38;
	[tilespmem:$0x10800] =	vst v63  }
0x8b: {  	s8 =	simm.s32 $0xD900;
	s6 =	sadd.s32 s22, s10  }
0x8c: {  	[tilespmem:s8], [sflag:$0x4] =	stream.linear.gather [hbm4b:s6+s4], $0x400, $0x38;
	[tilespmem:$0x10800] =	vst v63  }
0x8d: {  	s17 =	sadd.s32 s21, s11;
	s19 =	simm.s32 $0x9D00  }
0x8e: {  	[tilespmem:s19], [sflag:$0x3] =	stream.linear.gather [hbm4b:s17+s4], $0x400, $0x38;
	[tilespmem:$0x10800] =	vst v63  }
0x8f: {  	s25 =	sadd.s32 s22, s12;
	s29 =	simm.s32 $0xDD00  }
0x90: {  	[tilespmem:s29], [sflag:$0x4] =	stream.linear.gather [hbm4b:s25+s4], $0x400, $0x38;
	[tilespmem:$0x10800] =	vst v63  }
0x91: {  	s30 =	simm.s32 $0xA100;
	s21 =	sadd.s32 s21, s13  }
0x92: {  	[tilespmem:s30], [sflag:$0x3] =	stream.linear.gather [hbm4b:s21+s4], $0x400, $0x38;
	[tilespmem:$0x10800] =	vst v63  }
0x93: {  	s0 =	sadd.s32 s22, s14;
	s1 =	simm.s32 $0xE100;
	s21 =	spop (v2sf)  }
0x94: {  	(v2sf) =	vpush v6, $0x3;
	[tilespmem:s1], [sflag:$0x4] =	stream.linear.gather [hbm4b:s0+s4], $0x400, $0x38;
	[tilespmem:$0x10800] =	vst v63  }
0x95: {  	s8 =	simm.s32 $0xA500;
	s22 =	spop (v2sf);
	s6 =	sadd.s32 s7, s21  }
0x96: {  	(v2sf) =	vpush v7, $0x3;
	[tilespmem:s8], [sflag:$0x3] =	stream.linear.gather [hbm4b:s6+s4], $0x400, $0x38;
	[tilespmem:$0x10800] =	vst v63  }
0x97: {  	s19 =	simm.s32 $0xE500;
	s17 =	sadd.s32 s2, s22  }
0x98: {  	[tilespmem:s19], [sflag:$0x4] =	stream.linear.gather [hbm4b:s17+s4], $0x400, $0x38;
	[tilespmem:$0x10800] =	vst v63  }
0x99: {  	s29 =	simm.s32 $0xA900;
	s25 =	sadd.s32 s21, s9  }
0x9a: {  	[tilespmem:s29], [sflag:$0x3] =	stream.linear.gather [hbm4b:s25+s4], $0x400, $0x38;
	[tilespmem:$0x10800] =	vst v63  }
0x9b: {  	s0 =	sadd.s32 s22, s10;
	s1 =	simm.s32 $0xE900  }
0x9c: {  	[tilespmem:s1], [sflag:$0x4] =	stream.linear.gather [hbm4b:s0+s4], $0x400, $0x38;
	[tilespmem:$0x10800] =	vst v63  }
0x9d: {  	s6 =	sadd.s32 s21, s11;
	s8 =	simm.s32 $0xAD00  }
0x9e: {  	[tilespmem:s8], [sflag:$0x3] =	stream.linear.gather [hbm4b:s6+s4], $0x400, $0x38;
	[tilespmem:$0x10800] =	vst v63  }
0x9f: {  	s17 =	sadd.s32 s22, s12;
	s19 =	simm.s32 $0xED00  }
0xa0: {  	[tilespmem:s19], [sflag:$0x4] =	stream.linear.gather [hbm4b:s17+s4], $0x400, $0x38;
	[tilespmem:$0x10800] =	vst v63  }
0xa1: {  	s21 =	sadd.s32 s21, s13;
	s25 =	simm.s32 $0xB100  }
0xa2: {  	[tilespmem:s25], [sflag:$0x3] =	stream.linear.gather [hbm4b:s21+s4], $0x400, $0x38;
	[tilespmem:$0x10800] =	vst v63  }
0xa3: {  	s30 =	simm.s32 $0xF100;
	s29 =	sadd.s32 s22, s14;
	s21 =	spop (v2sf)  }
0xa4: {  	[tilespmem:s30], [sflag:$0x4] =	stream.linear.gather [hbm4b:s29+s4], $0x400, $0x38;
	[tilespmem:$0x10800] =	vst v63  }
0xa5: {  	s1 =	simm.s32 $0xB500;
	s22 =	spop (v2sf);
	s0 =	sadd.s32 s7, s21  }
0xa6: {  	[tilespmem:s1], [sflag:$0x3] =	stream.linear.gather [hbm4b:s0+s4], $0x400, $0x38;
	[tilespmem:$0x10800] =	vst v63  }
0xa7: {  	s8 =	simm.s32 $0xF500;
	s6 =	sadd.s32 s2, s22  }
0xa8: {  	[tilespmem:s8], [sflag:$0x4] =	stream.linear.gather [hbm4b:s6+s4], $0x400, $0x38;
	[tilespmem:$0x10800] =	vst v63  }
0xa9: {  	s19 =	simm.s32 $0xB900;
	s17 =	sadd.s32 s21, s9  }
0xaa: {  	[tilespmem:s19], [sflag:$0x3] =	stream.linear.gather [hbm4b:s17+s4], $0x400, $0x38;
	[tilespmem:$0x10800] =	vst v63  }
0xab: {  	s25 =	sadd.s32 s22, s10;
	s29 =	simm.s32 $0xF900  }
0xac: {  	[tilespmem:s29], [sflag:$0x4] =	stream.linear.gather [hbm4b:s25+s4], $0x400, $0x38;
	[tilespmem:$0x10800] =	vst v63  }
0xad: {  	s1 =	sadd.s32 s21, s11;
	s6 =	simm.s32 $0xBD00  }
0xae: {  	[tilespmem:s6], [sflag:$0x3] =	stream.linear.gather [hbm4b:s1+s4], $0x400, $0x38;
	[tilespmem:$0x10800] =	vst v63  }
0xaf: {  	s8 =	sadd.s32 s22, s12;
	s17 =	simm.s32 $0xFD00  }
0xb0: {  	[tilespmem:s17], [sflag:$0x4] =	stream.linear.gather [hbm4b:s8+s4], $0x400, $0x38;
	[tilespmem:$0x10800] =	vst v63  }
0xb1: {  	s21 =	sadd.s32 s21, s13;
	s19 =	simm.s32 $0xC100  }
0xb2: {  	[tilespmem:s19], [sflag:$0x3] =	stream.linear.gather [hbm4b:s21+s4], $0x400, $0x38;
	[tilespmem:$0x10800] =	vst v63  }
0xb3: {  	s22 =	sadd.s32 s22, s14;
	s25 =	simm.s32 $0x10100  }
0xb4: {  	[tilespmem:s25], [sflag:$0x4] =	stream.linear.gather [hbm4b:s22+s4], $0x400, $0x38;
	[tilespmem:$0x10800] =	vst v63  }
0xb5: {  	_ =	swait.ge [sflag:s5], $0x1000  }
0xb6: {  	[sflag:s5] =	ssyncset.done $0x0  }
0xb7: {  	[sflag:s5] =	ssyncadd.s32 $0xFFFFF000  }
0xb8: {  	_ =	swait.ge [sflag:s24], $0x1000  }
0xb9: {  	[sflag:s24] =	ssyncset.done $0x0  }
0xba: {  	[sflag:s24] =	ssyncadd.s32 $0xFFFFF000  }
0xbb: {  	_ =	swait.ge [sflag:s5], $0x1000  }
0xbc: {  	[sflag:s5] =	ssyncset.done $0x0  }
0xbd: {  	[sflag:s5] =	ssyncadd.s32 $0xFFFFF000  }
0xbe: {  	_ =	swait.ge [sflag:s24], $0x1000  }
0xbf: {  	[sflag:s24] =	ssyncset.done $0x0  }
0xc0: {  	[sflag:s24] =	ssyncadd.s32 $0xFFFFF000  }
0xc1: {  	_ =	swait.ge [sflag:s5], $0x1000  }
0xc2: {  	[sflag:s5] =	ssyncset.done $0x0  }
0xc3: {  	[sflag:s5] =	ssyncadd.s32 $0xFFFFF000  }
0xc4: {  	_ =	swait.ge [sflag:s24], $0x1000  }
0xc5: {  	[sflag:s24] =	ssyncset.done $0x0  }
0xc6: {  	[sflag:s24] =	ssyncadd.s32 $0xFFFFF000  }
0xc7: {  	_ =	swait.ge [sflag:s5], $0x1000  }
0xc8: {  	[sflag:s5] =	ssyncset.done $0x0  }
0xc9: {  	[sflag:s5] =	ssyncadd.s32 $0xFFFFF000  }
0xca: {  	_ =	swait.ge [sflag:s24], $0x1000  }
0xcb: {  	[sflag:s24] =	ssyncset.done $0x0  }
0xcc: {  	[sflag:s24] =	ssyncadd.s32 $0xFFFFF000  }
0xcd: {  	v6 =	vld [tilespmem:s15+$0x0];
	_ =	sdelay $0x1  }
0xce: {  	v7 =	vld [tilespmem:s15+$0x280];
	_ =	sdelay $0x2  }
0xcf: {  	v9 =	vld [tilespmem:s15+$0x8];
	v6 =	vand.u32 $0x7F, v6  }
0xd0: {  	v10 =	vld [tilespmem:s15+$0x288];
	v8 =	vbroadcast v6, $0x0  }
0xd1: {  	v7 =	vand.u32 $0x7F, v7  }
0xd2: {  	v12 =	vbroadcast v7, $0x0;
	v11 =	vor.u32 v0, v8  }
0xd3: {  	v8 =	vor.u32 v2, v8  }
0xd4: {  	v9 =	vand.u32 $0xFFFFFF80, v9;
	v13 =	vbroadcast v6, $0x1;
	v14 =	vor.u32 v0, v12  }
0xd5: {  	v10 =	vand.u32 $0xFFFFFF80, v10;
	(v2sf) =	vpush v9, $0x0;
	v12 =	vor.u32 v2, v12  }
0xd6: {  	s1 =	simm.s32 $0x500;
	v16 =	vbroadcast v7, $0x1;
	(v2sf) =	vpush v10, $0x0;
	v15 =	vor.u32 v0, v13  }
0xd7: {  	v13 =	vor.u32 v2, v13;
	v11 =	vld.idx.msk [tilespmem:v11+s1+$0x0], $0xffff  }
0xd8: {  	v18 =	vbroadcast v6, $0x2;
	v17 =	vor.u32 v0, v16;
	v8 =	vld.idx.msk [tilespmem:v8+s1+$0x0], $0xffff  }
0xd9: {  	v16 =	vor.u32 v2, v16;
	v14 =	vld.idx.msk [tilespmem:v14+s20+$0x0], $0xffff  }
0xda: {  	s6 =	simm.s32 $0x1500;
	v20 =	vbroadcast v7, $0x2;
	v19 =	vor.u32 v0, v18;
	v12 =	vld.idx.msk [tilespmem:v12+s20+$0x0], $0xffff  }
0xdb: {  	v18 =	vor.u32 v2, v18;
	v15 =	vld.idx.msk [tilespmem:v15+s6+$0x0], $0xffff  }
0xdc: {  	v6 =	vbroadcast v6, $0x3;
	v21 =	vor.u32 v0, v20;
	v13 =	vld.idx.msk [tilespmem:v13+s6+$0x0], $0xffff  }
0xdd: {  	v20 =	vor.u32 v2, v20;
	v17 =	vld.idx.msk [tilespmem:v17+s23+$0x0], $0xffff  }
0xde: {  	s0 =	simm.s32 $0x2500;
	v7 =	vbroadcast v7, $0x3;
	v22 =	vor.u32 v0, v6;
	v16 =	vld.idx.msk [tilespmem:v16+s23+$0x0], $0xffff  }
0xdf: {  	v6 =	vor.u32 v2, v6;
	v19 =	vld.idx.msk [tilespmem:v19+s0+$0x0], $0xffff  }
0xe0: {  	v23 =	vor.u32 v0, v7;
	v18 =	vld.idx.msk [tilespmem:v18+s0+$0x0], $0xffff  }
0xe1: {  	v7 =	vor.u32 v2, v7;
	v21 =	vld.idx.msk [tilespmem:v21+s26+$0x0], $0xffff  }
0xe2: {  	s8 =	simm.s32 $0x3500;
	v20 =	vld.idx.msk [tilespmem:v20+s26+$0x0], $0xffff  }
0xe3: {  	v22 =	vld.idx.msk [tilespmem:v22+s8+$0x0], $0xffff  }
0xe4: {  	s17 =	simm.s32 $0x7500;
	v6 =	vld.idx.msk [tilespmem:v6+s8+$0x0], $0xffff;
	s21 =	spop (v2sf);
	(v2sf) =	vpush v9, $0x1  }
0xe5: {  	v23 =	vld.idx.msk [tilespmem:v23+s17+$0x0], $0xffff;
	s22 =	spop (v2sf);
	s29 =	sadd.s32 s7, s21  }
0xe6: {  	v7 =	vld.idx.msk [tilespmem:v7+s17+$0x0], $0xffff;
	(v2sf) =	vpush v10, $0x1;
	[tilespmem:s1], [sflag:$0x1] =	stream.linear.gather [hbm4b:s29+s4], $0x400, $0x38  }
0xe7: {  	s19 =	sadd.s32 s2, s22  }
0xe8: {  	[tilespmem:s20], [sflag:$0x2] =	stream.linear.gather [hbm4b:s19+s4], $0x400, $0x38;
	[tilespmem:$0x10800] =	vst v63  }
0xe9: {  	s25 =	sadd.s32 s21, s9;
	s29 =	simm.s32 $0x900  }
0xea: {  	[tilespmem:s29], [sflag:$0x1] =	stream.linear.gather [hbm4b:s25+s4], $0x400, $0x38;
	[tilespmem:$0x10800] =	vst v63  }
0xeb: {  	s19 =	sadd.s32 s22, s10;
	s25 =	simm.s32 $0x4900  }
0xec: {  	[tilespmem:s25], [sflag:$0x2] =	stream.linear.gather [hbm4b:s19+s4], $0x400, $0x38;
	[tilespmem:$0x10800] =	vst v63  }
0xed: {  	s19 =	sadd.s32 s21, s11;
	s25 =	simm.s32 $0xD00  }
0xee: {  	[tilespmem:s25], [sflag:$0x1] =	stream.linear.gather [hbm4b:s19+s4], $0x400, $0x38;
	[tilespmem:$0x10800] =	vst v63  }
0xef: {  	s19 =	sadd.s32 s22, s12;
	s25 =	simm.s32 $0x4D00  }
0xf0: {  	[tilespmem:s25], [sflag:$0x2] =	stream.linear.gather [hbm4b:s19+s4], $0x400, $0x38;
	[tilespmem:$0x10800] =	vst v63  }
0xf1: {  	s21 =	sadd.s32 s21, s13;
	s19 =	simm.s32 $0x1100  }
0xf2: {  	[tilespmem:s19], [sflag:$0x1] =	stream.linear.gather [hbm4b:s21+s4], $0x400, $0x38;
	[tilespmem:$0x10800] =	vst v63  }
0xf3: {  	s22 =	sadd.s32 s22, s14;
	s25 =	simm.s32 $0x5100;
	s21 =	spop (v2sf)  }
0xf4: {  	(v2sf) =	vpush v9, $0x2;
	[tilespmem:s25], [sflag:$0x2] =	stream.linear.gather [hbm4b:s22+s4], $0x400, $0x38;
	[tilespmem:$0x10800] =	vst v63  }
0xf5: {  	s22 =	spop (v2sf);
	s29 =	sadd.s32 s7, s21  }
0xf6: {  	(v2sf) =	vpush v10, $0x2;
	[tilespmem:s6], [sflag:$0x1] =	stream.linear.gather [hbm4b:s29+s4], $0x400, $0x38;
	[tilespmem:$0x10800] =	vst v63  }
0xf7: {  	s19 =	sadd.s32 s2, s22  }
0xf8: {  	[tilespmem:s23], [sflag:$0x2] =	stream.linear.gather [hbm4b:s19+s4], $0x400, $0x38;
	[tilespmem:$0x10800] =	vst v63  }
0xf9: {  	s25 =	sadd.s32 s21, s9;
	s19 =	simm.s32 $0x1900  }
0xfa: {  	[tilespmem:s19], [sflag:$0x1] =	stream.linear.gather [hbm4b:s25+s4], $0x400, $0x38;
	[tilespmem:$0x10800] =	vst v63  }
0xfb: {  	s25 =	sadd.s32 s22, s10;
	s19 =	simm.s32 $0x5900  }
0xfc: {  	[tilespmem:s19], [sflag:$0x2] =	stream.linear.gather [hbm4b:s25+s4], $0x400, $0x38;
	[tilespmem:$0x10800] =	vst v63  }
0xfd: {  	s25 =	sadd.s32 s21, s11;
	s19 =	simm.s32 $0x1D00  }
0xfe: {  	[tilespmem:s19], [sflag:$0x1] =	stream.linear.gather [hbm4b:s25+s4], $0x400, $0x38;
	[tilespmem:$0x10800] =	vst v63  }
0xff: {  	s25 =	sadd.s32 s22, s12;
	s19 =	simm.s32 $0x5D00  }
0x100: {  	[tilespmem:s19], [sflag:$0x2] =	stream.linear.gather [hbm4b:s25+s4], $0x400, $0x38;
	[tilespmem:$0x10800] =	vst v63  }
0x101: {  	s21 =	sadd.s32 s21, s13;
	s25 =	simm.s32 $0x2100  }
0x102: {  	[tilespmem:s25], [sflag:$0x1] =	stream.linear.gather [hbm4b:s21+s4], $0x400, $0x38;
	[tilespmem:$0x10800] =	vst v63  }
0x103: {  	s30 =	sadd.s32 s22, s14;
	s19 =	simm.s32 $0x6100;
	s21 =	spop (v2sf)  }
0x104: {  	(v2sf) =	vpush v9, $0x3;
	[tilespmem:s19], [sflag:$0x2] =	stream.linear.gather [hbm4b:s30+s4], $0x400, $0x38;
	[tilespmem:$0x10800] =	vst v63  }
0x105: {  	s22 =	spop (v2sf);
	s25 =	sadd.s32 s7, s21  }
0x106: {  	(v2sf) =	vpush v10, $0x3;
	[tilespmem:s0], [sflag:$0x1] =	stream.linear.gather [hbm4b:s25+s4], $0x400, $0x38;
	[tilespmem:$0x10800] =	vst v63  }
0x107: {  	s29 =	sadd.s32 s2, s22  }
0x108: {  	[tilespmem:s26], [sflag:$0x2] =	stream.linear.gather [hbm4b:s29+s4], $0x400, $0x38;
	[tilespmem:$0x10800] =	vst v63  }
0x109: {  	s19 =	simm.s32 $0x2900;
	s0 =	sadd.s32 s21, s9  }
0x10a: {  	[tilespmem:s19], [sflag:$0x1] =	stream.linear.gather [hbm4b:s0+s4], $0x400, $0x38;
	[tilespmem:$0x10800] =	vst v63  }
0x10b: {  	s25 =	sadd.s32 s22, s10;
	s0 =	simm.s32 $0x6900  }
0x10c: {  	[tilespmem:s0], [sflag:$0x2] =	stream.linear.gather [hbm4b:s25+s4], $0x400, $0x38;
	[tilespmem:$0x10800] =	vst v63  }
0x10d: {  	v39 =	vmul.f32 v14, v11;
	v8 =	vmul.f32 v12, v8;
	s19 =	sadd.s32 s21, s11;
	s25 =	simm.s32 $0x2D00  }
0x10e: {  	v40 =	vmul.f32 v17, v15;
	v41 =	vmul.f32 v16, v13;
	[tilespmem:s25], [sflag:$0x1] =	stream.linear.gather [hbm4b:s19+s4], $0x400, $0x38;
	[tilespmem:$0x10800] =	vst v63  }
0x10f: {  	v8 =	vmul.f32 v8, v4;
	v9 =	vmul.f32 v39, v3;
	s0 =	sadd.s32 s22, s12;
	s19 =	simm.s32 $0x6D00  }
0x110: {  	v42 =	vmul.f32 v21, v19;
	v43 =	vmul.f32 v20, v18;
	[tilespmem:s19], [sflag:$0x2] =	stream.linear.gather [hbm4b:s0+s4], $0x400, $0x38;
	[tilespmem:$0x10800] =	vst v63  }
0x111: {  	v11 =	vmul.f32 v41, v4;
	v10 =	vmul.f32 v40, v3;
	v8 =	vadd.f32 v8, v9;
	s21 =	sadd.s32 s21, s13;
	s25 =	simm.s32 $0x3100  }
0x112: {  	v46 =	vmul.f32 v23, v22;
	v6 =	vmul.f32 v7, v6;
	[tilespmem:s25], [sflag:$0x1] =	stream.linear.gather [hbm4b:s21+s4], $0x400, $0x38;
	[tilespmem:$0x10800] =	vst v63  }
0x113: {  	v44 =	vmul.f32 v42, v3;
	v45 =	vmul.f32 v43, v4;
	s30 =	simm.s32 $0x7100;
	v10 =	vadd.f32 v11, v10;
	(xrf2) =	vadd.scan.msk.f32 $0xffff, v8;
	s29 =	sadd.s32 s22, s14;
	s21 =	spop (v2sf)  }
0x114: {  	[tilespmem:s30], [sflag:$0x2] =	stream.linear.gather [hbm4b:s29+s4], $0x400, $0x38;
	[tilespmem:$0x10800] =	vst v63  }
0x115: {  	v47 =	vmul.f32 v46, v3;
	v6 =	vmul.f32 v6, v4;
	v7 =	vadd.f32 v45, v44;
	(xrf2) =	vadd.scan.msk.f32 $0xffff, v10;
	s22 =	spop (v2sf);
	s0 =	sadd.s32 s7, s21  }
0x116: {  	[tilespmem:s8], [sflag:$0x1] =	stream.linear.gather [hbm4b:s0+s4], $0x400, $0x38;
	[tilespmem:$0x10800] =	vst v63  }
0x117: {  	v6 =	vadd.f32 v6, v47;
	(xrf2) =	vadd.scan.msk.f32 $0xffff, v7;
	s8 =	sadd.s32 s2, s22  }
0x118: {  	[tilespmem:s17], [sflag:$0x2] =	stream.linear.gather [hbm4b:s8+s4], $0x400, $0x38;
	[tilespmem:$0x10800] =	vst v63  }
0x119: {  	(xrf2) =	vadd.scan.msk.f32 $0xffff, v6;
	s19 =	simm.s32 $0x3900;
	s17 =	sadd.s32 s21, s9  }
0x11a: {  	[tilespmem:s19], [sflag:$0x1] =	stream.linear.gather [hbm4b:s17+s4], $0x400, $0x38;
	[tilespmem:$0x10800] =	vst v63  }
0x11b: {  	s25 =	sadd.s32 s22, s10;
	s0 =	simm.s32 $0x7900  }
0x11c: {  	[tilespmem:s0], [sflag:$0x2] =	stream.linear.gather [hbm4b:s25+s4], $0x400, $0x38;
	[tilespmem:$0x10800] =	vst v63  }
0x11d: {  	s8 =	sadd.s32 s21, s11;
	s17 =	simm.s32 $0x3D00  }
0x11e: {  	[tilespmem:s17], [sflag:$0x1] =	stream.linear.gather [hbm4b:s8+s4], $0x400, $0x38;
	[tilespmem:$0x10800] =	vst v63  }
0x11f: {  	s19 =	sadd.s32 s22, s12;
	s25 =	simm.s32 $0x7D00  }
0x120: {  	[tilespmem:s25], [sflag:$0x2] =	stream.linear.gather [hbm4b:s19+s4], $0x400, $0x38;
	[tilespmem:$0x10800] =	vst v63  }
0x121: {  	v9, _, _ =	vpop (xrf2);
	s21 =	sadd.s32 s21, s13;
	s0 =	simm.s32 $0x4100  }
0x122: {  	v8, _, _ =	vpop (xrf2);
	[tilespmem:s0], [sflag:$0x1] =	stream.linear.gather [hbm4b:s21+s4], $0x400, $0x38;
	[tilespmem:$0x10800] =	vst v63  }
0x123: {  	v7, _, _ =	vpop (xrf2);
	s8 =	sadd.s32 s22, s14;
	s17 =	simm.s32 $0x8100  }
0x124: {  	v6, _, _ =	vpop (xrf2);
	[tilespmem:s17], [sflag:$0x2] =	stream.linear.gather [hbm4b:s8+s4], $0x400, $0x38;
	[tilespmem:$0x10800] =	vst v63  }
0x125: {  	_ =	swait.ge [sflag:s3], $0x1000  }
0x126: {  	[sflag:s3] =	ssyncset.done $0x0  }
0x127: {  	[sflag:s3] =	ssyncadd.s32 $0xFFFFF000  }
0x128: {  	_ =	swait.ge [sflag:s16], $0x1000  }
0x129: {  	[sflag:s16] =	ssyncset.done $0x0  }
0x12a: {  	[sflag:s16] =	ssyncadd.s32 $0xFFFFF000  }
0x12b: {  	_ =	swait.ge [sflag:s3], $0x1000  }
0x12c: {  	[sflag:s3] =	ssyncset.done $0x0  }
0x12d: {  	[sflag:s3] =	ssyncadd.s32 $0xFFFFF000  }
0x12e: {  	_ =	swait.ge [sflag:s16], $0x1000  }
0x12f: {  	[sflag:s16] =	ssyncset.done $0x0  }
0x130: {  	[sflag:s16] =	ssyncadd.s32 $0xFFFFF000  }
0x131: {  	_ =	swait.ge [sflag:s3], $0x1000  }
0x132: {  	[sflag:s3] =	ssyncset.done $0x0  }
0x133: {  	[sflag:s3] =	ssyncadd.s32 $0xFFFFF000  }
0x134: {  	_ =	swait.ge [sflag:s16], $0x1000  }
0x135: {  	[sflag:s16] =	ssyncset.done $0x0  }
0x136: {  	[sflag:s16] =	ssyncadd.s32 $0xFFFFF000  }
0x137: {  	_ =	swait.ge [sflag:s3], $0x1000  }
0x138: {  	[sflag:s3] =	ssyncset.done $0x0  }
0x139: {  	[sflag:s3] =	ssyncadd.s32 $0xFFFFF000  }
0x13a: {  	_ =	swait.ge [sflag:s16], $0x1000  }
0x13b: {  	[sflag:s16] =	ssyncset.done $0x0  }
0x13c: {  	[sflag:s16] =	ssyncadd.s32 $0xFFFFF000  }
0x13d: {  	v48 =	vld [tilespmem:s15+$0x4];
	_ =	sdelay $0x1  }
0x13e: {  	v49 =	vld [tilespmem:s15+$0x284];
	_ =	sdelay $0x2  }
0x13f: {  	v51 =	vld [tilespmem:s15+$0xC];
	v10 =	vand.u32 $0x7F, v48  }
0x140: {  	v52 =	vld [tilespmem:s15+$0x28C];
	v50 =	vbroadcast v10, $0x0  }
0x141: {  	v11 =	vand.u32 $0x7F, v49  }
0x142: {  	v54 =	vbroadcast v11, $0x0;
	v53 =	vor.u32 v0, v50  }
0x143: {  	v12 =	vor.u32 v2, v50  }
0x144: {  	v13 =	vand.u32 $0xFFFFFF80, v51;
	v55 =	vbroadcast v10, $0x1;
	v56 =	vor.u32 v0, v54  }
0x145: {  	v14 =	vand.u32 $0xFFFFFF80, v52;
	(v2sf) =	vpush v13, $0x0;
	v16 =	vor.u32 v2, v54  }
0x146: {  	s19 =	simm.s32 $0x8500;
	v58 =	vbroadcast v11, $0x1;
	(v2sf) =	vpush v14, $0x0;
	v57 =	vor.u32 v0, v55  }
0x147: {  	v17 =	vor.u32 v2, v55;
	v15 =	vld.idx.msk [tilespmem:v53+s19+$0x0], $0xffff  }
0x148: {  	s22 =	simm.s32 $0xC500;
	v60 =	vbroadcast v10, $0x2;
	v59 =	vor.u32 v0, v58;
	v12 =	vld.idx.msk [tilespmem:v12+s19+$0x0], $0xffff  }
0x149: {  	v20 =	vor.u32 v2, v58;
	v18 =	vld.idx.msk [tilespmem:v56+s22+$0x0], $0xffff  }
0x14a: {  	s25 =	simm.s32 $0x9500;
	v24 =	vbroadcast v11, $0x2;
	v61 =	vor.u32 v0, v60;
	v16 =	vld.idx.msk [tilespmem:v16+s22+$0x0], $0xffff  }
0x14b: {  	v10 =	vbroadcast v10, $0x3;
	v22 =	vor.u32 v2, v60;
	v19 =	vld.idx.msk [tilespmem:v57+s25+$0x0], $0xffff  }
0x14c: {  	s30 =	simm.s32 $0xD500;
	v25 =	vor.u32 v0, v24;
	v17 =	vld.idx.msk [tilespmem:v17+s25+$0x0], $0xffff  }
0x14d: {  	v11 =	vbroadcast v11, $0x3;
	v26 =	vor.u32 v0, v10;
	v21 =	vld.idx.msk [tilespmem:v59+s30+$0x0], $0xffff  }
0x14e: {  	s0 =	simm.s32 $0xA500;
	v10 =	vor.u32 v2, v10;
	v20 =	vld.idx.msk [tilespmem:v20+s30+$0x0], $0xffff  }
0x14f: {  	v27 =	vor.u32 v0, v11;
	v23 =	vld.idx.msk [tilespmem:v61+s0+$0x0], $0xffff  }
0x150: {  	s17 =	simm.s32 $0xE500;
	v11 =	vor.u32 v2, v11;
	v22 =	vld.idx.msk [tilespmem:v22+s0+$0x0], $0xffff  }
0x151: {  	v24 =	vor.u32 v2, v24;
	v25 =	vld.idx.msk [tilespmem:v25+s17+$0x0], $0xffff;
	s22 =	simm.s32 $0xB500  }
0x152: {  	v26 =	vld.idx.msk [tilespmem:v26+s22+$0x0], $0xffff  }
0x153: {  	s30 =	simm.s32 $0xF500;
	v10 =	vld.idx.msk [tilespmem:v10+s22+$0x0], $0xffff  }
0x154: {  	v27 =	vld.idx.msk [tilespmem:v27+s30+$0x0], $0xffff;
	s21 =	spop (v2sf);
	(v2sf) =	vpush v13, $0x1  }
0x155: {  	s19 =	simm.s32 $0x8500;
	v11 =	vld.idx.msk [tilespmem:v11+s30+$0x0], $0xffff;
	s22 =	spop (v2sf);
	s30 =	sadd.s32 s7, s21  }
0x156: {  	v24 =	vld.idx.msk [tilespmem:v24+s17+$0x0], $0xffff;
	(v2sf) =	vpush v14, $0x1;
	[tilespmem:s19], [sflag:$0x3] =	stream.linear.gather [hbm4b:s30+s4], $0x400, $0x38  }
0x157: {  	s29 =	simm.s32 $0xC500;
	s19 =	sadd.s32 s2, s22  }
0x158: {  	[tilespmem:s29], [sflag:$0x4] =	stream.linear.gather [hbm4b:s19+s4], $0x400, $0x38;
	[tilespmem:$0x10800] =	vst v63  }
0x159: {  	s30 =	sadd.s32 s21, s9;
	s19 =	simm.s32 $0x8900  }
0x15a: {  	[tilespmem:s19], [sflag:$0x3] =	stream.linear.gather [hbm4b:s30+s4], $0x400, $0x38;
	[tilespmem:$0x10800] =	vst v63  }
0x15b: {  	s30 =	sadd.s32 s22, s10;
	s19 =	simm.s32 $0xC900  }
0x15c: {  	[tilespmem:s19], [sflag:$0x4] =	stream.linear.gather [hbm4b:s30+s4], $0x400, $0x38;
	[tilespmem:$0x10800] =	vst v63  }
0x15d: {  	s30 =	sadd.s32 s21, s11;
	s19 =	simm.s32 $0x8D00  }
0x15e: {  	[tilespmem:s19], [sflag:$0x3] =	stream.linear.gather [hbm4b:s30+s4], $0x400, $0x38;
	[tilespmem:$0x10800] =	vst v63  }
0x15f: {  	s30 =	sadd.s32 s22, s12;
	s19 =	simm.s32 $0xCD00  }
0x160: {  	[tilespmem:s19], [sflag:$0x4] =	stream.linear.gather [hbm4b:s30+s4], $0x400, $0x38;
	[tilespmem:$0x10800] =	vst v63  }
0x161: {  	s21 =	sadd.s32 s21, s13;
	s30 =	simm.s32 $0x9100  }
0x162: {  	[tilespmem:s30], [sflag:$0x3] =	stream.linear.gather [hbm4b:s21+s4], $0x400, $0x38;
	[tilespmem:$0x10800] =	vst v63  }
0x163: {  	s22 =	sadd.s32 s22, s14;
	s30 =	simm.s32 $0xD100;
	s21 =	spop (v2sf)  }
0x164: {  	(v2sf) =	vpush v13, $0x2;
	[tilespmem:s30], [sflag:$0x4] =	stream.linear.gather [hbm4b:s22+s4], $0x400, $0x38;
	[tilespmem:$0x10800] =	vst v63  }
0x165: {  	s8 =	simm.s32 $0x9500;
	s22 =	spop (v2sf);
	s19 =	sadd.s32 s7, s21  }
0x166: {  	(v2sf) =	vpush v14, $0x2;
	[tilespmem:s8], [sflag:$0x3] =	stream.linear.gather [hbm4b:s19+s4], $0x400, $0x38;
	[tilespmem:$0x10800] =	vst v63  }
0x167: {  	s19 =	sadd.s32 s2, s22  }
0x168: {  	[tilespmem:s31], [sflag:$0x4] =	stream.linear.gather [hbm4b:s19+s4], $0x400, $0x38;
	[tilespmem:$0x10800] =	vst v63  }
0x169: {  	s8 =	sadd.s32 s21, s9;
	s19 =	simm.s32 $0x9900  }
0x16a: {  	[tilespmem:s19], [sflag:$0x3] =	stream.linear.gather [hbm4b:s8+s4], $0x400, $0x38;
	[tilespmem:$0x10800] =	vst v63  }
0x16b: {  	s8 =	sadd.s32 s22, s10;
	s19 =	simm.s32 $0xD900  }
0x16c: {  	[tilespmem:s19], [sflag:$0x4] =	stream.linear.gather [hbm4b:s8+s4], $0x400, $0x38;
	[tilespmem:$0x10800] =	vst v63  }
0x16d: {  	s8 =	sadd.s32 s21, s11;
	s19 =	simm.s32 $0x9D00  }
0x16e: {  	[tilespmem:s19], [sflag:$0x3] =	stream.linear.gather [hbm4b:s8+s4], $0x400, $0x38;
	[tilespmem:$0x10800] =	vst v63  }
0x16f: {  	s8 =	sadd.s32 s22, s12;
	s19 =	simm.s32 $0xDD00  }
0x170: {  	[tilespmem:s19], [sflag:$0x4] =	stream.linear.gather [hbm4b:s8+s4], $0x400, $0x38;
	[tilespmem:$0x10800] =	vst v63  }
0x171: {  	s21 =	sadd.s32 s21, s13;
	s19 =	simm.s32 $0xA100  }
0x172: {  	[tilespmem:s19], [sflag:$0x3] =	stream.linear.gather [hbm4b:s21+s4], $0x400, $0x38;
	[tilespmem:$0x10800] =	vst v63  }
0x173: {  	s30 =	simm.s32 $0xE100;
	s22 =	sadd.s32 s22, s14;
	s21 =	spop (v2sf)  }
0x174: {  	(v2sf) =	vpush v13, $0x3;
	[tilespmem:s30], [sflag:$0x4] =	stream.linear.gather [hbm4b:s22+s4], $0x400, $0x38;
	[tilespmem:$0x10800] =	vst v63  }
0x175: {  	s0 =	simm.s32 $0xA500;
	s8 =	sadd.s32 s7, s21;
	s22 =	spop (v2sf)  }
0x176: {  	(v2sf) =	vpush v14, $0x3;
	[tilespmem:s0], [sflag:$0x3] =	stream.linear.gather [hbm4b:s8+s4], $0x400, $0x38;
	[tilespmem:$0x10800] =	vst v63  }
0x177: {  	s25 =	simm.s32 $0xE500;
	s19 =	sadd.s32 s2, s22  }
0x178: {  	[tilespmem:s25], [sflag:$0x4] =	stream.linear.gather [hbm4b:s19+s4], $0x400, $0x38;
	[tilespmem:$0x10800] =	vst v63  }
0x179: {  	s0 =	sadd.s32 s21, s9;
	s8 =	simm.s32 $0xA900  }
0x17a: {  	[tilespmem:s8], [sflag:$0x3] =	stream.linear.gather [hbm4b:s0+s4], $0x400, $0x38;
	[tilespmem:$0x10800] =	vst v63  }
0x17b: {  	s19 =	sadd.s32 s22, s10;
	s25 =	simm.s32 $0xE900  }
0x17c: {  	[tilespmem:s25], [sflag:$0x4] =	stream.linear.gather [hbm4b:s19+s4], $0x400, $0x38;
	[tilespmem:$0x10800] =	vst v63  }
0x17d: {  	v62 =	vmul.f32 v18, v15;
	v12 =	vmul.f32 v16, v12;
	s0 =	sadd.s32 s21, s11;
	s8 =	simm.s32 $0xAD00  }
0x17e: {  	v63 =	vmul.f32 v21, v19;
	v21 =	vmul.f32 v20, v17;
	[tilespmem:s8], [sflag:$0x3] =	stream.linear.gather [hbm4b:s0+s4], $0x400, $0x38;
	[tilespmem:$0x10800] =	vst v63  }
0x17f: {  	v12 =	vmul.f32 v12, v4;
	v13 =	vmul.f32 v62, v3;
	s19 =	sadd.s32 s22, s12;
	s25 =	simm.s32 $0xED00  }
0x180: {  	v23 =	vmul.f32 v25, v23;
	v25 =	vmul.f32 v24, v22;
	[tilespmem:s25], [sflag:$0x4] =	stream.linear.gather [hbm4b:s19+s4], $0x400, $0x38;
	[tilespmem:$0x10800] =	vst v63  }
0x181: {  	v15 =	vmul.f32 v21, v4;
	v14 =	vmul.f32 v63, v3;
	s30 =	simm.s32 $0xB100;
	v12 =	vadd.f32 v12, v13;
	s21 =	sadd.s32 s21, s13  }
0x182: {  	v30 =	vmul.f32 v27, v26;
	v10 =	vmul.f32 v11, v10;
	[tilespmem:s30], [sflag:$0x3] =	stream.linear.gather [hbm4b:s21+s4], $0x400, $0x38;
	[tilespmem:$0x10800] =	vst v63  }
0x183: {  	v28 =	vmul.f32 v23, v3;
	v29 =	vmul.f32 v25, v4;
	v14 =	vadd.f32 v15, v14;
	(xrf2) =	vadd.scan.msk.f32 $0xffff, v12;
	s0 =	sadd.s32 s22, s14;
	s8 =	simm.s32 $0xF100;
	s21 =	spop (v2sf)  }
0x184: {  	[tilespmem:s8], [sflag:$0x4] =	stream.linear.gather [hbm4b:s0+s4], $0x400, $0x38;
	[tilespmem:$0x10800] =	vst v63  }
0x185: {  	s17 =	simm.s32 $0xB500;
	v32 =	vmul.f32 v30, v3;
	v10 =	vmul.f32 v10, v4;
	v31 =	vadd.f32 v29, v28;
	(xrf2) =	vadd.scan.msk.f32 $0xffff, v14;
	s22 =	spop (v2sf);
	s19 =	sadd.s32 s7, s21  }
0x186: {  	[tilespmem:s17], [sflag:$0x3] =	stream.linear.gather [hbm4b:s19+s4], $0x400, $0x38;
	[tilespmem:$0x10800] =	vst v63  }
0x187: {  	v10 =	vadd.f32 v10, v32;
	(xrf2) =	vadd.scan.msk.f32 $0xffff, v31;
	s25 =	sadd.s32 s2, s22  }
0x188: {  	[tilespmem:s28], [sflag:$0x4] =	stream.linear.gather [hbm4b:s25+s4], $0x400, $0x38;
	[tilespmem:$0x10800] =	vst v63  }
0x189: {  	(xrf2) =	vadd.scan.msk.f32 $0xffff, v10;
	s0 =	sadd.s32 s21, s9;
	s8 =	simm.s32 $0xB900  }
0x18a: {  	[tilespmem:s8], [sflag:$0x3] =	stream.linear.gather [hbm4b:s0+s4], $0x400, $0x38;
	[tilespmem:$0x10800] =	vst v63  }
0x18b: {  	s17 =	sadd.s32 s22, s10;
	s19 =	simm.s32 $0xF900  }
0x18c: {  	[tilespmem:s19], [sflag:$0x4] =	stream.linear.gather [hbm4b:s17+s4], $0x400, $0x38;
	[tilespmem:$0x10800] =	vst v63  }
0x18d: {  	s0 =	sadd.s32 s21, s11;
	s8 =	simm.s32 $0xBD00  }
0x18e: {  	[tilespmem:s8], [sflag:$0x3] =	stream.linear.gather [hbm4b:s0+s4], $0x400, $0x38;
	[tilespmem:$0x10800] =	vst v63  }
0x18f: {  	s17 =	sadd.s32 s22, s12;
	s19 =	simm.s32 $0xFD00  }
0x190: {  	[tilespmem:s19], [sflag:$0x4] =	stream.linear.gather [hbm4b:s17+s4], $0x400, $0x38;
	[tilespmem:$0x10800] =	vst v63  }
0x191: {  	v13, _, _ =	vpop (xrf2);
	s21 =	sadd.s32 s21, s13;
	s0 =	simm.s32 $0xC100  }
0x192: {  	v12, _, _ =	vpop (xrf2);
	[tilespmem:s0], [sflag:$0x3] =	stream.linear.gather [hbm4b:s21+s4], $0x400, $0x38;
	[tilespmem:$0x10800] =	vst v63  }
0x193: {  	v11, _, _ =	vpop (xrf2);
	s8 =	sadd.s32 s22, s14;
	s17 =	simm.s32 $0x10100  }
0x194: {  	v10, _, _ =	vpop (xrf2);
	[tilespmem:s17], [sflag:$0x4] =	stream.linear.gather [hbm4b:s8+s4], $0x400, $0x38;
	[tilespmem:$0x10800] =	vst v63  }
0x195: {  	_ =	swait.ge [sflag:s5], $0x1000  }
0x196: {  	[sflag:s5] =	ssyncset.done $0x0  }
0x197: {  	[sflag:s5] =	ssyncadd.s32 $0xFFFFF000  }
0x198: {  	_ =	swait.ge [sflag:s24], $0x1000  }
0x199: {  	[sflag:s24] =	ssyncset.done $0x0  }
0x19a: {  	[sflag:s24] =	ssyncadd.s32 $0xFFFFF000  }
0x19b: {  	_ =	swait.ge [sflag:s5], $0x1000  }
0x19c: {  	[sflag:s5] =	ssyncset.done $0x0  }
0x19d: {  	[sflag:s5] =	ssyncadd.s32 $0xFFFFF000  }
0x19e: {  	_ =	swait.ge [sflag:s24], $0x1000  }
0x19f: {  	[sflag:s24] =	ssyncset.done $0x0  }
0x1a0: {  	[sflag:s24] =	ssyncadd.s32 $0xFFFFF000  }
0x1a1: {  	_ =	swait.ge [sflag:s5], $0x1000  }
0x1a2: {  	[sflag:s5] =	ssyncset.done $0x0  }
0x1a3: {  	[sflag:s5] =	ssyncadd.s32 $0xFFFFF000  }
0x1a4: {  	_ =	swait.ge [sflag:s24], $0x1000  }
0x1a5: {  	[sflag:s24] =	ssyncset.done $0x0  }
0x1a6: {  	[sflag:s24] =	ssyncadd.s32 $0xFFFFF000  }
0x1a7: {  	_ =	swait.ge [sflag:s5], $0x1000  }
0x1a8: {  	[sflag:s5] =	ssyncset.done $0x0  }
0x1a9: {  	[sflag:s5] =	ssyncadd.s32 $0xFFFFF000  }
0x1aa: {  	_ =	swait.ge [sflag:s24], $0x1000  }
0x1ab: {  	[sflag:s24] =	ssyncset.done $0x0  }
0x1ac: {  	[sflag:s24] =	ssyncadd.s32 $0xFFFFF000  }
0x1ad: {  	v33 =	vld [tilespmem:s15+$0x8];
	_ =	sdelay $0x1  }
0x1ae: {  	v34 =	vld [tilespmem:s15+$0x288];
	_ =	sdelay $0x2  }
0x1af: {  	v36 =	vld [tilespmem:s15+$0x10];
	v14 =	vand.u32 $0x7F, v33  }
0x1b0: {  	v37 =	vld [tilespmem:s15+$0x290];
	v35 =	vbroadcast v14, $0x0  }
0x1b1: {  	v15 =	vand.u32 $0x7F, v34  }
0x1b2: {  	v39 =	vbroadcast v15, $0x0;
	v38 =	vor.u32 v0, v35  }
0x1b3: {  	v16 =	vor.u32 v2, v35  }
0x1b4: {  	v17 =	vand.u32 $0xFFFFFF80, v36;
	v40 =	vbroadcast v14, $0x1;
	v41 =	vor.u32 v0, v39  }
0x1b5: {  	v18 =	vand.u32 $0xFFFFFF80, v37;
	(v2sf) =	vpush v17, $0x0;
	v20 =	vor.u32 v2, v39  }
0x1b6: {  	v43 =	vbroadcast v15, $0x1;
	(v2sf) =	vpush v18, $0x0;
	v42 =	vor.u32 v0, v40  }
0x1b7: {  	v21 =	vor.u32 v2, v40;
	v19 =	vld.idx.msk [tilespmem:v38+s1+$0x0], $0xffff  }
0x1b8: {  	v45 =	vbroadcast v14, $0x2;
	v44 =	vor.u32 v0, v43;
	v16 =	vld.idx.msk [tilespmem:v16+s1+$0x0], $0xffff  }
0x1b9: {  	v24 =	vor.u32 v2, v43;
	v22 =	vld.idx.msk [tilespmem:v41+s20+$0x0], $0xffff  }
0x1ba: {  	v28 =	vbroadcast v15, $0x2;
	v46 =	vor.u32 v0, v45;
	v20 =	vld.idx.msk [tilespmem:v20+s20+$0x0], $0xffff  }
0x1bb: {  	v14 =	vbroadcast v14, $0x3;
	v26 =	vor.u32 v2, v45;
	v23 =	vld.idx.msk [tilespmem:v42+s6+$0x0], $0xffff  }
0x1bc: {  	v29 =	vor.u32 v0, v28;
	v21 =	vld.idx.msk [tilespmem:v21+s6+$0x0], $0xffff  }
0x1bd: {  	v15 =	vbroadcast v15, $0x3;
	v30 =	vor.u32 v0, v14;
	v25 =	vld.idx.msk [tilespmem:v44+s23+$0x0], $0xffff  }
0x1be: {  	s19 =	simm.s32 $0x2500;
	v14 =	vor.u32 v2, v14;
	v24 =	vld.idx.msk [tilespmem:v24+s23+$0x0], $0xffff  }
0x1bf: {  	v31 =	vor.u32 v0, v15;
	v27 =	vld.idx.msk [tilespmem:v46+s19+$0x0], $0xffff  }
0x1c0: {  	v15 =	vor.u32 v2, v15;
	v26 =	vld.idx.msk [tilespmem:v26+s19+$0x0], $0xffff  }
0x1c1: {  	s21 =	simm.s32 $0x3500;
	v28 =	vor.u32 v2, v28;
	v29 =	vld.idx.msk [tilespmem:v29+s26+$0x0], $0xffff  }
0x1c2: {  	v30 =	vld.idx.msk [tilespmem:v30+s21+$0x0], $0xffff  }
0x1c3: {  	s22 =	simm.s32 $0x7500;
	v14 =	vld.idx.msk [tilespmem:v14+s21+$0x0], $0xffff  }
0x1c4: {  	v31 =	vld.idx.msk [tilespmem:v31+s22+$0x0], $0xffff;
	s21 =	spop (v2sf);
	(v2sf) =	vpush v17, $0x1  }
0x1c5: {  	v15 =	vld.idx.msk [tilespmem:v15+s22+$0x0], $0xffff;
	s22 =	spop (v2sf);
	s25 =	sadd.s32 s7, s21  }
0x1c6: {  	v28 =	vld.idx.msk [tilespmem:v28+s26+$0x0], $0xffff;
	(v2sf) =	vpush v18, $0x1;
	[tilespmem:s1], [sflag:$0x1] =	stream.linear.gather [hbm4b:s25+s4], $0x400, $0x38  }
0x1c7: {  	s1 =	sadd.s32 s2, s22  }
0x1c8: {  	[tilespmem:s20], [sflag:$0x2] =	stream.linear.gather [hbm4b:s1+s4], $0x400, $0x38;
	[tilespmem:$0x10800] =	vst v63  }
0x1c9: {  	s19 =	sadd.s32 s21, s9;
	s25 =	simm.s32 $0x900  }
0x1ca: {  	[tilespmem:s25], [sflag:$0x1] =	stream.linear.gather [hbm4b:s19+s4], $0x400, $0x38;
	[tilespmem:$0x10800] =	vst v63  }
0x1cb: {  	s19 =	sadd.s32 s22, s10;
	s25 =	simm.s32 $0x4900  }
0x1cc: {  	[tilespmem:s25], [sflag:$0x2] =	stream.linear.gather [hbm4b:s19+s4], $0x400, $0x38;
	[tilespmem:$0x10800] =	vst v63  }
0x1cd: {  	s19 =	sadd.s32 s21, s11;
	s25 =	simm.s32 $0xD00  }
0x1ce: {  	[tilespmem:s25], [sflag:$0x1] =	stream.linear.gather [hbm4b:s19+s4], $0x400, $0x38;
	[tilespmem:$0x10800] =	vst v63  }
0x1cf: {  	s19 =	sadd.s32 s22, s12;
	s25 =	simm.s32 $0x4D00  }
0x1d0: {  	[tilespmem:s25], [sflag:$0x2] =	stream.linear.gather [hbm4b:s19+s4], $0x400, $0x38;
	[tilespmem:$0x10800] =	vst v63  }
0x1d1: {  	s21 =	sadd.s32 s21, s13;
	s19 =	simm.s32 $0x1100  }
0x1d2: {  	[tilespmem:s19], [sflag:$0x1] =	stream.linear.gather [hbm4b:s21+s4], $0x400, $0x38;
	[tilespmem:$0x10800] =	vst v63  }
0x1d3: {  	s30 =	simm.s32 $0x5100;
	s25 =	sadd.s32 s22, s14;
	s21 =	spop (v2sf)  }
0x1d4: {  	(v2sf) =	vpush v17, $0x2;
	[tilespmem:s30], [sflag:$0x2] =	stream.linear.gather [hbm4b:s25+s4], $0x400, $0x38;
	[tilespmem:$0x10800] =	vst v63  }
0x1d5: {  	s22 =	spop (v2sf);
	s19 =	sadd.s32 s7, s21  }
0x1d6: {  	(v2sf) =	vpush v18, $0x2;
	[tilespmem:s6], [sflag:$0x1] =	stream.linear.gather [hbm4b:s19+s4], $0x400, $0x38;
	[tilespmem:$0x10800] =	vst v63  }
0x1d7: {  	s25 =	sadd.s32 s2, s22  }
0x1d8: {  	[tilespmem:s23], [sflag:$0x2] =	stream.linear.gather [hbm4b:s25+s4], $0x400, $0x38;
	[tilespmem:$0x10800] =	vst v63  }
0x1d9: {  	s1 =	sadd.s32 s21, s9;
	s6 =	simm.s32 $0x1900  }
0x1da: {  	[tilespmem:s6], [sflag:$0x1] =	stream.linear.gather [hbm4b:s1+s4], $0x400, $0x38;
	[tilespmem:$0x10800] =	vst v63  }
0x1db: {  	s19 =	sadd.s32 s22, s10;
	s25 =	simm.s32 $0x5900  }
0x1dc: {  	[tilespmem:s25], [sflag:$0x2] =	stream.linear.gather [hbm4b:s19+s4], $0x400, $0x38;
	[tilespmem:$0x10800] =	vst v63  }
0x1dd: {  	s1 =	sadd.s32 s21, s11;
	s6 =	simm.s32 $0x1D00  }
0x1de: {  	[tilespmem:s6], [sflag:$0x1] =	stream.linear.gather [hbm4b:s1+s4], $0x400, $0x38;
	[tilespmem:$0x10800] =	vst v63  }
0x1df: {  	s19 =	sadd.s32 s22, s12;
	s25 =	simm.s32 $0x5D00  }
0x1e0: {  	[tilespmem:s25], [sflag:$0x2] =	stream.linear.gather [hbm4b:s19+s4], $0x400, $0x38;
	[tilespmem:$0x10800] =	vst v63  }
0x1e1: {  	s21 =	sadd.s32 s21, s13;
	s6 =	simm.s32 $0x2100  }
0x1e2: {  	[tilespmem:s6], [sflag:$0x1] =	stream.linear.gather [hbm4b:s21+s4], $0x400, $0x38;
	[tilespmem:$0x10800] =	vst v63  }
0x1e3: {  	s19 =	sadd.s32 s22, s14;
	s22 =	simm.s32 $0x6100;
	s21 =	spop (v2sf)  }
0x1e4: {  	(v2sf) =	vpush v17, $0x3;
	[tilespmem:s22], [sflag:$0x2] =	stream.linear.gather [hbm4b:s19+s4], $0x400, $0x38;
	[tilespmem:$0x10800] =	vst v63  }
0x1e5: {  	s0 =	simm.s32 $0x2500;
	s25 =	sadd.s32 s7, s21;
	s22 =	spop (v2sf)  }
0x1e6: {  	(v2sf) =	vpush v18, $0x3;
	[tilespmem:s0], [sflag:$0x1] =	stream.linear.gather [hbm4b:s25+s4], $0x400, $0x38;
	[tilespmem:$0x10800] =	vst v63  }
0x1e7: {  	s0 =	sadd.s32 s2, s22  }
0x1e8: {  	[tilespmem:s26], [sflag:$0x2] =	stream.linear.gather [hbm4b:s0+s4], $0x400, $0x38;
	[tilespmem:$0x10800] =	vst v63  }
0x1e9: {  	s6 =	simm.s32 $0x2900;
	s1 =	sadd.s32 s21, s9  }
0x1ea: {  	[tilespmem:s6], [sflag:$0x1] =	stream.linear.gather [hbm4b:s1+s4], $0x400, $0x38;
	[tilespmem:$0x10800] =	vst v63  }
0x1eb: {  	s19 =	sadd.s32 s22, s10;
	s25 =	simm.s32 $0x6900  }
0x1ec: {  	[tilespmem:s25], [sflag:$0x2] =	stream.linear.gather [hbm4b:s19+s4], $0x400, $0x38;
	[tilespmem:$0x10800] =	vst v63  }
0x1ed: {  	v47 =	vmul.f32 v22, v19;
	v16 =	vmul.f32 v20, v16;
	s1 =	sadd.s32 s21, s11;
	s6 =	simm.s32 $0x2D00  }
0x1ee: {  	v48 =	vmul.f32 v25, v23;
	v49 =	vmul.f32 v24, v21;
	[tilespmem:s6], [sflag:$0x1] =	stream.linear.gather [hbm4b:s1+s4], $0x400, $0x38;
	[tilespmem:$0x10800] =	vst v63  }
0x1ef: {  	v16 =	vmul.f32 v16, v4;
	v17 =	vmul.f32 v47, v3;
	s19 =	sadd.s32 s22, s12;
	s25 =	simm.s32 $0x6D00  }
0x1f0: {  	v50 =	vmul.f32 v29, v27;
	v51 =	vmul.f32 v28, v26;
	[tilespmem:s25], [sflag:$0x2] =	stream.linear.gather [hbm4b:s19+s4], $0x400, $0x38;
	[tilespmem:$0x10800] =	vst v63  }
0x1f1: {  	v52 =	vmul.f32 v48, v3;
	v53 =	vmul.f32 v49, v4;
	s30 =	simm.s32 $0x3100;
	v16 =	vadd.f32 v16, v17;
	s21 =	sadd.s32 s21, s13  }
0x1f2: {  	v57 =	vmul.f32 v31, v30;
	v14 =	vmul.f32 v15, v14;
	[tilespmem:s30], [sflag:$0x1] =	stream.linear.gather [hbm4b:s21+s4], $0x400, $0x38;
	[tilespmem:$0x10800] =	vst v63  }
0x1f3: {  	v54 =	vmul.f32 v50, v3;
	v55 =	vmul.f32 v51, v4;
	v56 =	vadd.f32 v53, v52;
	(xrf2) =	vadd.scan.msk.f32 $0xffff, v16;
	s22 =	sadd.s32 s22, s14;
	s1 =	simm.s32 $0x7100;
	s21 =	spop (v2sf)  }
0x1f4: {  	[tilespmem:s1], [sflag:$0x2] =	stream.linear.gather [hbm4b:s22+s4], $0x400, $0x38;
	[tilespmem:$0x10800] =	vst v63  }
0x1f5: {  	s8 =	simm.s32 $0x3500;
	v59 =	vmul.f32 v57, v3;
	v14 =	vmul.f32 v14, v4;
	v58 =	vadd.f32 v55, v54;
	(xrf2) =	vadd.scan.msk.f32 $0xffff, v56;
	s6 =	sadd.s32 s7, s21;
	s22 =	spop (v2sf)  }
0x1f6: {  	[tilespmem:s8], [sflag:$0x1] =	stream.linear.gather [hbm4b:s6+s4], $0x400, $0x38;
	[tilespmem:$0x10800] =	vst v63  }
0x1f7: {  	s17 =	simm.s32 $0x7500;
	v14 =	vadd.f32 v14, v59;
	(xrf2) =	vadd.scan.msk.f32 $0xffff, v58;
	s8 =	sadd.s32 s2, s22  }
0x1f8: {  	[tilespmem:s17], [sflag:$0x2] =	stream.linear.gather [hbm4b:s8+s4], $0x400, $0x38;
	[tilespmem:$0x10800] =	vst v63  }
0x1f9: {  	(xrf2) =	vadd.scan.msk.f32 $0xffff, v14;
	s25 =	simm.s32 $0x3900;
	s19 =	sadd.s32 s21, s9  }
0x1fa: {  	[tilespmem:s25], [sflag:$0x1] =	stream.linear.gather [hbm4b:s19+s4], $0x400, $0x38;
	[tilespmem:$0x10800] =	vst v63  }
0x1fb: {  	s1 =	sadd.s32 s22, s10;
	s6 =	simm.s32 $0x7900  }
0x1fc: {  	[tilespmem:s6], [sflag:$0x2] =	stream.linear.gather [hbm4b:s1+s4], $0x400, $0x38;
	[tilespmem:$0x10800] =	vst v63  }
0x1fd: {  	s8 =	sadd.s32 s21, s11;
	s17 =	simm.s32 $0x3D00  }
0x1fe: {  	[tilespmem:s17], [sflag:$0x1] =	stream.linear.gather [hbm4b:s8+s4], $0x400, $0x38;
	[tilespmem:$0x10800] =	vst v63  }
0x1ff: {  	s19 =	sadd.s32 s22, s12;
	s25 =	simm.s32 $0x7D00  }
0x200: {  	[tilespmem:s25], [sflag:$0x2] =	stream.linear.gather [hbm4b:s19+s4], $0x400, $0x38;
	[tilespmem:$0x10800] =	vst v63  }
0x201: {  	v60, _, _ =	vpop (xrf2);
	s21 =	sadd.s32 s21, s13;
	s1 =	simm.s32 $0x4100  }
0x202: {  	v61, _, _ =	vpop (xrf2);
	[tilespmem:s1], [sflag:$0x1] =	stream.linear.gather [hbm4b:s21+s4], $0x400, $0x38;
	[tilespmem:$0x10800] =	vst v63  }
0x203: {  	v62, _, _ =	vpop (xrf2);
	s6 =	sadd.s32 s22, s14;
	s8 =	simm.s32 $0x8100  }
0x204: {  	v63, _, _ =	vpop (xrf2);
	[tilespmem:s8], [sflag:$0x2] =	stream.linear.gather [hbm4b:s6+s4], $0x400, $0x38;
	[tilespmem:$0x10800] =	vst v63  }
0x205: {  	_ =	swait.ge [sflag:s3], $0x1000  }
0x206: {  	[sflag:s3] =	ssyncset.done $0x0  }
0x207: {  	[sflag:s3] =	ssyncadd.s32 $0xFFFFF000  }
0x208: {  	_ =	swait.ge [sflag:s16], $0x1000  }
0x209: {  	[sflag:s16] =	ssyncset.done $0x0  }
0x20a: {  	[sflag:s16] =	ssyncadd.s32 $0xFFFFF000  }
0x20b: {  	_ =	swait.ge [sflag:s3], $0x1000  }
0x20c: {  	[sflag:s3] =	ssyncset.done $0x0  }
0x20d: {  	[sflag:s3] =	ssyncadd.s32 $0xFFFFF000  }
0x20e: {  	_ =	swait.ge [sflag:s16], $0x1000  }
0x20f: {  	[sflag:s16] =	ssyncset.done $0x0  }
0x210: {  	[sflag:s16] =	ssyncadd.s32 $0xFFFFF000  }
0x211: {  	_ =	swait.ge [sflag:s3], $0x1000  }
0x212: {  	[sflag:s3] =	ssyncset.done $0x0  }
0x213: {  	[sflag:s3] =	ssyncadd.s32 $0xFFFFF000  }
0x214: {  	_ =	swait.ge [sflag:s16], $0x1000  }
0x215: {  	[sflag:s16] =	ssyncset.done $0x0  }
0x216: {  	[sflag:s16] =	ssyncadd.s32 $0xFFFFF000  }
0x217: {  	_ =	swait.ge [sflag:s3], $0x1000  }
0x218: {  	[sflag:s3] =	ssyncset.done $0x0  }
0x219: {  	[sflag:s3] =	ssyncadd.s32 $0xFFFFF000  }
0x21a: {  	_ =	swait.ge [sflag:s16], $0x1000  }
0x21b: {  	[sflag:s16] =	ssyncset.done $0x0  }
0x21c: {  	[sflag:s16] =	ssyncadd.s32 $0xFFFFF000  }
0x21d: {  	v28 =	vld [tilespmem:s15+$0xC];
	_ =	sdelay $0x1  }
0x21e: {  	v29 =	vld [tilespmem:s15+$0x28C];
	_ =	sdelay $0x2  }
0x21f: {  	v18 =	vand.u32 $0x7F, v28  }
0x220: {  	v30 =	vbroadcast v18, $0x0  }
0x221: {  	v19 =	vand.u32 $0x7F, v29  }
0x222: {  	v32 =	vbroadcast v19, $0x0;
	v31 =	vor.u32 v0, v30  }
0x223: {  	v20 =	vor.u32 v2, v30  }
0x224: {  	v34 =	vbroadcast v18, $0x1;
	v33 =	vor.u32 v0, v32  }
0x225: {  	v22 =	vor.u32 v2, v32  }
0x226: {  	s17 =	simm.s32 $0x8500;
	v36 =	vbroadcast v19, $0x1;
	v35 =	vor.u32 v0, v34  }
0x227: {  	v24 =	vor.u32 v2, v34;
	v21 =	vld.idx.msk [tilespmem:v31+s17+$0x0], $0xffff  }
0x228: {  	v38 =	vbroadcast v18, $0x2;
	v37 =	vor.u32 v0, v36;
	v20 =	vld.idx.msk [tilespmem:v20+s17+$0x0], $0xffff  }
0x229: {  	v26 =	vor.u32 v2, v36;
	v23 =	vld.idx.msk [tilespmem:v33+s29+$0x0], $0xffff  }
0x22a: {  	s19 =	simm.s32 $0x9500;
	v40 =	vbroadcast v19, $0x2;
	v39 =	vor.u32 v0, v38;
	v22 =	vld.idx.msk [tilespmem:v22+s29+$0x0], $0xffff  }
0x22b: {  	v28 =	vor.u32 v2, v38;
	v25 =	vld.idx.msk [tilespmem:v35+s19+$0x0], $0xffff  }
0x22c: {  	s21 =	simm.s32 $0xD500;
	v41 =	vor.u32 v0, v40;
	v24 =	vld.idx.msk [tilespmem:v24+s19+$0x0], $0xffff  }
0x22d: {  	v18 =	vbroadcast v18, $0x3;
	v30 =	vor.u32 v2, v40;
	v27 =	vld.idx.msk [tilespmem:v37+s21+$0x0], $0xffff  }
0x22e: {  	s22 =	simm.s32 $0xA500;
	v26 =	vld.idx.msk [tilespmem:v26+s21+$0x0], $0xffff  }
0x22f: {  	v19 =	vbroadcast v19, $0x3;
	v32 =	vor.u32 v0, v18;
	v29 =	vld.idx.msk [tilespmem:v39+s22+$0x0], $0xffff  }
0x230: {  	s25 =	simm.s32 $0xE500;
	v18 =	vor.u32 v2, v18;
	v28 =	vld.idx.msk [tilespmem:v28+s22+$0x0], $0xffff  }
0x231: {  	v9 =	vbroadcast v9, $0xF;
	v33 =	vor.u32 v0, v19;
	v31 =	vld.idx.msk [tilespmem:v41+s25+$0x0], $0xffff  }
0x232: {  	v8 =	vbroadcast v8, $0xF;
	v19 =	vor.u32 v2, v19;
	v42 =	vld.idx.msk [tilespmem:v30+s25+$0x0], $0xffff  }
0x233: {  	v9 =	vadd.f32 v9, v5;
	s29 =	simm.s32 $0xB500  }
0x234: {  	v7 =	vbroadcast v7, $0xF;
	v8 =	vadd.f32 v8, v5;
	v6 =	vbroadcast v6, $0xF;
	v44 =	vld.idx.msk [tilespmem:v32+s29+$0x0], $0xffff  }
0x235: {  	v9 =	vsel vm0, v9, v5;
	s30 =	simm.s32 $0xF500;
	v18 =	vld.idx.msk [tilespmem:v18+s29+$0x0], $0xffff;
	v21 =	vmul.f32 v23, v21;
	v20 =	vmul.f32 v22, v20  }
0x236: {  	v8 =	vsel vm1, v9, v8;
	v43 =	vmul.f32 v27, v25;
	v24 =	vmul.f32 v26, v24;
	v45 =	vld.idx.msk [tilespmem:v33+s30+$0x0], $0xffff  }
0x237: {  	v7 =	vadd.f32 v7, v9;
	v19 =	vld.idx.msk [tilespmem:v19+s30+$0x0], $0xffff;
	v48 =	vmul.f32 v31, v29;
	v49 =	vmul.f32 v42, v28  }
0x238: {  	v6 =	vadd.f32 v6, v8;
	v21 =	vmul.f32 v21, v3;
	v20 =	vmul.f32 v20, v4  }
0x239: {  	v7 =	vsel vm2, v8, v7;
	v22 =	vmul.f32 v43, v3;
	v24 =	vmul.f32 v24, v4  }
0x23a: {  	v13 =	vbroadcast v13, $0xF;
	v51 =	vbroadcast v12, $0xF;
	v46 =	vadd.f32 v20, v21  }
0x23b: {  	v47 =	vadd.f32 v24, v22;
	v21 =	vmul.f32 v48, v3;
	v22 =	vmul.f32 v49, v4  }
0x23c: {  	v6 =	vsel vm3, v7, v6;
	v50 =	vmul.f32 v45, v44;
	v7 =	vmul.f32 v19, v18;
	(xrf2) =	vadd.scan.msk.f32 $0xffff, v46  }
0x23d: {  	v8 =	vadd.f32 v13, v8;
	v11 =	vbroadcast v11, $0xF;
	v52 =	vadd.f32 v22, v21;
	(xrf2) =	vadd.scan.msk.f32 $0xffff, v47  }
0x23e: {  	v9 =	vadd.f32 v51, v6;
	v53 =	vmul.f32 v50, v3;
	v7 =	vmul.f32 v7, v4  }
0x23f: {  	v6 =	vsel vm4, v6, v8;
	v54 =	vbroadcast v10, $0xF;
	(xrf2) =	vadd.scan.msk.f32 $0xffff, v52  }
0x240: {  	v9 =	vsel vm5, v6, v9;
	v6 =	vadd.f32 v11, v6;
	v7 =	vadd.f32 v7, v53  }
0x241: {  	v8 =	vadd.f32 v54, v9;
	v55 =	vbroadcast v60, $0xF  }
0x242: {  	v6 =	vsel vm6, v9, v6;
	v56 =	vbroadcast v61, $0xF;
	(xrf2) =	vadd.scan.msk.f32 $0xffff, v7  }
0x243: {  	v6 =	vsel vm7, v6, v8;
	v7 =	vadd.f32 v55, v9  }
0x244: {  	v57 =	vbroadcast v62, $0xF;
	v8 =	vadd.f32 v56, v6  }
0x245: {  	v6 =	vsel vm8, v6, v7;
	v7 =	vbroadcast v63, $0xF  }
0x246: {  	v8 =	vsel vm9, v6, v8;
	v6 =	vadd.f32 v57, v6;
	v58, _, _ =	vpop (xrf2)  }
0x247: {  	v7 =	vadd.f32 v7, v8;
	v59, _, _ =	vpop (xrf2);
	v10 =	vbroadcast v58, $0xF  }
0x248: {  	v6 =	vsel vm10, v8, v6;
	v9 =	vbroadcast v59, $0xF  }
0x249: {  	v6 =	vsel vm11, v6, v7;
	v60, _, _ =	vpop (xrf2);
	v7 =	vadd.f32 v10, v8  }
0x24a: {  	v62 =	vbroadcast v60, $0xF;
	v61 =	vadd.f32 v9, v6  }
0x24b: {  	v6 =	vsel vm12, v6, v7  }
0x24c: {  	v63, _, _ =	vpop (xrf2);
	v7 =	vsel vm13, v6, v61;
	v6 =	vadd.f32 v62, v6  }
0x24d: {  	v8 =	vadd.f32 v63, v7  }
0x24e: {  	v6 =	vsel vm14, v7, v6  }
0x24f: {  	v6 =	vsel vm15, v6, v8  }
0x250: {  	v6 =	vsub.f32 $0.0e+00, v6;
	_ =	sdelay $0x1  }
0x251: {  	v6 =	vmul.f32 $1.442695020e+00, v6;
	_ =	sdelay $0x1  }
0x252: {  	(erf) = vpow2.f32 v6;
	_ =	sdelay $0x8  }
0x253: {  	v6 =	vpop (erf)  }
0x254: {  	v6 =	vadd.f32 $1.000000000e+00, v6;
	_ =	sdelay $0x1  }
0x255: {  	(erf) = vrcp.f32 v6;
	_ =	sdelay $0x4  }
0x256: {  	p0 =	sne.s32 s18, $0x7C0  }
.Ltmp0:
0x257: {  	_ = 	snop;
	(pc) =	sbr.rel @p0 .LBB2_2-.Ltmp0, $3  }
0x258: {  	_ =	sdelay $0x1  }
0x259: {  	v6 =	vpop (erf)  }
0x25a: {  	s18 =	sadd.s32 $0x40, s18;
	[tilespmem:s15+$0x10500] =	vst v6  }
0x25b: {  	_ =	swait.ge [sflag:s5], $0x1000  }
0x25c: {  	[sflag:s5] =	ssyncset.done $0x0  }
0x25d: {  	[sflag:s5] =	ssyncadd.s32 $0xFFFFF000  }
0x25e: {  	_ =	swait.ge [sflag:s24], $0x1000  }
0x25f: {  	[sflag:s24] =	ssyncset.done $0x0  }
0x260: {  	[sflag:s24] =	ssyncadd.s32 $0xFFFFF000  }
0x261: {  	_ =	swait.ge [sflag:s5], $0x1000  }
0x262: {  	[sflag:s5] =	ssyncset.done $0x0  }
0x263: {  	[sflag:s5] =	ssyncadd.s32 $0xFFFFF000  }
0x264: {  	_ =	swait.ge [sflag:s24], $0x1000  }
0x265: {  	[sflag:s24] =	ssyncset.done $0x0  }
0x266: {  	[sflag:s24] =	ssyncadd.s32 $0xFFFFF000  }
0x267: {  	_ =	swait.ge [sflag:s5], $0x1000  }
0x268: {  	[sflag:s5] =	ssyncset.done $0x0  }
0x269: {  	[sflag:s5] =	ssyncadd.s32 $0xFFFFF000  }
0x26a: {  	_ =	swait.ge [sflag:s24], $0x1000  }
0x26b: {  	[sflag:s24] =	ssyncset.done $0x0  }
0x26c: {  	[sflag:s24] =	ssyncadd.s32 $0xFFFFF000  }
0x26d: {  	_ =	swait.ge [sflag:s5], $0x1000  }
0x26e: {  	[sflag:s5] =	ssyncset.done $0x0  }
0x26f: {  	[sflag:s5] =	ssyncadd.s32 $0xFFFFF000  }
0x270: {  	_ =	swait.ge [sflag:s24], $0x1000  }
0x271: {  	s0 =	simm.s32 $0x10500;
	[sflag:s24] =	ssyncset.done $0x0  }
0x272: {  	s18 =	simm.s32 $0x5;
	s15 =	rddreg [dreg:$0xb];
	[sflag:s24] =	ssyncadd.s32 $0xFFFFF000  }
0x273: {  	[hbm4b:s15+s4] =	stream.linear.scatter [tilespmem:s0], [sflag:$0x5], $0x200, $0x38;
	[tilespmem:$0x10800] =	vst v63  }
0x274: {  	_ =	swait.ge [sflag:s18], $0x200  }
0x275: {  	s25 =	rddreg [dreg:$0xd]  }
0x276: {  	s29 =	rddreg [dreg:$0xc];
	s0 =	sadd.s32 $0x1, s25  }
0x277: {  	p0 =	sne.s32 s0, s29  }
.Ltmp1:
0x278: {  	_ = 	snop;
	(pc) =	sbr.rel @p0 .LBB2_1-.Ltmp1, $3  }
0x279: {  	_ =	sdelay $0x1  }
0x27a: {  	s22 =	simm.s32 $0x500;
	s6 =	simm.s32 $0x4500;
	[sflag:s18] =	ssyncset.done $0x0  }
0x27b: {  	s30 =	simm.s32 $0x900;
	s1 =	simm.s32 $0x4900;
	[sflag:s18] =	ssyncadd.s32 $0xFFFFFE00  }
0x27c: {  	_ =	sfence.sel $0x180000  }
0x27d: {  	[bflag:$0x0] =	sbarrier.arrive $0xFFFF  }
0x27e: {  	_ =	strace $0x90000047  }
0x27f: {  	s0 =	stileid.u32;
	[bflag:$0x2] =	sbarrier.arrive $0xFFFF  }
0x280: {  	p0 =	sne.s32 s0, $0x0;
	s0 =	rddreg [dreg:$0x7]  }
0x281: {  	s0 =	sadd.s32 @!p0 $0x100000, s0  }
0x282: {  	[sflag:s0] =	ssyncadd.tile.s32 @!p0 $0x1;
	_ =	shalt  }
.Lfunc_end2:
_tile_overlayer_lowered:
.L_overlay_start_2:
0x283: {  	(tag) =	ssettag $0x2  }
0x284: {  	s0 =	rddreg [dreg:$0x0];
	s2 =	stileid.u32  }
0x285: {  	s1 =	rddreg [dreg:$0x1];
	p0 =	sne.s32 s2, $0x0  }
0x286: {  	s3 =	rddreg [dreg:$0x2];
	[bflag:$0x3] =	sbarrier.arrive $0xFFFF;
	s2 =	simm.s32 @!p0 $0x1C05  }
0x287: {  	[timem:s3], [sflag:s2] =	dma.local @!p0 [hbm:s0], s1  }
0x288: {  	s0 =	simm.s32 @!p0 $0x5  }
0x289: {  	_ =	swait.ge @!p0 [sflag:s0], s1  }
0x28a: {  	s1 =	ssub.s32 @!p0 $0x0, s1;
	[sflag:s0] =	ssyncset.done @!p0 $0x0  }
0x28b: {  	[sflag:s0] =	ssyncadd.s32 @!p0 s1  }
0x28c: {  	[bflag:$0x3] =	sbarrier.arrive $0xFFFF  }
0x28d: {  	_ =	shalt  }

</sc_bundles>
